<compile_context>
chip_gen: v7x
topology: tpu7x:2x2x1
jax: 0.10.2.dev20260603
libtpu: 0.0.44.dev20260713+nightly
codegen_flags: <defaults>
</compile_context>

<pallas_src>
import jax
import jax.numpy as jnp
from jax import lax
from jax.experimental import pallas as pl
from jax.experimental.pallas import tpu as pltpu
from jax.experimental.pallas import tpu_sc as plsc

N_NODES = 10000
N_EDGES = 160000
D = 256
H = 128

NC = 2
NS = 16
K = 128

NP = 10240
RPT = NP // NS
EPT = 10240
CH = EPT // K
EP = EPT * NS
TRASH = N_NODES

GB = 8
IB = 40

RB = 1280
GRID = NP // RB


def _sc_mesh():
    return plsc.VectorSubcoreMesh(core_axis_name="c", subcore_axis_name="s")


FD = 8


def _deg_body(s3, d3, oz, deg, acc, idx_v, oz_v, sem):
    c = lax.axis_index("c")
    s = lax.axis_index("s")

    @pl.when(c == 0)
    def _():
        pltpu.sync_copy(s3.at[s], idx_v)

    @pl.when(c == 1)
    def _():
        pltpu.sync_copy(d3.at[s], idx_v)

    pltpu.sync_copy(oz, oz_v)
    zz = oz_v.at[pl.ds(K, K)]
    for k in range(RPT // K):
        pltpu.sync_copy(zz, acc.at[pl.ds(s * RPT + k * K, K)])
    plsc.subcore_barrier()

    ones_rows = oz_v.at[pl.ds(0, K)]

    @pl.loop(0, CH, step=FD)
    def _(j0):
        descs = [
            pltpu.async_copy(ones_rows, acc.at[idx_v.at[j0 + b]], sem,
                             add=True)
            for b in range(FD)
        ]
        for d in descs:
            d.wait()

    plsc.subcore_barrier()

    pltpu.sync_copy(acc.at[pl.ds(s * RPT, RPT)],
                    deg.at[pl.ds(c * NP + s * RPT, RPT)])


def _sc_degrees(s3, d3, oz):
    return pl.kernel(
        _deg_body,
        out_type=jax.ShapeDtypeStruct((2 * NP, H), jnp.float32),
        mesh=_sc_mesh(),
        scratch_types=[
            pltpu.VMEM_SHARED((NP, H), jnp.float32),
            pltpu.VMEM((CH, K), jnp.int32),
            pltpu.VMEM((2 * K, H), jnp.float32),
            pltpu.SemaphoreType.DMA,
        ],
    )(s3, d3, oz)


def _agg_body(m, s3a, s3b, d3, z, agg, acc, src_v, dst_v, buf, gsem, ssem):
    c = lax.axis_index("c")
    s = lax.axis_index("s")

    half0 = buf.at[pl.ds(0, K)]
    pltpu.sync_copy(z, half0)
    for k in range(RPT // K):
        pltpu.sync_copy(half0, acc.at[pl.ds(s * RPT + k * K, K)])
    plsc.subcore_barrier()

    for blk in range(CH // IB):
        jb = blk * IB

        @pl.when(c == 0)
        def _():
            pltpu.sync_copy(s3a.at[s, pl.ds(jb, IB)], src_v)

        @pl.when(c == 1)
        def _():
            pltpu.sync_copy(s3b.at[s, pl.ds(jb, IB)], src_v)

        pltpu.sync_copy(d3.at[s, pl.ds(jb, IB)], dst_v)

        @pl.loop(0, IB, step=GB)
        def _(j0):
            def gath(t, h):
                return pltpu.async_copy(
                    m.at[src_v.at[j0 + t]], buf.at[pl.ds(h * K, K)], gsem)

            def scat(t, h):
                return pltpu.async_copy(
                    buf.at[pl.ds(h * K, K)], acc.at[dst_v.at[j0 + t]], ssem,
                    add=True)

            g = {0: gath(0, 0), 1: gath(1, 1)}
            sd = {}
            for t in range(GB):
                g[t].wait()
                sd[t] = scat(t, t % 2)
                if t + 2 < GB:
                    sd[t].wait()
                    g[t + 2] = gath(t + 2, t % 2)
            sd[GB - 2].wait()
            sd[GB - 1].wait()

    plsc.subcore_barrier()

    pltpu.sync_copy(acc.at[pl.ds(s * RPT, RPT)],
                    agg.at[pl.ds(c * NP + s * RPT, RPT)])


def _sc_aggregate(m_flat, s3a, s3b, d3, z):
    return pl.kernel(
        _agg_body,
        out_type=jax.ShapeDtypeStruct((2 * NP, H), jnp.float32),
        mesh=_sc_mesh(),
        scratch_types=[
            pltpu.VMEM_SHARED((NP, H), jnp.float32),
            pltpu.VMEM((IB, K), jnp.int32),
            pltpu.VMEM((IB, K), jnp.int32),
            pltpu.VMEM((2 * K, H), jnp.float32),
            pltpu.SemaphoreType.DMA,
            pltpu.SemaphoreType.DMA,
        ],
    )(m_flat, s3a, s3b, d3, z)


def _norm(deg_blk):
    return lax.rsqrt(jnp.maximum(deg_blk[:, 0:1], 1.0))


def _tcA_body(x_ref, w_ref, deg_ref, out_ref):
    p = jnp.dot(x_ref[:, :], w_ref[:, :], preferred_element_type=jnp.float32)
    p = p * _norm(deg_ref)
    out_ref[0] = p[:, :H]
    out_ref[1] = p[:, H:]


def _tc_pre1(x_pad, W1, deg):
    return pl.pallas_call(
        _tcA_body,
        grid=(GRID,),
        in_specs=[
            pl.BlockSpec((RB, D), lambda i: (i, 0)),
            pl.BlockSpec((D, D), lambda i: (0, 0)),
            pl.BlockSpec((RB, H), lambda i: (i, 0)),
        ],
        out_specs=pl.BlockSpec((2, RB, H), lambda i: (0, i, 0)),
        out_shape=jax.ShapeDtypeStruct((2, NP, H), jnp.float32),
    )(x_pad, W1, deg)


def _tcB_body(aa_ref, ab_ref, di_ref, do_ref, b1_ref, w_ref, out_ref):
    agg = jnp.concatenate([aa_ref[:, :], ab_ref[:, :]], axis=1)
    h = agg * _norm(di_ref) + b1_ref[:, :]
    h = jnp.maximum(h, 0.0)
    p = jnp.dot(h * _norm(do_ref), w_ref[:, :],
                preferred_element_type=jnp.float32)
    out_ref[0] = p[:, :H]
    out_ref[1] = p[:, H:]


def _tc_mid(agg1, deg, b1, W2):
    return pl.pallas_call(
        _tcB_body,
        grid=(GRID,),
        in_specs=[
            pl.BlockSpec((RB, H), lambda i: (i, 0)),
            pl.BlockSpec((RB, H), lambda i: (i + GRID, 0)),
            pl.BlockSpec((RB, H), lambda i: (i + GRID, 0)),
            pl.BlockSpec((RB, H), lambda i: (i, 0)),
            pl.BlockSpec((1, D), lambda i: (0, 0)),
            pl.BlockSpec((D, D), lambda i: (0, 0)),
        ],
        out_specs=pl.BlockSpec((2, RB, H), lambda i: (0, i, 0)),
        out_shape=jax.ShapeDtypeStruct((2, NP, H), jnp.float32),
    )(agg1, agg1, deg, deg, b1, W2)


def _tcC_body(aa_ref, ab_ref, di_ref, b2_ref, out_ref):
    agg = jnp.concatenate([aa_ref[:, :], ab_ref[:, :]], axis=1)
    out_ref[:, :] = agg * _norm(di_ref) + b2_ref[:, :]


def _tc_post(agg2, deg, b2):
    return pl.pallas_call(
        _tcC_body,
        grid=(GRID,),
        in_specs=[
            pl.BlockSpec((RB, H), lambda i: (i, 0)),
            pl.BlockSpec((RB, H), lambda i: (i + GRID, 0)),
            pl.BlockSpec((RB, H), lambda i: (i + GRID, 0)),
            pl.BlockSpec((1, D), lambda i: (0, 0)),
        ],
        out_specs=pl.BlockSpec((RB, D), lambda i: (i, 0)),
        out_shape=jax.ShapeDtypeStruct((NP, D), jnp.float32),
    )(agg2, agg2, deg, b2)


@jax.jit
def _run(inputs, edge_index, W1, b1, W2, b2):
    src = edge_index[0]
    dst = edge_index[1]

    pad = EP - N_EDGES
    sp = jnp.concatenate([src, jnp.full((pad,), TRASH, jnp.int32)])
    dp = jnp.concatenate([dst, jnp.full((pad,), TRASH, jnp.int32)])
    s3d = sp.reshape(NS, CH, K)
    d3d = dp.reshape(NS, CH, K)
    s3a = s3d
    s3b = (sp + NP).reshape(NS, CH, K)
    d3 = d3d

    x_pad = jnp.concatenate(
        [inputs, jnp.zeros((NP - N_NODES, D), jnp.float32)], axis=0)
    b1r = b1.reshape(1, D)
    b2r = b2.reshape(1, D)
    oz = jnp.concatenate(
        [jnp.ones((K, H), jnp.float32), jnp.zeros((K, H), jnp.float32)])
    z = jnp.zeros((K, H), jnp.float32)

    deg = _sc_degrees(s3d, d3d, oz)
    m1 = _tc_pre1(x_pad, W1, deg).reshape(2 * NP, H)
    agg1 = _sc_aggregate(m1, s3a, s3b, d3, z)
    m2 = _tc_mid(agg1, deg, b1r, W2).reshape(2 * NP, H)
    agg2 = _sc_aggregate(m2, s3a, s3b, d3, z)
    out = _tc_post(agg2, deg, b2r)
    return out[:N_NODES]


def kernel(inputs, edge_index, W1, b1, W2, b2):
    return _run(inputs, edge_index, W1, b1, W2, b2)

# --- scband reference (transcript-rebuilt; emitter-appended) ---
"""Pipeline reference for scband-gcn-51187420233782 (READ-ONLY COPY).

The authoritative reference and input builder live on the scoring server;
editing this copy changes nothing except your own understanding.
"""

import jax, jax.numpy as jnp
import numpy as np

N_NODES = 10000
N_EDGES = 160000
D_FEAT = 256
D_HID = 256
D_OUT = 256


def setup_inputs(seed: int = 0) -> dict:
    key = jax.random.key(seed)
    k1, k2, k3, k4 = jax.random.split(key, 4)
    x = jax.random.normal(k1, (N_NODES, D_FEAT), dtype=jnp.float32)
    edge_index = jax.random.randint(k2, (2, N_EDGES), 0, N_NODES, dtype=jnp.int32)
    # GraphConv weights (glorot-ish init) and biases for 2-layer GCN
    W1 = jax.random.normal(k3, (D_FEAT, D_HID), dtype=jnp.float32) * (1.0 / np.sqrt(D_FEAT))
    b1 = jnp.zeros((D_HID,), dtype=jnp.float32)
    W2 = jax.random.normal(k4, (D_HID, D_OUT), dtype=jnp.float32) * (1.0 / np.sqrt(D_HID))
    b2 = jnp.zeros((D_OUT,), dtype=jnp.float32)
    return {"inputs": x, "edge_index": edge_index, "W1": W1, "b1": b1, "W2": W2, "b2": b2}


def _graph_conv(h, src, dst, n_nodes, W, b):
    # DGL GraphConv with norm='both', allow_zero_in_degree=True:
    # h' = D_in^{-1/2} A D_out^{-1/2} h W + b
    ones = jnp.ones((src.shape[0],), dtype=h.dtype)
    deg_out = jax.ops.segment_sum(ones, src, num_segments=n_nodes)
    deg_in = jax.ops.segment_sum(ones, dst, num_segments=n_nodes)
    norm_out = jnp.power(jnp.clip(deg_out, 1.0, None), -0.5)
    norm_in = jnp.power(jnp.clip(deg_in, 1.0, None), -0.5)
    h = h * norm_out[:, None]
    msg = jnp.take(h, src, axis=0)
    agg = jax.ops.segment_sum(msg, dst, num_segments=n_nodes)
    agg = agg * norm_in[:, None]
    return agg @ W + b


def reference(inputs, edge_index, W1, b1, W2, b2):
    src = edge_index[0]
    dst = edge_index[1]
    n = inputs.shape[0]
    # layer 1: GraphConv + relu (dropout=0.0 -> identity)
    h = _graph_conv(inputs, src, dst, n, W1, b1)
    h = jax.nn.relu(h)
    # layer 2: GraphConv, no activation ('none' on last layer)
    h = _graph_conv(h, src, dst, n, W2, b2)
    # readout=None, layernorm=False -> return node representations
    return h

if __name__ == "__main__":
    import jax
    _d = setup_inputs()
    print(jax.jit(kernel)(*tuple(_d.values())))

</pallas_src>

<mosaic_0001>
#map = affine_map<(d0, d1) -> (0, 0, 0)>
#map1 = affine_map<(d0, d1) -> (0, 0)>
module attributes {stable_mosaic.version = 14 : i64} {
  func.func @_deg_body(%arg0: i32, %arg1: i32, %arg2: memref<16x80x128xi32, #tpu.memory_space<hbm>>, %arg3: memref<16x80x128xi32, #tpu.memory_space<hbm>>, %arg4: memref<256x128xf32, #tpu.memory_space<hbm>>, %arg5: memref<20480x128xf32, #tpu.memory_space<hbm>>, %arg6: memref<10240x128xf32, #tpu.memory_space<vmem_shared>>, %arg7: memref<80x128xi32, #tpu.memory_space<vmem>>, %arg8: memref<256x128xf32, #tpu.memory_space<vmem>>, %arg9: memref<!tpu.dma_semaphore, #tpu.memory_space<semaphore_mem>>) attributes {dimension_semantics = [#tpu.dimension_semantics<core_parallel>, #tpu.dimension_semantics<subcore_parallel>], iteration_bounds = array<i64: 2, 16>, scalar_prefetch = 0 : i64, scratch_operands = 4 : i64, tpu.core_type = #tpu.core_type<sc_vector_subcore>, window_params = [{transform_indices = #map}, {transform_indices = #map}, {transform_indices = #map1}, {transform_indices = #map1}]} {
    %eq3A = arith.constant 0 : i32
    %eq3A_0 = arith.cmpi eq, %arg0, %eq3A : i32
    %convert_element_type3A = arith.extui %eq3A_0 : i1 to i32
    %cond3A = arith.constant 0 : i32
    %cond3A_1 = arith.cmpi ne, %convert_element_type3A, %cond3A : i32
    scf.if %cond3A_1 {
      "tpu.region"() ({
        %run_scoped3A = tpu.sem_alloc : memref<!tpu.dma_semaphore, #tpu.memory_space<semaphore_mem>>
        %dma_start3A = arith.constant 0 : i32
        %dma_start3A_37 = arith.constant 0 : i32
        %dma_start3A_38 = tpu.memref_slice %arg2[%arg1, %dma_start3A, %dma_start3A_37] : memref<16x80x128xi32, #tpu.memory_space<hbm>> -> memref<1x80x128xi32, #tpu.memory_space<hbm>>
        %dma_start3A_39 = tpu.memref_squeeze %dma_start3A_38 : memref<1x80x128xi32, #tpu.memory_space<hbm>> -> memref<80x128xi32, #tpu.memory_space<hbm>>
        %dma_start3A_40 = arith.constant 0 : i32
        %dma_start3A_41 = arith.constant 0 : i32
        %dma_start3A_42 = tpu.memref_slice %arg2[%arg1, %dma_start3A_40, %dma_start3A_41] : memref<16x80x128xi32, #tpu.memory_space<hbm>> -> memref<1x80x128xi32, #tpu.memory_space<hbm>>
        %dma_start3A_43 = tpu.memref_squeeze %dma_start3A_42 : memref<1x80x128xi32, #tpu.memory_space<hbm>> -> memref<80x128xi32, #tpu.memory_space<hbm>>
        tpu.enqueue_dma source(%dma_start3A_43 : memref<80x128xi32, #tpu.memory_space<hbm>>) target(%arg7 : memref<80x128xi32, #tpu.memory_space<vmem>>) target_semaphore(%run_scoped3A : memref<!tpu.dma_semaphore, #tpu.memory_space<semaphore_mem>>)
        %dma_wait3A = arith.constant 0 : i32
        %dma_wait3A_44 = arith.constant 0 : i32
        %dma_wait3A_45 = tpu.memref_slice %arg2[%arg1, %dma_wait3A, %dma_wait3A_44] : memref<16x80x128xi32, #tpu.memory_space<hbm>> -> memref<1x80x128xi32, #tpu.memory_space<hbm>>
        %dma_wait3A_46 = tpu.memref_squeeze %dma_wait3A_45 : memref<1x80x128xi32, #tpu.memory_space<hbm>> -> memref<80x128xi32, #tpu.memory_space<hbm>>
        %dma_wait3A_47 = arith.constant 0 : i32
        %dma_wait3A_48 = arith.constant 0 : i32
        %dma_wait3A_49 = tpu.memref_slice %arg2[%arg1, %dma_wait3A_47, %dma_wait3A_48] : memref<16x80x128xi32, #tpu.memory_space<hbm>> -> memref<1x80x128xi32, #tpu.memory_space<hbm>>
        %dma_wait3A_50 = tpu.memref_squeeze %dma_wait3A_49 : memref<1x80x128xi32, #tpu.memory_space<hbm>> -> memref<80x128xi32, #tpu.memory_space<hbm>>
        tpu.wait_dma2 semaphore(%run_scoped3A : memref<!tpu.dma_semaphore, #tpu.memory_space<semaphore_mem>>) src(%dma_wait3A_50 : memref<80x128xi32, #tpu.memory_space<hbm>>) dst(%arg7 : memref<80x128xi32, #tpu.memory_space<vmem>>)
        tpu.yield
      }) : () -> ()
    } else {
    }
    %eq3A_2 = arith.constant 1 : i32
    %eq3A_3 = arith.cmpi eq, %arg0, %eq3A_2 : i32
    %convert_element_type3A_4 = arith.extui %eq3A_3 : i1 to i32
    %cond3A_5 = arith.constant 0 : i32
    %cond3A_6 = arith.cmpi ne, %convert_element_type3A_4, %cond3A_5 : i32
    scf.if %cond3A_6 {
      "tpu.region"() ({
        %run_scoped3A = tpu.sem_alloc : memref<!tpu.dma_semaphore, #tpu.memory_space<semaphore_mem>>
        %dma_start3A = arith.constant 0 : i32
        %dma_start3A_37 = arith.constant 0 : i32
        %dma_start3A_38 = tpu.memref_slice %arg3[%arg1, %dma_start3A, %dma_start3A_37] : memref<16x80x128xi32, #tpu.memory_space<hbm>> -> memref<1x80x128xi32, #tpu.memory_space<hbm>>
        %dma_start3A_39 = tpu.memref_squeeze %dma_start3A_38 : memref<1x80x128xi32, #tpu.memory_space<hbm>> -> memref<80x128xi32, #tpu.memory_space<hbm>>
        %dma_start3A_40 = arith.constant 0 : i32
        %dma_start3A_41 = arith.constant 0 : i32
        %dma_start3A_42 = tpu.memref_slice %arg3[%arg1, %dma_start3A_40, %dma_start3A_41] : memref<16x80x128xi32, #tpu.memory_space<hbm>> -> memref<1x80x128xi32, #tpu.memory_space<hbm>>
        %dma_start3A_43 = tpu.memref_squeeze %dma_start3A_42 : memref<1x80x128xi32, #tpu.memory_space<hbm>> -> memref<80x128xi32, #tpu.memory_space<hbm>>
        tpu.enqueue_dma source(%dma_start3A_43 : memref<80x128xi32, #tpu.memory_space<hbm>>) target(%arg7 : memref<80x128xi32, #tpu.memory_space<vmem>>) target_semaphore(%run_scoped3A : memref<!tpu.dma_semaphore, #tpu.memory_space<semaphore_mem>>)
        %dma_wait3A = arith.constant 0 : i32
        %dma_wait3A_44 = arith.constant 0 : i32
        %dma_wait3A_45 = tpu.memref_slice %arg3[%arg1, %dma_wait3A, %dma_wait3A_44] : memref<16x80x128xi32, #tpu.memory_space<hbm>> -> memref<1x80x128xi32, #tpu.memory_space<hbm>>
        %dma_wait3A_46 = tpu.memref_squeeze %dma_wait3A_45 : memref<1x80x128xi32, #tpu.memory_space<hbm>> -> memref<80x128xi32, #tpu.memory_space<hbm>>
        %dma_wait3A_47 = arith.constant 0 : i32
        %dma_wait3A_48 = arith.constant 0 : i32
        %dma_wait3A_49 = tpu.memref_slice %arg3[%arg1, %dma_wait3A_47, %dma_wait3A_48] : memref<16x80x128xi32, #tpu.memory_space<hbm>> -> memref<1x80x128xi32, #tpu.memory_space<hbm>>
        %dma_wait3A_50 = tpu.memref_squeeze %dma_wait3A_49 : memref<1x80x128xi32, #tpu.memory_space<hbm>> -> memref<80x128xi32, #tpu.memory_space<hbm>>
        tpu.wait_dma2 semaphore(%run_scoped3A : memref<!tpu.dma_semaphore, #tpu.memory_space<semaphore_mem>>) src(%dma_wait3A_50 : memref<80x128xi32, #tpu.memory_space<hbm>>) dst(%arg7 : memref<80x128xi32, #tpu.memory_space<vmem>>)
        tpu.yield
      }) : () -> ()
    } else {
    }
    "tpu.region"() ({
      %run_scoped3A = tpu.sem_alloc : memref<!tpu.dma_semaphore, #tpu.memory_space<semaphore_mem>>
      tpu.enqueue_dma source(%arg4 : memref<256x128xf32, #tpu.memory_space<hbm>>) target(%arg8 : memref<256x128xf32, #tpu.memory_space<vmem>>) target_semaphore(%run_scoped3A : memref<!tpu.dma_semaphore, #tpu.memory_space<semaphore_mem>>)
      tpu.wait_dma2 semaphore(%run_scoped3A : memref<!tpu.dma_semaphore, #tpu.memory_space<semaphore_mem>>) src(%arg4 : memref<256x128xf32, #tpu.memory_space<hbm>>) dst(%arg8 : memref<256x128xf32, #tpu.memory_space<vmem>>)
      tpu.yield
    }) : () -> ()
    %mul3A = arith.constant 640 : i32
    %mul3A_7 = arith.muli %arg1, %mul3A : i32
    %add3A = arith.constant 0 : i32
    %add3A_8 = arith.addi %mul3A_7, %add3A : i32
    "tpu.region"() ({
      %run_scoped3A = tpu.sem_alloc : memref<!tpu.dma_semaphore, #tpu.memory_space<semaphore_mem>>
      %dma_start3A = arith.constant 128 : i32
      %dma_start3A_37 = arith.constant 0 : i32
      %dma_start3A_38 = tpu.memref_slice %arg8[%dma_start3A, %dma_start3A_37] : memref<256x128xf32, #tpu.memory_space<vmem>> -> memref<128x128xf32, #tpu.memory_space<vmem>>
      %dma_start3A_39 = arith.constant 0 : i32
      %dma_start3A_40 = tpu.memref_slice %arg6[%add3A_8, %dma_start3A_39] : memref<10240x128xf32, #tpu.memory_space<vmem_shared>> -> memref<128x128xf32, #tpu.memory_space<vmem_shared>>
      %dma_start3A_41 = arith.constant 0 : i32
      %dma_start3A_42 = tpu.memref_slice %arg6[%add3A_8, %dma_start3A_41] : memref<10240x128xf32, #tpu.memory_space<vmem_shared>> -> memref<128x128xf32, #tpu.memory_space<vmem_shared>>
      %dma_start3A_43 = arith.constant 128 : i32
      %dma_start3A_44 = arith.constant 0 : i32
      %dma_start3A_45 = tpu.memref_slice %arg8[%dma_start3A_43, %dma_start3A_44] : memref<256x128xf32, #tpu.memory_space<vmem>> -> memref<128x128xf32, #tpu.memory_space<vmem>>
      tpu.enqueue_dma source(%dma_start3A_45 : memref<128x128xf32, #tpu.memory_space<vmem>>) target(%dma_start3A_42 : memref<128x128xf32, #tpu.memory_space<vmem_shared>>) target_semaphore(%run_scoped3A : memref<!tpu.dma_semaphore, #tpu.memory_space<semaphore_mem>>)
      %dma_wait3A = arith.constant 128 : i32
      %dma_wait3A_46 = arith.constant 0 : i32
      %dma_wait3A_47 = tpu.memref_slice %arg8[%dma_wait3A, %dma_wait3A_46] : memref<256x128xf32, #tpu.memory_space<vmem>> -> memref<128x128xf32, #tpu.memory_space<vmem>>
      %dma_wait3A_48 = arith.constant 0 : i32
      %dma_wait3A_49 = tpu.memref_slice %arg6[%add3A_8, %dma_wait3A_48] : memref<10240x128xf32, #tpu.memory_space<vmem_shared>> -> memref<128x128xf32, #tpu.memory_space<vmem_shared>>
      %dma_wait3A_50 = arith.constant 0 : i32
      %dma_wait3A_51 = tpu.memref_slice %arg6[%add3A_8, %dma_wait3A_50] : memref<10240x128xf32, #tpu.memory_space<vmem_shared>> -> memref<128x128xf32, #tpu.memory_space<vmem_shared>>
      %dma_wait3A_52 = arith.constant 128 : i32
      %dma_wait3A_53 = arith.constant 0 : i32
      %dma_wait3A_54 = tpu.memref_slice %arg8[%dma_wait3A_52, %dma_wait3A_53] : memref<256x128xf32, #tpu.memory_space<vmem>> -> memref<128x128xf32, #tpu.memory_space<vmem>>
      tpu.wait_dma2 semaphore(%run_scoped3A : memref<!tpu.dma_semaphore, #tpu.memory_space<semaphore_mem>>) src(%dma_wait3A_54 : memref<128x128xf32, #tpu.memory_space<vmem>>) dst(%dma_wait3A_51 : memref<128x128xf32, #tpu.memory_space<vmem_shared>>)
      tpu.yield
    }) : () -> ()
    %mul3A_9 = arith.constant 640 : i32
    %mul3A_10 = arith.muli %arg1, %mul3A_9 : i32
    %add3A_11 = arith.constant 128 : i32
    %add3A_12 = arith.addi %mul3A_10, %add3A_11 : i32
    "tpu.region"() ({
      %run_scoped3A = tpu.sem_alloc : memref<!tpu.dma_semaphore, #tpu.memory_space<semaphore_mem>>
      %dma_start3A = arith.constant 128 : i32
      %dma_start3A_37 = arith.constant 0 : i32
      %dma_start3A_38 = tpu.memref_slice %arg8[%dma_start3A, %dma_start3A_37] : memref<256x128xf32, #tpu.memory_space<vmem>> -> memref<128x128xf32, #tpu.memory_space<vmem>>
      %dma_start3A_39 = arith.constant 0 : i32
      %dma_start3A_40 = tpu.memref_slice %arg6[%add3A_12, %dma_start3A_39] : memref<10240x128xf32, #tpu.memory_space<vmem_shared>> -> memref<128x128xf32, #tpu.memory_space<vmem_shared>>
      %dma_start3A_41 = arith.constant 0 : i32
      %dma_start3A_42 = tpu.memref_slice %arg6[%add3A_12, %dma_start3A_41] : memref<10240x128xf32, #tpu.memory_space<vmem_shared>> -> memref<128x128xf32, #tpu.memory_space<vmem_shared>>
      %dma_start3A_43 = arith.constant 128 : i32
      %dma_start3A_44 = arith.constant 0 : i32
      %dma_start3A_45 = tpu.memref_slice %arg8[%dma_start3A_43, %dma_start3A_44] : memref<256x128xf32, #tpu.memory_space<vmem>> -> memref<128x128xf32, #tpu.memory_space<vmem>>
      tpu.enqueue_dma source(%dma_start3A_45 : memref<128x128xf32, #tpu.memory_space<vmem>>) target(%dma_start3A_42 : memref<128x128xf32, #tpu.memory_space<vmem_shared>>) target_semaphore(%run_scoped3A : memref<!tpu.dma_semaphore, #tpu.memory_space<semaphore_mem>>)
      %dma_wait3A = arith.constant 128 : i32
      %dma_wait3A_46 = arith.constant 0 : i32
      %dma_wait3A_47 = tpu.memref_slice %arg8[%dma_wait3A, %dma_wait3A_46] : memref<256x128xf32, #tpu.memory_space<vmem>> -> memref<128x128xf32, #tpu.memory_space<vmem>>
      %dma_wait3A_48 = arith.constant 0 : i32
      %dma_wait3A_49 = tpu.memref_slice %arg6[%add3A_12, %dma_wait3A_48] : memref<10240x128xf32, #tpu.memory_space<vmem_shared>> -> memref<128x128xf32, #tpu.memory_space<vmem_shared>>
      %dma_wait3A_50 = arith.constant 0 : i32
      %dma_wait3A_51 = tpu.memref_slice %arg6[%add3A_12, %dma_wait3A_50] : memref<10240x128xf32, #tpu.memory_space<vmem_shared>> -> memref<128x128xf32, #tpu.memory_space<vmem_shared>>
      %dma_wait3A_52 = arith.constant 128 : i32
      %dma_wait3A_53 = arith.constant 0 : i32
      %dma_wait3A_54 = tpu.memref_slice %arg8[%dma_wait3A_52, %dma_wait3A_53] : memref<256x128xf32, #tpu.memory_space<vmem>> -> memref<128x128xf32, #tpu.memory_space<vmem>>
      tpu.wait_dma2 semaphore(%run_scoped3A : memref<!tpu.dma_semaphore, #tpu.memory_space<semaphore_mem>>) src(%dma_wait3A_54 : memref<128x128xf32, #tpu.memory_space<vmem>>) dst(%dma_wait3A_51 : memref<128x128xf32, #tpu.memory_space<vmem_shared>>)
      tpu.yield
    }) : () -> ()
    %mul3A_13 = arith.constant 640 : i32
    %mul3A_14 = arith.muli %arg1, %mul3A_13 : i32
    %add3A_15 = arith.constant 256 : i32
    %add3A_16 = arith.addi %mul3A_14, %add3A_15 : i32
    "tpu.region"() ({
      %run_scoped3A = tpu.sem_alloc : memref<!tpu.dma_semaphore, #tpu.memory_space<semaphore_mem>>
      %dma_start3A = arith.constant 128 : i32
      %dma_start3A_37 = arith.constant 0 : i32
      %dma_start3A_38 = tpu.memref_slice %arg8[%dma_start3A, %dma_start3A_37] : memref<256x128xf32, #tpu.memory_space<vmem>> -> memref<128x128xf32, #tpu.memory_space<vmem>>
      %dma_start3A_39 = arith.constant 0 : i32
      %dma_start3A_40 = tpu.memref_slice %arg6[%add3A_16, %dma_start3A_39] : memref<10240x128xf32, #tpu.memory_space<vmem_shared>> -> memref<128x128xf32, #tpu.memory_space<vmem_shared>>
      %dma_start3A_41 = arith.constant 0 : i32
      %dma_start3A_42 = tpu.memref_slice %arg6[%add3A_16, %dma_start3A_41] : memref<10240x128xf32, #tpu.memory_space<vmem_shared>> -> memref<128x128xf32, #tpu.memory_space<vmem_shared>>
      %dma_start3A_43 = arith.constant 128 : i32
      %dma_start3A_44 = arith.constant 0 : i32
      %dma_start3A_45 = tpu.memref_slice %arg8[%dma_start3A_43, %dma_start3A_44] : memref<256x128xf32, #tpu.memory_space<vmem>> -> memref<128x128xf32, #tpu.memory_space<vmem>>
      tpu.enqueue_dma source(%dma_start3A_45 : memref<128x128xf32, #tpu.memory_space<vmem>>) target(%dma_start3A_42 : memref<128x128xf32, #tpu.memory_space<vmem_shared>>) target_semaphore(%run_scoped3A : memref<!tpu.dma_semaphore, #tpu.memory_space<semaphore_mem>>)
      %dma_wait3A = arith.constant 128 : i32
      %dma_wait3A_46 = arith.constant 0 : i32
      %dma_wait3A_47 = tpu.memref_slice %arg8[%dma_wait3A, %dma_wait3A_46] : memref<256x128xf32, #tpu.memory_space<vmem>> -> memref<128x128xf32, #tpu.memory_space<vmem>>
      %dma_wait3A_48 = arith.constant 0 : i32
      %dma_wait3A_49 = tpu.memref_slice %arg6[%add3A_16, %dma_wait3A_48] : memref<10240x128xf32, #tpu.memory_space<vmem_shared>> -> memref<128x128xf32, #tpu.memory_space<vmem_shared>>
      %dma_wait3A_50 = arith.constant 0 : i32
      %dma_wait3A_51 = tpu.memref_slice %arg6[%add3A_16, %dma_wait3A_50] : memref<10240x128xf32, #tpu.memory_space<vmem_shared>> -> memref<128x128xf32, #tpu.memory_space<vmem_shared>>
      %dma_wait3A_52 = arith.constant 128 : i32
      %dma_wait3A_53 = arith.constant 0 : i32
      %dma_wait3A_54 = tpu.memref_slice %arg8[%dma_wait3A_52, %dma_wait3A_53] : memref<256x128xf32, #tpu.memory_space<vmem>> -> memref<128x128xf32, #tpu.memory_space<vmem>>
      tpu.wait_dma2 semaphore(%run_scoped3A : memref<!tpu.dma_semaphore, #tpu.memory_space<semaphore_mem>>) src(%dma_wait3A_54 : memref<128x128xf32, #tpu.memory_space<vmem>>) dst(%dma_wait3A_51 : memref<128x128xf32, #tpu.memory_space<vmem_shared>>)
      tpu.yield
    }) : () -> ()
    %mul3A_17 = arith.constant 640 : i32
    %mul3A_18 = arith.muli %arg1, %mul3A_17 : i32
    %add3A_19 = arith.constant 384 : i32
    %add3A_20 = arith.addi %mul3A_18, %add3A_19 : i32
    "tpu.region"() ({
      %run_scoped3A = tpu.sem_alloc : memref<!tpu.dma_semaphore, #tpu.memory_space<semaphore_mem>>
      %dma_start3A = arith.constant 128 : i32
      %dma_start3A_37 = arith.constant 0 : i32
      %dma_start3A_38 = tpu.memref_slice %arg8[%dma_start3A, %dma_start3A_37] : memref<256x128xf32, #tpu.memory_space<vmem>> -> memref<128x128xf32, #tpu.memory_space<vmem>>
      %dma_start3A_39 = arith.constant 0 : i32
      %dma_start3A_40 = tpu.memref_slice %arg6[%add3A_20, %dma_start3A_39] : memref<10240x128xf32, #tpu.memory_space<vmem_shared>> -> memref<128x128xf32, #tpu.memory_space<vmem_shared>>
      %dma_start3A_41 = arith.constant 0 : i32
      %dma_start3A_42 = tpu.memref_slice %arg6[%add3A_20, %dma_start3A_41] : memref<10240x128xf32, #tpu.memory_space<vmem_shared>> -> memref<128x128xf32, #tpu.memory_space<vmem_shared>>
      %dma_start3A_43 = arith.constant 128 : i32
      %dma_start3A_44 = arith.constant 0 : i32
      %dma_start3A_45 = tpu.memref_slice %arg8[%dma_start3A_43, %dma_start3A_44] : memref<256x128xf32, #tpu.memory_space<vmem>> -> memref<128x128xf32, #tpu.memory_space<vmem>>
      tpu.enqueue_dma source(%dma_start3A_45 : memref<128x128xf32, #tpu.memory_space<vmem>>) target(%dma_start3A_42 : memref<128x128xf32, #tpu.memory_space<vmem_shared>>) target_semaphore(%run_scoped3A : memref<!tpu.dma_semaphore, #tpu.memory_space<semaphore_mem>>)
      %dma_wait3A = arith.constant 128 : i32
      %dma_wait3A_46 = arith.constant 0 : i32
      %dma_wait3A_47 = tpu.memref_slice %arg8[%dma_wait3A, %dma_wait3A_46] : memref<256x128xf32, #tpu.memory_space<vmem>> -> memref<128x128xf32, #tpu.memory_space<vmem>>
      %dma_wait3A_48 = arith.constant 0 : i32
      %dma_wait3A_49 = tpu.memref_slice %arg6[%add3A_20, %dma_wait3A_48] : memref<10240x128xf32, #tpu.memory_space<vmem_shared>> -> memref<128x128xf32, #tpu.memory_space<vmem_shared>>
      %dma_wait3A_50 = arith.constant 0 : i32
      %dma_wait3A_51 = tpu.memref_slice %arg6[%add3A_20, %dma_wait3A_50] : memref<10240x128xf32, #tpu.memory_space<vmem_shared>> -> memref<128x128xf32, #tpu.memory_space<vmem_shared>>
      %dma_wait3A_52 = arith.constant 128 : i32
      %dma_wait3A_53 = arith.constant 0 : i32
      %dma_wait3A_54 = tpu.memref_slice %arg8[%dma_wait3A_52, %dma_wait3A_53] : memref<256x128xf32, #tpu.memory_space<vmem>> -> memref<128x128xf32, #tpu.memory_space<vmem>>
      tpu.wait_dma2 semaphore(%run_scoped3A : memref<!tpu.dma_semaphore, #tpu.memory_space<semaphore_mem>>) src(%dma_wait3A_54 : memref<128x128xf32, #tpu.memory_space<vmem>>) dst(%dma_wait3A_51 : memref<128x128xf32, #tpu.memory_space<vmem_shared>>)
      tpu.yield
    }) : () -> ()
    %mul3A_21 = arith.constant 640 : i32
    %mul3A_22 = arith.muli %arg1, %mul3A_21 : i32
    %add3A_23 = arith.constant 512 : i32
    %add3A_24 = arith.addi %mul3A_22, %add3A_23 : i32
    "tpu.region"() ({
      %run_scoped3A = tpu.sem_alloc : memref<!tpu.dma_semaphore, #tpu.memory_space<semaphore_mem>>
      %dma_start3A = arith.constant 128 : i32
      %dma_start3A_37 = arith.constant 0 : i32
      %dma_start3A_38 = tpu.memref_slice %arg8[%dma_start3A, %dma_start3A_37] : memref<256x128xf32, #tpu.memory_space<vmem>> -> memref<128x128xf32, #tpu.memory_space<vmem>>
      %dma_start3A_39 = arith.constant 0 : i32
      %dma_start3A_40 = tpu.memref_slice %arg6[%add3A_24, %dma_start3A_39] : memref<10240x128xf32, #tpu.memory_space<vmem_shared>> -> memref<128x128xf32, #tpu.memory_space<vmem_shared>>
      %dma_start3A_41 = arith.constant 0 : i32
      %dma_start3A_42 = tpu.memref_slice %arg6[%add3A_24, %dma_start3A_41] : memref<10240x128xf32, #tpu.memory_space<vmem_shared>> -> memref<128x128xf32, #tpu.memory_space<vmem_shared>>
      %dma_start3A_43 = arith.constant 128 : i32
      %dma_start3A_44 = arith.constant 0 : i32
      %dma_start3A_45 = tpu.memref_slice %arg8[%dma_start3A_43, %dma_start3A_44] : memref<256x128xf32, #tpu.memory_space<vmem>> -> memref<128x128xf32, #tpu.memory_space<vmem>>
      tpu.enqueue_dma source(%dma_start3A_45 : memref<128x128xf32, #tpu.memory_space<vmem>>) target(%dma_start3A_42 : memref<128x128xf32, #tpu.memory_space<vmem_shared>>) target_semaphore(%run_scoped3A : memref<!tpu.dma_semaphore, #tpu.memory_space<semaphore_mem>>)
      %dma_wait3A = arith.constant 128 : i32
      %dma_wait3A_46 = arith.constant 0 : i32
      %dma_wait3A_47 = tpu.memref_slice %arg8[%dma_wait3A, %dma_wait3A_46] : memref<256x128xf32, #tpu.memory_space<vmem>> -> memref<128x128xf32, #tpu.memory_space<vmem>>
      %dma_wait3A_48 = arith.constant 0 : i32
      %dma_wait3A_49 = tpu.memref_slice %arg6[%add3A_24, %dma_wait3A_48] : memref<10240x128xf32, #tpu.memory_space<vmem_shared>> -> memref<128x128xf32, #tpu.memory_space<vmem_shared>>
      %dma_wait3A_50 = arith.constant 0 : i32
      %dma_wait3A_51 = tpu.memref_slice %arg6[%add3A_24, %dma_wait3A_50] : memref<10240x128xf32, #tpu.memory_space<vmem_shared>> -> memref<128x128xf32, #tpu.memory_space<vmem_shared>>
      %dma_wait3A_52 = arith.constant 128 : i32
      %dma_wait3A_53 = arith.constant 0 : i32
      %dma_wait3A_54 = tpu.memref_slice %arg8[%dma_wait3A_52, %dma_wait3A_53] : memref<256x128xf32, #tpu.memory_space<vmem>> -> memref<128x128xf32, #tpu.memory_space<vmem>>
      tpu.wait_dma2 semaphore(%run_scoped3A : memref<!tpu.dma_semaphore, #tpu.memory_space<semaphore_mem>>) src(%dma_wait3A_54 : memref<128x128xf32, #tpu.memory_space<vmem>>) dst(%dma_wait3A_51 : memref<128x128xf32, #tpu.memory_space<vmem_shared>>)
      tpu.yield
    }) : () -> ()
    %barrier3A = arith.constant 0 : index
    tpu.barrier barrier_id(%barrier3A)
    %scan3A = arith.constant 0 : i32
    %scan3A_25 = arith.constant 10 : i32
    %scan3A_26 = arith.addi %scan3A, %scan3A_25 : i32
    %scan3A_27 = arith.constant 1 : i32
    scf.for %scan3A_37 = %scan3A to %scan3A_26 step %scan3A_27  : i32 {
      %mul3A_38 = arith.constant 8 : i32
      %mul3A_39 = arith.muli %scan3A_37, %mul3A_38 : i32
      %add3A_40 = arith.constant 0 : i32
      %add3A_41 = arith.addi %add3A_40, %mul3A_39 : i32
      %add3A_42 = arith.constant 0 : i32
      %add3A_43 = arith.addi %add3A_41, %add3A_42 : i32
      %dma_start3A = arith.constant 0 : i32
      %dma_start3A_44 = arith.constant 0 : i32
      %dma_start3A_45 = tpu.memref_slice %arg8[%dma_start3A, %dma_start3A_44] : memref<256x128xf32, #tpu.memory_space<vmem>> -> memref<128x128xf32, #tpu.memory_space<vmem>>
      %dma_start3A_46 = arith.constant 0 : i32
      %dma_start3A_47 = tpu.memref_slice %arg7[%add3A_43, %dma_start3A_46] : memref<80x128xi32, #tpu.memory_space<vmem>> -> memref<1x128xi32, #tpu.memory_space<vmem>>
      %dma_start3A_48 = tpu.memref_squeeze %dma_start3A_47 : memref<1x128xi32, #tpu.memory_space<vmem>> -> memref<128xi32, #tpu.memory_space<vmem>>
      %dma_start3A_49 = arith.constant 0 : i32
      %dma_start3A_50 = arith.constant 0 : i32
      %dma_start3A_51 = tpu.memref_slice %arg6[%dma_start3A_49, %dma_start3A_50] : memref<10240x128xf32, #tpu.memory_space<vmem_shared>> -> memref<10240x128xf32, #tpu.memory_space<vmem_shared>>
      tpu.enqueue_indirect_dma source(%dma_start3A_45 : memref<128x128xf32, #tpu.memory_space<vmem>>) target(%dma_start3A_51 : memref<10240x128xf32, #tpu.memory_space<vmem_shared>>) offsets(%dma_start3A_48 : memref<128xi32, #tpu.memory_space<vmem>>) semaphore(%arg9 : memref<!tpu.dma_semaphore, #tpu.memory_space<semaphore_mem>>) {add = true}
      %add3A_52 = arith.constant 1 : i32
      %add3A_53 = arith.addi %add3A_41, %add3A_52 : i32
      %dma_start3A_54 = arith.constant 0 : i32
      %dma_start3A_55 = arith.constant 0 : i32
      %dma_start3A_56 = tpu.memref_slice %arg8[%dma_start3A_54, %dma_start3A_55] : memref<256x128xf32, #tpu.memory_space<vmem>> -> memref<128x128xf32, #tpu.memory_space<vmem>>
      %dma_start3A_57 = arith.constant 0 : i32
      %dma_start3A_58 = tpu.memref_slice %arg7[%add3A_53, %dma_start3A_57] : memref<80x128xi32, #tpu.memory_space<vmem>> -> memref<1x128xi32, #tpu.memory_space<vmem>>
      %dma_start3A_59 = tpu.memref_squeeze %dma_start3A_58 : memref<1x128xi32, #tpu.memory_space<vmem>> -> memref<128xi32, #tpu.memory_space<vmem>>
      %dma_start3A_60 = arith.constant 0 : i32
      %dma_start3A_61 = arith.constant 0 : i32
      %dma_start3A_62 = tpu.memref_slice %arg6[%dma_start3A_60, %dma_start3A_61] : memref<10240x128xf32, #tpu.memory_space<vmem_shared>> -> memref<10240x128xf32, #tpu.memory_space<vmem_shared>>
      tpu.enqueue_indirect_dma source(%dma_start3A_56 : memref<128x128xf32, #tpu.memory_space<vmem>>) target(%dma_start3A_62 : memref<10240x128xf32, #tpu.memory_space<vmem_shared>>) offsets(%dma_start3A_59 : memref<128xi32, #tpu.memory_space<vmem>>) semaphore(%arg9 : memref<!tpu.dma_semaphore, #tpu.memory_space<semaphore_mem>>) {add = true}
      %add3A_63 = arith.constant 2 : i32
      %add3A_64 = arith.addi %add3A_41, %add3A_63 : i32
      %dma_start3A_65 = arith.constant 0 : i32
      %dma_start3A_66 = arith.constant 0 : i32
      %dma_start3A_67 = tpu.memref_slice %arg8[%dma_start3A_65, %dma_start3A_66] : memref<256x128xf32, #tpu.memory_space<vmem>> -> memref<128x128xf32, #tpu.memory_space<vmem>>
      %dma_start3A_68 = arith.constant 0 : i32
      %dma_start3A_69 = tpu.memref_slice %arg7[%add3A_64, %dma_start3A_68] : memref<80x128xi32, #tpu.memory_space<vmem>> -> memref<1x128xi32, #tpu.memory_space<vmem>>
      %dma_start3A_70 = tpu.memref_squeeze %dma_start3A_69 : memref<1x128xi32, #tpu.memory_space<vmem>> -> memref<128xi32, #tpu.memory_space<vmem>>
      %dma_start3A_71 = arith.constant 0 : i32
      %dma_start3A_72 = arith.constant 0 : i32
      %dma_start3A_73 = tpu.memref_slice %arg6[%dma_start3A_71, %dma_start3A_72] : memref<10240x128xf32, #tpu.memory_space<vmem_shared>> -> memref<10240x128xf32, #tpu.memory_space<vmem_shared>>
      tpu.enqueue_indirect_dma source(%dma_start3A_67 : memref<128x128xf32, #tpu.memory_space<vmem>>) target(%dma_start3A_73 : memref<10240x128xf32, #tpu.memory_space<vmem_shared>>) offsets(%dma_start3A_70 : memref<128xi32, #tpu.memory_space<vmem>>) semaphore(%arg9 : memref<!tpu.dma_semaphore, #tpu.memory_space<semaphore_mem>>) {add = true}
      %add3A_74 = arith.constant 3 : i32
      %add3A_75 = arith.addi %add3A_41, %add3A_74 : i32
      %dma_start3A_76 = arith.constant 0 : i32
      %dma_start3A_77 = arith.constant 0 : i32
      %dma_start3A_78 = tpu.memref_slice %arg8[%dma_start3A_76, %dma_start3A_77] : memref<256x128xf32, #tpu.memory_space<vmem>> -> memref<128x128xf32, #tpu.memory_space<vmem>>
      %dma_start3A_79 = arith.constant 0 : i32
      %dma_start3A_80 = tpu.memref_slice %arg7[%add3A_75, %dma_start3A_79] : memref<80x128xi32, #tpu.memory_space<vmem>> -> memref<1x128xi32, #tpu.memory_space<vmem>>
      %dma_start3A_81 = tpu.memref_squeeze %dma_start3A_80 : memref<1x128xi32, #tpu.memory_space<vmem>> -> memref<128xi32, #tpu.memory_space<vmem>>
      %dma_start3A_82 = arith.constant 0 : i32
      %dma_start3A_83 = arith.constant 0 : i32
      %dma_start3A_84 = tpu.memref_slice %arg6[%dma_start3A_82, %dma_start3A_83] : memref<10240x128xf32, #tpu.memory_space<vmem_shared>> -> memref<10240x128xf32, #tpu.memory_space<vmem_shared>>
      tpu.enqueue_indirect_dma source(%dma_start3A_78 : memref<128x128xf32, #tpu.memory_space<vmem>>) target(%dma_start3A_84 : memref<10240x128xf32, #tpu.memory_space<vmem_shared>>) offsets(%dma_start3A_81 : memref<128xi32, #tpu.memory_space<vmem>>) semaphore(%arg9 : memref<!tpu.dma_semaphore, #tpu.memory_space<semaphore_mem>>) {add = true}
      %add3A_85 = arith.constant 4 : i32
      %add3A_86 = arith.addi %add3A_41, %add3A_85 : i32
      %dma_start3A_87 = arith.constant 0 : i32
      %dma_start3A_88 = arith.constant 0 : i32
      %dma_start3A_89 = tpu.memref_slice %arg8[%dma_start3A_87, %dma_start3A_88] : memref<256x128xf32, #tpu.memory_space<vmem>> -> memref<128x128xf32, #tpu.memory_space<vmem>>
      %dma_start3A_90 = arith.constant 0 : i32
      %dma_start3A_91 = tpu.memref_slice %arg7[%add3A_86, %dma_start3A_90] : memref<80x128xi32, #tpu.memory_space<vmem>> -> memref<1x128xi32, #tpu.memory_space<vmem>>
      %dma_start3A_92 = tpu.memref_squeeze %dma_start3A_91 : memref<1x128xi32, #tpu.memory_space<vmem>> -> memref<128xi32, #tpu.memory_space<vmem>>
      %dma_start3A_93 = arith.constant 0 : i32
      %dma_start3A_94 = arith.constant 0 : i32
      %dma_start3A_95 = tpu.memref_slice %arg6[%dma_start3A_93, %dma_start3A_94] : memref<10240x128xf32, #tpu.memory_space<vmem_shared>> -> memref<10240x128xf32, #tpu.memory_space<vmem_shared>>
      tpu.enqueue_indirect_dma source(%dma_start3A_89 : memref<128x128xf32, #tpu.memory_space<vmem>>) target(%dma_start3A_95 : memref<10240x128xf32, #tpu.memory_space<vmem_shared>>) offsets(%dma_start3A_92 : memref<128xi32, #tpu.memory_space<vmem>>) semaphore(%arg9 : memref<!tpu.dma_semaphore, #tpu.memory_space<semaphore_mem>>) {add = true}
      %add3A_96 = arith.constant 5 : i32
      %add3A_97 = arith.addi %add3A_41, %add3A_96 : i32
      %dma_start3A_98 = arith.constant 0 : i32
      %dma_start3A_99 = arith.constant 0 : i32
      %dma_start3A_100 = tpu.memref_slice %arg8[%dma_start3A_98, %dma_start3A_99] : memref<256x128xf32, #tpu.memory_space<vmem>> -> memref<128x128xf32, #tpu.memory_space<vmem>>
      %dma_start3A_101 = arith.constant 0 : i32
      %dma_start3A_102 = tpu.memref_slice %arg7[%add3A_97, %dma_start3A_101] : memref<80x128xi32, #tpu.memory_space<vmem>> -> memref<1x128xi32, #tpu.memory_space<vmem>>
      %dma_start3A_103 = tpu.memref_squeeze %dma_start3A_102 : memref<1x128xi32, #tpu.memory_space<vmem>> -> memref<128xi32, #tpu.memory_space<vmem>>
      %dma_start3A_104 = arith.constant 0 : i32
      %dma_start3A_105 = arith.constant 0 : i32
      %dma_start3A_106 = tpu.memref_slice %arg6[%dma_start3A_104, %dma_start3A_105] : memref<10240x128xf32, #tpu.memory_space<vmem_shared>> -> memref<10240x128xf32, #tpu.memory_space<vmem_shared>>
      tpu.enqueue_indirect_dma source(%dma_start3A_100 : memref<128x128xf32, #tpu.memory_space<vmem>>) target(%dma_start3A_106 : memref<10240x128xf32, #tpu.memory_space<vmem_shared>>) offsets(%dma_start3A_103 : memref<128xi32, #tpu.memory_space<vmem>>) semaphore(%arg9 : memref<!tpu.dma_semaphore, #tpu.memory_space<semaphore_mem>>) {add = true}
      %add3A_107 = arith.constant 6 : i32
      %add3A_108 = arith.addi %add3A_41, %add3A_107 : i32
      %dma_start3A_109 = arith.constant 0 : i32
      %dma_start3A_110 = arith.constant 0 : i32
      %dma_start3A_111 = tpu.memref_slice %arg8[%dma_start3A_109, %dma_start3A_110] : memref<256x128xf32, #tpu.memory_space<vmem>> -> memref<128x128xf32, #tpu.memory_space<vmem>>
      %dma_start3A_112 = arith.constant 0 : i32
      %dma_start3A_113 = tpu.memref_slice %arg7[%add3A_108, %dma_start3A_112] : memref<80x128xi32, #tpu.memory_space<vmem>> -> memref<1x128xi32, #tpu.memory_space<vmem>>
      %dma_start3A_114 = tpu.memref_squeeze %dma_start3A_113 : memref<1x128xi32, #tpu.memory_space<vmem>> -> memref<128xi32, #tpu.memory_space<vmem>>
      %dma_start3A_115 = arith.constant 0 : i32
      %dma_start3A_116 = arith.constant 0 : i32
      %dma_start3A_117 = tpu.memref_slice %arg6[%dma_start3A_115, %dma_start3A_116] : memref<10240x128xf32, #tpu.memory_space<vmem_shared>> -> memref<10240x128xf32, #tpu.memory_space<vmem_shared>>
      tpu.enqueue_indirect_dma source(%dma_start3A_111 : memref<128x128xf32, #tpu.memory_space<vmem>>) target(%dma_start3A_117 : memref<10240x128xf32, #tpu.memory_space<vmem_shared>>) offsets(%dma_start3A_114 : memref<128xi32, #tpu.memory_space<vmem>>) semaphore(%arg9 : memref<!tpu.dma_semaphore, #tpu.memory_space<semaphore_mem>>) {add = true}
      %add3A_118 = arith.constant 7 : i32
      %add3A_119 = arith.addi %add3A_41, %add3A_118 : i32
      %dma_start3A_120 = arith.constant 0 : i32
      %dma_start3A_121 = arith.constant 0 : i32
      %dma_start3A_122 = tpu.memref_slice %arg8[%dma_start3A_120, %dma_start3A_121] : memref<256x128xf32, #tpu.memory_space<vmem>> -> memref<128x128xf32, #tpu.memory_space<vmem>>
      %dma_start3A_123 = arith.constant 0 : i32
      %dma_start3A_124 = tpu.memref_slice %arg7[%add3A_119, %dma_start3A_123] : memref<80x128xi32, #tpu.memory_space<vmem>> -> memref<1x128xi32, #tpu.memory_space<vmem>>
      %dma_start3A_125 = tpu.memref_squeeze %dma_start3A_124 : memref<1x128xi32, #tpu.memory_space<vmem>> -> memref<128xi32, #tpu.memory_space<vmem>>
      %dma_start3A_126 = arith.constant 0 : i32
      %dma_start3A_127 = arith.constant 0 : i32
      %dma_start3A_128 = tpu.memref_slice %arg6[%dma_start3A_126, %dma_start3A_127] : memref<10240x128xf32, #tpu.memory_space<vmem_shared>> -> memref<10240x128xf32, #tpu.memory_space<vmem_shared>>
      tpu.enqueue_indirect_dma source(%dma_start3A_122 : memref<128x128xf32, #tpu.memory_space<vmem>>) target(%dma_start3A_128 : memref<10240x128xf32, #tpu.memory_space<vmem_shared>>) offsets(%dma_start3A_125 : memref<128xi32, #tpu.memory_space<vmem>>) semaphore(%arg9 : memref<!tpu.dma_semaphore, #tpu.memory_space<semaphore_mem>>) {add = true}
      %dma_wait3A = arith.constant 0 : i32
      %dma_wait3A_129 = arith.constant 0 : i32
      %dma_wait3A_130 = tpu.memref_slice %arg8[%dma_wait3A, %dma_wait3A_129] : memref<256x128xf32, #tpu.memory_space<vmem>> -> memref<128x128xf32, #tpu.memory_space<vmem>>
      %dma_wait3A_131 = arith.constant 0 : i32
      %dma_wait3A_132 = tpu.memref_slice %arg7[%add3A_43, %dma_wait3A_131] : memref<80x128xi32, #tpu.memory_space<vmem>> -> memref<1x128xi32, #tpu.memory_space<vmem>>
      %dma_wait3A_133 = tpu.memref_squeeze %dma_wait3A_132 : memref<1x128xi32, #tpu.memory_space<vmem>> -> memref<128xi32, #tpu.memory_space<vmem>>
      %dma_wait3A_134 = arith.constant 0 : i32
      %dma_wait3A_135 = arith.constant 0 : i32
      %dma_wait3A_136 = tpu.memref_slice %arg6[%dma_wait3A_134, %dma_wait3A_135] : memref<10240x128xf32, #tpu.memory_space<vmem_shared>> -> memref<10240x128xf32, #tpu.memory_space<vmem_shared>>
      tpu.wait_indirect_dma semaphore(%arg9 : memref<!tpu.dma_semaphore, #tpu.memory_space<semaphore_mem>>) src(%dma_wait3A_130 : memref<128x128xf32, #tpu.memory_space<vmem>>) dst(%dma_wait3A_136 : memref<10240x128xf32, #tpu.memory_space<vmem_shared>>)
      %dma_wait3A_137 = arith.constant 0 : i32
      %dma_wait3A_138 = arith.constant 0 : i32
      %dma_wait3A_139 = tpu.memref_slice %arg8[%dma_wait3A_137, %dma_wait3A_138] : memref<256x128xf32, #tpu.memory_space<vmem>> -> memref<128x128xf32, #tpu.memory_space<vmem>>
      %dma_wait3A_140 = arith.constant 0 : i32
      %dma_wait3A_141 = tpu.memref_slice %arg7[%add3A_53, %dma_wait3A_140] : memref<80x128xi32, #tpu.memory_space<vmem>> -> memref<1x128xi32, #tpu.memory_space<vmem>>
      %dma_wait3A_142 = tpu.memref_squeeze %dma_wait3A_141 : memref<1x128xi32, #tpu.memory_space<vmem>> -> memref<128xi32, #tpu.memory_space<vmem>>
      %dma_wait3A_143 = arith.constant 0 : i32
      %dma_wait3A_144 = arith.constant 0 : i32
      %dma_wait3A_145 = tpu.memref_slice %arg6[%dma_wait3A_143, %dma_wait3A_144] : memref<10240x128xf32, #tpu.memory_space<vmem_shared>> -> memref<10240x128xf32, #tpu.memory_space<vmem_shared>>
      tpu.wait_indirect_dma semaphore(%arg9 : memref<!tpu.dma_semaphore, #tpu.memory_space<semaphore_mem>>) src(%dma_wait3A_139 : memref<128x128xf32, #tpu.memory_space<vmem>>) dst(%dma_wait3A_145 : memref<10240x128xf32, #tpu.memory_space<vmem_shared>>)
      %dma_wait3A_146 = arith.constant 0 : i32
      %dma_wait3A_147 = arith.constant 0 : i32
      %dma_wait3A_148 = tpu.memref_slice %arg8[%dma_wait3A_146, %dma_wait3A_147] : memref<256x128xf32, #tpu.memory_space<vmem>> -> memref<128x128xf32, #tpu.memory_space<vmem>>
      %dma_wait3A_149 = arith.constant 0 : i32
      %dma_wait3A_150 = tpu.memref_slice %arg7[%add3A_64, %dma_wait3A_149] : memref<80x128xi32, #tpu.memory_space<vmem>> -> memref<1x128xi32, #tpu.memory_space<vmem>>
      %dma_wait3A_151 = tpu.memref_squeeze %dma_wait3A_150 : memref<1x128xi32, #tpu.memory_space<vmem>> -> memref<128xi32, #tpu.memory_space<vmem>>
      %dma_wait3A_152 = arith.constant 0 : i32
      %dma_wait3A_153 = arith.constant 0 : i32
      %dma_wait3A_154 = tpu.memref_slice %arg6[%dma_wait3A_152, %dma_wait3A_153] : memref<10240x128xf32, #tpu.memory_space<vmem_shared>> -> memref<10240x128xf32, #tpu.memory_space<vmem_shared>>
      tpu.wait_indirect_dma semaphore(%arg9 : memref<!tpu.dma_semaphore, #tpu.memory_space<semaphore_mem>>) src(%dma_wait3A_148 : memref<128x128xf32, #tpu.memory_space<vmem>>) dst(%dma_wait3A_154 : memref<10240x128xf32, #tpu.memory_space<vmem_shared>>)
      %dma_wait3A_155 = arith.constant 0 : i32
      %dma_wait3A_156 = arith.constant 0 : i32
      %dma_wait3A_157 = tpu.memref_slice %arg8[%dma_wait3A_155, %dma_wait3A_156] : memref<256x128xf32, #tpu.memory_space<vmem>> -> memref<128x128xf32, #tpu.memory_space<vmem>>
      %dma_wait3A_158 = arith.constant 0 : i32
      %dma_wait3A_159 = tpu.memref_slice %arg7[%add3A_75, %dma_wait3A_158] : memref<80x128xi32, #tpu.memory_space<vmem>> -> memref<1x128xi32, #tpu.memory_space<vmem>>
      %dma_wait3A_160 = tpu.memref_squeeze %dma_wait3A_159 : memref<1x128xi32, #tpu.memory_space<vmem>> -> memref<128xi32, #tpu.memory_space<vmem>>
      %dma_wait3A_161 = arith.constant 0 : i32
      %dma_wait3A_162 = arith.constant 0 : i32
      %dma_wait3A_163 = tpu.memref_slice %arg6[%dma_wait3A_161, %dma_wait3A_162] : memref<10240x128xf32, #tpu.memory_space<vmem_shared>> -> memref<10240x128xf32, #tpu.memory_space<vmem_shared>>
      tpu.wait_indirect_dma semaphore(%arg9 : memref<!tpu.dma_semaphore, #tpu.memory_space<semaphore_mem>>) src(%dma_wait3A_157 : memref<128x128xf32, #tpu.memory_space<vmem>>) dst(%dma_wait3A_163 : memref<10240x128xf32, #tpu.memory_space<vmem_shared>>)
      %dma_wait3A_164 = arith.constant 0 : i32
      %dma_wait3A_165 = arith.constant 0 : i32
      %dma_wait3A_166 = tpu.memref_slice %arg8[%dma_wait3A_164, %dma_wait3A_165] : memref<256x128xf32, #tpu.memory_space<vmem>> -> memref<128x128xf32, #tpu.memory_space<vmem>>
      %dma_wait3A_167 = arith.constant 0 : i32
      %dma_wait3A_168 = tpu.memref_slice %arg7[%add3A_86, %dma_wait3A_167] : memref<80x128xi32, #tpu.memory_space<vmem>> -> memref<1x128xi32, #tpu.memory_space<vmem>>
      %dma_wait3A_169 = tpu.memref_squeeze %dma_wait3A_168 : memref<1x128xi32, #tpu.memory_space<vmem>> -> memref<128xi32, #tpu.memory_space<vmem>>
      %dma_wait3A_170 = arith.constant 0 : i32
      %dma_wait3A_171 = arith.constant 0 : i32
      %dma_wait3A_172 = tpu.memref_slice %arg6[%dma_wait3A_170, %dma_wait3A_171] : memref<10240x128xf32, #tpu.memory_space<vmem_shared>> -> memref<10240x128xf32, #tpu.memory_space<vmem_shared>>
      tpu.wait_indirect_dma semaphore(%arg9 : memref<!tpu.dma_semaphore, #tpu.memory_space<semaphore_mem>>) src(%dma_wait3A_166 : memref<128x128xf32, #tpu.memory_space<vmem>>) dst(%dma_wait3A_172 : memref<10240x128xf32, #tpu.memory_space<vmem_shared>>)
      %dma_wait3A_173 = arith.constant 0 : i32
      %dma_wait3A_174 = arith.constant 0 : i32
      %dma_wait3A_175 = tpu.memref_slice %arg8[%dma_wait3A_173, %dma_wait3A_174] : memref<256x128xf32, #tpu.memory_space<vmem>> -> memref<128x128xf32, #tpu.memory_space<vmem>>
      %dma_wait3A_176 = arith.constant 0 : i32
      %dma_wait3A_177 = tpu.memref_slice %arg7[%add3A_97, %dma_wait3A_176] : memref<80x128xi32, #tpu.memory_space<vmem>> -> memref<1x128xi32, #tpu.memory_space<vmem>>
      %dma_wait3A_178 = tpu.memref_squeeze %dma_wait3A_177 : memref<1x128xi32, #tpu.memory_space<vmem>> -> memref<128xi32, #tpu.memory_space<vmem>>
      %dma_wait3A_179 = arith.constant 0 : i32
      %dma_wait3A_180 = arith.constant 0 : i32
      %dma_wait3A_181 = tpu.memref_slice %arg6[%dma_wait3A_179, %dma_wait3A_180] : memref<10240x128xf32, #tpu.memory_space<vmem_shared>> -> memref<10240x128xf32, #tpu.memory_space<vmem_shared>>
      tpu.wait_indirect_dma semaphore(%arg9 : memref<!tpu.dma_semaphore, #tpu.memory_space<semaphore_mem>>) src(%dma_wait3A_175 : memref<128x128xf32, #tpu.memory_space<vmem>>) dst(%dma_wait3A_181 : memref<10240x128xf32, #tpu.memory_space<vmem_shared>>)
      %dma_wait3A_182 = arith.constant 0 : i32
      %dma_wait3A_183 = arith.constant 0 : i32
      %dma_wait3A_184 = tpu.memref_slice %arg8[%dma_wait3A_182, %dma_wait3A_183] : memref<256x128xf32, #tpu.memory_space<vmem>> -> memref<128x128xf32, #tpu.memory_space<vmem>>
      %dma_wait3A_185 = arith.constant 0 : i32
      %dma_wait3A_186 = tpu.memref_slice %arg7[%add3A_108, %dma_wait3A_185] : memref<80x128xi32, #tpu.memory_space<vmem>> -> memref<1x128xi32, #tpu.memory_space<vmem>>
      %dma_wait3A_187 = tpu.memref_squeeze %dma_wait3A_186 : memref<1x128xi32, #tpu.memory_space<vmem>> -> memref<128xi32, #tpu.memory_space<vmem>>
      %dma_wait3A_188 = arith.constant 0 : i32
      %dma_wait3A_189 = arith.constant 0 : i32
      %dma_wait3A_190 = tpu.memref_slice %arg6[%dma_wait3A_188, %dma_wait3A_189] : memref<10240x128xf32, #tpu.memory_space<vmem_shared>> -> memref<10240x128xf32, #tpu.memory_space<vmem_shared>>
      tpu.wait_indirect_dma semaphore(%arg9 : memref<!tpu.dma_semaphore, #tpu.memory_space<semaphore_mem>>) src(%dma_wait3A_184 : memref<128x128xf32, #tpu.memory_space<vmem>>) dst(%dma_wait3A_190 : memref<10240x128xf32, #tpu.memory_space<vmem_shared>>)
      %dma_wait3A_191 = arith.constant 0 : i32
      %dma_wait3A_192 = arith.constant 0 : i32
      %dma_wait3A_193 = tpu.memref_slice %arg8[%dma_wait3A_191, %dma_wait3A_192] : memref<256x128xf32, #tpu.memory_space<vmem>> -> memref<128x128xf32, #tpu.memory_space<vmem>>
      %dma_wait3A_194 = arith.constant 0 : i32
      %dma_wait3A_195 = tpu.memref_slice %arg7[%add3A_119, %dma_wait3A_194] : memref<80x128xi32, #tpu.memory_space<vmem>> -> memref<1x128xi32, #tpu.memory_space<vmem>>
      %dma_wait3A_196 = tpu.memref_squeeze %dma_wait3A_195 : memref<1x128xi32, #tpu.memory_space<vmem>> -> memref<128xi32, #tpu.memory_space<vmem>>
      %dma_wait3A_197 = arith.constant 0 : i32
      %dma_wait3A_198 = arith.constant 0 : i32
      %dma_wait3A_199 = tpu.memref_slice %arg6[%dma_wait3A_197, %dma_wait3A_198] : memref<10240x128xf32, #tpu.memory_space<vmem_shared>> -> memref<10240x128xf32, #tpu.memory_space<vmem_shared>>
      tpu.wait_indirect_dma semaphore(%arg9 : memref<!tpu.dma_semaphore, #tpu.memory_space<semaphore_mem>>) src(%dma_wait3A_193 : memref<128x128xf32, #tpu.memory_space<vmem>>) dst(%dma_wait3A_199 : memref<10240x128xf32, #tpu.memory_space<vmem_shared>>)
    }
    %scan3A_28 = arith.constant 10 : i32
    %barrier3A_29 = arith.constant 0 : index
    tpu.barrier barrier_id(%barrier3A_29)
    %mul3A_30 = arith.constant 640 : i32
    %mul3A_31 = arith.muli %arg1, %mul3A_30 : i32
    %mul3A_32 = arith.constant 10240 : i32
    %mul3A_33 = arith.muli %arg0, %mul3A_32 : i32
    %mul3A_34 = arith.constant 640 : i32
    %mul3A_35 = arith.muli %arg1, %mul3A_34 : i32
    %add3A_36 = arith.addi %mul3A_33, %mul3A_35 : i32
    "tpu.region"() ({
      %run_scoped3A = tpu.sem_alloc : memref<!tpu.dma_semaphore, #tpu.memory_space<semaphore_mem>>
      %dma_start3A = arith.constant 0 : i32
      %dma_start3A_37 = tpu.memref_slice %arg5[%add3A_36, %dma_start3A] : memref<20480x128xf32, #tpu.memory_space<hbm>> -> memref<640x128xf32, #tpu.memory_space<hbm>>
      %dma_start3A_38 = arith.constant 0 : i32
      %dma_start3A_39 = tpu.memref_slice %arg6[%mul3A_31, %dma_start3A_38] : memref<10240x128xf32, #tpu.memory_space<vmem_shared>> -> memref<640x128xf32, #tpu.memory_space<vmem_shared>>
      tpu.enqueue_dma source(%dma_start3A_39 : memref<640x128xf32, #tpu.memory_space<vmem_shared>>) target(%dma_start3A_37 : memref<640x128xf32, #tpu.memory_space<hbm>>) target_semaphore(%run_scoped3A : memref<!tpu.dma_semaphore, #tpu.memory_space<semaphore_mem>>)
      %dma_wait3A = arith.constant 0 : i32
      %dma_wait3A_40 = tpu.memref_slice %arg5[%add3A_36, %dma_wait3A] : memref<20480x128xf32, #tpu.memory_space<hbm>> -> memref<640x128xf32, #tpu.memory_space<hbm>>
      %dma_wait3A_41 = arith.constant 0 : i32
      %dma_wait3A_42 = tpu.memref_slice %arg6[%mul3A_31, %dma_wait3A_41] : memref<10240x128xf32, #tpu.memory_space<vmem_shared>> -> memref<640x128xf32, #tpu.memory_space<vmem_shared>>
      tpu.wait_dma2 semaphore(%run_scoped3A : memref<!tpu.dma_semaphore, #tpu.memory_space<semaphore_mem>>) src(%dma_wait3A_42 : memref<640x128xf32, #tpu.memory_space<vmem_shared>>) dst(%dma_wait3A_40 : memref<640x128xf32, #tpu.memory_space<hbm>>)
      tpu.yield
    }) : () -> ()
    return
  }
}

#map = affine_map<(d0, d1) -> (0, 0)>
#map1 = affine_map<(d0, d1) -> (0, 0, 0)>
module attributes {stable_mosaic.version = 14 : i64} {
  func.func @_agg_body(%arg0: i32, %arg1: i32, %arg2: memref<20480x128xf32, #tpu.memory_space<hbm>>, %arg3: memref<16x80x128xi32, #tpu.memory_space<hbm>>, %arg4: memref<16x80x128xi32, #tpu.memory_space<hbm>>, %arg5: memref<16x80x128xi32, #tpu.memory_space<hbm>>, %arg6: memref<128x128xf32, #tpu.memory_space<hbm>>, %arg7: memref<20480x128xf32, #tpu.memory_space<hbm>>, %arg8: memref<10240x128xf32, #tpu.memory_space<vmem_shared>>, %arg9: memref<40x128xi32, #tpu.memory_space<vmem>>, %arg10: memref<40x128xi32, #tpu.memory_space<vmem>>, %arg11: memref<256x128xf32, #tpu.memory_space<vmem>>, %arg12: memref<!tpu.dma_semaphore, #tpu.memory_space<semaphore_mem>>, %arg13: memref<!tpu.dma_semaphore, #tpu.memory_space<semaphore_mem>>) attributes {dimension_semantics = [#tpu.dimension_semantics<core_parallel>, #tpu.dimension_semantics<subcore_parallel>], iteration_bounds = array<i64: 2, 16>, scalar_prefetch = 0 : i64, scratch_operands = 6 : i64, tpu.core_type = #tpu.core_type<sc_vector_subcore>, window_params = [{transform_indices = #map}, {transform_indices = #map1}, {transform_indices = #map1}, {transform_indices = #map1}, {transform_indices = #map}, {transform_indices = #map}]} {
    "tpu.region"() ({
      %run_scoped3A = tpu.sem_alloc : memref<!tpu.dma_semaphore, #tpu.memory_space<semaphore_mem>>
      %dma_start3A = arith.constant 0 : i32
      %dma_start3A_52 = arith.constant 0 : i32
      %dma_start3A_53 = tpu.memref_slice %arg11[%dma_start3A, %dma_start3A_52] : memref<256x128xf32, #tpu.memory_space<vmem>> -> memref<128x128xf32, #tpu.memory_space<vmem>>
      %dma_start3A_54 = arith.constant 0 : i32
      %dma_start3A_55 = arith.constant 0 : i32
      %dma_start3A_56 = tpu.memref_slice %arg11[%dma_start3A_54, %dma_start3A_55] : memref<256x128xf32, #tpu.memory_space<vmem>> -> memref<128x128xf32, #tpu.memory_space<vmem>>
      tpu.enqueue_dma source(%arg6 : memref<128x128xf32, #tpu.memory_space<hbm>>) target(%dma_start3A_56 : memref<128x128xf32, #tpu.memory_space<vmem>>) target_semaphore(%run_scoped3A : memref<!tpu.dma_semaphore, #tpu.memory_space<semaphore_mem>>)
      %dma_wait3A = arith.constant 0 : i32
      %dma_wait3A_57 = arith.constant 0 : i32
      %dma_wait3A_58 = tpu.memref_slice %arg11[%dma_wait3A, %dma_wait3A_57] : memref<256x128xf32, #tpu.memory_space<vmem>> -> memref<128x128xf32, #tpu.memory_space<vmem>>
      %dma_wait3A_59 = arith.constant 0 : i32
      %dma_wait3A_60 = arith.constant 0 : i32
      %dma_wait3A_61 = tpu.memref_slice %arg11[%dma_wait3A_59, %dma_wait3A_60] : memref<256x128xf32, #tpu.memory_space<vmem>> -> memref<128x128xf32, #tpu.memory_space<vmem>>
      tpu.wait_dma2 semaphore(%run_scoped3A : memref<!tpu.dma_semaphore, #tpu.memory_space<semaphore_mem>>) src(%arg6 : memref<128x128xf32, #tpu.memory_space<hbm>>) dst(%dma_wait3A_61 : memref<128x128xf32, #tpu.memory_space<vmem>>)
      tpu.yield
    }) : () -> ()
    %mul3A = arith.constant 640 : i32
    %mul3A_0 = arith.muli %arg1, %mul3A : i32
    %add3A = arith.constant 0 : i32
    %add3A_1 = arith.addi %mul3A_0, %add3A : i32
    "tpu.region"() ({
      %run_scoped3A = tpu.sem_alloc : memref<!tpu.dma_semaphore, #tpu.memory_space<semaphore_mem>>
      %dma_start3A = arith.constant 0 : i32
      %dma_start3A_52 = arith.constant 0 : i32
      %dma_start3A_53 = tpu.memref_slice %arg11[%dma_start3A, %dma_start3A_52] : memref<256x128xf32, #tpu.memory_space<vmem>> -> memref<128x128xf32, #tpu.memory_space<vmem>>
      %dma_start3A_54 = arith.constant 0 : i32
      %dma_start3A_55 = tpu.memref_slice %arg8[%add3A_1, %dma_start3A_54] : memref<10240x128xf32, #tpu.memory_space<vmem_shared>> -> memref<128x128xf32, #tpu.memory_space<vmem_shared>>
      %dma_start3A_56 = arith.constant 0 : i32
      %dma_start3A_57 = tpu.memref_slice %arg8[%add3A_1, %dma_start3A_56] : memref<10240x128xf32, #tpu.memory_space<vmem_shared>> -> memref<128x128xf32, #tpu.memory_space<vmem_shared>>
      %dma_start3A_58 = arith.constant 0 : i32
      %dma_start3A_59 = arith.constant 0 : i32
      %dma_start3A_60 = tpu.memref_slice %arg11[%dma_start3A_58, %dma_start3A_59] : memref<256x128xf32, #tpu.memory_space<vmem>> -> memref<128x128xf32, #tpu.memory_space<vmem>>
      tpu.enqueue_dma source(%dma_start3A_60 : memref<128x128xf32, #tpu.memory_space<vmem>>) target(%dma_start3A_57 : memref<128x128xf32, #tpu.memory_space<vmem_shared>>) target_semaphore(%run_scoped3A : memref<!tpu.dma_semaphore, #tpu.memory_space<semaphore_mem>>)
      %dma_wait3A = arith.constant 0 : i32
      %dma_wait3A_61 = arith.constant 0 : i32
      %dma_wait3A_62 = tpu.memref_slice %arg11[%dma_wait3A, %dma_wait3A_61] : memref<256x128xf32, #tpu.memory_space<vmem>> -> memref<128x128xf32, #tpu.memory_space<vmem>>
      %dma_wait3A_63 = arith.constant 0 : i32
      %dma_wait3A_64 = tpu.memref_slice %arg8[%add3A_1, %dma_wait3A_63] : memref<10240x128xf32, #tpu.memory_space<vmem_shared>> -> memref<128x128xf32, #tpu.memory_space<vmem_shared>>
      %dma_wait3A_65 = arith.constant 0 : i32
      %dma_wait3A_66 = tpu.memref_slice %arg8[%add3A_1, %dma_wait3A_65] : memref<10240x128xf32, #tpu.memory_space<vmem_shared>> -> memref<128x128xf32, #tpu.memory_space<vmem_shared>>
      %dma_wait3A_67 = arith.constant 0 : i32
      %dma_wait3A_68 = arith.constant 0 : i32
      %dma_wait3A_69 = tpu.memref_slice %arg11[%dma_wait3A_67, %dma_wait3A_68] : memref<256x128xf32, #tpu.memory_space<vmem>> -> memref<128x128xf32, #tpu.memory_space<vmem>>
      tpu.wait_dma2 semaphore(%run_scoped3A : memref<!tpu.dma_semaphore, #tpu.memory_space<semaphore_mem>>) src(%dma_wait3A_69 : memref<128x128xf32, #tpu.memory_space<vmem>>) dst(%dma_wait3A_66 : memref<128x128xf32, #tpu.memory_space<vmem_shared>>)
      tpu.yield
    }) : () -> ()
    %mul3A_2 = arith.constant 640 : i32
    %mul3A_3 = arith.muli %arg1, %mul3A_2 : i32
    %add3A_4 = arith.constant 128 : i32
    %add3A_5 = arith.addi %mul3A_3, %add3A_4 : i32
    "tpu.region"() ({
      %run_scoped3A = tpu.sem_alloc : memref<!tpu.dma_semaphore, #tpu.memory_space<semaphore_mem>>
      %dma_start3A = arith.constant 0 : i32
      %dma_start3A_52 = arith.constant 0 : i32
      %dma_start3A_53 = tpu.memref_slice %arg11[%dma_start3A, %dma_start3A_52] : memref<256x128xf32, #tpu.memory_space<vmem>> -> memref<128x128xf32, #tpu.memory_space<vmem>>
      %dma_start3A_54 = arith.constant 0 : i32
      %dma_start3A_55 = tpu.memref_slice %arg8[%add3A_5, %dma_start3A_54] : memref<10240x128xf32, #tpu.memory_space<vmem_shared>> -> memref<128x128xf32, #tpu.memory_space<vmem_shared>>
      %dma_start3A_56 = arith.constant 0 : i32
      %dma_start3A_57 = tpu.memref_slice %arg8[%add3A_5, %dma_start3A_56] : memref<10240x128xf32, #tpu.memory_space<vmem_shared>> -> memref<128x128xf32, #tpu.memory_space<vmem_shared>>
      %dma_start3A_58 = arith.constant 0 : i32
      %dma_start3A_59 = arith.constant 0 : i32
      %dma_start3A_60 = tpu.memref_slice %arg11[%dma_start3A_58, %dma_start3A_59] : memref<256x128xf32, #tpu.memory_space<vmem>> -> memref<128x128xf32, #tpu.memory_space<vmem>>
      tpu.enqueue_dma source(%dma_start3A_60 : memref<128x128xf32, #tpu.memory_space<vmem>>) target(%dma_start3A_57 : memref<128x128xf32, #tpu.memory_space<vmem_shared>>) target_semaphore(%run_scoped3A : memref<!tpu.dma_semaphore, #tpu.memory_space<semaphore_mem>>)
      %dma_wait3A = arith.constant 0 : i32
      %dma_wait3A_61 = arith.constant 0 : i32
      %dma_wait3A_62 = tpu.memref_slice %arg11[%dma_wait3A, %dma_wait3A_61] : memref<256x128xf32, #tpu.memory_space<vmem>> -> memref<128x128xf32, #tpu.memory_space<vmem>>
      %dma_wait3A_63 = arith.constant 0 : i32
      %dma_wait3A_64 = tpu.memref_slice %arg8[%add3A_5, %dma_wait3A_63] : memref<10240x128xf32, #tpu.memory_space<vmem_shared>> -> memref<128x128xf32, #tpu.memory_space<vmem_shared>>
      %dma_wait3A_65 = arith.constant 0 : i32
      %dma_wait3A_66 = tpu.memref_slice %arg8[%add3A_5, %dma_wait3A_65] : memref<10240x128xf32, #tpu.memory_space<vmem_shared>> -> memref<128x128xf32, #tpu.memory_space<vmem_shared>>
      %dma_wait3A_67 = arith.constant 0 : i32
      %dma_wait3A_68 = arith.constant 0 : i32
      %dma_wait3A_69 = tpu.memref_slice %arg11[%dma_wait3A_67, %dma_wait3A_68] : memref<256x128xf32, #tpu.memory_space<vmem>> -> memref<128x128xf32, #tpu.memory_space<vmem>>
      tpu.wait_dma2 semaphore(%run_scoped3A : memref<!tpu.dma_semaphore, #tpu.memory_space<semaphore_mem>>) src(%dma_wait3A_69 : memref<128x128xf32, #tpu.memory_space<vmem>>) dst(%dma_wait3A_66 : memref<128x128xf32, #tpu.memory_space<vmem_shared>>)
      tpu.yield
    }) : () -> ()
    %mul3A_6 = arith.constant 640 : i32
    %mul3A_7 = arith.muli %arg1, %mul3A_6 : i32
    %add3A_8 = arith.constant 256 : i32
    %add3A_9 = arith.addi %mul3A_7, %add3A_8 : i32
    "tpu.region"() ({
      %run_scoped3A = tpu.sem_alloc : memref<!tpu.dma_semaphore, #tpu.memory_space<semaphore_mem>>
      %dma_start3A = arith.constant 0 : i32
      %dma_start3A_52 = arith.constant 0 : i32
      %dma_start3A_53 = tpu.memref_slice %arg11[%dma_start3A, %dma_start3A_52] : memref<256x128xf32, #tpu.memory_space<vmem>> -> memref<128x128xf32, #tpu.memory_space<vmem>>
      %dma_start3A_54 = arith.constant 0 : i32
      %dma_start3A_55 = tpu.memref_slice %arg8[%add3A_9, %dma_start3A_54] : memref<10240x128xf32, #tpu.memory_space<vmem_shared>> -> memref<128x128xf32, #tpu.memory_space<vmem_shared>>
      %dma_start3A_56 = arith.constant 0 : i32
      %dma_start3A_57 = tpu.memref_slice %arg8[%add3A_9, %dma_start3A_56] : memref<10240x128xf32, #tpu.memory_space<vmem_shared>> -> memref<128x128xf32, #tpu.memory_space<vmem_shared>>
      %dma_start3A_58 = arith.constant 0 : i32
      %dma_start3A_59 = arith.constant 0 : i32
      %dma_start3A_60 = tpu.memref_slice %arg11[%dma_start3A_58, %dma_start3A_59] : memref<256x128xf32, #tpu.memory_space<vmem>> -> memref<128x128xf32, #tpu.memory_space<vmem>>
      tpu.enqueue_dma source(%dma_start3A_60 : memref<128x128xf32, #tpu.memory_space<vmem>>) target(%dma_start3A_57 : memref<128x128xf32, #tpu.memory_space<vmem_shared>>) target_semaphore(%run_scoped3A : memref<!tpu.dma_semaphore, #tpu.memory_space<semaphore_mem>>)
      %dma_wait3A = arith.constant 0 : i32
      %dma_wait3A_61 = arith.constant 0 : i32
      %dma_wait3A_62 = tpu.memref_slice %arg11[%dma_wait3A, %dma_wait3A_61] : memref<256x128xf32, #tpu.memory_space<vmem>> -> memref<128x128xf32, #tpu.memory_space<vmem>>
      %dma_wait3A_63 = arith.constant 0 : i32
      %dma_wait3A_64 = tpu.memref_slice %arg8[%add3A_9, %dma_wait3A_63] : memref<10240x128xf32, #tpu.memory_space<vmem_shared>> -> memref<128x128xf32, #tpu.memory_space<vmem_shared>>
      %dma_wait3A_65 = arith.constant 0 : i32
      %dma_wait3A_66 = tpu.memref_slice %arg8[%add3A_9, %dma_wait3A_65] : memref<10240x128xf32, #tpu.memory_space<vmem_shared>> -> memref<128x128xf32, #tpu.memory_space<vmem_shared>>
      %dma_wait3A_67 = arith.constant 0 : i32
      %dma_wait3A_68 = arith.constant 0 : i32
      %dma_wait3A_69 = tpu.memref_slice %arg11[%dma_wait3A_67, %dma_wait3A_68] : memref<256x128xf32, #tpu.memory_space<vmem>> -> memref<128x128xf32, #tpu.memory_space<vmem>>
      tpu.wait_dma2 semaphore(%run_scoped3A : memref<!tpu.dma_semaphore, #tpu.memory_space<semaphore_mem>>) src(%dma_wait3A_69 : memref<128x128xf32, #tpu.memory_space<vmem>>) dst(%dma_wait3A_66 : memref<128x128xf32, #tpu.memory_space<vmem_shared>>)
      tpu.yield
    }) : () -> ()
    %mul3A_10 = arith.constant 640 : i32
    %mul3A_11 = arith.muli %arg1, %mul3A_10 : i32
    %add3A_12 = arith.constant 384 : i32
    %add3A_13 = arith.addi %mul3A_11, %add3A_12 : i32
    "tpu.region"() ({
      %run_scoped3A = tpu.sem_alloc : memref<!tpu.dma_semaphore, #tpu.memory_space<semaphore_mem>>
      %dma_start3A = arith.constant 0 : i32
      %dma_start3A_52 = arith.constant 0 : i32
      %dma_start3A_53 = tpu.memref_slice %arg11[%dma_start3A, %dma_start3A_52] : memref<256x128xf32, #tpu.memory_space<vmem>> -> memref<128x128xf32, #tpu.memory_space<vmem>>
      %dma_start3A_54 = arith.constant 0 : i32
      %dma_start3A_55 = tpu.memref_slice %arg8[%add3A_13, %dma_start3A_54] : memref<10240x128xf32, #tpu.memory_space<vmem_shared>> -> memref<128x128xf32, #tpu.memory_space<vmem_shared>>
      %dma_start3A_56 = arith.constant 0 : i32
      %dma_start3A_57 = tpu.memref_slice %arg8[%add3A_13, %dma_start3A_56] : memref<10240x128xf32, #tpu.memory_space<vmem_shared>> -> memref<128x128xf32, #tpu.memory_space<vmem_shared>>
      %dma_start3A_58 = arith.constant 0 : i32
      %dma_start3A_59 = arith.constant 0 : i32
      %dma_start3A_60 = tpu.memref_slice %arg11[%dma_start3A_58, %dma_start3A_59] : memref<256x128xf32, #tpu.memory_space<vmem>> -> memref<128x128xf32, #tpu.memory_space<vmem>>
      tpu.enqueue_dma source(%dma_start3A_60 : memref<128x128xf32, #tpu.memory_space<vmem>>) target(%dma_start3A_57 : memref<128x128xf32, #tpu.memory_space<vmem_shared>>) target_semaphore(%run_scoped3A : memref<!tpu.dma_semaphore, #tpu.memory_space<semaphore_mem>>)
      %dma_wait3A = arith.constant 0 : i32
      %dma_wait3A_61 = arith.constant 0 : i32
      %dma_wait3A_62 = tpu.memref_slice %arg11[%dma_wait3A, %dma_wait3A_61] : memref<256x128xf32, #tpu.memory_space<vmem>> -> memref<128x128xf32, #tpu.memory_space<vmem>>
      %dma_wait3A_63 = arith.constant 0 : i32
      %dma_wait3A_64 = tpu.memref_slice %arg8[%add3A_13, %dma_wait3A_63] : memref<10240x128xf32, #tpu.memory_space<vmem_shared>> -> memref<128x128xf32, #tpu.memory_space<vmem_shared>>
      %dma_wait3A_65 = arith.constant 0 : i32
      %dma_wait3A_66 = tpu.memref_slice %arg8[%add3A_13, %dma_wait3A_65] : memref<10240x128xf32, #tpu.memory_space<vmem_shared>> -> memref<128x128xf32, #tpu.memory_space<vmem_shared>>
      %dma_wait3A_67 = arith.constant 0 : i32
      %dma_wait3A_68 = arith.constant 0 : i32
      %dma_wait3A_69 = tpu.memref_slice %arg11[%dma_wait3A_67, %dma_wait3A_68] : memref<256x128xf32, #tpu.memory_space<vmem>> -> memref<128x128xf32, #tpu.memory_space<vmem>>
      tpu.wait_dma2 semaphore(%run_scoped3A : memref<!tpu.dma_semaphore, #tpu.memory_space<semaphore_mem>>) src(%dma_wait3A_69 : memref<128x128xf32, #tpu.memory_space<vmem>>) dst(%dma_wait3A_66 : memref<128x128xf32, #tpu.memory_space<vmem_shared>>)
      tpu.yield
    }) : () -> ()
    %mul3A_14 = arith.constant 640 : i32
    %mul3A_15 = arith.muli %arg1, %mul3A_14 : i32
    %add3A_16 = arith.constant 512 : i32
    %add3A_17 = arith.addi %mul3A_15, %add3A_16 : i32
    "tpu.region"() ({
      %run_scoped3A = tpu.sem_alloc : memref<!tpu.dma_semaphore, #tpu.memory_space<semaphore_mem>>
      %dma_start3A = arith.constant 0 : i32
      %dma_start3A_52 = arith.constant 0 : i32
      %dma_start3A_53 = tpu.memref_slice %arg11[%dma_start3A, %dma_start3A_52] : memref<256x128xf32, #tpu.memory_space<vmem>> -> memref<128x128xf32, #tpu.memory_space<vmem>>
      %dma_start3A_54 = arith.constant 0 : i32
      %dma_start3A_55 = tpu.memref_slice %arg8[%add3A_17, %dma_start3A_54] : memref<10240x128xf32, #tpu.memory_space<vmem_shared>> -> memref<128x128xf32, #tpu.memory_space<vmem_shared>>
      %dma_start3A_56 = arith.constant 0 : i32
      %dma_start3A_57 = tpu.memref_slice %arg8[%add3A_17, %dma_start3A_56] : memref<10240x128xf32, #tpu.memory_space<vmem_shared>> -> memref<128x128xf32, #tpu.memory_space<vmem_shared>>
      %dma_start3A_58 = arith.constant 0 : i32
      %dma_start3A_59 = arith.constant 0 : i32
      %dma_start3A_60 = tpu.memref_slice %arg11[%dma_start3A_58, %dma_start3A_59] : memref<256x128xf32, #tpu.memory_space<vmem>> -> memref<128x128xf32, #tpu.memory_space<vmem>>
      tpu.enqueue_dma source(%dma_start3A_60 : memref<128x128xf32, #tpu.memory_space<vmem>>) target(%dma_start3A_57 : memref<128x128xf32, #tpu.memory_space<vmem_shared>>) target_semaphore(%run_scoped3A : memref<!tpu.dma_semaphore, #tpu.memory_space<semaphore_mem>>)
      %dma_wait3A = arith.constant 0 : i32
      %dma_wait3A_61 = arith.constant 0 : i32
      %dma_wait3A_62 = tpu.memref_slice %arg11[%dma_wait3A, %dma_wait3A_61] : memref<256x128xf32, #tpu.memory_space<vmem>> -> memref<128x128xf32, #tpu.memory_space<vmem>>
      %dma_wait3A_63 = arith.constant 0 : i32
      %dma_wait3A_64 = tpu.memref_slice %arg8[%add3A_17, %dma_wait3A_63] : memref<10240x128xf32, #tpu.memory_space<vmem_shared>> -> memref<128x128xf32, #tpu.memory_space<vmem_shared>>
      %dma_wait3A_65 = arith.constant 0 : i32
      %dma_wait3A_66 = tpu.memref_slice %arg8[%add3A_17, %dma_wait3A_65] : memref<10240x128xf32, #tpu.memory_space<vmem_shared>> -> memref<128x128xf32, #tpu.memory_space<vmem_shared>>
      %dma_wait3A_67 = arith.constant 0 : i32
      %dma_wait3A_68 = arith.constant 0 : i32
      %dma_wait3A_69 = tpu.memref_slice %arg11[%dma_wait3A_67, %dma_wait3A_68] : memref<256x128xf32, #tpu.memory_space<vmem>> -> memref<128x128xf32, #tpu.memory_space<vmem>>
      tpu.wait_dma2 semaphore(%run_scoped3A : memref<!tpu.dma_semaphore, #tpu.memory_space<semaphore_mem>>) src(%dma_wait3A_69 : memref<128x128xf32, #tpu.memory_space<vmem>>) dst(%dma_wait3A_66 : memref<128x128xf32, #tpu.memory_space<vmem_shared>>)
      tpu.yield
    }) : () -> ()
    %barrier3A = arith.constant 0 : index
    tpu.barrier barrier_id(%barrier3A)
    %eq3A = arith.constant 0 : i32
    %eq3A_18 = arith.cmpi eq, %arg0, %eq3A : i32
    %convert_element_type3A = arith.extui %eq3A_18 : i1 to i32
    %cond3A = arith.constant 0 : i32
    %cond3A_19 = arith.cmpi ne, %convert_element_type3A, %cond3A : i32
    scf.if %cond3A_19 {
      "tpu.region"() ({
        %run_scoped3A = tpu.sem_alloc : memref<!tpu.dma_semaphore, #tpu.memory_space<semaphore_mem>>
        %dma_start3A = arith.constant 0 : i32
        %dma_start3A_52 = arith.constant 0 : i32
        %dma_start3A_53 = tpu.memref_slice %arg3[%arg1, %dma_start3A, %dma_start3A_52] : memref<16x80x128xi32, #tpu.memory_space<hbm>> -> memref<1x40x128xi32, #tpu.memory_space<hbm>>
        %dma_start3A_54 = tpu.memref_squeeze %dma_start3A_53 : memref<1x40x128xi32, #tpu.memory_space<hbm>> -> memref<40x128xi32, #tpu.memory_space<hbm>>
        %dma_start3A_55 = arith.constant 0 : i32
        %dma_start3A_56 = arith.constant 0 : i32
        %dma_start3A_57 = tpu.memref_slice %arg3[%arg1, %dma_start3A_55, %dma_start3A_56] : memref<16x80x128xi32, #tpu.memory_space<hbm>> -> memref<1x40x128xi32, #tpu.memory_space<hbm>>
        %dma_start3A_58 = tpu.memref_squeeze %dma_start3A_57 : memref<1x40x128xi32, #tpu.memory_space<hbm>> -> memref<40x128xi32, #tpu.memory_space<hbm>>
        tpu.enqueue_dma source(%dma_start3A_58 : memref<40x128xi32, #tpu.memory_space<hbm>>) target(%arg9 : memref<40x128xi32, #tpu.memory_space<vmem>>) target_semaphore(%run_scoped3A : memref<!tpu.dma_semaphore, #tpu.memory_space<semaphore_mem>>)
        %dma_wait3A = arith.constant 0 : i32
        %dma_wait3A_59 = arith.constant 0 : i32
        %dma_wait3A_60 = tpu.memref_slice %arg3[%arg1, %dma_wait3A, %dma_wait3A_59] : memref<16x80x128xi32, #tpu.memory_space<hbm>> -> memref<1x40x128xi32, #tpu.memory_space<hbm>>
        %dma_wait3A_61 = tpu.memref_squeeze %dma_wait3A_60 : memref<1x40x128xi32, #tpu.memory_space<hbm>> -> memref<40x128xi32, #tpu.memory_space<hbm>>
        %dma_wait3A_62 = arith.constant 0 : i32
        %dma_wait3A_63 = arith.constant 0 : i32
        %dma_wait3A_64 = tpu.memref_slice %arg3[%arg1, %dma_wait3A_62, %dma_wait3A_63] : memref<16x80x128xi32, #tpu.memory_space<hbm>> -> memref<1x40x128xi32, #tpu.memory_space<hbm>>
        %dma_wait3A_65 = tpu.memref_squeeze %dma_wait3A_64 : memref<1x40x128xi32, #tpu.memory_space<hbm>> -> memref<40x128xi32, #tpu.memory_space<hbm>>
        tpu.wait_dma2 semaphore(%run_scoped3A : memref<!tpu.dma_semaphore, #tpu.memory_space<semaphore_mem>>) src(%dma_wait3A_65 : memref<40x128xi32, #tpu.memory_space<hbm>>) dst(%arg9 : memref<40x128xi32, #tpu.memory_space<vmem>>)
        tpu.yield
      }) : () -> ()
    } else {
    }
    %eq3A_20 = arith.constant 1 : i32
    %eq3A_21 = arith.cmpi eq, %arg0, %eq3A_20 : i32
    %convert_element_type3A_22 = arith.extui %eq3A_21 : i1 to i32
    %cond3A_23 = arith.constant 0 : i32
    %cond3A_24 = arith.cmpi ne, %convert_element_type3A_22, %cond3A_23 : i32
    scf.if %cond3A_24 {
      "tpu.region"() ({
        %run_scoped3A = tpu.sem_alloc : memref<!tpu.dma_semaphore, #tpu.memory_space<semaphore_mem>>
        %dma_start3A = arith.constant 0 : i32
        %dma_start3A_52 = arith.constant 0 : i32
        %dma_start3A_53 = tpu.memref_slice %arg4[%arg1, %dma_start3A, %dma_start3A_52] : memref<16x80x128xi32, #tpu.memory_space<hbm>> -> memref<1x40x128xi32, #tpu.memory_space<hbm>>
        %dma_start3A_54 = tpu.memref_squeeze %dma_start3A_53 : memref<1x40x128xi32, #tpu.memory_space<hbm>> -> memref<40x128xi32, #tpu.memory_space<hbm>>
        %dma_start3A_55 = arith.constant 0 : i32
        %dma_start3A_56 = arith.constant 0 : i32
        %dma_start3A_57 = tpu.memref_slice %arg4[%arg1, %dma_start3A_55, %dma_start3A_56] : memref<16x80x128xi32, #tpu.memory_space<hbm>> -> memref<1x40x128xi32, #tpu.memory_space<hbm>>
        %dma_start3A_58 = tpu.memref_squeeze %dma_start3A_57 : memref<1x40x128xi32, #tpu.memory_space<hbm>> -> memref<40x128xi32, #tpu.memory_space<hbm>>
        tpu.enqueue_dma source(%dma_start3A_58 : memref<40x128xi32, #tpu.memory_space<hbm>>) target(%arg9 : memref<40x128xi32, #tpu.memory_space<vmem>>) target_semaphore(%run_scoped3A : memref<!tpu.dma_semaphore, #tpu.memory_space<semaphore_mem>>)
        %dma_wait3A = arith.constant 0 : i32
        %dma_wait3A_59 = arith.constant 0 : i32
        %dma_wait3A_60 = tpu.memref_slice %arg4[%arg1, %dma_wait3A, %dma_wait3A_59] : memref<16x80x128xi32, #tpu.memory_space<hbm>> -> memref<1x40x128xi32, #tpu.memory_space<hbm>>
        %dma_wait3A_61 = tpu.memref_squeeze %dma_wait3A_60 : memref<1x40x128xi32, #tpu.memory_space<hbm>> -> memref<40x128xi32, #tpu.memory_space<hbm>>
        %dma_wait3A_62 = arith.constant 0 : i32
        %dma_wait3A_63 = arith.constant 0 : i32
        %dma_wait3A_64 = tpu.memref_slice %arg4[%arg1, %dma_wait3A_62, %dma_wait3A_63] : memref<16x80x128xi32, #tpu.memory_space<hbm>> -> memref<1x40x128xi32, #tpu.memory_space<hbm>>
        %dma_wait3A_65 = tpu.memref_squeeze %dma_wait3A_64 : memref<1x40x128xi32, #tpu.memory_space<hbm>> -> memref<40x128xi32, #tpu.memory_space<hbm>>
        tpu.wait_dma2 semaphore(%run_scoped3A : memref<!tpu.dma_semaphore, #tpu.memory_space<semaphore_mem>>) src(%dma_wait3A_65 : memref<40x128xi32, #tpu.memory_space<hbm>>) dst(%arg9 : memref<40x128xi32, #tpu.memory_space<vmem>>)
        tpu.yield
      }) : () -> ()
    } else {
    }
    "tpu.region"() ({
      %run_scoped3A = tpu.sem_alloc : memref<!tpu.dma_semaphore, #tpu.memory_space<semaphore_mem>>
      %dma_start3A = arith.constant 0 : i32
      %dma_start3A_52 = arith.constant 0 : i32
      %dma_start3A_53 = tpu.memref_slice %arg5[%arg1, %dma_start3A, %dma_start3A_52] : memref<16x80x128xi32, #tpu.memory_space<hbm>> -> memref<1x40x128xi32, #tpu.memory_space<hbm>>
      %dma_start3A_54 = tpu.memref_squeeze %dma_start3A_53 : memref<1x40x128xi32, #tpu.memory_space<hbm>> -> memref<40x128xi32, #tpu.memory_space<hbm>>
      %dma_start3A_55 = arith.constant 0 : i32
      %dma_start3A_56 = arith.constant 0 : i32
      %dma_start3A_57 = tpu.memref_slice %arg5[%arg1, %dma_start3A_55, %dma_start3A_56] : memref<16x80x128xi32, #tpu.memory_space<hbm>> -> memref<1x40x128xi32, #tpu.memory_space<hbm>>
      %dma_start3A_58 = tpu.memref_squeeze %dma_start3A_57 : memref<1x40x128xi32, #tpu.memory_space<hbm>> -> memref<40x128xi32, #tpu.memory_space<hbm>>
      tpu.enqueue_dma source(%dma_start3A_58 : memref<40x128xi32, #tpu.memory_space<hbm>>) target(%arg10 : memref<40x128xi32, #tpu.memory_space<vmem>>) target_semaphore(%run_scoped3A : memref<!tpu.dma_semaphore, #tpu.memory_space<semaphore_mem>>)
      %dma_wait3A = arith.constant 0 : i32
      %dma_wait3A_59 = arith.constant 0 : i32
      %dma_wait3A_60 = tpu.memref_slice %arg5[%arg1, %dma_wait3A, %dma_wait3A_59] : memref<16x80x128xi32, #tpu.memory_space<hbm>> -> memref<1x40x128xi32, #tpu.memory_space<hbm>>
      %dma_wait3A_61 = tpu.memref_squeeze %dma_wait3A_60 : memref<1x40x128xi32, #tpu.memory_space<hbm>> -> memref<40x128xi32, #tpu.memory_space<hbm>>
      %dma_wait3A_62 = arith.constant 0 : i32
      %dma_wait3A_63 = arith.constant 0 : i32
      %dma_wait3A_64 = tpu.memref_slice %arg5[%arg1, %dma_wait3A_62, %dma_wait3A_63] : memref<16x80x128xi32, #tpu.memory_space<hbm>> -> memref<1x40x128xi32, #tpu.memory_space<hbm>>
      %dma_wait3A_65 = tpu.memref_squeeze %dma_wait3A_64 : memref<1x40x128xi32, #tpu.memory_space<hbm>> -> memref<40x128xi32, #tpu.memory_space<hbm>>
      tpu.wait_dma2 semaphore(%run_scoped3A : memref<!tpu.dma_semaphore, #tpu.memory_space<semaphore_mem>>) src(%dma_wait3A_65 : memref<40x128xi32, #tpu.memory_space<hbm>>) dst(%arg10 : memref<40x128xi32, #tpu.memory_space<vmem>>)
      tpu.yield
    }) : () -> ()
    %scan3A = arith.constant 0 : i32
    %scan3A_25 = arith.constant 5 : i32
    %scan3A_26 = arith.addi %scan3A, %scan3A_25 : i32
    %scan3A_27 = arith.constant 1 : i32
    scf.for %scan3A_52 = %scan3A to %scan3A_26 step %scan3A_27  : i32 {
      %mul3A_53 = arith.constant 8 : i32
      %mul3A_54 = arith.muli %scan3A_52, %mul3A_53 : i32
      %add3A_55 = arith.constant 0 : i32
      %add3A_56 = arith.addi %add3A_55, %mul3A_54 : i32
      %add3A_57 = arith.constant 0 : i32
      %add3A_58 = arith.addi %add3A_56, %add3A_57 : i32
      %dma_start3A = arith.constant 0 : i32
      %dma_start3A_59 = arith.constant 0 : i32
      %dma_start3A_60 = tpu.memref_slice %arg11[%dma_start3A, %dma_start3A_59] : memref<256x128xf32, #tpu.memory_space<vmem>> -> memref<128x128xf32, #tpu.memory_space<vmem>>
      %dma_start3A_61 = arith.constant 0 : i32
      %dma_start3A_62 = tpu.memref_slice %arg9[%add3A_58, %dma_start3A_61] : memref<40x128xi32, #tpu.memory_space<vmem>> -> memref<1x128xi32, #tpu.memory_space<vmem>>
      %dma_start3A_63 = tpu.memref_squeeze %dma_start3A_62 : memref<1x128xi32, #tpu.memory_space<vmem>> -> memref<128xi32, #tpu.memory_space<vmem>>
      %dma_start3A_64 = arith.constant 0 : i32
      %dma_start3A_65 = arith.constant 0 : i32
      %dma_start3A_66 = tpu.memref_slice %arg2[%dma_start3A_64, %dma_start3A_65] : memref<20480x128xf32, #tpu.memory_space<hbm>> -> memref<20480x128xf32, #tpu.memory_space<hbm>>
      tpu.enqueue_indirect_dma source(%dma_start3A_66 : memref<20480x128xf32, #tpu.memory_space<hbm>>) target(%dma_start3A_60 : memref<128x128xf32, #tpu.memory_space<vmem>>) offsets(%dma_start3A_63 : memref<128xi32, #tpu.memory_space<vmem>>) semaphore(%arg12 : memref<!tpu.dma_semaphore, #tpu.memory_space<semaphore_mem>>)
      %add3A_67 = arith.constant 1 : i32
      %add3A_68 = arith.addi %add3A_56, %add3A_67 : i32
      %dma_start3A_69 = arith.constant 128 : i32
      %dma_start3A_70 = arith.constant 0 : i32
      %dma_start3A_71 = tpu.memref_slice %arg11[%dma_start3A_69, %dma_start3A_70] : memref<256x128xf32, #tpu.memory_space<vmem>> -> memref<128x128xf32, #tpu.memory_space<vmem>>
      %dma_start3A_72 = arith.constant 0 : i32
      %dma_start3A_73 = tpu.memref_slice %arg9[%add3A_68, %dma_start3A_72] : memref<40x128xi32, #tpu.memory_space<vmem>> -> memref<1x128xi32, #tpu.memory_space<vmem>>
      %dma_start3A_74 = tpu.memref_squeeze %dma_start3A_73 : memref<1x128xi32, #tpu.memory_space<vmem>> -> memref<128xi32, #tpu.memory_space<vmem>>
      %dma_start3A_75 = arith.constant 0 : i32
      %dma_start3A_76 = arith.constant 0 : i32
      %dma_start3A_77 = tpu.memref_slice %arg2[%dma_start3A_75, %dma_start3A_76] : memref<20480x128xf32, #tpu.memory_space<hbm>> -> memref<20480x128xf32, #tpu.memory_space<hbm>>
      tpu.enqueue_indirect_dma source(%dma_start3A_77 : memref<20480x128xf32, #tpu.memory_space<hbm>>) target(%dma_start3A_71 : memref<128x128xf32, #tpu.memory_space<vmem>>) offsets(%dma_start3A_74 : memref<128xi32, #tpu.memory_space<vmem>>) semaphore(%arg12 : memref<!tpu.dma_semaphore, #tpu.memory_space<semaphore_mem>>)
      %dma_wait3A = arith.constant 0 : i32
      %dma_wait3A_78 = arith.constant 0 : i32
      %dma_wait3A_79 = tpu.memref_slice %arg11[%dma_wait3A, %dma_wait3A_78] : memref<256x128xf32, #tpu.memory_space<vmem>> -> memref<128x128xf32, #tpu.memory_space<vmem>>
      %dma_wait3A_80 = arith.constant 0 : i32
      %dma_wait3A_81 = tpu.memref_slice %arg9[%add3A_58, %dma_wait3A_80] : memref<40x128xi32, #tpu.memory_space<vmem>> -> memref<1x128xi32, #tpu.memory_space<vmem>>
      %dma_wait3A_82 = tpu.memref_squeeze %dma_wait3A_81 : memref<1x128xi32, #tpu.memory_space<vmem>> -> memref<128xi32, #tpu.memory_space<vmem>>
      %dma_wait3A_83 = arith.constant 0 : i32
      %dma_wait3A_84 = arith.constant 0 : i32
      %dma_wait3A_85 = tpu.memref_slice %arg2[%dma_wait3A_83, %dma_wait3A_84] : memref<20480x128xf32, #tpu.memory_space<hbm>> -> memref<20480x128xf32, #tpu.memory_space<hbm>>
      tpu.wait_indirect_dma semaphore(%arg12 : memref<!tpu.dma_semaphore, #tpu.memory_space<semaphore_mem>>) src(%dma_wait3A_85 : memref<20480x128xf32, #tpu.memory_space<hbm>>) dst(%dma_wait3A_79 : memref<128x128xf32, #tpu.memory_space<vmem>>)
      %add3A_86 = arith.constant 0 : i32
      %add3A_87 = arith.addi %add3A_56, %add3A_86 : i32
      %dma_start3A_88 = arith.constant 0 : i32
      %dma_start3A_89 = arith.constant 0 : i32
      %dma_start3A_90 = tpu.memref_slice %arg11[%dma_start3A_88, %dma_start3A_89] : memref<256x128xf32, #tpu.memory_space<vmem>> -> memref<128x128xf32, #tpu.memory_space<vmem>>
      %dma_start3A_91 = arith.constant 0 : i32
      %dma_start3A_92 = tpu.memref_slice %arg10[%add3A_87, %dma_start3A_91] : memref<40x128xi32, #tpu.memory_space<vmem>> -> memref<1x128xi32, #tpu.memory_space<vmem>>
      %dma_start3A_93 = tpu.memref_squeeze %dma_start3A_92 : memref<1x128xi32, #tpu.memory_space<vmem>> -> memref<128xi32, #tpu.memory_space<vmem>>
      %dma_start3A_94 = arith.constant 0 : i32
      %dma_start3A_95 = arith.constant 0 : i32
      %dma_start3A_96 = tpu.memref_slice %arg8[%dma_start3A_94, %dma_start3A_95] : memref<10240x128xf32, #tpu.memory_space<vmem_shared>> -> memref<10240x128xf32, #tpu.memory_space<vmem_shared>>
      tpu.enqueue_indirect_dma source(%dma_start3A_90 : memref<128x128xf32, #tpu.memory_space<vmem>>) target(%dma_start3A_96 : memref<10240x128xf32, #tpu.memory_space<vmem_shared>>) offsets(%dma_start3A_93 : memref<128xi32, #tpu.memory_space<vmem>>) semaphore(%arg13 : memref<!tpu.dma_semaphore, #tpu.memory_space<semaphore_mem>>) {add = true}
      %dma_wait3A_97 = arith.constant 0 : i32
      %dma_wait3A_98 = arith.constant 0 : i32
      %dma_wait3A_99 = tpu.memref_slice %arg11[%dma_wait3A_97, %dma_wait3A_98] : memref<256x128xf32, #tpu.memory_space<vmem>> -> memref<128x128xf32, #tpu.memory_space<vmem>>
      %dma_wait3A_100 = arith.constant 0 : i32
      %dma_wait3A_101 = tpu.memref_slice %arg10[%add3A_87, %dma_wait3A_100] : memref<40x128xi32, #tpu.memory_space<vmem>> -> memref<1x128xi32, #tpu.memory_space<vmem>>
      %dma_wait3A_102 = tpu.memref_squeeze %dma_wait3A_101 : memref<1x128xi32, #tpu.memory_space<vmem>> -> memref<128xi32, #tpu.memory_space<vmem>>
      %dma_wait3A_103 = arith.constant 0 : i32
      %dma_wait3A_104 = arith.constant 0 : i32
      %dma_wait3A_105 = tpu.memref_slice %arg8[%dma_wait3A_103, %dma_wait3A_104] : memref<10240x128xf32, #tpu.memory_space<vmem_shared>> -> memref<10240x128xf32, #tpu.memory_space<vmem_shared>>
      tpu.wait_indirect_dma semaphore(%arg13 : memref<!tpu.dma_semaphore, #tpu.memory_space<semaphore_mem>>) src(%dma_wait3A_99 : memref<128x128xf32, #tpu.memory_space<vmem>>) dst(%dma_wait3A_105 : memref<10240x128xf32, #tpu.memory_space<vmem_shared>>)
      %add3A_106 = arith.constant 2 : i32
      %add3A_107 = arith.addi %add3A_56, %add3A_106 : i32
      %dma_start3A_108 = arith.constant 0 : i32
      %dma_start3A_109 = arith.constant 0 : i32
      %dma_start3A_110 = tpu.memref_slice %arg11[%dma_start3A_108, %dma_start3A_109] : memref<256x128xf32, #tpu.memory_space<vmem>> -> memref<128x128xf32, #tpu.memory_space<vmem>>
      %dma_start3A_111 = arith.constant 0 : i32
      %dma_start3A_112 = tpu.memref_slice %arg9[%add3A_107, %dma_start3A_111] : memref<40x128xi32, #tpu.memory_space<vmem>> -> memref<1x128xi32, #tpu.memory_space<vmem>>
      %dma_start3A_113 = tpu.memref_squeeze %dma_start3A_112 : memref<1x128xi32, #tpu.memory_space<vmem>> -> memref<128xi32, #tpu.memory_space<vmem>>
      %dma_start3A_114 = arith.constant 0 : i32
      %dma_start3A_115 = arith.constant 0 : i32
      %dma_start3A_116 = tpu.memref_slice %arg2[%dma_start3A_114, %dma_start3A_115] : memref<20480x128xf32, #tpu.memory_space<hbm>> -> memref<20480x128xf32, #tpu.memory_space<hbm>>
      tpu.enqueue_indirect_dma source(%dma_start3A_116 : memref<20480x128xf32, #tpu.memory_space<hbm>>) target(%dma_start3A_110 : memref<128x128xf32, #tpu.memory_space<vmem>>) offsets(%dma_start3A_113 : memref<128xi32, #tpu.memory_space<vmem>>) semaphore(%arg12 : memref<!tpu.dma_semaphore, #tpu.memory_space<semaphore_mem>>)
      %dma_wait3A_117 = arith.constant 128 : i32
      %dma_wait3A_118 = arith.constant 0 : i32
      %dma_wait3A_119 = tpu.memref_slice %arg11[%dma_wait3A_117, %dma_wait3A_118] : memref<256x128xf32, #tpu.memory_space<vmem>> -> memref<128x128xf32, #tpu.memory_space<vmem>>
      %dma_wait3A_120 = arith.constant 0 : i32
      %dma_wait3A_121 = tpu.memref_slice %arg9[%add3A_68, %dma_wait3A_120] : memref<40x128xi32, #tpu.memory_space<vmem>> -> memref<1x128xi32, #tpu.memory_space<vmem>>
      %dma_wait3A_122 = tpu.memref_squeeze %dma_wait3A_121 : memref<1x128xi32, #tpu.memory_space<vmem>> -> memref<128xi32, #tpu.memory_space<vmem>>
      %dma_wait3A_123 = arith.constant 0 : i32
      %dma_wait3A_124 = arith.constant 0 : i32
      %dma_wait3A_125 = tpu.memref_slice %arg2[%dma_wait3A_123, %dma_wait3A_124] : memref<20480x128xf32, #tpu.memory_space<hbm>> -> memref<20480x128xf32, #tpu.memory_space<hbm>>
      tpu.wait_indirect_dma semaphore(%arg12 : memref<!tpu.dma_semaphore, #tpu.memory_space<semaphore_mem>>) src(%dma_wait3A_125 : memref<20480x128xf32, #tpu.memory_space<hbm>>) dst(%dma_wait3A_119 : memref<128x128xf32, #tpu.memory_space<vmem>>)
      %add3A_126 = arith.constant 1 : i32
      %add3A_127 = arith.addi %add3A_56, %add3A_126 : i32
      %dma_start3A_128 = arith.constant 128 : i32
      %dma_start3A_129 = arith.constant 0 : i32
      %dma_start3A_130 = tpu.memref_slice %arg11[%dma_start3A_128, %dma_start3A_129] : memref<256x128xf32, #tpu.memory_space<vmem>> -> memref<128x128xf32, #tpu.memory_space<vmem>>
      %dma_start3A_131 = arith.constant 0 : i32
      %dma_start3A_132 = tpu.memref_slice %arg10[%add3A_127, %dma_start3A_131] : memref<40x128xi32, #tpu.memory_space<vmem>> -> memref<1x128xi32, #tpu.memory_space<vmem>>
      %dma_start3A_133 = tpu.memref_squeeze %dma_start3A_132 : memref<1x128xi32, #tpu.memory_space<vmem>> -> memref<128xi32, #tpu.memory_space<vmem>>
      %dma_start3A_134 = arith.constant 0 : i32
      %dma_start3A_135 = arith.constant 0 : i32
      %dma_start3A_136 = tpu.memref_slice %arg8[%dma_start3A_134, %dma_start3A_135] : memref<10240x128xf32, #tpu.memory_space<vmem_shared>> -> memref<10240x128xf32, #tpu.memory_space<vmem_shared>>
      tpu.enqueue_indirect_dma source(%dma_start3A_130 : memref<128x128xf32, #tpu.memory_space<vmem>>) target(%dma_start3A_136 : memref<10240x128xf32, #tpu.memory_space<vmem_shared>>) offsets(%dma_start3A_133 : memref<128xi32, #tpu.memory_space<vmem>>) semaphore(%arg13 : memref<!tpu.dma_semaphore, #tpu.memory_space<semaphore_mem>>) {add = true}
      %dma_wait3A_137 = arith.constant 128 : i32
      %dma_wait3A_138 = arith.constant 0 : i32
      %dma_wait3A_139 = tpu.memref_slice %arg11[%dma_wait3A_137, %dma_wait3A_138] : memref<256x128xf32, #tpu.memory_space<vmem>> -> memref<128x128xf32, #tpu.memory_space<vmem>>
      %dma_wait3A_140 = arith.constant 0 : i32
      %dma_wait3A_141 = tpu.memref_slice %arg10[%add3A_127, %dma_wait3A_140] : memref<40x128xi32, #tpu.memory_space<vmem>> -> memref<1x128xi32, #tpu.memory_space<vmem>>
      %dma_wait3A_142 = tpu.memref_squeeze %dma_wait3A_141 : memref<1x128xi32, #tpu.memory_space<vmem>> -> memref<128xi32, #tpu.memory_space<vmem>>
      %dma_wait3A_143 = arith.constant 0 : i32
      %dma_wait3A_144 = arith.constant 0 : i32
      %dma_wait3A_145 = tpu.memref_slice %arg8[%dma_wait3A_143, %dma_wait3A_144] : memref<10240x128xf32, #tpu.memory_space<vmem_shared>> -> memref<10240x128xf32, #tpu.memory_space<vmem_shared>>
      tpu.wait_indirect_dma semaphore(%arg13 : memref<!tpu.dma_semaphore, #tpu.memory_space<semaphore_mem>>) src(%dma_wait3A_139 : memref<128x128xf32, #tpu.memory_space<vmem>>) dst(%dma_wait3A_145 : memref<10240x128xf32, #tpu.memory_space<vmem_shared>>)
      %add3A_146 = arith.constant 3 : i32
      %add3A_147 = arith.addi %add3A_56, %add3A_146 : i32
      %dma_start3A_148 = arith.constant 128 : i32
      %dma_start3A_149 = arith.constant 0 : i32
      %dma_start3A_150 = tpu.memref_slice %arg11[%dma_start3A_148, %dma_start3A_149] : memref<256x128xf32, #tpu.memory_space<vmem>> -> memref<128x128xf32, #tpu.memory_space<vmem>>
      %dma_start3A_151 = arith.constant 0 : i32
      %dma_start3A_152 = tpu.memref_slice %arg9[%add3A_147, %dma_start3A_151] : memref<40x128xi32, #tpu.memory_space<vmem>> -> memref<1x128xi32, #tpu.memory_space<vmem>>
      %dma_start3A_153 = tpu.memref_squeeze %dma_start3A_152 : memref<1x128xi32, #tpu.memory_space<vmem>> -> memref<128xi32, #tpu.memory_space<vmem>>
      %dma_start3A_154 = arith.constant 0 : i32
      %dma_start3A_155 = arith.constant 0 : i32
      %dma_start3A_156 = tpu.memref_slice %arg2[%dma_start3A_154, %dma_start3A_155] : memref<20480x128xf32, #tpu.memory_space<hbm>> -> memref<20480x128xf32, #tpu.memory_space<hbm>>
      tpu.enqueue_indirect_dma source(%dma_start3A_156 : memref<20480x128xf32, #tpu.memory_space<hbm>>) target(%dma_start3A_150 : memref<128x128xf32, #tpu.memory_space<vmem>>) offsets(%dma_start3A_153 : memref<128xi32, #tpu.memory_space<vmem>>) semaphore(%arg12 : memref<!tpu.dma_semaphore, #tpu.memory_space<semaphore_mem>>)
      %dma_wait3A_157 = arith.constant 0 : i32
      %dma_wait3A_158 = arith.constant 0 : i32
      %dma_wait3A_159 = tpu.memref_slice %arg11[%dma_wait3A_157, %dma_wait3A_158] : memref<256x128xf32, #tpu.memory_space<vmem>> -> memref<128x128xf32, #tpu.memory_space<vmem>>
      %dma_wait3A_160 = arith.constant 0 : i32
      %dma_wait3A_161 = tpu.memref_slice %arg9[%add3A_107, %dma_wait3A_160] : memref<40x128xi32, #tpu.memory_space<vmem>> -> memref<1x128xi32, #tpu.memory_space<vmem>>
      %dma_wait3A_162 = tpu.memref_squeeze %dma_wait3A_161 : memref<1x128xi32, #tpu.memory_space<vmem>> -> memref<128xi32, #tpu.memory_space<vmem>>
      %dma_wait3A_163 = arith.constant 0 : i32
      %dma_wait3A_164 = arith.constant 0 : i32
      %dma_wait3A_165 = tpu.memref_slice %arg2[%dma_wait3A_163, %dma_wait3A_164] : memref<20480x128xf32, #tpu.memory_space<hbm>> -> memref<20480x128xf32, #tpu.memory_space<hbm>>
      tpu.wait_indirect_dma semaphore(%arg12 : memref<!tpu.dma_semaphore, #tpu.memory_space<semaphore_mem>>) src(%dma_wait3A_165 : memref<20480x128xf32, #tpu.memory_space<hbm>>) dst(%dma_wait3A_159 : memref<128x128xf32, #tpu.memory_space<vmem>>)
      %add3A_166 = arith.constant 2 : i32
      %add3A_167 = arith.addi %add3A_56, %add3A_166 : i32
      %dma_start3A_168 = arith.constant 0 : i32
      %dma_start3A_169 = arith.constant 0 : i32
      %dma_start3A_170 = tpu.memref_slice %arg11[%dma_start3A_168, %dma_start3A_169] : memref<256x128xf32, #tpu.memory_space<vmem>> -> memref<128x128xf32, #tpu.memory_space<vmem>>
      %dma_start3A_171 = arith.constant 0 : i32
      %dma_start3A_172 = tpu.memref_slice %arg10[%add3A_167, %dma_start3A_171] : memref<40x128xi32, #tpu.memory_space<vmem>> -> memref<1x128xi32, #tpu.memory_space<vmem>>
      %dma_start3A_173 = tpu.memref_squeeze %dma_start3A_172 : memref<1x128xi32, #tpu.memory_space<vmem>> -> memref<128xi32, #tpu.memory_space<vmem>>
      %dma_start3A_174 = arith.constant 0 : i32
      %dma_start3A_175 = arith.constant 0 : i32
      %dma_start3A_176 = tpu.memref_slice %arg8[%dma_start3A_174, %dma_start3A_175] : memref<10240x128xf32, #tpu.memory_space<vmem_shared>> -> memref<10240x128xf32, #tpu.memory_space<vmem_shared>>
      tpu.enqueue_indirect_dma source(%dma_start3A_170 : memref<128x128xf32, #tpu.memory_space<vmem>>) target(%dma_start3A_176 : memref<10240x128xf32, #tpu.memory_space<vmem_shared>>) offsets(%dma_start3A_173 : memref<128xi32, #tpu.memory_space<vmem>>) semaphore(%arg13 : memref<!tpu.dma_semaphore, #tpu.memory_space<semaphore_mem>>) {add = true}
      %dma_wait3A_177 = arith.constant 0 : i32
      %dma_wait3A_178 = arith.constant 0 : i32
      %dma_wait3A_179 = tpu.memref_slice %arg11[%dma_wait3A_177, %dma_wait3A_178] : memref<256x128xf32, #tpu.memory_space<vmem>> -> memref<128x128xf32, #tpu.memory_space<vmem>>
      %dma_wait3A_180 = arith.constant 0 : i32
      %dma_wait3A_181 = tpu.memref_slice %arg10[%add3A_167, %dma_wait3A_180] : memref<40x128xi32, #tpu.memory_space<vmem>> -> memref<1x128xi32, #tpu.memory_space<vmem>>
      %dma_wait3A_182 = tpu.memref_squeeze %dma_wait3A_181 : memref<1x128xi32, #tpu.memory_space<vmem>> -> memref<128xi32, #tpu.memory_space<vmem>>
      %dma_wait3A_183 = arith.constant 0 : i32
      %dma_wait3A_184 = arith.constant 0 : i32
      %dma_wait3A_185 = tpu.memref_slice %arg8[%dma_wait3A_183, %dma_wait3A_184] : memref<10240x128xf32, #tpu.memory_space<vmem_shared>> -> memref<10240x128xf32, #tpu.memory_space<vmem_shared>>
      tpu.wait_indirect_dma semaphore(%arg13 : memref<!tpu.dma_semaphore, #tpu.memory_space<semaphore_mem>>) src(%dma_wait3A_179 : memref<128x128xf32, #tpu.memory_space<vmem>>) dst(%dma_wait3A_185 : memref<10240x128xf32, #tpu.memory_space<vmem_shared>>)
      %add3A_186 = arith.constant 4 : i32
      %add3A_187 = arith.addi %add3A_56, %add3A_186 : i32
      %dma_start3A_188 = arith.constant 0 : i32
      %dma_start3A_189 = arith.constant 0 : i32
      %dma_start3A_190 = tpu.memref_slice %arg11[%dma_start3A_188, %dma_start3A_189] : memref<256x128xf32, #tpu.memory_space<vmem>> -> memref<128x128xf32, #tpu.memory_space<vmem>>
      %dma_start3A_191 = arith.constant 0 : i32
      %dma_start3A_192 = tpu.memref_slice %arg9[%add3A_187, %dma_start3A_191] : memref<40x128xi32, #tpu.memory_space<vmem>> -> memref<1x128xi32, #tpu.memory_space<vmem>>
      %dma_start3A_193 = tpu.memref_squeeze %dma_start3A_192 : memref<1x128xi32, #tpu.memory_space<vmem>> -> memref<128xi32, #tpu.memory_space<vmem>>
      %dma_start3A_194 = arith.constant 0 : i32
      %dma_start3A_195 = arith.constant 0 : i32
      %dma_start3A_196 = tpu.memref_slice %arg2[%dma_start3A_194, %dma_start3A_195] : memref<20480x128xf32, #tpu.memory_space<hbm>> -> memref<20480x128xf32, #tpu.memory_space<hbm>>
      tpu.enqueue_indirect_dma source(%dma_start3A_196 : memref<20480x128xf32, #tpu.memory_space<hbm>>) target(%dma_start3A_190 : memref<128x128xf32, #tpu.memory_space<vmem>>) offsets(%dma_start3A_193 : memref<128xi32, #tpu.memory_space<vmem>>) semaphore(%arg12 : memref<!tpu.dma_semaphore, #tpu.memory_space<semaphore_mem>>)
      %dma_wait3A_197 = arith.constant 128 : i32
      %dma_wait3A_198 = arith.constant 0 : i32
      %dma_wait3A_199 = tpu.memref_slice %arg11[%dma_wait3A_197, %dma_wait3A_198] : memref<256x128xf32, #tpu.memory_space<vmem>> -> memref<128x128xf32, #tpu.memory_space<vmem>>
      %dma_wait3A_200 = arith.constant 0 : i32
      %dma_wait3A_201 = tpu.memref_slice %arg9[%add3A_147, %dma_wait3A_200] : memref<40x128xi32, #tpu.memory_space<vmem>> -> memref<1x128xi32, #tpu.memory_space<vmem>>
      %dma_wait3A_202 = tpu.memref_squeeze %dma_wait3A_201 : memref<1x128xi32, #tpu.memory_space<vmem>> -> memref<128xi32, #tpu.memory_space<vmem>>
      %dma_wait3A_203 = arith.constant 0 : i32
      %dma_wait3A_204 = arith.constant 0 : i32
      %dma_wait3A_205 = tpu.memref_slice %arg2[%dma_wait3A_203, %dma_wait3A_204] : memref<20480x128xf32, #tpu.memory_space<hbm>> -> memref<20480x128xf32, #tpu.memory_space<hbm>>
      tpu.wait_indirect_dma semaphore(%arg12 : memref<!tpu.dma_semaphore, #tpu.memory_space<semaphore_mem>>) src(%dma_wait3A_205 : memref<20480x128xf32, #tpu.memory_space<hbm>>) dst(%dma_wait3A_199 : memref<128x128xf32, #tpu.memory_space<vmem>>)
      %add3A_206 = arith.constant 3 : i32
      %add3A_207 = arith.addi %add3A_56, %add3A_206 : i32
      %dma_start3A_208 = arith.constant 128 : i32
      %dma_start3A_209 = arith.constant 0 : i32
      %dma_start3A_210 = tpu.memref_slice %arg11[%dma_start3A_208, %dma_start3A_209] : memref<256x128xf32, #tpu.memory_space<vmem>> -> memref<128x128xf32, #tpu.memory_space<vmem>>
      %dma_start3A_211 = arith.constant 0 : i32
      %dma_start3A_212 = tpu.memref_slice %arg10[%add3A_207, %dma_start3A_211] : memref<40x128xi32, #tpu.memory_space<vmem>> -> memref<1x128xi32, #tpu.memory_space<vmem>>
      %dma_start3A_213 = tpu.memref_squeeze %dma_start3A_212 : memref<1x128xi32, #tpu.memory_space<vmem>> -> memref<128xi32, #tpu.memory_space<vmem>>
      %dma_start3A_214 = arith.constant 0 : i32
      %dma_start3A_215 = arith.constant 0 : i32
      %dma_start3A_216 = tpu.memref_slice %arg8[%dma_start3A_214, %dma_start3A_215] : memref<10240x128xf32, #tpu.memory_space<vmem_shared>> -> memref<10240x128xf32, #tpu.memory_space<vmem_shared>>
      tpu.enqueue_indirect_dma source(%dma_start3A_210 : memref<128x128xf32, #tpu.memory_space<vmem>>) target(%dma_start3A_216 : memref<10240x128xf32, #tpu.memory_space<vmem_shared>>) offsets(%dma_start3A_213 : memref<128xi32, #tpu.memory_space<vmem>>) semaphore(%arg13 : memref<!tpu.dma_semaphore, #tpu.memory_space<semaphore_mem>>) {add = true}
      %dma_wait3A_217 = arith.constant 128 : i32
      %dma_wait3A_218 = arith.constant 0 : i32
      %dma_wait3A_219 = tpu.memref_slice %arg11[%dma_wait3A_217, %dma_wait3A_218] : memref<256x128xf32, #tpu.memory_space<vmem>> -> memref<128x128xf32, #tpu.memory_space<vmem>>
      %dma_wait3A_220 = arith.constant 0 : i32
      %dma_wait3A_221 = tpu.memref_slice %arg10[%add3A_207, %dma_wait3A_220] : memref<40x128xi32, #tpu.memory_space<vmem>> -> memref<1x128xi32, #tpu.memory_space<vmem>>
      %dma_wait3A_222 = tpu.memref_squeeze %dma_wait3A_221 : memref<1x128xi32, #tpu.memory_space<vmem>> -> memref<128xi32, #tpu.memory_space<vmem>>
      %dma_wait3A_223 = arith.constant 0 : i32
      %dma_wait3A_224 = arith.constant 0 : i32
      %dma_wait3A_225 = tpu.memref_slice %arg8[%dma_wait3A_223, %dma_wait3A_224] : memref<10240x128xf32, #tpu.memory_space<vmem_shared>> -> memref<10240x128xf32, #tpu.memory_space<vmem_shared>>
      tpu.wait_indirect_dma semaphore(%arg13 : memref<!tpu.dma_semaphore, #tpu.memory_space<semaphore_mem>>) src(%dma_wait3A_219 : memref<128x128xf32, #tpu.memory_space<vmem>>) dst(%dma_wait3A_225 : memref<10240x128xf32, #tpu.memory_space<vmem_shared>>)
      %add3A_226 = arith.constant 5 : i32
      %add3A_227 = arith.addi %add3A_56, %add3A_226 : i32
      %dma_start3A_228 = arith.constant 128 : i32
      %dma_start3A_229 = arith.constant 0 : i32
      %dma_start3A_230 = tpu.memref_slice %arg11[%dma_start3A_228, %dma_start3A_229] : memref<256x128xf32, #tpu.memory_space<vmem>> -> memref<128x128xf32, #tpu.memory_space<vmem>>
      %dma_start3A_231 = arith.constant 0 : i32
      %dma_start3A_232 = tpu.memref_slice %arg9[%add3A_227, %dma_start3A_231] : memref<40x128xi32, #tpu.memory_space<vmem>> -> memref<1x128xi32, #tpu.memory_space<vmem>>
      %dma_start3A_233 = tpu.memref_squeeze %dma_start3A_232 : memref<1x128xi32, #tpu.memory_space<vmem>> -> memref<128xi32, #tpu.memory_space<vmem>>
      %dma_start3A_234 = arith.constant 0 : i32
      %dma_start3A_235 = arith.constant 0 : i32
      %dma_start3A_236 = tpu.memref_slice %arg2[%dma_start3A_234, %dma_start3A_235] : memref<20480x128xf32, #tpu.memory_space<hbm>> -> memref<20480x128xf32, #tpu.memory_space<hbm>>
      tpu.enqueue_indirect_dma source(%dma_start3A_236 : memref<20480x128xf32, #tpu.memory_space<hbm>>) target(%dma_start3A_230 : memref<128x128xf32, #tpu.memory_space<vmem>>) offsets(%dma_start3A_233 : memref<128xi32, #tpu.memory_space<vmem>>) semaphore(%arg12 : memref<!tpu.dma_semaphore, #tpu.memory_space<semaphore_mem>>)
      %dma_wait3A_237 = arith.constant 0 : i32
      %dma_wait3A_238 = arith.constant 0 : i32
      %dma_wait3A_239 = tpu.memref_slice %arg11[%dma_wait3A_237, %dma_wait3A_238] : memref<256x128xf32, #tpu.memory_space<vmem>> -> memref<128x128xf32, #tpu.memory_space<vmem>>
      %dma_wait3A_240 = arith.constant 0 : i32
      %dma_wait3A_241 = tpu.memref_slice %arg9[%add3A_187, %dma_wait3A_240] : memref<40x128xi32, #tpu.memory_space<vmem>> -> memref<1x128xi32, #tpu.memory_space<vmem>>
      %dma_wait3A_242 = tpu.memref_squeeze %dma_wait3A_241 : memref<1x128xi32, #tpu.memory_space<vmem>> -> memref<128xi32, #tpu.memory_space<vmem>>
      %dma_wait3A_243 = arith.constant 0 : i32
      %dma_wait3A_244 = arith.constant 0 : i32
      %dma_wait3A_245 = tpu.memref_slice %arg2[%dma_wait3A_243, %dma_wait3A_244] : memref<20480x128xf32, #tpu.memory_space<hbm>> -> memref<20480x128xf32, #tpu.memory_space<hbm>>
      tpu.wait_indirect_dma semaphore(%arg12 : memref<!tpu.dma_semaphore, #tpu.memory_space<semaphore_mem>>) src(%dma_wait3A_245 : memref<20480x128xf32, #tpu.memory_space<hbm>>) dst(%dma_wait3A_239 : memref<128x128xf32, #tpu.memory_space<vmem>>)
      %add3A_246 = arith.constant 4 : i32
      %add3A_247 = arith.addi %add3A_56, %add3A_246 : i32
      %dma_start3A_248 = arith.constant 0 : i32
      %dma_start3A_249 = arith.constant 0 : i32
      %dma_start3A_250 = tpu.memref_slice %arg11[%dma_start3A_248, %dma_start3A_249] : memref<256x128xf32, #tpu.memory_space<vmem>> -> memref<128x128xf32, #tpu.memory_space<vmem>>
      %dma_start3A_251 = arith.constant 0 : i32
      %dma_start3A_252 = tpu.memref_slice %arg10[%add3A_247, %dma_start3A_251] : memref<40x128xi32, #tpu.memory_space<vmem>> -> memref<1x128xi32, #tpu.memory_space<vmem>>
      %dma_start3A_253 = tpu.memref_squeeze %dma_start3A_252 : memref<1x128xi32, #tpu.memory_space<vmem>> -> memref<128xi32, #tpu.memory_space<vmem>>
      %dma_start3A_254 = arith.constant 0 : i32
      %dma_start3A_255 = arith.constant 0 : i32
      %dma_start3A_256 = tpu.memref_slice %arg8[%dma_start3A_254, %dma_start3A_255] : memref<10240x128xf32, #tpu.memory_space<vmem_shared>> -> memref<10240x128xf32, #tpu.memory_space<vmem_shared>>
      tpu.enqueue_indirect_dma source(%dma_start3A_250 : memref<128x128xf32, #tpu.memory_space<vmem>>) target(%dma_start3A_256 : memref<10240x128xf32, #tpu.memory_space<vmem_shared>>) offsets(%dma_start3A_253 : memref<128xi32, #tpu.memory_space<vmem>>) semaphore(%arg13 : memref<!tpu.dma_semaphore, #tpu.memory_space<semaphore_mem>>) {add = true}
      %dma_wait3A_257 = arith.constant 0 : i32
      %dma_wait3A_258 = arith.constant 0 : i32
      %dma_wait3A_259 = tpu.memref_slice %arg11[%dma_wait3A_257, %dma_wait3A_258] : memref<256x128xf32, #tpu.memory_space<vmem>> -> memref<128x128xf32, #tpu.memory_space<vmem>>
      %dma_wait3A_260 = arith.constant 0 : i32
      %dma_wait3A_261 = tpu.memref_slice %arg10[%add3A_247, %dma_wait3A_260] : memref<40x128xi32, #tpu.memory_space<vmem>> -> memref<1x128xi32, #tpu.memory_space<vmem>>
      %dma_wait3A_262 = tpu.memref_squeeze %dma_wait3A_261 : memref<1x128xi32, #tpu.memory_space<vmem>> -> memref<128xi32, #tpu.memory_space<vmem>>
      %dma_wait3A_263 = arith.constant 0 : i32
      %dma_wait3A_264 = arith.constant 0 : i32
      %dma_wait3A_265 = tpu.memref_slice %arg8[%dma_wait3A_263, %dma_wait3A_264] : memref<10240x128xf32, #tpu.memory_space<vmem_shared>> -> memref<10240x128xf32, #tpu.memory_space<vmem_shared>>
      tpu.wait_indirect_dma semaphore(%arg13 : memref<!tpu.dma_semaphore, #tpu.memory_space<semaphore_mem>>) src(%dma_wait3A_259 : memref<128x128xf32, #tpu.memory_space<vmem>>) dst(%dma_wait3A_265 : memref<10240x128xf32, #tpu.memory_space<vmem_shared>>)
      %add3A_266 = arith.constant 6 : i32
      %add3A_267 = arith.addi %add3A_56, %add3A_266 : i32
      %dma_start3A_268 = arith.constant 0 : i32
      %dma_start3A_269 = arith.constant 0 : i32
      %dma_start3A_270 = tpu.memref_slice %arg11[%dma_start3A_268, %dma_start3A_269] : memref<256x128xf32, #tpu.memory_space<vmem>> -> memref<128x128xf32, #tpu.memory_space<vmem>>
      %dma_start3A_271 = arith.constant 0 : i32
      %dma_start3A_272 = tpu.memref_slice %arg9[%add3A_267, %dma_start3A_271] : memref<40x128xi32, #tpu.memory_space<vmem>> -> memref<1x128xi32, #tpu.memory_space<vmem>>
      %dma_start3A_273 = tpu.memref_squeeze %dma_start3A_272 : memref<1x128xi32, #tpu.memory_space<vmem>> -> memref<128xi32, #tpu.memory_space<vmem>>
      %dma_start3A_274 = arith.constant 0 : i32
      %dma_start3A_275 = arith.constant 0 : i32
      %dma_start3A_276 = tpu.memref_slice %arg2[%dma_start3A_274, %dma_start3A_275] : memref<20480x128xf32, #tpu.memory_space<hbm>> -> memref<20480x128xf32, #tpu.memory_space<hbm>>
      tpu.enqueue_indirect_dma source(%dma_start3A_276 : memref<20480x128xf32, #tpu.memory_space<hbm>>) target(%dma_start3A_270 : memref<128x128xf32, #tpu.memory_space<vmem>>) offsets(%dma_start3A_273 : memref<128xi32, #tpu.memory_space<vmem>>) semaphore(%arg12 : memref<!tpu.dma_semaphore, #tpu.memory_space<semaphore_mem>>)
      %dma_wait3A_277 = arith.constant 128 : i32
      %dma_wait3A_278 = arith.constant 0 : i32
      %dma_wait3A_279 = tpu.memref_slice %arg11[%dma_wait3A_277, %dma_wait3A_278] : memref<256x128xf32, #tpu.memory_space<vmem>> -> memref<128x128xf32, #tpu.memory_space<vmem>>
      %dma_wait3A_280 = arith.constant 0 : i32
      %dma_wait3A_281 = tpu.memref_slice %arg9[%add3A_227, %dma_wait3A_280] : memref<40x128xi32, #tpu.memory_space<vmem>> -> memref<1x128xi32, #tpu.memory_space<vmem>>
      %dma_wait3A_282 = tpu.memref_squeeze %dma_wait3A_281 : memref<1x128xi32, #tpu.memory_space<vmem>> -> memref<128xi32, #tpu.memory_space<vmem>>
      %dma_wait3A_283 = arith.constant 0 : i32
      %dma_wait3A_284 = arith.constant 0 : i32
      %dma_wait3A_285 = tpu.memref_slice %arg2[%dma_wait3A_283, %dma_wait3A_284] : memref<20480x128xf32, #tpu.memory_space<hbm>> -> memref<20480x128xf32, #tpu.memory_space<hbm>>
      tpu.wait_indirect_dma semaphore(%arg12 : memref<!tpu.dma_semaphore, #tpu.memory_space<semaphore_mem>>) src(%dma_wait3A_285 : memref<20480x128xf32, #tpu.memory_space<hbm>>) dst(%dma_wait3A_279 : memref<128x128xf32, #tpu.memory_space<vmem>>)
      %add3A_286 = arith.constant 5 : i32
      %add3A_287 = arith.addi %add3A_56, %add3A_286 : i32
      %dma_start3A_288 = arith.constant 128 : i32
      %dma_start3A_289 = arith.constant 0 : i32
      %dma_start3A_290 = tpu.memref_slice %arg11[%dma_start3A_288, %dma_start3A_289] : memref<256x128xf32, #tpu.memory_space<vmem>> -> memref<128x128xf32, #tpu.memory_space<vmem>>
      %dma_start3A_291 = arith.constant 0 : i32
      %dma_start3A_292 = tpu.memref_slice %arg10[%add3A_287, %dma_start3A_291] : memref<40x128xi32, #tpu.memory_space<vmem>> -> memref<1x128xi32, #tpu.memory_space<vmem>>
      %dma_start3A_293 = tpu.memref_squeeze %dma_start3A_292 : memref<1x128xi32, #tpu.memory_space<vmem>> -> memref<128xi32, #tpu.memory_space<vmem>>
      %dma_start3A_294 = arith.constant 0 : i32
      %dma_start3A_295 = arith.constant 0 : i32
      %dma_start3A_296 = tpu.memref_slice %arg8[%dma_start3A_294, %dma_start3A_295] : memref<10240x128xf32, #tpu.memory_space<vmem_shared>> -> memref<10240x128xf32, #tpu.memory_space<vmem_shared>>
      tpu.enqueue_indirect_dma source(%dma_start3A_290 : memref<128x128xf32, #tpu.memory_space<vmem>>) target(%dma_start3A_296 : memref<10240x128xf32, #tpu.memory_space<vmem_shared>>) offsets(%dma_start3A_293 : memref<128xi32, #tpu.memory_space<vmem>>) semaphore(%arg13 : memref<!tpu.dma_semaphore, #tpu.memory_space<semaphore_mem>>) {add = true}
      %dma_wait3A_297 = arith.constant 128 : i32
      %dma_wait3A_298 = arith.constant 0 : i32
      %dma_wait3A_299 = tpu.memref_slice %arg11[%dma_wait3A_297, %dma_wait3A_298] : memref<256x128xf32, #tpu.memory_space<vmem>> -> memref<128x128xf32, #tpu.memory_space<vmem>>
      %dma_wait3A_300 = arith.constant 0 : i32
      %dma_wait3A_301 = tpu.memref_slice %arg10[%add3A_287, %dma_wait3A_300] : memref<40x128xi32, #tpu.memory_space<vmem>> -> memref<1x128xi32, #tpu.memory_space<vmem>>
      %dma_wait3A_302 = tpu.memref_squeeze %dma_wait3A_301 : memref<1x128xi32, #tpu.memory_space<vmem>> -> memref<128xi32, #tpu.memory_space<vmem>>
      %dma_wait3A_303 = arith.constant 0 : i32
      %dma_wait3A_304 = arith.constant 0 : i32
      %dma_wait3A_305 = tpu.memref_slice %arg8[%dma_wait3A_303, %dma_wait3A_304] : memref<10240x128xf32, #tpu.memory_space<vmem_shared>> -> memref<10240x128xf32, #tpu.memory_space<vmem_shared>>
      tpu.wait_indirect_dma semaphore(%arg13 : memref<!tpu.dma_semaphore, #tpu.memory_space<semaphore_mem>>) src(%dma_wait3A_299 : memref<128x128xf32, #tpu.memory_space<vmem>>) dst(%dma_wait3A_305 : memref<10240x128xf32, #tpu.memory_space<vmem_shared>>)
      %add3A_306 = arith.constant 7 : i32
      %add3A_307 = arith.addi %add3A_56, %add3A_306 : i32
      %dma_start3A_308 = arith.constant 128 : i32
      %dma_start3A_309 = arith.constant 0 : i32
      %dma_start3A_310 = tpu.memref_slice %arg11[%dma_start3A_308, %dma_start3A_309] : memref<256x128xf32, #tpu.memory_space<vmem>> -> memref<128x128xf32, #tpu.memory_space<vmem>>
      %dma_start3A_311 = arith.constant 0 : i32
      %dma_start3A_312 = tpu.memref_slice %arg9[%add3A_307, %dma_start3A_311] : memref<40x128xi32, #tpu.memory_space<vmem>> -> memref<1x128xi32, #tpu.memory_space<vmem>>
      %dma_start3A_313 = tpu.memref_squeeze %dma_start3A_312 : memref<1x128xi32, #tpu.memory_space<vmem>> -> memref<128xi32, #tpu.memory_space<vmem>>
      %dma_start3A_314 = arith.constant 0 : i32
      %dma_start3A_315 = arith.constant 0 : i32
      %dma_start3A_316 = tpu.memref_slice %arg2[%dma_start3A_314, %dma_start3A_315] : memref<20480x128xf32, #tpu.memory_space<hbm>> -> memref<20480x128xf32, #tpu.memory_space<hbm>>
      tpu.enqueue_indirect_dma source(%dma_start3A_316 : memref<20480x128xf32, #tpu.memory_space<hbm>>) target(%dma_start3A_310 : memref<128x128xf32, #tpu.memory_space<vmem>>) offsets(%dma_start3A_313 : memref<128xi32, #tpu.memory_space<vmem>>) semaphore(%arg12 : memref<!tpu.dma_semaphore, #tpu.memory_space<semaphore_mem>>)
      %dma_wait3A_317 = arith.constant 0 : i32
      %dma_wait3A_318 = arith.constant 0 : i32
      %dma_wait3A_319 = tpu.memref_slice %arg11[%dma_wait3A_317, %dma_wait3A_318] : memref<256x128xf32, #tpu.memory_space<vmem>> -> memref<128x128xf32, #tpu.memory_space<vmem>>
      %dma_wait3A_320 = arith.constant 0 : i32
      %dma_wait3A_321 = tpu.memref_slice %arg9[%add3A_267, %dma_wait3A_320] : memref<40x128xi32, #tpu.memory_space<vmem>> -> memref<1x128xi32, #tpu.memory_space<vmem>>
      %dma_wait3A_322 = tpu.memref_squeeze %dma_wait3A_321 : memref<1x128xi32, #tpu.memory_space<vmem>> -> memref<128xi32, #tpu.memory_space<vmem>>
      %dma_wait3A_323 = arith.constant 0 : i32
      %dma_wait3A_324 = arith.constant 0 : i32
      %dma_wait3A_325 = tpu.memref_slice %arg2[%dma_wait3A_323, %dma_wait3A_324] : memref<20480x128xf32, #tpu.memory_space<hbm>> -> memref<20480x128xf32, #tpu.memory_space<hbm>>
      tpu.wait_indirect_dma semaphore(%arg12 : memref<!tpu.dma_semaphore, #tpu.memory_space<semaphore_mem>>) src(%dma_wait3A_325 : memref<20480x128xf32, #tpu.memory_space<hbm>>) dst(%dma_wait3A_319 : memref<128x128xf32, #tpu.memory_space<vmem>>)
      %add3A_326 = arith.constant 6 : i32
      %add3A_327 = arith.addi %add3A_56, %add3A_326 : i32
      %dma_start3A_328 = arith.constant 0 : i32
      %dma_start3A_329 = arith.constant 0 : i32
      %dma_start3A_330 = tpu.memref_slice %arg11[%dma_start3A_328, %dma_start3A_329] : memref<256x128xf32, #tpu.memory_space<vmem>> -> memref<128x128xf32, #tpu.memory_space<vmem>>
      %dma_start3A_331 = arith.constant 0 : i32
      %dma_start3A_332 = tpu.memref_slice %arg10[%add3A_327, %dma_start3A_331] : memref<40x128xi32, #tpu.memory_space<vmem>> -> memref<1x128xi32, #tpu.memory_space<vmem>>
      %dma_start3A_333 = tpu.memref_squeeze %dma_start3A_332 : memref<1x128xi32, #tpu.memory_space<vmem>> -> memref<128xi32, #tpu.memory_space<vmem>>
      %dma_start3A_334 = arith.constant 0 : i32
      %dma_start3A_335 = arith.constant 0 : i32
      %dma_start3A_336 = tpu.memref_slice %arg8[%dma_start3A_334, %dma_start3A_335] : memref<10240x128xf32, #tpu.memory_space<vmem_shared>> -> memref<10240x128xf32, #tpu.memory_space<vmem_shared>>
      tpu.enqueue_indirect_dma source(%dma_start3A_330 : memref<128x128xf32, #tpu.memory_space<vmem>>) target(%dma_start3A_336 : memref<10240x128xf32, #tpu.memory_space<vmem_shared>>) offsets(%dma_start3A_333 : memref<128xi32, #tpu.memory_space<vmem>>) semaphore(%arg13 : memref<!tpu.dma_semaphore, #tpu.memory_space<semaphore_mem>>) {add = true}
      %dma_wait3A_337 = arith.constant 128 : i32
      %dma_wait3A_338 = arith.constant 0 : i32
      %dma_wait3A_339 = tpu.memref_slice %arg11[%dma_wait3A_337, %dma_wait3A_338] : memref<256x128xf32, #tpu.memory_space<vmem>> -> memref<128x128xf32, #tpu.memory_space<vmem>>
      %dma_wait3A_340 = arith.constant 0 : i32
      %dma_wait3A_341 = tpu.memref_slice %arg9[%add3A_307, %dma_wait3A_340] : memref<40x128xi32, #tpu.memory_space<vmem>> -> memref<1x128xi32, #tpu.memory_space<vmem>>
      %dma_wait3A_342 = tpu.memref_squeeze %dma_wait3A_341 : memref<1x128xi32, #tpu.memory_space<vmem>> -> memref<128xi32, #tpu.memory_space<vmem>>
      %dma_wait3A_343 = arith.constant 0 : i32
      %dma_wait3A_344 = arith.constant 0 : i32
      %dma_wait3A_345 = tpu.memref_slice %arg2[%dma_wait3A_343, %dma_wait3A_344] : memref<20480x128xf32, #tpu.memory_space<hbm>> -> memref<20480x128xf32, #tpu.memory_space<hbm>>
      tpu.wait_indirect_dma semaphore(%arg12 : memref<!tpu.dma_semaphore, #tpu.memory_space<semaphore_mem>>) src(%dma_wait3A_345 : memref<20480x128xf32, #tpu.memory_space<hbm>>) dst(%dma_wait3A_339 : memref<128x128xf32, #tpu.memory_space<vmem>>)
      %add3A_346 = arith.constant 7 : i32
      %add3A_347 = arith.addi %add3A_56, %add3A_346 : i32
      %dma_start3A_348 = arith.constant 128 : i32
      %dma_start3A_349 = arith.constant 0 : i32
      %dma_start3A_350 = tpu.memref_slice %arg11[%dma_start3A_348, %dma_start3A_349] : memref<256x128xf32, #tpu.memory_space<vmem>> -> memref<128x128xf32, #tpu.memory_space<vmem>>
      %dma_start3A_351 = arith.constant 0 : i32
      %dma_start3A_352 = tpu.memref_slice %arg10[%add3A_347, %dma_start3A_351] : memref<40x128xi32, #tpu.memory_space<vmem>> -> memref<1x128xi32, #tpu.memory_space<vmem>>
      %dma_start3A_353 = tpu.memref_squeeze %dma_start3A_352 : memref<1x128xi32, #tpu.memory_space<vmem>> -> memref<128xi32, #tpu.memory_space<vmem>>
      %dma_start3A_354 = arith.constant 0 : i32
      %dma_start3A_355 = arith.constant 0 : i32
      %dma_start3A_356 = tpu.memref_slice %arg8[%dma_start3A_354, %dma_start3A_355] : memref<10240x128xf32, #tpu.memory_space<vmem_shared>> -> memref<10240x128xf32, #tpu.memory_space<vmem_shared>>
      tpu.enqueue_indirect_dma source(%dma_start3A_350 : memref<128x128xf32, #tpu.memory_space<vmem>>) target(%dma_start3A_356 : memref<10240x128xf32, #tpu.memory_space<vmem_shared>>) offsets(%dma_start3A_353 : memref<128xi32, #tpu.memory_space<vmem>>) semaphore(%arg13 : memref<!tpu.dma_semaphore, #tpu.memory_space<semaphore_mem>>) {add = true}
      %dma_wait3A_357 = arith.constant 0 : i32
      %dma_wait3A_358 = arith.constant 0 : i32
      %dma_wait3A_359 = tpu.memref_slice %arg11[%dma_wait3A_357, %dma_wait3A_358] : memref<256x128xf32, #tpu.memory_space<vmem>> -> memref<128x128xf32, #tpu.memory_space<vmem>>
      %dma_wait3A_360 = arith.constant 0 : i32
      %dma_wait3A_361 = tpu.memref_slice %arg10[%add3A_327, %dma_wait3A_360] : memref<40x128xi32, #tpu.memory_space<vmem>> -> memref<1x128xi32, #tpu.memory_space<vmem>>
      %dma_wait3A_362 = tpu.memref_squeeze %dma_wait3A_361 : memref<1x128xi32, #tpu.memory_space<vmem>> -> memref<128xi32, #tpu.memory_space<vmem>>
      %dma_wait3A_363 = arith.constant 0 : i32
      %dma_wait3A_364 = arith.constant 0 : i32
      %dma_wait3A_365 = tpu.memref_slice %arg8[%dma_wait3A_363, %dma_wait3A_364] : memref<10240x128xf32, #tpu.memory_space<vmem_shared>> -> memref<10240x128xf32, #tpu.memory_space<vmem_shared>>
      tpu.wait_indirect_dma semaphore(%arg13 : memref<!tpu.dma_semaphore, #tpu.memory_space<semaphore_mem>>) src(%dma_wait3A_359 : memref<128x128xf32, #tpu.memory_space<vmem>>) dst(%dma_wait3A_365 : memref<10240x128xf32, #tpu.memory_space<vmem_shared>>)
      %dma_wait3A_366 = arith.constant 128 : i32
      %dma_wait3A_367 = arith.constant 0 : i32
      %dma_wait3A_368 = tpu.memref_slice %arg11[%dma_wait3A_366, %dma_wait3A_367] : memref<256x128xf32, #tpu.memory_space<vmem>> -> memref<128x128xf32, #tpu.memory_space<vmem>>
      %dma_wait3A_369 = arith.constant 0 : i32
      %dma_wait3A_370 = tpu.memref_slice %arg10[%add3A_347, %dma_wait3A_369] : memref<40x128xi32, #tpu.memory_space<vmem>> -> memref<1x128xi32, #tpu.memory_space<vmem>>
      %dma_wait3A_371 = tpu.memref_squeeze %dma_wait3A_370 : memref<1x128xi32, #tpu.memory_space<vmem>> -> memref<128xi32, #tpu.memory_space<vmem>>
      %dma_wait3A_372 = arith.constant 0 : i32
      %dma_wait3A_373 = arith.constant 0 : i32
      %dma_wait3A_374 = tpu.memref_slice %arg8[%dma_wait3A_372, %dma_wait3A_373] : memref<10240x128xf32, #tpu.memory_space<vmem_shared>> -> memref<10240x128xf32, #tpu.memory_space<vmem_shared>>
      tpu.wait_indirect_dma semaphore(%arg13 : memref<!tpu.dma_semaphore, #tpu.memory_space<semaphore_mem>>) src(%dma_wait3A_368 : memref<128x128xf32, #tpu.memory_space<vmem>>) dst(%dma_wait3A_374 : memref<10240x128xf32, #tpu.memory_space<vmem_shared>>)
    }
    %scan3A_28 = arith.constant 5 : i32
    %eq3A_29 = arith.constant 0 : i32
    %eq3A_30 = arith.cmpi eq, %arg0, %eq3A_29 : i32
    %convert_element_type3A_31 = arith.extui %eq3A_30 : i1 to i32
    %cond3A_32 = arith.constant 0 : i32
    %cond3A_33 = arith.cmpi ne, %convert_element_type3A_31, %cond3A_32 : i32
    scf.if %cond3A_33 {
      "tpu.region"() ({
        %run_scoped3A = tpu.sem_alloc : memref<!tpu.dma_semaphore, #tpu.memory_space<semaphore_mem>>
        %dma_start3A = arith.constant 40 : i32
        %dma_start3A_52 = arith.constant 0 : i32
        %dma_start3A_53 = tpu.memref_slice %arg3[%arg1, %dma_start3A, %dma_start3A_52] : memref<16x80x128xi32, #tpu.memory_space<hbm>> -> memref<1x40x128xi32, #tpu.memory_space<hbm>>
        %dma_start3A_54 = tpu.memref_squeeze %dma_start3A_53 : memref<1x40x128xi32, #tpu.memory_space<hbm>> -> memref<40x128xi32, #tpu.memory_space<hbm>>
        %dma_start3A_55 = arith.constant 40 : i32
        %dma_start3A_56 = arith.constant 0 : i32
        %dma_start3A_57 = tpu.memref_slice %arg3[%arg1, %dma_start3A_55, %dma_start3A_56] : memref<16x80x128xi32, #tpu.memory_space<hbm>> -> memref<1x40x128xi32, #tpu.memory_space<hbm>>
        %dma_start3A_58 = tpu.memref_squeeze %dma_start3A_57 : memref<1x40x128xi32, #tpu.memory_space<hbm>> -> memref<40x128xi32, #tpu.memory_space<hbm>>
        tpu.enqueue_dma source(%dma_start3A_58 : memref<40x128xi32, #tpu.memory_space<hbm>>) target(%arg9 : memref<40x128xi32, #tpu.memory_space<vmem>>) target_semaphore(%run_scoped3A : memref<!tpu.dma_semaphore, #tpu.memory_space<semaphore_mem>>)
        %dma_wait3A = arith.constant 40 : i32
        %dma_wait3A_59 = arith.constant 0 : i32
        %dma_wait3A_60 = tpu.memref_slice %arg3[%arg1, %dma_wait3A, %dma_wait3A_59] : memref<16x80x128xi32, #tpu.memory_space<hbm>> -> memref<1x40x128xi32, #tpu.memory_space<hbm>>
        %dma_wait3A_61 = tpu.memref_squeeze %dma_wait3A_60 : memref<1x40x128xi32, #tpu.memory_space<hbm>> -> memref<40x128xi32, #tpu.memory_space<hbm>>
        %dma_wait3A_62 = arith.constant 40 : i32
        %dma_wait3A_63 = arith.constant 0 : i32
        %dma_wait3A_64 = tpu.memref_slice %arg3[%arg1, %dma_wait3A_62, %dma_wait3A_63] : memref<16x80x128xi32, #tpu.memory_space<hbm>> -> memref<1x40x128xi32, #tpu.memory_space<hbm>>
        %dma_wait3A_65 = tpu.memref_squeeze %dma_wait3A_64 : memref<1x40x128xi32, #tpu.memory_space<hbm>> -> memref<40x128xi32, #tpu.memory_space<hbm>>
        tpu.wait_dma2 semaphore(%run_scoped3A : memref<!tpu.dma_semaphore, #tpu.memory_space<semaphore_mem>>) src(%dma_wait3A_65 : memref<40x128xi32, #tpu.memory_space<hbm>>) dst(%arg9 : memref<40x128xi32, #tpu.memory_space<vmem>>)
        tpu.yield
      }) : () -> ()
    } else {
    }
    %eq3A_34 = arith.constant 1 : i32
    %eq3A_35 = arith.cmpi eq, %arg0, %eq3A_34 : i32
    %convert_element_type3A_36 = arith.extui %eq3A_35 : i1 to i32
    %cond3A_37 = arith.constant 0 : i32
    %cond3A_38 = arith.cmpi ne, %convert_element_type3A_36, %cond3A_37 : i32
    scf.if %cond3A_38 {
      "tpu.region"() ({
        %run_scoped3A = tpu.sem_alloc : memref<!tpu.dma_semaphore, #tpu.memory_space<semaphore_mem>>
        %dma_start3A = arith.constant 40 : i32
        %dma_start3A_52 = arith.constant 0 : i32
        %dma_start3A_53 = tpu.memref_slice %arg4[%arg1, %dma_start3A, %dma_start3A_52] : memref<16x80x128xi32, #tpu.memory_space<hbm>> -> memref<1x40x128xi32, #tpu.memory_space<hbm>>
        %dma_start3A_54 = tpu.memref_squeeze %dma_start3A_53 : memref<1x40x128xi32, #tpu.memory_space<hbm>> -> memref<40x128xi32, #tpu.memory_space<hbm>>
        %dma_start3A_55 = arith.constant 40 : i32
        %dma_start3A_56 = arith.constant 0 : i32
        %dma_start3A_57 = tpu.memref_slice %arg4[%arg1, %dma_start3A_55, %dma_start3A_56] : memref<16x80x128xi32, #tpu.memory_space<hbm>> -> memref<1x40x128xi32, #tpu.memory_space<hbm>>
        %dma_start3A_58 = tpu.memref_squeeze %dma_start3A_57 : memref<1x40x128xi32, #tpu.memory_space<hbm>> -> memref<40x128xi32, #tpu.memory_space<hbm>>
        tpu.enqueue_dma source(%dma_start3A_58 : memref<40x128xi32, #tpu.memory_space<hbm>>) target(%arg9 : memref<40x128xi32, #tpu.memory_space<vmem>>) target_semaphore(%run_scoped3A : memref<!tpu.dma_semaphore, #tpu.memory_space<semaphore_mem>>)
        %dma_wait3A = arith.constant 40 : i32
        %dma_wait3A_59 = arith.constant 0 : i32
        %dma_wait3A_60 = tpu.memref_slice %arg4[%arg1, %dma_wait3A, %dma_wait3A_59] : memref<16x80x128xi32, #tpu.memory_space<hbm>> -> memref<1x40x128xi32, #tpu.memory_space<hbm>>
        %dma_wait3A_61 = tpu.memref_squeeze %dma_wait3A_60 : memref<1x40x128xi32, #tpu.memory_space<hbm>> -> memref<40x128xi32, #tpu.memory_space<hbm>>
        %dma_wait3A_62 = arith.constant 40 : i32
        %dma_wait3A_63 = arith.constant 0 : i32
        %dma_wait3A_64 = tpu.memref_slice %arg4[%arg1, %dma_wait3A_62, %dma_wait3A_63] : memref<16x80x128xi32, #tpu.memory_space<hbm>> -> memref<1x40x128xi32, #tpu.memory_space<hbm>>
        %dma_wait3A_65 = tpu.memref_squeeze %dma_wait3A_64 : memref<1x40x128xi32, #tpu.memory_space<hbm>> -> memref<40x128xi32, #tpu.memory_space<hbm>>
        tpu.wait_dma2 semaphore(%run_scoped3A : memref<!tpu.dma_semaphore, #tpu.memory_space<semaphore_mem>>) src(%dma_wait3A_65 : memref<40x128xi32, #tpu.memory_space<hbm>>) dst(%arg9 : memref<40x128xi32, #tpu.memory_space<vmem>>)
        tpu.yield
      }) : () -> ()
    } else {
    }
    "tpu.region"() ({
      %run_scoped3A = tpu.sem_alloc : memref<!tpu.dma_semaphore, #tpu.memory_space<semaphore_mem>>
      %dma_start3A = arith.constant 40 : i32
      %dma_start3A_52 = arith.constant 0 : i32
      %dma_start3A_53 = tpu.memref_slice %arg5[%arg1, %dma_start3A, %dma_start3A_52] : memref<16x80x128xi32, #tpu.memory_space<hbm>> -> memref<1x40x128xi32, #tpu.memory_space<hbm>>
      %dma_start3A_54 = tpu.memref_squeeze %dma_start3A_53 : memref<1x40x128xi32, #tpu.memory_space<hbm>> -> memref<40x128xi32, #tpu.memory_space<hbm>>
      %dma_start3A_55 = arith.constant 40 : i32
      %dma_start3A_56 = arith.constant 0 : i32
      %dma_start3A_57 = tpu.memref_slice %arg5[%arg1, %dma_start3A_55, %dma_start3A_56] : memref<16x80x128xi32, #tpu.memory_space<hbm>> -> memref<1x40x128xi32, #tpu.memory_space<hbm>>
      %dma_start3A_58 = tpu.memref_squeeze %dma_start3A_57 : memref<1x40x128xi32, #tpu.memory_space<hbm>> -> memref<40x128xi32, #tpu.memory_space<hbm>>
      tpu.enqueue_dma source(%dma_start3A_58 : memref<40x128xi32, #tpu.memory_space<hbm>>) target(%arg10 : memref<40x128xi32, #tpu.memory_space<vmem>>) target_semaphore(%run_scoped3A : memref<!tpu.dma_semaphore, #tpu.memory_space<semaphore_mem>>)
      %dma_wait3A = arith.constant 40 : i32
      %dma_wait3A_59 = arith.constant 0 : i32
      %dma_wait3A_60 = tpu.memref_slice %arg5[%arg1, %dma_wait3A, %dma_wait3A_59] : memref<16x80x128xi32, #tpu.memory_space<hbm>> -> memref<1x40x128xi32, #tpu.memory_space<hbm>>
      %dma_wait3A_61 = tpu.memref_squeeze %dma_wait3A_60 : memref<1x40x128xi32, #tpu.memory_space<hbm>> -> memref<40x128xi32, #tpu.memory_space<hbm>>
      %dma_wait3A_62 = arith.constant 40 : i32
      %dma_wait3A_63 = arith.constant 0 : i32
      %dma_wait3A_64 = tpu.memref_slice %arg5[%arg1, %dma_wait3A_62, %dma_wait3A_63] : memref<16x80x128xi32, #tpu.memory_space<hbm>> -> memref<1x40x128xi32, #tpu.memory_space<hbm>>
      %dma_wait3A_65 = tpu.memref_squeeze %dma_wait3A_64 : memref<1x40x128xi32, #tpu.memory_space<hbm>> -> memref<40x128xi32, #tpu.memory_space<hbm>>
      tpu.wait_dma2 semaphore(%run_scoped3A : memref<!tpu.dma_semaphore, #tpu.memory_space<semaphore_mem>>) src(%dma_wait3A_65 : memref<40x128xi32, #tpu.memory_space<hbm>>) dst(%arg10 : memref<40x128xi32, #tpu.memory_space<vmem>>)
      tpu.yield
    }) : () -> ()
    %scan3A_39 = arith.constant 0 : i32
    %scan3A_40 = arith.constant 5 : i32
    %scan3A_41 = arith.addi %scan3A_39, %scan3A_40 : i32
    %scan3A_42 = arith.constant 1 : i32
    scf.for %scan3A_52 = %scan3A_39 to %scan3A_41 step %scan3A_42  : i32 {
      %mul3A_53 = arith.constant 8 : i32
      %mul3A_54 = arith.muli %scan3A_52, %mul3A_53 : i32
      %add3A_55 = arith.constant 0 : i32
      %add3A_56 = arith.addi %add3A_55, %mul3A_54 : i32
      %add3A_57 = arith.constant 0 : i32
      %add3A_58 = arith.addi %add3A_56, %add3A_57 : i32
      %dma_start3A = arith.constant 0 : i32
      %dma_start3A_59 = arith.constant 0 : i32
      %dma_start3A_60 = tpu.memref_slice %arg11[%dma_start3A, %dma_start3A_59] : memref<256x128xf32, #tpu.memory_space<vmem>> -> memref<128x128xf32, #tpu.memory_space<vmem>>
      %dma_start3A_61 = arith.constant 0 : i32
      %dma_start3A_62 = tpu.memref_slice %arg9[%add3A_58, %dma_start3A_61] : memref<40x128xi32, #tpu.memory_space<vmem>> -> memref<1x128xi32, #tpu.memory_space<vmem>>
      %dma_start3A_63 = tpu.memref_squeeze %dma_start3A_62 : memref<1x128xi32, #tpu.memory_space<vmem>> -> memref<128xi32, #tpu.memory_space<vmem>>
      %dma_start3A_64 = arith.constant 0 : i32
      %dma_start3A_65 = arith.constant 0 : i32
      %dma_start3A_66 = tpu.memref_slice %arg2[%dma_start3A_64, %dma_start3A_65] : memref<20480x128xf32, #tpu.memory_space<hbm>> -> memref<20480x128xf32, #tpu.memory_space<hbm>>
      tpu.enqueue_indirect_dma source(%dma_start3A_66 : memref<20480x128xf32, #tpu.memory_space<hbm>>) target(%dma_start3A_60 : memref<128x128xf32, #tpu.memory_space<vmem>>) offsets(%dma_start3A_63 : memref<128xi32, #tpu.memory_space<vmem>>) semaphore(%arg12 : memref<!tpu.dma_semaphore, #tpu.memory_space<semaphore_mem>>)
      %add3A_67 = arith.constant 1 : i32
      %add3A_68 = arith.addi %add3A_56, %add3A_67 : i32
      %dma_start3A_69 = arith.constant 128 : i32
      %dma_start3A_70 = arith.constant 0 : i32
      %dma_start3A_71 = tpu.memref_slice %arg11[%dma_start3A_69, %dma_start3A_70] : memref<256x128xf32, #tpu.memory_space<vmem>> -> memref<128x128xf32, #tpu.memory_space<vmem>>
      %dma_start3A_72 = arith.constant 0 : i32
      %dma_start3A_73 = tpu.memref_slice %arg9[%add3A_68, %dma_start3A_72] : memref<40x128xi32, #tpu.memory_space<vmem>> -> memref<1x128xi32, #tpu.memory_space<vmem>>
      %dma_start3A_74 = tpu.memref_squeeze %dma_start3A_73 : memref<1x128xi32, #tpu.memory_space<vmem>> -> memref<128xi32, #tpu.memory_space<vmem>>
      %dma_start3A_75 = arith.constant 0 : i32
      %dma_start3A_76 = arith.constant 0 : i32
      %dma_start3A_77 = tpu.memref_slice %arg2[%dma_start3A_75, %dma_start3A_76] : memref<20480x128xf32, #tpu.memory_space<hbm>> -> memref<20480x128xf32, #tpu.memory_space<hbm>>
      tpu.enqueue_indirect_dma source(%dma_start3A_77 : memref<20480x128xf32, #tpu.memory_space<hbm>>) target(%dma_start3A_71 : memref<128x128xf32, #tpu.memory_space<vmem>>) offsets(%dma_start3A_74 : memref<128xi32, #tpu.memory_space<vmem>>) semaphore(%arg12 : memref<!tpu.dma_semaphore, #tpu.memory_space<semaphore_mem>>)
      %dma_wait3A = arith.constant 0 : i32
      %dma_wait3A_78 = arith.constant 0 : i32
      %dma_wait3A_79 = tpu.memref_slice %arg11[%dma_wait3A, %dma_wait3A_78] : memref<256x128xf32, #tpu.memory_space<vmem>> -> memref<128x128xf32, #tpu.memory_space<vmem>>
      %dma_wait3A_80 = arith.constant 0 : i32
      %dma_wait3A_81 = tpu.memref_slice %arg9[%add3A_58, %dma_wait3A_80] : memref<40x128xi32, #tpu.memory_space<vmem>> -> memref<1x128xi32, #tpu.memory_space<vmem>>
      %dma_wait3A_82 = tpu.memref_squeeze %dma_wait3A_81 : memref<1x128xi32, #tpu.memory_space<vmem>> -> memref<128xi32, #tpu.memory_space<vmem>>
      %dma_wait3A_83 = arith.constant 0 : i32
      %dma_wait3A_84 = arith.constant 0 : i32
      %dma_wait3A_85 = tpu.memref_slice %arg2[%dma_wait3A_83, %dma_wait3A_84] : memref<20480x128xf32, #tpu.memory_space<hbm>> -> memref<20480x128xf32, #tpu.memory_space<hbm>>
      tpu.wait_indirect_dma semaphore(%arg12 : memref<!tpu.dma_semaphore, #tpu.memory_space<semaphore_mem>>) src(%dma_wait3A_85 : memref<20480x128xf32, #tpu.memory_space<hbm>>) dst(%dma_wait3A_79 : memref<128x128xf32, #tpu.memory_space<vmem>>)
      %add3A_86 = arith.constant 0 : i32
      %add3A_87 = arith.addi %add3A_56, %add3A_86 : i32
      %dma_start3A_88 = arith.constant 0 : i32
      %dma_start3A_89 = arith.constant 0 : i32
      %dma_start3A_90 = tpu.memref_slice %arg11[%dma_start3A_88, %dma_start3A_89] : memref<256x128xf32, #tpu.memory_space<vmem>> -> memref<128x128xf32, #tpu.memory_space<vmem>>
      %dma_start3A_91 = arith.constant 0 : i32
      %dma_start3A_92 = tpu.memref_slice %arg10[%add3A_87, %dma_start3A_91] : memref<40x128xi32, #tpu.memory_space<vmem>> -> memref<1x128xi32, #tpu.memory_space<vmem>>
      %dma_start3A_93 = tpu.memref_squeeze %dma_start3A_92 : memref<1x128xi32, #tpu.memory_space<vmem>> -> memref<128xi32, #tpu.memory_space<vmem>>
      %dma_start3A_94 = arith.constant 0 : i32
      %dma_start3A_95 = arith.constant 0 : i32
      %dma_start3A_96 = tpu.memref_slice %arg8[%dma_start3A_94, %dma_start3A_95] : memref<10240x128xf32, #tpu.memory_space<vmem_shared>> -> memref<10240x128xf32, #tpu.memory_space<vmem_shared>>
      tpu.enqueue_indirect_dma source(%dma_start3A_90 : memref<128x128xf32, #tpu.memory_space<vmem>>) target(%dma_start3A_96 : memref<10240x128xf32, #tpu.memory_space<vmem_shared>>) offsets(%dma_start3A_93 : memref<128xi32, #tpu.memory_space<vmem>>) semaphore(%arg13 : memref<!tpu.dma_semaphore, #tpu.memory_space<semaphore_mem>>) {add = true}
      %dma_wait3A_97 = arith.constant 0 : i32
      %dma_wait3A_98 = arith.constant 0 : i32
      %dma_wait3A_99 = tpu.memref_slice %arg11[%dma_wait3A_97, %dma_wait3A_98] : memref<256x128xf32, #tpu.memory_space<vmem>> -> memref<128x128xf32, #tpu.memory_space<vmem>>
      %dma_wait3A_100 = arith.constant 0 : i32
      %dma_wait3A_101 = tpu.memref_slice %arg10[%add3A_87, %dma_wait3A_100] : memref<40x128xi32, #tpu.memory_space<vmem>> -> memref<1x128xi32, #tpu.memory_space<vmem>>
      %dma_wait3A_102 = tpu.memref_squeeze %dma_wait3A_101 : memref<1x128xi32, #tpu.memory_space<vmem>> -> memref<128xi32, #tpu.memory_space<vmem>>
      %dma_wait3A_103 = arith.constant 0 : i32
      %dma_wait3A_104 = arith.constant 0 : i32
      %dma_wait3A_105 = tpu.memref_slice %arg8[%dma_wait3A_103, %dma_wait3A_104] : memref<10240x128xf32, #tpu.memory_space<vmem_shared>> -> memref<10240x128xf32, #tpu.memory_space<vmem_shared>>
      tpu.wait_indirect_dma semaphore(%arg13 : memref<!tpu.dma_semaphore, #tpu.memory_space<semaphore_mem>>) src(%dma_wait3A_99 : memref<128x128xf32, #tpu.memory_space<vmem>>) dst(%dma_wait3A_105 : memref<10240x128xf32, #tpu.memory_space<vmem_shared>>)
      %add3A_106 = arith.constant 2 : i32
      %add3A_107 = arith.addi %add3A_56, %add3A_106 : i32
      %dma_start3A_108 = arith.constant 0 : i32
      %dma_start3A_109 = arith.constant 0 : i32
      %dma_start3A_110 = tpu.memref_slice %arg11[%dma_start3A_108, %dma_start3A_109] : memref<256x128xf32, #tpu.memory_space<vmem>> -> memref<128x128xf32, #tpu.memory_space<vmem>>
      %dma_start3A_111 = arith.constant 0 : i32
      %dma_start3A_112 = tpu.memref_slice %arg9[%add3A_107, %dma_start3A_111] : memref<40x128xi32, #tpu.memory_space<vmem>> -> memref<1x128xi32, #tpu.memory_space<vmem>>
      %dma_start3A_113 = tpu.memref_squeeze %dma_start3A_112 : memref<1x128xi32, #tpu.memory_space<vmem>> -> memref<128xi32, #tpu.memory_space<vmem>>
      %dma_start3A_114 = arith.constant 0 : i32
      %dma_start3A_115 = arith.constant 0 : i32
      %dma_start3A_116 = tpu.memref_slice %arg2[%dma_start3A_114, %dma_start3A_115] : memref<20480x128xf32, #tpu.memory_space<hbm>> -> memref<20480x128xf32, #tpu.memory_space<hbm>>
      tpu.enqueue_indirect_dma source(%dma_start3A_116 : memref<20480x128xf32, #tpu.memory_space<hbm>>) target(%dma_start3A_110 : memref<128x128xf32, #tpu.memory_space<vmem>>) offsets(%dma_start3A_113 : memref<128xi32, #tpu.memory_space<vmem>>) semaphore(%arg12 : memref<!tpu.dma_semaphore, #tpu.memory_space<semaphore_mem>>)
      %dma_wait3A_117 = arith.constant 128 : i32
      %dma_wait3A_118 = arith.constant 0 : i32
      %dma_wait3A_119 = tpu.memref_slice %arg11[%dma_wait3A_117, %dma_wait3A_118] : memref<256x128xf32, #tpu.memory_space<vmem>> -> memref<128x128xf32, #tpu.memory_space<vmem>>
      %dma_wait3A_120 = arith.constant 0 : i32
      %dma_wait3A_121 = tpu.memref_slice %arg9[%add3A_68, %dma_wait3A_120] : memref<40x128xi32, #tpu.memory_space<vmem>> -> memref<1x128xi32, #tpu.memory_space<vmem>>
      %dma_wait3A_122 = tpu.memref_squeeze %dma_wait3A_121 : memref<1x128xi32, #tpu.memory_space<vmem>> -> memref<128xi32, #tpu.memory_space<vmem>>
      %dma_wait3A_123 = arith.constant 0 : i32
      %dma_wait3A_124 = arith.constant 0 : i32
      %dma_wait3A_125 = tpu.memref_slice %arg2[%dma_wait3A_123, %dma_wait3A_124] : memref<20480x128xf32, #tpu.memory_space<hbm>> -> memref<20480x128xf32, #tpu.memory_space<hbm>>
      tpu.wait_indirect_dma semaphore(%arg12 : memref<!tpu.dma_semaphore, #tpu.memory_space<semaphore_mem>>) src(%dma_wait3A_125 : memref<20480x128xf32, #tpu.memory_space<hbm>>) dst(%dma_wait3A_119 : memref<128x128xf32, #tpu.memory_space<vmem>>)
      %add3A_126 = arith.constant 1 : i32
      %add3A_127 = arith.addi %add3A_56, %add3A_126 : i32
      %dma_start3A_128 = arith.constant 128 : i32
      %dma_start3A_129 = arith.constant 0 : i32
      %dma_start3A_130 = tpu.memref_slice %arg11[%dma_start3A_128, %dma_start3A_129] : memref<256x128xf32, #tpu.memory_space<vmem>> -> memref<128x128xf32, #tpu.memory_space<vmem>>
      %dma_start3A_131 = arith.constant 0 : i32
      %dma_start3A_132 = tpu.memref_slice %arg10[%add3A_127, %dma_start3A_131] : memref<40x128xi32, #tpu.memory_space<vmem>> -> memref<1x128xi32, #tpu.memory_space<vmem>>
      %dma_start3A_133 = tpu.memref_squeeze %dma_start3A_132 : memref<1x128xi32, #tpu.memory_space<vmem>> -> memref<128xi32, #tpu.memory_space<vmem>>
      %dma_start3A_134 = arith.constant 0 : i32
      %dma_start3A_135 = arith.constant 0 : i32
      %dma_start3A_136 = tpu.memref_slice %arg8[%dma_start3A_134, %dma_start3A_135] : memref<10240x128xf32, #tpu.memory_space<vmem_shared>> -> memref<10240x128xf32, #tpu.memory_space<vmem_shared>>
      tpu.enqueue_indirect_dma source(%dma_start3A_130 : memref<128x128xf32, #tpu.memory_space<vmem>>) target(%dma_start3A_136 : memref<10240x128xf32, #tpu.memory_space<vmem_shared>>) offsets(%dma_start3A_133 : memref<128xi32, #tpu.memory_space<vmem>>) semaphore(%arg13 : memref<!tpu.dma_semaphore, #tpu.memory_space<semaphore_mem>>) {add = true}
      %dma_wait3A_137 = arith.constant 128 : i32
      %dma_wait3A_138 = arith.constant 0 : i32
      %dma_wait3A_139 = tpu.memref_slice %arg11[%dma_wait3A_137, %dma_wait3A_138] : memref<256x128xf32, #tpu.memory_space<vmem>> -> memref<128x128xf32, #tpu.memory_space<vmem>>
      %dma_wait3A_140 = arith.constant 0 : i32
      %dma_wait3A_141 = tpu.memref_slice %arg10[%add3A_127, %dma_wait3A_140] : memref<40x128xi32, #tpu.memory_space<vmem>> -> memref<1x128xi32, #tpu.memory_space<vmem>>
      %dma_wait3A_142 = tpu.memref_squeeze %dma_wait3A_141 : memref<1x128xi32, #tpu.memory_space<vmem>> -> memref<128xi32, #tpu.memory_space<vmem>>
      %dma_wait3A_143 = arith.constant 0 : i32
      %dma_wait3A_144 = arith.constant 0 : i32
      %dma_wait3A_145 = tpu.memref_slice %arg8[%dma_wait3A_143, %dma_wait3A_144] : memref<10240x128xf32, #tpu.memory_space<vmem_shared>> -> memref<10240x128xf32, #tpu.memory_space<vmem_shared>>
      tpu.wait_indirect_dma semaphore(%arg13 : memref<!tpu.dma_semaphore, #tpu.memory_space<semaphore_mem>>) src(%dma_wait3A_139 : memref<128x128xf32, #tpu.memory_space<vmem>>) dst(%dma_wait3A_145 : memref<10240x128xf32, #tpu.memory_space<vmem_shared>>)
      %add3A_146 = arith.constant 3 : i32
      %add3A_147 = arith.addi %add3A_56, %add3A_146 : i32
      %dma_start3A_148 = arith.constant 128 : i32
      %dma_start3A_149 = arith.constant 0 : i32
      %dma_start3A_150 = tpu.memref_slice %arg11[%dma_start3A_148, %dma_start3A_149] : memref<256x128xf32, #tpu.memory_space<vmem>> -> memref<128x128xf32, #tpu.memory_space<vmem>>
      %dma_start3A_151 = arith.constant 0 : i32
      %dma_start3A_152 = tpu.memref_slice %arg9[%add3A_147, %dma_start3A_151] : memref<40x128xi32, #tpu.memory_space<vmem>> -> memref<1x128xi32, #tpu.memory_space<vmem>>
      %dma_start3A_153 = tpu.memref_squeeze %dma_start3A_152 : memref<1x128xi32, #tpu.memory_space<vmem>> -> memref<128xi32, #tpu.memory_space<vmem>>
      %dma_start3A_154 = arith.constant 0 : i32
      %dma_start3A_155 = arith.constant 0 : i32
      %dma_start3A_156 = tpu.memref_slice %arg2[%dma_start3A_154, %dma_start3A_155] : memref<20480x128xf32, #tpu.memory_space<hbm>> -> memref<20480x128xf32, #tpu.memory_space<hbm>>
      tpu.enqueue_indirect_dma source(%dma_start3A_156 : memref<20480x128xf32, #tpu.memory_space<hbm>>) target(%dma_start3A_150 : memref<128x128xf32, #tpu.memory_space<vmem>>) offsets(%dma_start3A_153 : memref<128xi32, #tpu.memory_space<vmem>>) semaphore(%arg12 : memref<!tpu.dma_semaphore, #tpu.memory_space<semaphore_mem>>)
      %dma_wait3A_157 = arith.constant 0 : i32
      %dma_wait3A_158 = arith.constant 0 : i32
      %dma_wait3A_159 = tpu.memref_slice %arg11[%dma_wait3A_157, %dma_wait3A_158] : memref<256x128xf32, #tpu.memory_space<vmem>> -> memref<128x128xf32, #tpu.memory_space<vmem>>
      %dma_wait3A_160 = arith.constant 0 : i32
      %dma_wait3A_161 = tpu.memref_slice %arg9[%add3A_107, %dma_wait3A_160] : memref<40x128xi32, #tpu.memory_space<vmem>> -> memref<1x128xi32, #tpu.memory_space<vmem>>
      %dma_wait3A_162 = tpu.memref_squeeze %dma_wait3A_161 : memref<1x128xi32, #tpu.memory_space<vmem>> -> memref<128xi32, #tpu.memory_space<vmem>>
      %dma_wait3A_163 = arith.constant 0 : i32
      %dma_wait3A_164 = arith.constant 0 : i32
      %dma_wait3A_165 = tpu.memref_slice %arg2[%dma_wait3A_163, %dma_wait3A_164] : memref<20480x128xf32, #tpu.memory_space<hbm>> -> memref<20480x128xf32, #tpu.memory_space<hbm>>
      tpu.wait_indirect_dma semaphore(%arg12 : memref<!tpu.dma_semaphore, #tpu.memory_space<semaphore_mem>>) src(%dma_wait3A_165 : memref<20480x128xf32, #tpu.memory_space<hbm>>) dst(%dma_wait3A_159 : memref<128x128xf32, #tpu.memory_space<vmem>>)
      %add3A_166 = arith.constant 2 : i32
      %add3A_167 = arith.addi %add3A_56, %add3A_166 : i32
      %dma_start3A_168 = arith.constant 0 : i32
      %dma_start3A_169 = arith.constant 0 : i32
      %dma_start3A_170 = tpu.memref_slice %arg11[%dma_start3A_168, %dma_start3A_169] : memref<256x128xf32, #tpu.memory_space<vmem>> -> memref<128x128xf32, #tpu.memory_space<vmem>>
      %dma_start3A_171 = arith.constant 0 : i32
      %dma_start3A_172 = tpu.memref_slice %arg10[%add3A_167, %dma_start3A_171] : memref<40x128xi32, #tpu.memory_space<vmem>> -> memref<1x128xi32, #tpu.memory_space<vmem>>
      %dma_start3A_173 = tpu.memref_squeeze %dma_start3A_172 : memref<1x128xi32, #tpu.memory_space<vmem>> -> memref<128xi32, #tpu.memory_space<vmem>>
      %dma_start3A_174 = arith.constant 0 : i32
      %dma_start3A_175 = arith.constant 0 : i32
      %dma_start3A_176 = tpu.memref_slice %arg8[%dma_start3A_174, %dma_start3A_175] : memref<10240x128xf32, #tpu.memory_space<vmem_shared>> -> memref<10240x128xf32, #tpu.memory_space<vmem_shared>>
      tpu.enqueue_indirect_dma source(%dma_start3A_170 : memref<128x128xf32, #tpu.memory_space<vmem>>) target(%dma_start3A_176 : memref<10240x128xf32, #tpu.memory_space<vmem_shared>>) offsets(%dma_start3A_173 : memref<128xi32, #tpu.memory_space<vmem>>) semaphore(%arg13 : memref<!tpu.dma_semaphore, #tpu.memory_space<semaphore_mem>>) {add = true}
      %dma_wait3A_177 = arith.constant 0 : i32
      %dma_wait3A_178 = arith.constant 0 : i32
      %dma_wait3A_179 = tpu.memref_slice %arg11[%dma_wait3A_177, %dma_wait3A_178] : memref<256x128xf32, #tpu.memory_space<vmem>> -> memref<128x128xf32, #tpu.memory_space<vmem>>
      %dma_wait3A_180 = arith.constant 0 : i32
      %dma_wait3A_181 = tpu.memref_slice %arg10[%add3A_167, %dma_wait3A_180] : memref<40x128xi32, #tpu.memory_space<vmem>> -> memref<1x128xi32, #tpu.memory_space<vmem>>
      %dma_wait3A_182 = tpu.memref_squeeze %dma_wait3A_181 : memref<1x128xi32, #tpu.memory_space<vmem>> -> memref<128xi32, #tpu.memory_space<vmem>>
      %dma_wait3A_183 = arith.constant 0 : i32
      %dma_wait3A_184 = arith.constant 0 : i32
      %dma_wait3A_185 = tpu.memref_slice %arg8[%dma_wait3A_183, %dma_wait3A_184] : memref<10240x128xf32, #tpu.memory_space<vmem_shared>> -> memref<10240x128xf32, #tpu.memory_space<vmem_shared>>
      tpu.wait_indirect_dma semaphore(%arg13 : memref<!tpu.dma_semaphore, #tpu.memory_space<semaphore_mem>>) src(%dma_wait3A_179 : memref<128x128xf32, #tpu.memory_space<vmem>>) dst(%dma_wait3A_185 : memref<10240x128xf32, #tpu.memory_space<vmem_shared>>)
      %add3A_186 = arith.constant 4 : i32
      %add3A_187 = arith.addi %add3A_56, %add3A_186 : i32
      %dma_start3A_188 = arith.constant 0 : i32
      %dma_start3A_189 = arith.constant 0 : i32
      %dma_start3A_190 = tpu.memref_slice %arg11[%dma_start3A_188, %dma_start3A_189] : memref<256x128xf32, #tpu.memory_space<vmem>> -> memref<128x128xf32, #tpu.memory_space<vmem>>
      %dma_start3A_191 = arith.constant 0 : i32
      %dma_start3A_192 = tpu.memref_slice %arg9[%add3A_187, %dma_start3A_191] : memref<40x128xi32, #tpu.memory_space<vmem>> -> memref<1x128xi32, #tpu.memory_space<vmem>>
      %dma_start3A_193 = tpu.memref_squeeze %dma_start3A_192 : memref<1x128xi32, #tpu.memory_space<vmem>> -> memref<128xi32, #tpu.memory_space<vmem>>
      %dma_start3A_194 = arith.constant 0 : i32
      %dma_start3A_195 = arith.constant 0 : i32
      %dma_start3A_196 = tpu.memref_slice %arg2[%dma_start3A_194, %dma_start3A_195] : memref<20480x128xf32, #tpu.memory_space<hbm>> -> memref<20480x128xf32, #tpu.memory_space<hbm>>
      tpu.enqueue_indirect_dma source(%dma_start3A_196 : memref<20480x128xf32, #tpu.memory_space<hbm>>) target(%dma_start3A_190 : memref<128x128xf32, #tpu.memory_space<vmem>>) offsets(%dma_start3A_193 : memref<128xi32, #tpu.memory_space<vmem>>) semaphore(%arg12 : memref<!tpu.dma_semaphore, #tpu.memory_space<semaphore_mem>>)
      %dma_wait3A_197 = arith.constant 128 : i32
      %dma_wait3A_198 = arith.constant 0 : i32
      %dma_wait3A_199 = tpu.memref_slice %arg11[%dma_wait3A_197, %dma_wait3A_198] : memref<256x128xf32, #tpu.memory_space<vmem>> -> memref<128x128xf32, #tpu.memory_space<vmem>>
      %dma_wait3A_200 = arith.constant 0 : i32
      %dma_wait3A_201 = tpu.memref_slice %arg9[%add3A_147, %dma_wait3A_200] : memref<40x128xi32, #tpu.memory_space<vmem>> -> memref<1x128xi32, #tpu.memory_space<vmem>>
      %dma_wait3A_202 = tpu.memref_squeeze %dma_wait3A_201 : memref<1x128xi32, #tpu.memory_space<vmem>> -> memref<128xi32, #tpu.memory_space<vmem>>
      %dma_wait3A_203 = arith.constant 0 : i32
      %dma_wait3A_204 = arith.constant 0 : i32
      %dma_wait3A_205 = tpu.memref_slice %arg2[%dma_wait3A_203, %dma_wait3A_204] : memref<20480x128xf32, #tpu.memory_space<hbm>> -> memref<20480x128xf32, #tpu.memory_space<hbm>>
      tpu.wait_indirect_dma semaphore(%arg12 : memref<!tpu.dma_semaphore, #tpu.memory_space<semaphore_mem>>) src(%dma_wait3A_205 : memref<20480x128xf32, #tpu.memory_space<hbm>>) dst(%dma_wait3A_199 : memref<128x128xf32, #tpu.memory_space<vmem>>)
      %add3A_206 = arith.constant 3 : i32
      %add3A_207 = arith.addi %add3A_56, %add3A_206 : i32
      %dma_start3A_208 = arith.constant 128 : i32
      %dma_start3A_209 = arith.constant 0 : i32
      %dma_start3A_210 = tpu.memref_slice %arg11[%dma_start3A_208, %dma_start3A_209] : memref<256x128xf32, #tpu.memory_space<vmem>> -> memref<128x128xf32, #tpu.memory_space<vmem>>
      %dma_start3A_211 = arith.constant 0 : i32
      %dma_start3A_212 = tpu.memref_slice %arg10[%add3A_207, %dma_start3A_211] : memref<40x128xi32, #tpu.memory_space<vmem>> -> memref<1x128xi32, #tpu.memory_space<vmem>>
      %dma_start3A_213 = tpu.memref_squeeze %dma_start3A_212 : memref<1x128xi32, #tpu.memory_space<vmem>> -> memref<128xi32, #tpu.memory_space<vmem>>
      %dma_start3A_214 = arith.constant 0 : i32
      %dma_start3A_215 = arith.constant 0 : i32
      %dma_start3A_216 = tpu.memref_slice %arg8[%dma_start3A_214, %dma_start3A_215] : memref<10240x128xf32, #tpu.memory_space<vmem_shared>> -> memref<10240x128xf32, #tpu.memory_space<vmem_shared>>
      tpu.enqueue_indirect_dma source(%dma_start3A_210 : memref<128x128xf32, #tpu.memory_space<vmem>>) target(%dma_start3A_216 : memref<10240x128xf32, #tpu.memory_space<vmem_shared>>) offsets(%dma_start3A_213 : memref<128xi32, #tpu.memory_space<vmem>>) semaphore(%arg13 : memref<!tpu.dma_semaphore, #tpu.memory_space<semaphore_mem>>) {add = true}
      %dma_wait3A_217 = arith.constant 128 : i32
      %dma_wait3A_218 = arith.constant 0 : i32
      %dma_wait3A_219 = tpu.memref_slice %arg11[%dma_wait3A_217, %dma_wait3A_218] : memref<256x128xf32, #tpu.memory_space<vmem>> -> memref<128x128xf32, #tpu.memory_space<vmem>>
      %dma_wait3A_220 = arith.constant 0 : i32
      %dma_wait3A_221 = tpu.memref_slice %arg10[%add3A_207, %dma_wait3A_220] : memref<40x128xi32, #tpu.memory_space<vmem>> -> memref<1x128xi32, #tpu.memory_space<vmem>>
      %dma_wait3A_222 = tpu.memref_squeeze %dma_wait3A_221 : memref<1x128xi32, #tpu.memory_space<vmem>> -> memref<128xi32, #tpu.memory_space<vmem>>
      %dma_wait3A_223 = arith.constant 0 : i32
      %dma_wait3A_224 = arith.constant 0 : i32
      %dma_wait3A_225 = tpu.memref_slice %arg8[%dma_wait3A_223, %dma_wait3A_224] : memref<10240x128xf32, #tpu.memory_space<vmem_shared>> -> memref<10240x128xf32, #tpu.memory_space<vmem_shared>>
      tpu.wait_indirect_dma semaphore(%arg13 : memref<!tpu.dma_semaphore, #tpu.memory_space<semaphore_mem>>) src(%dma_wait3A_219 : memref<128x128xf32, #tpu.memory_space<vmem>>) dst(%dma_wait3A_225 : memref<10240x128xf32, #tpu.memory_space<vmem_shared>>)
      %add3A_226 = arith.constant 5 : i32
      %add3A_227 = arith.addi %add3A_56, %add3A_226 : i32
      %dma_start3A_228 = arith.constant 128 : i32
      %dma_start3A_229 = arith.constant 0 : i32
      %dma_start3A_230 = tpu.memref_slice %arg11[%dma_start3A_228, %dma_start3A_229] : memref<256x128xf32, #tpu.memory_space<vmem>> -> memref<128x128xf32, #tpu.memory_space<vmem>>
      %dma_start3A_231 = arith.constant 0 : i32
      %dma_start3A_232 = tpu.memref_slice %arg9[%add3A_227, %dma_start3A_231] : memref<40x128xi32, #tpu.memory_space<vmem>> -> memref<1x128xi32, #tpu.memory_space<vmem>>
      %dma_start3A_233 = tpu.memref_squeeze %dma_start3A_232 : memref<1x128xi32, #tpu.memory_space<vmem>> -> memref<128xi32, #tpu.memory_space<vmem>>
      %dma_start3A_234 = arith.constant 0 : i32
      %dma_start3A_235 = arith.constant 0 : i32
      %dma_start3A_236 = tpu.memref_slice %arg2[%dma_start3A_234, %dma_start3A_235] : memref<20480x128xf32, #tpu.memory_space<hbm>> -> memref<20480x128xf32, #tpu.memory_space<hbm>>
      tpu.enqueue_indirect_dma source(%dma_start3A_236 : memref<20480x128xf32, #tpu.memory_space<hbm>>) target(%dma_start3A_230 : memref<128x128xf32, #tpu.memory_space<vmem>>) offsets(%dma_start3A_233 : memref<128xi32, #tpu.memory_space<vmem>>) semaphore(%arg12 : memref<!tpu.dma_semaphore, #tpu.memory_space<semaphore_mem>>)
      %dma_wait3A_237 = arith.constant 0 : i32
      %dma_wait3A_238 = arith.constant 0 : i32
      %dma_wait3A_239 = tpu.memref_slice %arg11[%dma_wait3A_237, %dma_wait3A_238] : memref<256x128xf32, #tpu.memory_space<vmem>> -> memref<128x128xf32, #tpu.memory_space<vmem>>
      %dma_wait3A_240 = arith.constant 0 : i32
      %dma_wait3A_241 = tpu.memref_slice %arg9[%add3A_187, %dma_wait3A_240] : memref<40x128xi32, #tpu.memory_space<vmem>> -> memref<1x128xi32, #tpu.memory_space<vmem>>
      %dma_wait3A_242 = tpu.memref_squeeze %dma_wait3A_241 : memref<1x128xi32, #tpu.memory_space<vmem>> -> memref<128xi32, #tpu.memory_space<vmem>>
      %dma_wait3A_243 = arith.constant 0 : i32
      %dma_wait3A_244 = arith.constant 0 : i32
      %dma_wait3A_245 = tpu.memref_slice %arg2[%dma_wait3A_243, %dma_wait3A_244] : memref<20480x128xf32, #tpu.memory_space<hbm>> -> memref<20480x128xf32, #tpu.memory_space<hbm>>
      tpu.wait_indirect_dma semaphore(%arg12 : memref<!tpu.dma_semaphore, #tpu.memory_space<semaphore_mem>>) src(%dma_wait3A_245 : memref<20480x128xf32, #tpu.memory_space<hbm>>) dst(%dma_wait3A_239 : memref<128x128xf32, #tpu.memory_space<vmem>>)
      %add3A_246 = arith.constant 4 : i32
      %add3A_247 = arith.addi %add3A_56, %add3A_246 : i32
      %dma_start3A_248 = arith.constant 0 : i32
      %dma_start3A_249 = arith.constant 0 : i32
      %dma_start3A_250 = tpu.memref_slice %arg11[%dma_start3A_248, %dma_start3A_249] : memref<256x128xf32, #tpu.memory_space<vmem>> -> memref<128x128xf32, #tpu.memory_space<vmem>>
      %dma_start3A_251 = arith.constant 0 : i32
      %dma_start3A_252 = tpu.memref_slice %arg10[%add3A_247, %dma_start3A_251] : memref<40x128xi32, #tpu.memory_space<vmem>> -> memref<1x128xi32, #tpu.memory_space<vmem>>
      %dma_start3A_253 = tpu.memref_squeeze %dma_start3A_252 : memref<1x128xi32, #tpu.memory_space<vmem>> -> memref<128xi32, #tpu.memory_space<vmem>>
      %dma_start3A_254 = arith.constant 0 : i32
      %dma_start3A_255 = arith.constant 0 : i32
      %dma_start3A_256 = tpu.memref_slice %arg8[%dma_start3A_254, %dma_start3A_255] : memref<10240x128xf32, #tpu.memory_space<vmem_shared>> -> memref<10240x128xf32, #tpu.memory_space<vmem_shared>>
      tpu.enqueue_indirect_dma source(%dma_start3A_250 : memref<128x128xf32, #tpu.memory_space<vmem>>) target(%dma_start3A_256 : memref<10240x128xf32, #tpu.memory_space<vmem_shared>>) offsets(%dma_start3A_253 : memref<128xi32, #tpu.memory_space<vmem>>) semaphore(%arg13 : memref<!tpu.dma_semaphore, #tpu.memory_space<semaphore_mem>>) {add = true}
      %dma_wait3A_257 = arith.constant 0 : i32
      %dma_wait3A_258 = arith.constant 0 : i32
      %dma_wait3A_259 = tpu.memref_slice %arg11[%dma_wait3A_257, %dma_wait3A_258] : memref<256x128xf32, #tpu.memory_space<vmem>> -> memref<128x128xf32, #tpu.memory_space<vmem>>
      %dma_wait3A_260 = arith.constant 0 : i32
      %dma_wait3A_261 = tpu.memref_slice %arg10[%add3A_247, %dma_wait3A_260] : memref<40x128xi32, #tpu.memory_space<vmem>> -> memref<1x128xi32, #tpu.memory_space<vmem>>
      %dma_wait3A_262 = tpu.memref_squeeze %dma_wait3A_261 : memref<1x128xi32, #tpu.memory_space<vmem>> -> memref<128xi32, #tpu.memory_space<vmem>>
      %dma_wait3A_263 = arith.constant 0 : i32
      %dma_wait3A_264 = arith.constant 0 : i32
      %dma_wait3A_265 = tpu.memref_slice %arg8[%dma_wait3A_263, %dma_wait3A_264] : memref<10240x128xf32, #tpu.memory_space<vmem_shared>> -> memref<10240x128xf32, #tpu.memory_space<vmem_shared>>
      tpu.wait_indirect_dma semaphore(%arg13 : memref<!tpu.dma_semaphore, #tpu.memory_space<semaphore_mem>>) src(%dma_wait3A_259 : memref<128x128xf32, #tpu.memory_space<vmem>>) dst(%dma_wait3A_265 : memref<10240x128xf32, #tpu.memory_space<vmem_shared>>)
      %add3A_266 = arith.constant 6 : i32
      %add3A_267 = arith.addi %add3A_56, %add3A_266 : i32
      %dma_start3A_268 = arith.constant 0 : i32
      %dma_start3A_269 = arith.constant 0 : i32
      %dma_start3A_270 = tpu.memref_slice %arg11[%dma_start3A_268, %dma_start3A_269] : memref<256x128xf32, #tpu.memory_space<vmem>> -> memref<128x128xf32, #tpu.memory_space<vmem>>
      %dma_start3A_271 = arith.constant 0 : i32
      %dma_start3A_272 = tpu.memref_slice %arg9[%add3A_267, %dma_start3A_271] : memref<40x128xi32, #tpu.memory_space<vmem>> -> memref<1x128xi32, #tpu.memory_space<vmem>>
      %dma_start3A_273 = tpu.memref_squeeze %dma_start3A_272 : memref<1x128xi32, #tpu.memory_space<vmem>> -> memref<128xi32, #tpu.memory_space<vmem>>
      %dma_start3A_274 = arith.constant 0 : i32
      %dma_start3A_275 = arith.constant 0 : i32
      %dma_start3A_276 = tpu.memref_slice %arg2[%dma_start3A_274, %dma_start3A_275] : memref<20480x128xf32, #tpu.memory_space<hbm>> -> memref<20480x128xf32, #tpu.memory_space<hbm>>
      tpu.enqueue_indirect_dma source(%dma_start3A_276 : memref<20480x128xf32, #tpu.memory_space<hbm>>) target(%dma_start3A_270 : memref<128x128xf32, #tpu.memory_space<vmem>>) offsets(%dma_start3A_273 : memref<128xi32, #tpu.memory_space<vmem>>) semaphore(%arg12 : memref<!tpu.dma_semaphore, #tpu.memory_space<semaphore_mem>>)
      %dma_wait3A_277 = arith.constant 128 : i32
      %dma_wait3A_278 = arith.constant 0 : i32
      %dma_wait3A_279 = tpu.memref_slice %arg11[%dma_wait3A_277, %dma_wait3A_278] : memref<256x128xf32, #tpu.memory_space<vmem>> -> memref<128x128xf32, #tpu.memory_space<vmem>>
      %dma_wait3A_280 = arith.constant 0 : i32
      %dma_wait3A_281 = tpu.memref_slice %arg9[%add3A_227, %dma_wait3A_280] : memref<40x128xi32, #tpu.memory_space<vmem>> -> memref<1x128xi32, #tpu.memory_space<vmem>>
      %dma_wait3A_282 = tpu.memref_squeeze %dma_wait3A_281 : memref<1x128xi32, #tpu.memory_space<vmem>> -> memref<128xi32, #tpu.memory_space<vmem>>
      %dma_wait3A_283 = arith.constant 0 : i32
      %dma_wait3A_284 = arith.constant 0 : i32
      %dma_wait3A_285 = tpu.memref_slice %arg2[%dma_wait3A_283, %dma_wait3A_284] : memref<20480x128xf32, #tpu.memory_space<hbm>> -> memref<20480x128xf32, #tpu.memory_space<hbm>>
      tpu.wait_indirect_dma semaphore(%arg12 : memref<!tpu.dma_semaphore, #tpu.memory_space<semaphore_mem>>) src(%dma_wait3A_285 : memref<20480x128xf32, #tpu.memory_space<hbm>>) dst(%dma_wait3A_279 : memref<128x128xf32, #tpu.memory_space<vmem>>)
      %add3A_286 = arith.constant 5 : i32
      %add3A_287 = arith.addi %add3A_56, %add3A_286 : i32
      %dma_start3A_288 = arith.constant 128 : i32
      %dma_start3A_289 = arith.constant 0 : i32
      %dma_start3A_290 = tpu.memref_slice %arg11[%dma_start3A_288, %dma_start3A_289] : memref<256x128xf32, #tpu.memory_space<vmem>> -> memref<128x128xf32, #tpu.memory_space<vmem>>
      %dma_start3A_291 = arith.constant 0 : i32
      %dma_start3A_292 = tpu.memref_slice %arg10[%add3A_287, %dma_start3A_291] : memref<40x128xi32, #tpu.memory_space<vmem>> -> memref<1x128xi32, #tpu.memory_space<vmem>>
      %dma_start3A_293 = tpu.memref_squeeze %dma_start3A_292 : memref<1x128xi32, #tpu.memory_space<vmem>> -> memref<128xi32, #tpu.memory_space<vmem>>
      %dma_start3A_294 = arith.constant 0 : i32
      %dma_start3A_295 = arith.constant 0 : i32
      %dma_start3A_296 = tpu.memref_slice %arg8[%dma_start3A_294, %dma_start3A_295] : memref<10240x128xf32, #tpu.memory_space<vmem_shared>> -> memref<10240x128xf32, #tpu.memory_space<vmem_shared>>
      tpu.enqueue_indirect_dma source(%dma_start3A_290 : memref<128x128xf32, #tpu.memory_space<vmem>>) target(%dma_start3A_296 : memref<10240x128xf32, #tpu.memory_space<vmem_shared>>) offsets(%dma_start3A_293 : memref<128xi32, #tpu.memory_space<vmem>>) semaphore(%arg13 : memref<!tpu.dma_semaphore, #tpu.memory_space<semaphore_mem>>) {add = true}
      %dma_wait3A_297 = arith.constant 128 : i32
      %dma_wait3A_298 = arith.constant 0 : i32
      %dma_wait3A_299 = tpu.memref_slice %arg11[%dma_wait3A_297, %dma_wait3A_298] : memref<256x128xf32, #tpu.memory_space<vmem>> -> memref<128x128xf32, #tpu.memory_space<vmem>>
      %dma_wait3A_300 = arith.constant 0 : i32
      %dma_wait3A_301 = tpu.memref_slice %arg10[%add3A_287, %dma_wait3A_300] : memref<40x128xi32, #tpu.memory_space<vmem>> -> memref<1x128xi32, #tpu.memory_space<vmem>>
      %dma_wait3A_302 = tpu.memref_squeeze %dma_wait3A_301 : memref<1x128xi32, #tpu.memory_space<vmem>> -> memref<128xi32, #tpu.memory_space<vmem>>
      %dma_wait3A_303 = arith.constant 0 : i32
      %dma_wait3A_304 = arith.constant 0 : i32
      %dma_wait3A_305 = tpu.memref_slice %arg8[%dma_wait3A_303, %dma_wait3A_304] : memref<10240x128xf32, #tpu.memory_space<vmem_shared>> -> memref<10240x128xf32, #tpu.memory_space<vmem_shared>>
      tpu.wait_indirect_dma semaphore(%arg13 : memref<!tpu.dma_semaphore, #tpu.memory_space<semaphore_mem>>) src(%dma_wait3A_299 : memref<128x128xf32, #tpu.memory_space<vmem>>) dst(%dma_wait3A_305 : memref<10240x128xf32, #tpu.memory_space<vmem_shared>>)
      %add3A_306 = arith.constant 7 : i32
      %add3A_307 = arith.addi %add3A_56, %add3A_306 : i32
      %dma_start3A_308 = arith.constant 128 : i32
      %dma_start3A_309 = arith.constant 0 : i32
      %dma_start3A_310 = tpu.memref_slice %arg11[%dma_start3A_308, %dma_start3A_309] : memref<256x128xf32, #tpu.memory_space<vmem>> -> memref<128x128xf32, #tpu.memory_space<vmem>>
      %dma_start3A_311 = arith.constant 0 : i32
      %dma_start3A_312 = tpu.memref_slice %arg9[%add3A_307, %dma_start3A_311] : memref<40x128xi32, #tpu.memory_space<vmem>> -> memref<1x128xi32, #tpu.memory_space<vmem>>
      %dma_start3A_313 = tpu.memref_squeeze %dma_start3A_312 : memref<1x128xi32, #tpu.memory_space<vmem>> -> memref<128xi32, #tpu.memory_space<vmem>>
      %dma_start3A_314 = arith.constant 0 : i32
      %dma_start3A_315 = arith.constant 0 : i32
      %dma_start3A_316 = tpu.memref_slice %arg2[%dma_start3A_314, %dma_start3A_315] : memref<20480x128xf32, #tpu.memory_space<hbm>> -> memref<20480x128xf32, #tpu.memory_space<hbm>>
      tpu.enqueue_indirect_dma source(%dma_start3A_316 : memref<20480x128xf32, #tpu.memory_space<hbm>>) target(%dma_start3A_310 : memref<128x128xf32, #tpu.memory_space<vmem>>) offsets(%dma_start3A_313 : memref<128xi32, #tpu.memory_space<vmem>>) semaphore(%arg12 : memref<!tpu.dma_semaphore, #tpu.memory_space<semaphore_mem>>)
      %dma_wait3A_317 = arith.constant 0 : i32
      %dma_wait3A_318 = arith.constant 0 : i32
      %dma_wait3A_319 = tpu.memref_slice %arg11[%dma_wait3A_317, %dma_wait3A_318] : memref<256x128xf32, #tpu.memory_space<vmem>> -> memref<128x128xf32, #tpu.memory_space<vmem>>
      %dma_wait3A_320 = arith.constant 0 : i32
      %dma_wait3A_321 = tpu.memref_slice %arg9[%add3A_267, %dma_wait3A_320] : memref<40x128xi32, #tpu.memory_space<vmem>> -> memref<1x128xi32, #tpu.memory_space<vmem>>
      %dma_wait3A_322 = tpu.memref_squeeze %dma_wait3A_321 : memref<1x128xi32, #tpu.memory_space<vmem>> -> memref<128xi32, #tpu.memory_space<vmem>>
      %dma_wait3A_323 = arith.constant 0 : i32
      %dma_wait3A_324 = arith.constant 0 : i32
      %dma_wait3A_325 = tpu.memref_slice %arg2[%dma_wait3A_323, %dma_wait3A_324] : memref<20480x128xf32, #tpu.memory_space<hbm>> -> memref<20480x128xf32, #tpu.memory_space<hbm>>
      tpu.wait_indirect_dma semaphore(%arg12 : memref<!tpu.dma_semaphore, #tpu.memory_space<semaphore_mem>>) src(%dma_wait3A_325 : memref<20480x128xf32, #tpu.memory_space<hbm>>) dst(%dma_wait3A_319 : memref<128x128xf32, #tpu.memory_space<vmem>>)
      %add3A_326 = arith.constant 6 : i32
      %add3A_327 = arith.addi %add3A_56, %add3A_326 : i32
      %dma_start3A_328 = arith.constant 0 : i32
      %dma_start3A_329 = arith.constant 0 : i32
      %dma_start3A_330 = tpu.memref_slice %arg11[%dma_start3A_328, %dma_start3A_329] : memref<256x128xf32, #tpu.memory_space<vmem>> -> memref<128x128xf32, #tpu.memory_space<vmem>>
      %dma_start3A_331 = arith.constant 0 : i32
      %dma_start3A_332 = tpu.memref_slice %arg10[%add3A_327, %dma_start3A_331] : memref<40x128xi32, #tpu.memory_space<vmem>> -> memref<1x128xi32, #tpu.memory_space<vmem>>
      %dma_start3A_333 = tpu.memref_squeeze %dma_start3A_332 : memref<1x128xi32, #tpu.memory_space<vmem>> -> memref<128xi32, #tpu.memory_space<vmem>>
      %dma_start3A_334 = arith.constant 0 : i32
      %dma_start3A_335 = arith.constant 0 : i32
      %dma_start3A_336 = tpu.memref_slice %arg8[%dma_start3A_334, %dma_start3A_335] : memref<10240x128xf32, #tpu.memory_space<vmem_shared>> -> memref<10240x128xf32, #tpu.memory_space<vmem_shared>>
      tpu.enqueue_indirect_dma source(%dma_start3A_330 : memref<128x128xf32, #tpu.memory_space<vmem>>) target(%dma_start3A_336 : memref<10240x128xf32, #tpu.memory_space<vmem_shared>>) offsets(%dma_start3A_333 : memref<128xi32, #tpu.memory_space<vmem>>) semaphore(%arg13 : memref<!tpu.dma_semaphore, #tpu.memory_space<semaphore_mem>>) {add = true}
      %dma_wait3A_337 = arith.constant 128 : i32
      %dma_wait3A_338 = arith.constant 0 : i32
      %dma_wait3A_339 = tpu.memref_slice %arg11[%dma_wait3A_337, %dma_wait3A_338] : memref<256x128xf32, #tpu.memory_space<vmem>> -> memref<128x128xf32, #tpu.memory_space<vmem>>
      %dma_wait3A_340 = arith.constant 0 : i32
      %dma_wait3A_341 = tpu.memref_slice %arg9[%add3A_307, %dma_wait3A_340] : memref<40x128xi32, #tpu.memory_space<vmem>> -> memref<1x128xi32, #tpu.memory_space<vmem>>
      %dma_wait3A_342 = tpu.memref_squeeze %dma_wait3A_341 : memref<1x128xi32, #tpu.memory_space<vmem>> -> memref<128xi32, #tpu.memory_space<vmem>>
      %dma_wait3A_343 = arith.constant 0 : i32
      %dma_wait3A_344 = arith.constant 0 : i32
      %dma_wait3A_345 = tpu.memref_slice %arg2[%dma_wait3A_343, %dma_wait3A_344] : memref<20480x128xf32, #tpu.memory_space<hbm>> -> memref<20480x128xf32, #tpu.memory_space<hbm>>
      tpu.wait_indirect_dma semaphore(%arg12 : memref<!tpu.dma_semaphore, #tpu.memory_space<semaphore_mem>>) src(%dma_wait3A_345 : memref<20480x128xf32, #tpu.memory_space<hbm>>) dst(%dma_wait3A_339 : memref<128x128xf32, #tpu.memory_space<vmem>>)
      %add3A_346 = arith.constant 7 : i32
      %add3A_347 = arith.addi %add3A_56, %add3A_346 : i32
      %dma_start3A_348 = arith.constant 128 : i32
      %dma_start3A_349 = arith.constant 0 : i32
      %dma_start3A_350 = tpu.memref_slice %arg11[%dma_start3A_348, %dma_start3A_349] : memref<256x128xf32, #tpu.memory_space<vmem>> -> memref<128x128xf32, #tpu.memory_space<vmem>>
      %dma_start3A_351 = arith.constant 0 : i32
      %dma_start3A_352 = tpu.memref_slice %arg10[%add3A_347, %dma_start3A_351] : memref<40x128xi32, #tpu.memory_space<vmem>> -> memref<1x128xi32, #tpu.memory_space<vmem>>
      %dma_start3A_353 = tpu.memref_squeeze %dma_start3A_352 : memref<1x128xi32, #tpu.memory_space<vmem>> -> memref<128xi32, #tpu.memory_space<vmem>>
      %dma_start3A_354 = arith.constant 0 : i32
      %dma_start3A_355 = arith.constant 0 : i32
      %dma_start3A_356 = tpu.memref_slice %arg8[%dma_start3A_354, %dma_start3A_355] : memref<10240x128xf32, #tpu.memory_space<vmem_shared>> -> memref<10240x128xf32, #tpu.memory_space<vmem_shared>>
      tpu.enqueue_indirect_dma source(%dma_start3A_350 : memref<128x128xf32, #tpu.memory_space<vmem>>) target(%dma_start3A_356 : memref<10240x128xf32, #tpu.memory_space<vmem_shared>>) offsets(%dma_start3A_353 : memref<128xi32, #tpu.memory_space<vmem>>) semaphore(%arg13 : memref<!tpu.dma_semaphore, #tpu.memory_space<semaphore_mem>>) {add = true}
      %dma_wait3A_357 = arith.constant 0 : i32
      %dma_wait3A_358 = arith.constant 0 : i32
      %dma_wait3A_359 = tpu.memref_slice %arg11[%dma_wait3A_357, %dma_wait3A_358] : memref<256x128xf32, #tpu.memory_space<vmem>> -> memref<128x128xf32, #tpu.memory_space<vmem>>
      %dma_wait3A_360 = arith.constant 0 : i32
      %dma_wait3A_361 = tpu.memref_slice %arg10[%add3A_327, %dma_wait3A_360] : memref<40x128xi32, #tpu.memory_space<vmem>> -> memref<1x128xi32, #tpu.memory_space<vmem>>
      %dma_wait3A_362 = tpu.memref_squeeze %dma_wait3A_361 : memref<1x128xi32, #tpu.memory_space<vmem>> -> memref<128xi32, #tpu.memory_space<vmem>>
      %dma_wait3A_363 = arith.constant 0 : i32
      %dma_wait3A_364 = arith.constant 0 : i32
      %dma_wait3A_365 = tpu.memref_slice %arg8[%dma_wait3A_363, %dma_wait3A_364] : memref<10240x128xf32, #tpu.memory_space<vmem_shared>> -> memref<10240x128xf32, #tpu.memory_space<vmem_shared>>
      tpu.wait_indirect_dma semaphore(%arg13 : memref<!tpu.dma_semaphore, #tpu.memory_space<semaphore_mem>>) src(%dma_wait3A_359 : memref<128x128xf32, #tpu.memory_space<vmem>>) dst(%dma_wait3A_365 : memref<10240x128xf32, #tpu.memory_space<vmem_shared>>)
      %dma_wait3A_366 = arith.constant 128 : i32
      %dma_wait3A_367 = arith.constant 0 : i32
      %dma_wait3A_368 = tpu.memref_slice %arg11[%dma_wait3A_366, %dma_wait3A_367] : memref<256x128xf32, #tpu.memory_space<vmem>> -> memref<128x128xf32, #tpu.memory_space<vmem>>
      %dma_wait3A_369 = arith.constant 0 : i32
      %dma_wait3A_370 = tpu.memref_slice %arg10[%add3A_347, %dma_wait3A_369] : memref<40x128xi32, #tpu.memory_space<vmem>> -> memref<1x128xi32, #tpu.memory_space<vmem>>
      %dma_wait3A_371 = tpu.memref_squeeze %dma_wait3A_370 : memref<1x128xi32, #tpu.memory_space<vmem>> -> memref<128xi32, #tpu.memory_space<vmem>>
      %dma_wait3A_372 = arith.constant 0 : i32
      %dma_wait3A_373 = arith.constant 0 : i32
      %dma_wait3A_374 = tpu.memref_slice %arg8[%dma_wait3A_372, %dma_wait3A_373] : memref<10240x128xf32, #tpu.memory_space<vmem_shared>> -> memref<10240x128xf32, #tpu.memory_space<vmem_shared>>
      tpu.wait_indirect_dma semaphore(%arg13 : memref<!tpu.dma_semaphore, #tpu.memory_space<semaphore_mem>>) src(%dma_wait3A_368 : memref<128x128xf32, #tpu.memory_space<vmem>>) dst(%dma_wait3A_374 : memref<10240x128xf32, #tpu.memory_space<vmem_shared>>)
    }
    %scan3A_43 = arith.constant 5 : i32
    %barrier3A_44 = arith.constant 0 : index
    tpu.barrier barrier_id(%barrier3A_44)
    %mul3A_45 = arith.constant 640 : i32
    %mul3A_46 = arith.muli %arg1, %mul3A_45 : i32
    %mul3A_47 = arith.constant 10240 : i32
    %mul3A_48 = arith.muli %arg0, %mul3A_47 : i32
    %mul3A_49 = arith.constant 640 : i32
    %mul3A_50 = arith.muli %arg1, %mul3A_49 : i32
    %add3A_51 = arith.addi %mul3A_48, %mul3A_50 : i32
    "tpu.region"() ({
      %run_scoped3A = tpu.sem_alloc : memref<!tpu.dma_semaphore, #tpu.memory_space<semaphore_mem>>
      %dma_start3A = arith.constant 0 : i32
      %dma_start3A_52 = tpu.memref_slice %arg7[%add3A_51, %dma_start3A] : memref<20480x128xf32, #tpu.memory_space<hbm>> -> memref<640x128xf32, #tpu.memory_space<hbm>>
      %dma_start3A_53 = arith.constant 0 : i32
      %dma_start3A_54 = tpu.memref_slice %arg8[%mul3A_46, %dma_start3A_53] : memref<10240x128xf32, #tpu.memory_space<vmem_shared>> -> memref<640x128xf32, #tpu.memory_space<vmem_shared>>
      tpu.enqueue_dma source(%dma_start3A_54 : memref<640x128xf32, #tpu.memory_space<vmem_shared>>) target(%dma_start3A_52 : memref<640x128xf32, #tpu.memory_space<hbm>>) target_semaphore(%run_scoped3A : memref<!tpu.dma_semaphore, #tpu.memory_space<semaphore_mem>>)
      %dma_wait3A = arith.constant 0 : i32
      %dma_wait3A_55 = tpu.memref_slice %arg7[%add3A_51, %dma_wait3A] : memref<20480x128xf32, #tpu.memory_space<hbm>> -> memref<640x128xf32, #tpu.memory_space<hbm>>
      %dma_wait3A_56 = arith.constant 0 : i32
      %dma_wait3A_57 = tpu.memref_slice %arg8[%mul3A_46, %dma_wait3A_56] : memref<10240x128xf32, #tpu.memory_space<vmem_shared>> -> memref<640x128xf32, #tpu.memory_space<vmem_shared>>
      tpu.wait_dma2 semaphore(%run_scoped3A : memref<!tpu.dma_semaphore, #tpu.memory_space<semaphore_mem>>) src(%dma_wait3A_57 : memref<640x128xf32, #tpu.memory_space<vmem_shared>>) dst(%dma_wait3A_55 : memref<640x128xf32, #tpu.memory_space<hbm>>)
      tpu.yield
    }) : () -> ()
    return
  }
}

#map = affine_map<(d0, d1) -> (0, 0)>
#map1 = affine_map<(d0, d1) -> (0, 0, 0)>
module attributes {stable_mosaic.version = 14 : i64} {
  func.func @_agg_body(%arg0: i32, %arg1: i32, %arg2: memref<20480x128xf32, #tpu.memory_space<hbm>>, %arg3: memref<16x80x128xi32, #tpu.memory_space<hbm>>, %arg4: memref<16x80x128xi32, #tpu.memory_space<hbm>>, %arg5: memref<16x80x128xi32, #tpu.memory_space<hbm>>, %arg6: memref<128x128xf32, #tpu.memory_space<hbm>>, %arg7: memref<20480x128xf32, #tpu.memory_space<hbm>>, %arg8: memref<10240x128xf32, #tpu.memory_space<vmem_shared>>, %arg9: memref<40x128xi32, #tpu.memory_space<vmem>>, %arg10: memref<40x128xi32, #tpu.memory_space<vmem>>, %arg11: memref<256x128xf32, #tpu.memory_space<vmem>>, %arg12: memref<!tpu.dma_semaphore, #tpu.memory_space<semaphore_mem>>, %arg13: memref<!tpu.dma_semaphore, #tpu.memory_space<semaphore_mem>>) attributes {dimension_semantics = [#tpu.dimension_semantics<core_parallel>, #tpu.dimension_semantics<subcore_parallel>], iteration_bounds = array<i64: 2, 16>, scalar_prefetch = 0 : i64, scratch_operands = 6 : i64, tpu.core_type = #tpu.core_type<sc_vector_subcore>, window_params = [{transform_indices = #map}, {transform_indices = #map1}, {transform_indices = #map1}, {transform_indices = #map1}, {transform_indices = #map}, {transform_indices = #map}]} {
    "tpu.region"() ({
      %run_scoped3A = tpu.sem_alloc : memref<!tpu.dma_semaphore, #tpu.memory_space<semaphore_mem>>
      %dma_start3A = arith.constant 0 : i32
      %dma_start3A_52 = arith.constant 0 : i32
      %dma_start3A_53 = tpu.memref_slice %arg11[%dma_start3A, %dma_start3A_52] : memref<256x128xf32, #tpu.memory_space<vmem>> -> memref<128x128xf32, #tpu.memory_space<vmem>>
      %dma_start3A_54 = arith.constant 0 : i32
      %dma_start3A_55 = arith.constant 0 : i32
      %dma_start3A_56 = tpu.memref_slice %arg11[%dma_start3A_54, %dma_start3A_55] : memref<256x128xf32, #tpu.memory_space<vmem>> -> memref<128x128xf32, #tpu.memory_space<vmem>>
      tpu.enqueue_dma source(%arg6 : memref<128x128xf32, #tpu.memory_space<hbm>>) target(%dma_start3A_56 : memref<128x128xf32, #tpu.memory_space<vmem>>) target_semaphore(%run_scoped3A : memref<!tpu.dma_semaphore, #tpu.memory_space<semaphore_mem>>)
      %dma_wait3A = arith.constant 0 : i32
      %dma_wait3A_57 = arith.constant 0 : i32
      %dma_wait3A_58 = tpu.memref_slice %arg11[%dma_wait3A, %dma_wait3A_57] : memref<256x128xf32, #tpu.memory_space<vmem>> -> memref<128x128xf32, #tpu.memory_space<vmem>>
      %dma_wait3A_59 = arith.constant 0 : i32
      %dma_wait3A_60 = arith.constant 0 : i32
      %dma_wait3A_61 = tpu.memref_slice %arg11[%dma_wait3A_59, %dma_wait3A_60] : memref<256x128xf32, #tpu.memory_space<vmem>> -> memref<128x128xf32, #tpu.memory_space<vmem>>
      tpu.wait_dma2 semaphore(%run_scoped3A : memref<!tpu.dma_semaphore, #tpu.memory_space<semaphore_mem>>) src(%arg6 : memref<128x128xf32, #tpu.memory_space<hbm>>) dst(%dma_wait3A_61 : memref<128x128xf32, #tpu.memory_space<vmem>>)
      tpu.yield
    }) : () -> ()
    %mul3A = arith.constant 640 : i32
    %mul3A_0 = arith.muli %arg1, %mul3A : i32
    %add3A = arith.constant 0 : i32
    %add3A_1 = arith.addi %mul3A_0, %add3A : i32
    "tpu.region"() ({
      %run_scoped3A = tpu.sem_alloc : memref<!tpu.dma_semaphore, #tpu.memory_space<semaphore_mem>>
      %dma_start3A = arith.constant 0 : i32
      %dma_start3A_52 = arith.constant 0 : i32
      %dma_start3A_53 = tpu.memref_slice %arg11[%dma_start3A, %dma_start3A_52] : memref<256x128xf32, #tpu.memory_space<vmem>> -> memref<128x128xf32, #tpu.memory_space<vmem>>
      %dma_start3A_54 = arith.constant 0 : i32
      %dma_start3A_55 = tpu.memref_slice %arg8[%add3A_1, %dma_start3A_54] : memref<10240x128xf32, #tpu.memory_space<vmem_shared>> -> memref<128x128xf32, #tpu.memory_space<vmem_shared>>
      %dma_start3A_56 = arith.constant 0 : i32
      %dma_start3A_57 = tpu.memref_slice %arg8[%add3A_1, %dma_start3A_56] : memref<10240x128xf32, #tpu.memory_space<vmem_shared>> -> memref<128x128xf32, #tpu.memory_space<vmem_shared>>
      %dma_start3A_58 = arith.constant 0 : i32
      %dma_start3A_59 = arith.constant 0 : i32
      %dma_start3A_60 = tpu.memref_slice %arg11[%dma_start3A_58, %dma_start3A_59] : memref<256x128xf32, #tpu.memory_space<vmem>> -> memref<128x128xf32, #tpu.memory_space<vmem>>
      tpu.enqueue_dma source(%dma_start3A_60 : memref<128x128xf32, #tpu.memory_space<vmem>>) target(%dma_start3A_57 : memref<128x128xf32, #tpu.memory_space<vmem_shared>>) target_semaphore(%run_scoped3A : memref<!tpu.dma_semaphore, #tpu.memory_space<semaphore_mem>>)
      %dma_wait3A = arith.constant 0 : i32
      %dma_wait3A_61 = arith.constant 0 : i32
      %dma_wait3A_62 = tpu.memref_slice %arg11[%dma_wait3A, %dma_wait3A_61] : memref<256x128xf32, #tpu.memory_space<vmem>> -> memref<128x128xf32, #tpu.memory_space<vmem>>
      %dma_wait3A_63 = arith.constant 0 : i32
      %dma_wait3A_64 = tpu.memref_slice %arg8[%add3A_1, %dma_wait3A_63] : memref<10240x128xf32, #tpu.memory_space<vmem_shared>> -> memref<128x128xf32, #tpu.memory_space<vmem_shared>>
      %dma_wait3A_65 = arith.constant 0 : i32
      %dma_wait3A_66 = tpu.memref_slice %arg8[%add3A_1, %dma_wait3A_65] : memref<10240x128xf32, #tpu.memory_space<vmem_shared>> -> memref<128x128xf32, #tpu.memory_space<vmem_shared>>
      %dma_wait3A_67 = arith.constant 0 : i32
      %dma_wait3A_68 = arith.constant 0 : i32
      %dma_wait3A_69 = tpu.memref_slice %arg11[%dma_wait3A_67, %dma_wait3A_68] : memref<256x128xf32, #tpu.memory_space<vmem>> -> memref<128x128xf32, #tpu.memory_space<vmem>>
      tpu.wait_dma2 semaphore(%run_scoped3A : memref<!tpu.dma_semaphore, #tpu.memory_space<semaphore_mem>>) src(%dma_wait3A_69 : memref<128x128xf32, #tpu.memory_space<vmem>>) dst(%dma_wait3A_66 : memref<128x128xf32, #tpu.memory_space<vmem_shared>>)
      tpu.yield
    }) : () -> ()
    %mul3A_2 = arith.constant 640 : i32
    %mul3A_3 = arith.muli %arg1, %mul3A_2 : i32
    %add3A_4 = arith.constant 128 : i32
    %add3A_5 = arith.addi %mul3A_3, %add3A_4 : i32
    "tpu.region"() ({
      %run_scoped3A = tpu.sem_alloc : memref<!tpu.dma_semaphore, #tpu.memory_space<semaphore_mem>>
      %dma_start3A = arith.constant 0 : i32
      %dma_start3A_52 = arith.constant 0 : i32
      %dma_start3A_53 = tpu.memref_slice %arg11[%dma_start3A, %dma_start3A_52] : memref<256x128xf32, #tpu.memory_space<vmem>> -> memref<128x128xf32, #tpu.memory_space<vmem>>
      %dma_start3A_54 = arith.constant 0 : i32
      %dma_start3A_55 = tpu.memref_slice %arg8[%add3A_5, %dma_start3A_54] : memref<10240x128xf32, #tpu.memory_space<vmem_shared>> -> memref<128x128xf32, #tpu.memory_space<vmem_shared>>
      %dma_start3A_56 = arith.constant 0 : i32
      %dma_start3A_57 = tpu.memref_slice %arg8[%add3A_5, %dma_start3A_56] : memref<10240x128xf32, #tpu.memory_space<vmem_shared>> -> memref<128x128xf32, #tpu.memory_space<vmem_shared>>
      %dma_start3A_58 = arith.constant 0 : i32
      %dma_start3A_59 = arith.constant 0 : i32
      %dma_start3A_60 = tpu.memref_slice %arg11[%dma_start3A_58, %dma_start3A_59] : memref<256x128xf32, #tpu.memory_space<vmem>> -> memref<128x128xf32, #tpu.memory_space<vmem>>
      tpu.enqueue_dma source(%dma_start3A_60 : memref<128x128xf32, #tpu.memory_space<vmem>>) target(%dma_start3A_57 : memref<128x128xf32, #tpu.memory_space<vmem_shared>>) target_semaphore(%run_scoped3A : memref<!tpu.dma_semaphore, #tpu.memory_space<semaphore_mem>>)
      %dma_wait3A = arith.constant 0 : i32
      %dma_wait3A_61 = arith.constant 0 : i32
      %dma_wait3A_62 = tpu.memref_slice %arg11[%dma_wait3A, %dma_wait3A_61] : memref<256x128xf32, #tpu.memory_space<vmem>> -> memref<128x128xf32, #tpu.memory_space<vmem>>
      %dma_wait3A_63 = arith.constant 0 : i32
      %dma_wait3A_64 = tpu.memref_slice %arg8[%add3A_5, %dma_wait3A_63] : memref<10240x128xf32, #tpu.memory_space<vmem_shared>> -> memref<128x128xf32, #tpu.memory_space<vmem_shared>>
      %dma_wait3A_65 = arith.constant 0 : i32
      %dma_wait3A_66 = tpu.memref_slice %arg8[%add3A_5, %dma_wait3A_65] : memref<10240x128xf32, #tpu.memory_space<vmem_shared>> -> memref<128x128xf32, #tpu.memory_space<vmem_shared>>
      %dma_wait3A_67 = arith.constant 0 : i32
      %dma_wait3A_68 = arith.constant 0 : i32
      %dma_wait3A_69 = tpu.memref_slice %arg11[%dma_wait3A_67, %dma_wait3A_68] : memref<256x128xf32, #tpu.memory_space<vmem>> -> memref<128x128xf32, #tpu.memory_space<vmem>>
      tpu.wait_dma2 semaphore(%run_scoped3A : memref<!tpu.dma_semaphore, #tpu.memory_space<semaphore_mem>>) src(%dma_wait3A_69 : memref<128x128xf32, #tpu.memory_space<vmem>>) dst(%dma_wait3A_66 : memref<128x128xf32, #tpu.memory_space<vmem_shared>>)
      tpu.yield
    }) : () -> ()
    %mul3A_6 = arith.constant 640 : i32
    %mul3A_7 = arith.muli %arg1, %mul3A_6 : i32
    %add3A_8 = arith.constant 256 : i32
    %add3A_9 = arith.addi %mul3A_7, %add3A_8 : i32
    "tpu.region"() ({
      %run_scoped3A = tpu.sem_alloc : memref<!tpu.dma_semaphore, #tpu.memory_space<semaphore_mem>>
      %dma_start3A = arith.constant 0 : i32
      %dma_start3A_52 = arith.constant 0 : i32
      %dma_start3A_53 = tpu.memref_slice %arg11[%dma_start3A, %dma_start3A_52] : memref<256x128xf32, #tpu.memory_space<vmem>> -> memref<128x128xf32, #tpu.memory_space<vmem>>
      %dma_start3A_54 = arith.constant 0 : i32
      %dma_start3A_55 = tpu.memref_slice %arg8[%add3A_9, %dma_start3A_54] : memref<10240x128xf32, #tpu.memory_space<vmem_shared>> -> memref<128x128xf32, #tpu.memory_space<vmem_shared>>
      %dma_start3A_56 = arith.constant 0 : i32
      %dma_start3A_57 = tpu.memref_slice %arg8[%add3A_9, %dma_start3A_56] : memref<10240x128xf32, #tpu.memory_space<vmem_shared>> -> memref<128x128xf32, #tpu.memory_space<vmem_shared>>
      %dma_start3A_58 = arith.constant 0 : i32
      %dma_start3A_59 = arith.constant 0 : i32
      %dma_start3A_60 = tpu.memref_slice %arg11[%dma_start3A_58, %dma_start3A_59] : memref<256x128xf32, #tpu.memory_space<vmem>> -> memref<128x128xf32, #tpu.memory_space<vmem>>
      tpu.enqueue_dma source(%dma_start3A_60 : memref<128x128xf32, #tpu.memory_space<vmem>>) target(%dma_start3A_57 : memref<128x128xf32, #tpu.memory_space<vmem_shared>>) target_semaphore(%run_scoped3A : memref<!tpu.dma_semaphore, #tpu.memory_space<semaphore_mem>>)
      %dma_wait3A = arith.constant 0 : i32
      %dma_wait3A_61 = arith.constant 0 : i32
      %dma_wait3A_62 = tpu.memref_slice %arg11[%dma_wait3A, %dma_wait3A_61] : memref<256x128xf32, #tpu.memory_space<vmem>> -> memref<128x128xf32, #tpu.memory_space<vmem>>
      %dma_wait3A_63 = arith.constant 0 : i32
      %dma_wait3A_64 = tpu.memref_slice %arg8[%add3A_9, %dma_wait3A_63] : memref<10240x128xf32, #tpu.memory_space<vmem_shared>> -> memref<128x128xf32, #tpu.memory_space<vmem_shared>>
      %dma_wait3A_65 = arith.constant 0 : i32
      %dma_wait3A_66 = tpu.memref_slice %arg8[%add3A_9, %dma_wait3A_65] : memref<10240x128xf32, #tpu.memory_space<vmem_shared>> -> memref<128x128xf32, #tpu.memory_space<vmem_shared>>
      %dma_wait3A_67 = arith.constant 0 : i32
      %dma_wait3A_68 = arith.constant 0 : i32
      %dma_wait3A_69 = tpu.memref_slice %arg11[%dma_wait3A_67, %dma_wait3A_68] : memref<256x128xf32, #tpu.memory_space<vmem>> -> memref<128x128xf32, #tpu.memory_space<vmem>>
      tpu.wait_dma2 semaphore(%run_scoped3A : memref<!tpu.dma_semaphore, #tpu.memory_space<semaphore_mem>>) src(%dma_wait3A_69 : memref<128x128xf32, #tpu.memory_space<vmem>>) dst(%dma_wait3A_66 : memref<128x128xf32, #tpu.memory_space<vmem_shared>>)
      tpu.yield
    }) : () -> ()
    %mul3A_10 = arith.constant 640 : i32
    %mul3A_11 = arith.muli %arg1, %mul3A_10 : i32
    %add3A_12 = arith.constant 384 : i32
    %add3A_13 = arith.addi %mul3A_11, %add3A_12 : i32
    "tpu.region"() ({
      %run_scoped3A = tpu.sem_alloc : memref<!tpu.dma_semaphore, #tpu.memory_space<semaphore_mem>>
      %dma_start3A = arith.constant 0 : i32
      %dma_start3A_52 = arith.constant 0 : i32
      %dma_start3A_53 = tpu.memref_slice %arg11[%dma_start3A, %dma_start3A_52] : memref<256x128xf32, #tpu.memory_space<vmem>> -> memref<128x128xf32, #tpu.memory_space<vmem>>
      %dma_start3A_54 = arith.constant 0 : i32
      %dma_start3A_55 = tpu.memref_slice %arg8[%add3A_13, %dma_start3A_54] : memref<10240x128xf32, #tpu.memory_space<vmem_shared>> -> memref<128x128xf32, #tpu.memory_space<vmem_shared>>
      %dma_start3A_56 = arith.constant 0 : i32
      %dma_start3A_57 = tpu.memref_slice %arg8[%add3A_13, %dma_start3A_56] : memref<10240x128xf32, #tpu.memory_space<vmem_shared>> -> memref<128x128xf32, #tpu.memory_space<vmem_shared>>
      %dma_start3A_58 = arith.constant 0 : i32
      %dma_start3A_59 = arith.constant 0 : i32
      %dma_start3A_60 = tpu.memref_slice %arg11[%dma_start3A_58, %dma_start3A_59] : memref<256x128xf32, #tpu.memory_space<vmem>> -> memref<128x128xf32, #tpu.memory_space<vmem>>
      tpu.enqueue_dma source(%dma_start3A_60 : memref<128x128xf32, #tpu.memory_space<vmem>>) target(%dma_start3A_57 : memref<128x128xf32, #tpu.memory_space<vmem_shared>>) target_semaphore(%run_scoped3A : memref<!tpu.dma_semaphore, #tpu.memory_space<semaphore_mem>>)
      %dma_wait3A = arith.constant 0 : i32
      %dma_wait3A_61 = arith.constant 0 : i32
      %dma_wait3A_62 = tpu.memref_slice %arg11[%dma_wait3A, %dma_wait3A_61] : memref<256x128xf32, #tpu.memory_space<vmem>> -> memref<128x128xf32, #tpu.memory_space<vmem>>
      %dma_wait3A_63 = arith.constant 0 : i32
      %dma_wait3A_64 = tpu.memref_slice %arg8[%add3A_13, %dma_wait3A_63] : memref<10240x128xf32, #tpu.memory_space<vmem_shared>> -> memref<128x128xf32, #tpu.memory_space<vmem_shared>>
      %dma_wait3A_65 = arith.constant 0 : i32
      %dma_wait3A_66 = tpu.memref_slice %arg8[%add3A_13, %dma_wait3A_65] : memref<10240x128xf32, #tpu.memory_space<vmem_shared>> -> memref<128x128xf32, #tpu.memory_space<vmem_shared>>
      %dma_wait3A_67 = arith.constant 0 : i32
      %dma_wait3A_68 = arith.constant 0 : i32
      %dma_wait3A_69 = tpu.memref_slice %arg11[%dma_wait3A_67, %dma_wait3A_68] : memref<256x128xf32, #tpu.memory_space<vmem>> -> memref<128x128xf32, #tpu.memory_space<vmem>>
      tpu.wait_dma2 semaphore(%run_scoped3A : memref<!tpu.dma_semaphore, #tpu.memory_space<semaphore_mem>>) src(%dma_wait3A_69 : memref<128x128xf32, #tpu.memory_space<vmem>>) dst(%dma_wait3A_66 : memref<128x128xf32, #tpu.memory_space<vmem_shared>>)
      tpu.yield
    }) : () -> ()
    %mul3A_14 = arith.constant 640 : i32
    %mul3A_15 = arith.muli %arg1, %mul3A_14 : i32
    %add3A_16 = arith.constant 512 : i32
    %add3A_17 = arith.addi %mul3A_15, %add3A_16 : i32
    "tpu.region"() ({
      %run_scoped3A = tpu.sem_alloc : memref<!tpu.dma_semaphore, #tpu.memory_space<semaphore_mem>>
      %dma_start3A = arith.constant 0 : i32
      %dma_start3A_52 = arith.constant 0 : i32
      %dma_start3A_53 = tpu.memref_slice %arg11[%dma_start3A, %dma_start3A_52] : memref<256x128xf32, #tpu.memory_space<vmem>> -> memref<128x128xf32, #tpu.memory_space<vmem>>
      %dma_start3A_54 = arith.constant 0 : i32
      %dma_start3A_55 = tpu.memref_slice %arg8[%add3A_17, %dma_start3A_54] : memref<10240x128xf32, #tpu.memory_space<vmem_shared>> -> memref<128x128xf32, #tpu.memory_space<vmem_shared>>
      %dma_start3A_56 = arith.constant 0 : i32
      %dma_start3A_57 = tpu.memref_slice %arg8[%add3A_17, %dma_start3A_56] : memref<10240x128xf32, #tpu.memory_space<vmem_shared>> -> memref<128x128xf32, #tpu.memory_space<vmem_shared>>
      %dma_start3A_58 = arith.constant 0 : i32
      %dma_start3A_59 = arith.constant 0 : i32
      %dma_start3A_60 = tpu.memref_slice %arg11[%dma_start3A_58, %dma_start3A_59] : memref<256x128xf32, #tpu.memory_space<vmem>> -> memref<128x128xf32, #tpu.memory_space<vmem>>
      tpu.enqueue_dma source(%dma_start3A_60 : memref<128x128xf32, #tpu.memory_space<vmem>>) target(%dma_start3A_57 : memref<128x128xf32, #tpu.memory_space<vmem_shared>>) target_semaphore(%run_scoped3A : memref<!tpu.dma_semaphore, #tpu.memory_space<semaphore_mem>>)
      %dma_wait3A = arith.constant 0 : i32
      %dma_wait3A_61 = arith.constant 0 : i32
      %dma_wait3A_62 = tpu.memref_slice %arg11[%dma_wait3A, %dma_wait3A_61] : memref<256x128xf32, #tpu.memory_space<vmem>> -> memref<128x128xf32, #tpu.memory_space<vmem>>
      %dma_wait3A_63 = arith.constant 0 : i32
      %dma_wait3A_64 = tpu.memref_slice %arg8[%add3A_17, %dma_wait3A_63] : memref<10240x128xf32, #tpu.memory_space<vmem_shared>> -> memref<128x128xf32, #tpu.memory_space<vmem_shared>>
      %dma_wait3A_65 = arith.constant 0 : i32
      %dma_wait3A_66 = tpu.memref_slice %arg8[%add3A_17, %dma_wait3A_65] : memref<10240x128xf32, #tpu.memory_space<vmem_shared>> -> memref<128x128xf32, #tpu.memory_space<vmem_shared>>
      %dma_wait3A_67 = arith.constant 0 : i32
      %dma_wait3A_68 = arith.constant 0 : i32
      %dma_wait3A_69 = tpu.memref_slice %arg11[%dma_wait3A_67, %dma_wait3A_68] : memref<256x128xf32, #tpu.memory_space<vmem>> -> memref<128x128xf32, #tpu.memory_space<vmem>>
      tpu.wait_dma2 semaphore(%run_scoped3A : memref<!tpu.dma_semaphore, #tpu.memory_space<semaphore_mem>>) src(%dma_wait3A_69 : memref<128x128xf32, #tpu.memory_space<vmem>>) dst(%dma_wait3A_66 : memref<128x128xf32, #tpu.memory_space<vmem_shared>>)
      tpu.yield
    }) : () -> ()
    %barrier3A = arith.constant 0 : index
    tpu.barrier barrier_id(%barrier3A)
    %eq3A = arith.constant 0 : i32
    %eq3A_18 = arith.cmpi eq, %arg0, %eq3A : i32
    %convert_element_type3A = arith.extui %eq3A_18 : i1 to i32
    %cond3A = arith.constant 0 : i32
    %cond3A_19 = arith.cmpi ne, %convert_element_type3A, %cond3A : i32
    scf.if %cond3A_19 {
      "tpu.region"() ({
        %run_scoped3A = tpu.sem_alloc : memref<!tpu.dma_semaphore, #tpu.memory_space<semaphore_mem>>
        %dma_start3A = arith.constant 0 : i32
        %dma_start3A_52 = arith.constant 0 : i32
        %dma_start3A_53 = tpu.memref_slice %arg3[%arg1, %dma_start3A, %dma_start3A_52] : memref<16x80x128xi32, #tpu.memory_space<hbm>> -> memref<1x40x128xi32, #tpu.memory_space<hbm>>
        %dma_start3A_54 = tpu.memref_squeeze %dma_start3A_53 : memref<1x40x128xi32, #tpu.memory_space<hbm>> -> memref<40x128xi32, #tpu.memory_space<hbm>>
        %dma_start3A_55 = arith.constant 0 : i32
        %dma_start3A_56 = arith.constant 0 : i32
        %dma_start3A_57 = tpu.memref_slice %arg3[%arg1, %dma_start3A_55, %dma_start3A_56] : memref<16x80x128xi32, #tpu.memory_space<hbm>> -> memref<1x40x128xi32, #tpu.memory_space<hbm>>
        %dma_start3A_58 = tpu.memref_squeeze %dma_start3A_57 : memref<1x40x128xi32, #tpu.memory_space<hbm>> -> memref<40x128xi32, #tpu.memory_space<hbm>>
        tpu.enqueue_dma source(%dma_start3A_58 : memref<40x128xi32, #tpu.memory_space<hbm>>) target(%arg9 : memref<40x128xi32, #tpu.memory_space<vmem>>) target_semaphore(%run_scoped3A : memref<!tpu.dma_semaphore, #tpu.memory_space<semaphore_mem>>)
        %dma_wait3A = arith.constant 0 : i32
        %dma_wait3A_59 = arith.constant 0 : i32
        %dma_wait3A_60 = tpu.memref_slice %arg3[%arg1, %dma_wait3A, %dma_wait3A_59] : memref<16x80x128xi32, #tpu.memory_space<hbm>> -> memref<1x40x128xi32, #tpu.memory_space<hbm>>
        %dma_wait3A_61 = tpu.memref_squeeze %dma_wait3A_60 : memref<1x40x128xi32, #tpu.memory_space<hbm>> -> memref<40x128xi32, #tpu.memory_space<hbm>>
        %dma_wait3A_62 = arith.constant 0 : i32
        %dma_wait3A_63 = arith.constant 0 : i32
        %dma_wait3A_64 = tpu.memref_slice %arg3[%arg1, %dma_wait3A_62, %dma_wait3A_63] : memref<16x80x128xi32, #tpu.memory_space<hbm>> -> memref<1x40x128xi32, #tpu.memory_space<hbm>>
        %dma_wait3A_65 = tpu.memref_squeeze %dma_wait3A_64 : memref<1x40x128xi32, #tpu.memory_space<hbm>> -> memref<40x128xi32, #tpu.memory_space<hbm>>
        tpu.wait_dma2 semaphore(%run_scoped3A : memref<!tpu.dma_semaphore, #tpu.memory_space<semaphore_mem>>) src(%dma_wait3A_65 : memref<40x128xi32, #tpu.memory_space<hbm>>) dst(%arg9 : memref<40x128xi32, #tpu.memory_space<vmem>>)
        tpu.yield
      }) : () -> ()
    } else {
    }
    %eq3A_20 = arith.constant 1 : i32
    %eq3A_21 = arith.cmpi eq, %arg0, %eq3A_20 : i32
    %convert_element_type3A_22 = arith.extui %eq3A_21 : i1 to i32
    %cond3A_23 = arith.constant 0 : i32
    %cond3A_24 = arith.cmpi ne, %convert_element_type3A_22, %cond3A_23 : i32
    scf.if %cond3A_24 {
      "tpu.region"() ({
        %run_scoped3A = tpu.sem_alloc : memref<!tpu.dma_semaphore, #tpu.memory_space<semaphore_mem>>
        %dma_start3A = arith.constant 0 : i32
        %dma_start3A_52 = arith.constant 0 : i32
        %dma_start3A_53 = tpu.memref_slice %arg4[%arg1, %dma_start3A, %dma_start3A_52] : memref<16x80x128xi32, #tpu.memory_space<hbm>> -> memref<1x40x128xi32, #tpu.memory_space<hbm>>
        %dma_start3A_54 = tpu.memref_squeeze %dma_start3A_53 : memref<1x40x128xi32, #tpu.memory_space<hbm>> -> memref<40x128xi32, #tpu.memory_space<hbm>>
        %dma_start3A_55 = arith.constant 0 : i32
        %dma_start3A_56 = arith.constant 0 : i32
        %dma_start3A_57 = tpu.memref_slice %arg4[%arg1, %dma_start3A_55, %dma_start3A_56] : memref<16x80x128xi32, #tpu.memory_space<hbm>> -> memref<1x40x128xi32, #tpu.memory_space<hbm>>
        %dma_start3A_58 = tpu.memref_squeeze %dma_start3A_57 : memref<1x40x128xi32, #tpu.memory_space<hbm>> -> memref<40x128xi32, #tpu.memory_space<hbm>>
        tpu.enqueue_dma source(%dma_start3A_58 : memref<40x128xi32, #tpu.memory_space<hbm>>) target(%arg9 : memref<40x128xi32, #tpu.memory_space<vmem>>) target_semaphore(%run_scoped3A : memref<!tpu.dma_semaphore, #tpu.memory_space<semaphore_mem>>)
        %dma_wait3A = arith.constant 0 : i32
        %dma_wait3A_59 = arith.constant 0 : i32
        %dma_wait3A_60 = tpu.memref_slice %arg4[%arg1, %dma_wait3A, %dma_wait3A_59] : memref<16x80x128xi32, #tpu.memory_space<hbm>> -> memref<1x40x128xi32, #tpu.memory_space<hbm>>
        %dma_wait3A_61 = tpu.memref_squeeze %dma_wait3A_60 : memref<1x40x128xi32, #tpu.memory_space<hbm>> -> memref<40x128xi32, #tpu.memory_space<hbm>>
        %dma_wait3A_62 = arith.constant 0 : i32
        %dma_wait3A_63 = arith.constant 0 : i32
        %dma_wait3A_64 = tpu.memref_slice %arg4[%arg1, %dma_wait3A_62, %dma_wait3A_63] : memref<16x80x128xi32, #tpu.memory_space<hbm>> -> memref<1x40x128xi32, #tpu.memory_space<hbm>>
        %dma_wait3A_65 = tpu.memref_squeeze %dma_wait3A_64 : memref<1x40x128xi32, #tpu.memory_space<hbm>> -> memref<40x128xi32, #tpu.memory_space<hbm>>
        tpu.wait_dma2 semaphore(%run_scoped3A : memref<!tpu.dma_semaphore, #tpu.memory_space<semaphore_mem>>) src(%dma_wait3A_65 : memref<40x128xi32, #tpu.memory_space<hbm>>) dst(%arg9 : memref<40x128xi32, #tpu.memory_space<vmem>>)
        tpu.yield
      }) : () -> ()
    } else {
    }
    "tpu.region"() ({
      %run_scoped3A = tpu.sem_alloc : memref<!tpu.dma_semaphore, #tpu.memory_space<semaphore_mem>>
      %dma_start3A = arith.constant 0 : i32
      %dma_start3A_52 = arith.constant 0 : i32
      %dma_start3A_53 = tpu.memref_slice %arg5[%arg1, %dma_start3A, %dma_start3A_52] : memref<16x80x128xi32, #tpu.memory_space<hbm>> -> memref<1x40x128xi32, #tpu.memory_space<hbm>>
      %dma_start3A_54 = tpu.memref_squeeze %dma_start3A_53 : memref<1x40x128xi32, #tpu.memory_space<hbm>> -> memref<40x128xi32, #tpu.memory_space<hbm>>
      %dma_start3A_55 = arith.constant 0 : i32
      %dma_start3A_56 = arith.constant 0 : i32
      %dma_start3A_57 = tpu.memref_slice %arg5[%arg1, %dma_start3A_55, %dma_start3A_56] : memref<16x80x128xi32, #tpu.memory_space<hbm>> -> memref<1x40x128xi32, #tpu.memory_space<hbm>>
      %dma_start3A_58 = tpu.memref_squeeze %dma_start3A_57 : memref<1x40x128xi32, #tpu.memory_space<hbm>> -> memref<40x128xi32, #tpu.memory_space<hbm>>
      tpu.enqueue_dma source(%dma_start3A_58 : memref<40x128xi32, #tpu.memory_space<hbm>>) target(%arg10 : memref<40x128xi32, #tpu.memory_space<vmem>>) target_semaphore(%run_scoped3A : memref<!tpu.dma_semaphore, #tpu.memory_space<semaphore_mem>>)
      %dma_wait3A = arith.constant 0 : i32
      %dma_wait3A_59 = arith.constant 0 : i32
      %dma_wait3A_60 = tpu.memref_slice %arg5[%arg1, %dma_wait3A, %dma_wait3A_59] : memref<16x80x128xi32, #tpu.memory_space<hbm>> -> memref<1x40x128xi32, #tpu.memory_space<hbm>>
      %dma_wait3A_61 = tpu.memref_squeeze %dma_wait3A_60 : memref<1x40x128xi32, #tpu.memory_space<hbm>> -> memref<40x128xi32, #tpu.memory_space<hbm>>
      %dma_wait3A_62 = arith.constant 0 : i32
      %dma_wait3A_63 = arith.constant 0 : i32
      %dma_wait3A_64 = tpu.memref_slice %arg5[%arg1, %dma_wait3A_62, %dma_wait3A_63] : memref<16x80x128xi32, #tpu.memory_space<hbm>> -> memref<1x40x128xi32, #tpu.memory_space<hbm>>
      %dma_wait3A_65 = tpu.memref_squeeze %dma_wait3A_64 : memref<1x40x128xi32, #tpu.memory_space<hbm>> -> memref<40x128xi32, #tpu.memory_space<hbm>>
      tpu.wait_dma2 semaphore(%run_scoped3A : memref<!tpu.dma_semaphore, #tpu.memory_space<semaphore_mem>>) src(%dma_wait3A_65 : memref<40x128xi32, #tpu.memory_space<hbm>>) dst(%arg10 : memref<40x128xi32, #tpu.memory_space<vmem>>)
      tpu.yield
    }) : () -> ()
    %scan3A = arith.constant 0 : i32
    %scan3A_25 = arith.constant 5 : i32
    %scan3A_26 = arith.addi %scan3A, %scan3A_25 : i32
    %scan3A_27 = arith.constant 1 : i32
    scf.for %scan3A_52 = %scan3A to %scan3A_26 step %scan3A_27  : i32 {
      %mul3A_53 = arith.constant 8 : i32
      %mul3A_54 = arith.muli %scan3A_52, %mul3A_53 : i32
      %add3A_55 = arith.constant 0 : i32
      %add3A_56 = arith.addi %add3A_55, %mul3A_54 : i32
      %add3A_57 = arith.constant 0 : i32
      %add3A_58 = arith.addi %add3A_56, %add3A_57 : i32
      %dma_start3A = arith.constant 0 : i32
      %dma_start3A_59 = arith.constant 0 : i32
      %dma_start3A_60 = tpu.memref_slice %arg11[%dma_start3A, %dma_start3A_59] : memref<256x128xf32, #tpu.memory_space<vmem>> -> memref<128x128xf32, #tpu.memory_space<vmem>>
      %dma_start3A_61 = arith.constant 0 : i32
      %dma_start3A_62 = tpu.memref_slice %arg9[%add3A_58, %dma_start3A_61] : memref<40x128xi32, #tpu.memory_space<vmem>> -> memref<1x128xi32, #tpu.memory_space<vmem>>
      %dma_start3A_63 = tpu.memref_squeeze %dma_start3A_62 : memref<1x128xi32, #tpu.memory_space<vmem>> -> memref<128xi32, #tpu.memory_space<vmem>>
      %dma_start3A_64 = arith.constant 0 : i32
      %dma_start3A_65 = arith.constant 0 : i32
      %dma_start3A_66 = tpu.memref_slice %arg2[%dma_start3A_64, %dma_start3A_65] : memref<20480x128xf32, #tpu.memory_space<hbm>> -> memref<20480x128xf32, #tpu.memory_space<hbm>>
      tpu.enqueue_indirect_dma source(%dma_start3A_66 : memref<20480x128xf32, #tpu.memory_space<hbm>>) target(%dma_start3A_60 : memref<128x128xf32, #tpu.memory_space<vmem>>) offsets(%dma_start3A_63 : memref<128xi32, #tpu.memory_space<vmem>>) semaphore(%arg12 : memref<!tpu.dma_semaphore, #tpu.memory_space<semaphore_mem>>)
      %add3A_67 = arith.constant 1 : i32
      %add3A_68 = arith.addi %add3A_56, %add3A_67 : i32
      %dma_start3A_69 = arith.constant 128 : i32
      %dma_start3A_70 = arith.constant 0 : i32
      %dma_start3A_71 = tpu.memref_slice %arg11[%dma_start3A_69, %dma_start3A_70] : memref<256x128xf32, #tpu.memory_space<vmem>> -> memref<128x128xf32, #tpu.memory_space<vmem>>
      %dma_start3A_72 = arith.constant 0 : i32
      %dma_start3A_73 = tpu.memref_slice %arg9[%add3A_68, %dma_start3A_72] : memref<40x128xi32, #tpu.memory_space<vmem>> -> memref<1x128xi32, #tpu.memory_space<vmem>>
      %dma_start3A_74 = tpu.memref_squeeze %dma_start3A_73 : memref<1x128xi32, #tpu.memory_space<vmem>> -> memref<128xi32, #tpu.memory_space<vmem>>
      %dma_start3A_75 = arith.constant 0 : i32
      %dma_start3A_76 = arith.constant 0 : i32
      %dma_start3A_77 = tpu.memref_slice %arg2[%dma_start3A_75, %dma_start3A_76] : memref<20480x128xf32, #tpu.memory_space<hbm>> -> memref<20480x128xf32, #tpu.memory_space<hbm>>
      tpu.enqueue_indirect_dma source(%dma_start3A_77 : memref<20480x128xf32, #tpu.memory_space<hbm>>) target(%dma_start3A_71 : memref<128x128xf32, #tpu.memory_space<vmem>>) offsets(%dma_start3A_74 : memref<128xi32, #tpu.memory_space<vmem>>) semaphore(%arg12 : memref<!tpu.dma_semaphore, #tpu.memory_space<semaphore_mem>>)
      %dma_wait3A = arith.constant 0 : i32
      %dma_wait3A_78 = arith.constant 0 : i32
      %dma_wait3A_79 = tpu.memref_slice %arg11[%dma_wait3A, %dma_wait3A_78] : memref<256x128xf32, #tpu.memory_space<vmem>> -> memref<128x128xf32, #tpu.memory_space<vmem>>
      %dma_wait3A_80 = arith.constant 0 : i32
      %dma_wait3A_81 = tpu.memref_slice %arg9[%add3A_58, %dma_wait3A_80] : memref<40x128xi32, #tpu.memory_space<vmem>> -> memref<1x128xi32, #tpu.memory_space<vmem>>
      %dma_wait3A_82 = tpu.memref_squeeze %dma_wait3A_81 : memref<1x128xi32, #tpu.memory_space<vmem>> -> memref<128xi32, #tpu.memory_space<vmem>>
      %dma_wait3A_83 = arith.constant 0 : i32
      %dma_wait3A_84 = arith.constant 0 : i32
      %dma_wait3A_85 = tpu.memref_slice %arg2[%dma_wait3A_83, %dma_wait3A_84] : memref<20480x128xf32, #tpu.memory_space<hbm>> -> memref<20480x128xf32, #tpu.memory_space<hbm>>
      tpu.wait_indirect_dma semaphore(%arg12 : memref<!tpu.dma_semaphore, #tpu.memory_space<semaphore_mem>>) src(%dma_wait3A_85 : memref<20480x128xf32, #tpu.memory_space<hbm>>) dst(%dma_wait3A_79 : memref<128x128xf32, #tpu.memory_space<vmem>>)
      %add3A_86 = arith.constant 0 : i32
      %add3A_87 = arith.addi %add3A_56, %add3A_86 : i32
      %dma_start3A_88 = arith.constant 0 : i32
      %dma_start3A_89 = arith.constant 0 : i32
      %dma_start3A_90 = tpu.memref_slice %arg11[%dma_start3A_88, %dma_start3A_89] : memref<256x128xf32, #tpu.memory_space<vmem>> -> memref<128x128xf32, #tpu.memory_space<vmem>>
      %dma_start3A_91 = arith.constant 0 : i32
      %dma_start3A_92 = tpu.memref_slice %arg10[%add3A_87, %dma_start3A_91] : memref<40x128xi32, #tpu.memory_space<vmem>> -> memref<1x128xi32, #tpu.memory_space<vmem>>
      %dma_start3A_93 = tpu.memref_squeeze %dma_start3A_92 : memref<1x128xi32, #tpu.memory_space<vmem>> -> memref<128xi32, #tpu.memory_space<vmem>>
      %dma_start3A_94 = arith.constant 0 : i32
      %dma_start3A_95 = arith.constant 0 : i32
      %dma_start3A_96 = tpu.memref_slice %arg8[%dma_start3A_94, %dma_start3A_95] : memref<10240x128xf32, #tpu.memory_space<vmem_shared>> -> memref<10240x128xf32, #tpu.memory_space<vmem_shared>>
      tpu.enqueue_indirect_dma source(%dma_start3A_90 : memref<128x128xf32, #tpu.memory_space<vmem>>) target(%dma_start3A_96 : memref<10240x128xf32, #tpu.memory_space<vmem_shared>>) offsets(%dma_start3A_93 : memref<128xi32, #tpu.memory_space<vmem>>) semaphore(%arg13 : memref<!tpu.dma_semaphore, #tpu.memory_space<semaphore_mem>>) {add = true}
      %dma_wait3A_97 = arith.constant 0 : i32
      %dma_wait3A_98 = arith.constant 0 : i32
      %dma_wait3A_99 = tpu.memref_slice %arg11[%dma_wait3A_97, %dma_wait3A_98] : memref<256x128xf32, #tpu.memory_space<vmem>> -> memref<128x128xf32, #tpu.memory_space<vmem>>
      %dma_wait3A_100 = arith.constant 0 : i32
      %dma_wait3A_101 = tpu.memref_slice %arg10[%add3A_87, %dma_wait3A_100] : memref<40x128xi32, #tpu.memory_space<vmem>> -> memref<1x128xi32, #tpu.memory_space<vmem>>
      %dma_wait3A_102 = tpu.memref_squeeze %dma_wait3A_101 : memref<1x128xi32, #tpu.memory_space<vmem>> -> memref<128xi32, #tpu.memory_space<vmem>>
      %dma_wait3A_103 = arith.constant 0 : i32
      %dma_wait3A_104 = arith.constant 0 : i32
      %dma_wait3A_105 = tpu.memref_slice %arg8[%dma_wait3A_103, %dma_wait3A_104] : memref<10240x128xf32, #tpu.memory_space<vmem_shared>> -> memref<10240x128xf32, #tpu.memory_space<vmem_shared>>
      tpu.wait_indirect_dma semaphore(%arg13 : memref<!tpu.dma_semaphore, #tpu.memory_space<semaphore_mem>>) src(%dma_wait3A_99 : memref<128x128xf32, #tpu.memory_space<vmem>>) dst(%dma_wait3A_105 : memref<10240x128xf32, #tpu.memory_space<vmem_shared>>)
      %add3A_106 = arith.constant 2 : i32
      %add3A_107 = arith.addi %add3A_56, %add3A_106 : i32
      %dma_start3A_108 = arith.constant 0 : i32
      %dma_start3A_109 = arith.constant 0 : i32
      %dma_start3A_110 = tpu.memref_slice %arg11[%dma_start3A_108, %dma_start3A_109] : memref<256x128xf32, #tpu.memory_space<vmem>> -> memref<128x128xf32, #tpu.memory_space<vmem>>
      %dma_start3A_111 = arith.constant 0 : i32
      %dma_start3A_112 = tpu.memref_slice %arg9[%add3A_107, %dma_start3A_111] : memref<40x128xi32, #tpu.memory_space<vmem>> -> memref<1x128xi32, #tpu.memory_space<vmem>>
      %dma_start3A_113 = tpu.memref_squeeze %dma_start3A_112 : memref<1x128xi32, #tpu.memory_space<vmem>> -> memref<128xi32, #tpu.memory_space<vmem>>
      %dma_start3A_114 = arith.constant 0 : i32
      %dma_start3A_115 = arith.constant 0 : i32
      %dma_start3A_116 = tpu.memref_slice %arg2[%dma_start3A_114, %dma_start3A_115] : memref<20480x128xf32, #tpu.memory_space<hbm>> -> memref<20480x128xf32, #tpu.memory_space<hbm>>
      tpu.enqueue_indirect_dma source(%dma_start3A_116 : memref<20480x128xf32, #tpu.memory_space<hbm>>) target(%dma_start3A_110 : memref<128x128xf32, #tpu.memory_space<vmem>>) offsets(%dma_start3A_113 : memref<128xi32, #tpu.memory_space<vmem>>) semaphore(%arg12 : memref<!tpu.dma_semaphore, #tpu.memory_space<semaphore_mem>>)
      %dma_wait3A_117 = arith.constant 128 : i32
      %dma_wait3A_118 = arith.constant 0 : i32
      %dma_wait3A_119 = tpu.memref_slice %arg11[%dma_wait3A_117, %dma_wait3A_118] : memref<256x128xf32, #tpu.memory_space<vmem>> -> memref<128x128xf32, #tpu.memory_space<vmem>>
      %dma_wait3A_120 = arith.constant 0 : i32
      %dma_wait3A_121 = tpu.memref_slice %arg9[%add3A_68, %dma_wait3A_120] : memref<40x128xi32, #tpu.memory_space<vmem>> -> memref<1x128xi32, #tpu.memory_space<vmem>>
      %dma_wait3A_122 = tpu.memref_squeeze %dma_wait3A_121 : memref<1x128xi32, #tpu.memory_space<vmem>> -> memref<128xi32, #tpu.memory_space<vmem>>
      %dma_wait3A_123 = arith.constant 0 : i32
      %dma_wait3A_124 = arith.constant 0 : i32
      %dma_wait3A_125 = tpu.memref_slice %arg2[%dma_wait3A_123, %dma_wait3A_124] : memref<20480x128xf32, #tpu.memory_space<hbm>> -> memref<20480x128xf32, #tpu.memory_space<hbm>>
      tpu.wait_indirect_dma semaphore(%arg12 : memref<!tpu.dma_semaphore, #tpu.memory_space<semaphore_mem>>) src(%dma_wait3A_125 : memref<20480x128xf32, #tpu.memory_space<hbm>>) dst(%dma_wait3A_119 : memref<128x128xf32, #tpu.memory_space<vmem>>)
      %add3A_126 = arith.constant 1 : i32
      %add3A_127 = arith.addi %add3A_56, %add3A_126 : i32
      %dma_start3A_128 = arith.constant 128 : i32
      %dma_start3A_129 = arith.constant 0 : i32
      %dma_start3A_130 = tpu.memref_slice %arg11[%dma_start3A_128, %dma_start3A_129] : memref<256x128xf32, #tpu.memory_space<vmem>> -> memref<128x128xf32, #tpu.memory_space<vmem>>
      %dma_start3A_131 = arith.constant 0 : i32
      %dma_start3A_132 = tpu.memref_slice %arg10[%add3A_127, %dma_start3A_131] : memref<40x128xi32, #tpu.memory_space<vmem>> -> memref<1x128xi32, #tpu.memory_space<vmem>>
      %dma_start3A_133 = tpu.memref_squeeze %dma_start3A_132 : memref<1x128xi32, #tpu.memory_space<vmem>> -> memref<128xi32, #tpu.memory_space<vmem>>
      %dma_start3A_134 = arith.constant 0 : i32
      %dma_start3A_135 = arith.constant 0 : i32
      %dma_start3A_136 = tpu.memref_slice %arg8[%dma_start3A_134, %dma_start3A_135] : memref<10240x128xf32, #tpu.memory_space<vmem_shared>> -> memref<10240x128xf32, #tpu.memory_space<vmem_shared>>
      tpu.enqueue_indirect_dma source(%dma_start3A_130 : memref<128x128xf32, #tpu.memory_space<vmem>>) target(%dma_start3A_136 : memref<10240x128xf32, #tpu.memory_space<vmem_shared>>) offsets(%dma_start3A_133 : memref<128xi32, #tpu.memory_space<vmem>>) semaphore(%arg13 : memref<!tpu.dma_semaphore, #tpu.memory_space<semaphore_mem>>) {add = true}
      %dma_wait3A_137 = arith.constant 128 : i32
      %dma_wait3A_138 = arith.constant 0 : i32
      %dma_wait3A_139 = tpu.memref_slice %arg11[%dma_wait3A_137, %dma_wait3A_138] : memref<256x128xf32, #tpu.memory_space<vmem>> -> memref<128x128xf32, #tpu.memory_space<vmem>>
      %dma_wait3A_140 = arith.constant 0 : i32
      %dma_wait3A_141 = tpu.memref_slice %arg10[%add3A_127, %dma_wait3A_140] : memref<40x128xi32, #tpu.memory_space<vmem>> -> memref<1x128xi32, #tpu.memory_space<vmem>>
      %dma_wait3A_142 = tpu.memref_squeeze %dma_wait3A_141 : memref<1x128xi32, #tpu.memory_space<vmem>> -> memref<128xi32, #tpu.memory_space<vmem>>
      %dma_wait3A_143 = arith.constant 0 : i32
      %dma_wait3A_144 = arith.constant 0 : i32
      %dma_wait3A_145 = tpu.memref_slice %arg8[%dma_wait3A_143, %dma_wait3A_144] : memref<10240x128xf32, #tpu.memory_space<vmem_shared>> -> memref<10240x128xf32, #tpu.memory_space<vmem_shared>>
      tpu.wait_indirect_dma semaphore(%arg13 : memref<!tpu.dma_semaphore, #tpu.memory_space<semaphore_mem>>) src(%dma_wait3A_139 : memref<128x128xf32, #tpu.memory_space<vmem>>) dst(%dma_wait3A_145 : memref<10240x128xf32, #tpu.memory_space<vmem_shared>>)
      %add3A_146 = arith.constant 3 : i32
      %add3A_147 = arith.addi %add3A_56, %add3A_146 : i32
      %dma_start3A_148 = arith.constant 128 : i32
      %dma_start3A_149 = arith.constant 0 : i32
      %dma_start3A_150 = tpu.memref_slice %arg11[%dma_start3A_148, %dma_start3A_149] : memref<256x128xf32, #tpu.memory_space<vmem>> -> memref<128x128xf32, #tpu.memory_space<vmem>>
      %dma_start3A_151 = arith.constant 0 : i32
      %dma_start3A_152 = tpu.memref_slice %arg9[%add3A_147, %dma_start3A_151] : memref<40x128xi32, #tpu.memory_space<vmem>> -> memref<1x128xi32, #tpu.memory_space<vmem>>
      %dma_start3A_153 = tpu.memref_squeeze %dma_start3A_152 : memref<1x128xi32, #tpu.memory_space<vmem>> -> memref<128xi32, #tpu.memory_space<vmem>>
      %dma_start3A_154 = arith.constant 0 : i32
      %dma_start3A_155 = arith.constant 0 : i32
      %dma_start3A_156 = tpu.memref_slice %arg2[%dma_start3A_154, %dma_start3A_155] : memref<20480x128xf32, #tpu.memory_space<hbm>> -> memref<20480x128xf32, #tpu.memory_space<hbm>>
      tpu.enqueue_indirect_dma source(%dma_start3A_156 : memref<20480x128xf32, #tpu.memory_space<hbm>>) target(%dma_start3A_150 : memref<128x128xf32, #tpu.memory_space<vmem>>) offsets(%dma_start3A_153 : memref<128xi32, #tpu.memory_space<vmem>>) semaphore(%arg12 : memref<!tpu.dma_semaphore, #tpu.memory_space<semaphore_mem>>)
      %dma_wait3A_157 = arith.constant 0 : i32
      %dma_wait3A_158 = arith.constant 0 : i32
      %dma_wait3A_159 = tpu.memref_slice %arg11[%dma_wait3A_157, %dma_wait3A_158] : memref<256x128xf32, #tpu.memory_space<vmem>> -> memref<128x128xf32, #tpu.memory_space<vmem>>
      %dma_wait3A_160 = arith.constant 0 : i32
      %dma_wait3A_161 = tpu.memref_slice %arg9[%add3A_107, %dma_wait3A_160] : memref<40x128xi32, #tpu.memory_space<vmem>> -> memref<1x128xi32, #tpu.memory_space<vmem>>
      %dma_wait3A_162 = tpu.memref_squeeze %dma_wait3A_161 : memref<1x128xi32, #tpu.memory_space<vmem>> -> memref<128xi32, #tpu.memory_space<vmem>>
      %dma_wait3A_163 = arith.constant 0 : i32
      %dma_wait3A_164 = arith.constant 0 : i32
      %dma_wait3A_165 = tpu.memref_slice %arg2[%dma_wait3A_163, %dma_wait3A_164] : memref<20480x128xf32, #tpu.memory_space<hbm>> -> memref<20480x128xf32, #tpu.memory_space<hbm>>
      tpu.wait_indirect_dma semaphore(%arg12 : memref<!tpu.dma_semaphore, #tpu.memory_space<semaphore_mem>>) src(%dma_wait3A_165 : memref<20480x128xf32, #tpu.memory_space<hbm>>) dst(%dma_wait3A_159 : memref<128x128xf32, #tpu.memory_space<vmem>>)
      %add3A_166 = arith.constant 2 : i32
      %add3A_167 = arith.addi %add3A_56, %add3A_166 : i32
      %dma_start3A_168 = arith.constant 0 : i32
      %dma_start3A_169 = arith.constant 0 : i32
      %dma_start3A_170 = tpu.memref_slice %arg11[%dma_start3A_168, %dma_start3A_169] : memref<256x128xf32, #tpu.memory_space<vmem>> -> memref<128x128xf32, #tpu.memory_space<vmem>>
      %dma_start3A_171 = arith.constant 0 : i32
      %dma_start3A_172 = tpu.memref_slice %arg10[%add3A_167, %dma_start3A_171] : memref<40x128xi32, #tpu.memory_space<vmem>> -> memref<1x128xi32, #tpu.memory_space<vmem>>
      %dma_start3A_173 = tpu.memref_squeeze %dma_start3A_172 : memref<1x128xi32, #tpu.memory_space<vmem>> -> memref<128xi32, #tpu.memory_space<vmem>>
      %dma_start3A_174 = arith.constant 0 : i32
      %dma_start3A_175 = arith.constant 0 : i32
      %dma_start3A_176 = tpu.memref_slice %arg8[%dma_start3A_174, %dma_start3A_175] : memref<10240x128xf32, #tpu.memory_space<vmem_shared>> -> memref<10240x128xf32, #tpu.memory_space<vmem_shared>>
      tpu.enqueue_indirect_dma source(%dma_start3A_170 : memref<128x128xf32, #tpu.memory_space<vmem>>) target(%dma_start3A_176 : memref<10240x128xf32, #tpu.memory_space<vmem_shared>>) offsets(%dma_start3A_173 : memref<128xi32, #tpu.memory_space<vmem>>) semaphore(%arg13 : memref<!tpu.dma_semaphore, #tpu.memory_space<semaphore_mem>>) {add = true}
      %dma_wait3A_177 = arith.constant 0 : i32
      %dma_wait3A_178 = arith.constant 0 : i32
      %dma_wait3A_179 = tpu.memref_slice %arg11[%dma_wait3A_177, %dma_wait3A_178] : memref<256x128xf32, #tpu.memory_space<vmem>> -> memref<128x128xf32, #tpu.memory_space<vmem>>
      %dma_wait3A_180 = arith.constant 0 : i32
      %dma_wait3A_181 = tpu.memref_slice %arg10[%add3A_167, %dma_wait3A_180] : memref<40x128xi32, #tpu.memory_space<vmem>> -> memref<1x128xi32, #tpu.memory_space<vmem>>
      %dma_wait3A_182 = tpu.memref_squeeze %dma_wait3A_181 : memref<1x128xi32, #tpu.memory_space<vmem>> -> memref<128xi32, #tpu.memory_space<vmem>>
      %dma_wait3A_183 = arith.constant 0 : i32
      %dma_wait3A_184 = arith.constant 0 : i32
      %dma_wait3A_185 = tpu.memref_slice %arg8[%dma_wait3A_183, %dma_wait3A_184] : memref<10240x128xf32, #tpu.memory_space<vmem_shared>> -> memref<10240x128xf32, #tpu.memory_space<vmem_shared>>
      tpu.wait_indirect_dma semaphore(%arg13 : memref<!tpu.dma_semaphore, #tpu.memory_space<semaphore_mem>>) src(%dma_wait3A_179 : memref<128x128xf32, #tpu.memory_space<vmem>>) dst(%dma_wait3A_185 : memref<10240x128xf32, #tpu.memory_space<vmem_shared>>)
      %add3A_186 = arith.constant 4 : i32
      %add3A_187 = arith.addi %add3A_56, %add3A_186 : i32
      %dma_start3A_188 = arith.constant 0 : i32
      %dma_start3A_189 = arith.constant 0 : i32
      %dma_start3A_190 = tpu.memref_slice %arg11[%dma_start3A_188, %dma_start3A_189] : memref<256x128xf32, #tpu.memory_space<vmem>> -> memref<128x128xf32, #tpu.memory_space<vmem>>
      %dma_start3A_191 = arith.constant 0 : i32
      %dma_start3A_192 = tpu.memref_slice %arg9[%add3A_187, %dma_start3A_191] : memref<40x128xi32, #tpu.memory_space<vmem>> -> memref<1x128xi32, #tpu.memory_space<vmem>>
      %dma_start3A_193 = tpu.memref_squeeze %dma_start3A_192 : memref<1x128xi32, #tpu.memory_space<vmem>> -> memref<128xi32, #tpu.memory_space<vmem>>
      %dma_start3A_194 = arith.constant 0 : i32
      %dma_start3A_195 = arith.constant 0 : i32
      %dma_start3A_196 = tpu.memref_slice %arg2[%dma_start3A_194, %dma_start3A_195] : memref<20480x128xf32, #tpu.memory_space<hbm>> -> memref<20480x128xf32, #tpu.memory_space<hbm>>
      tpu.enqueue_indirect_dma source(%dma_start3A_196 : memref<20480x128xf32, #tpu.memory_space<hbm>>) target(%dma_start3A_190 : memref<128x128xf32, #tpu.memory_space<vmem>>) offsets(%dma_start3A_193 : memref<128xi32, #tpu.memory_space<vmem>>) semaphore(%arg12 : memref<!tpu.dma_semaphore, #tpu.memory_space<semaphore_mem>>)
      %dma_wait3A_197 = arith.constant 128 : i32
      %dma_wait3A_198 = arith.constant 0 : i32
      %dma_wait3A_199 = tpu.memref_slice %arg11[%dma_wait3A_197, %dma_wait3A_198] : memref<256x128xf32, #tpu.memory_space<vmem>> -> memref<128x128xf32, #tpu.memory_space<vmem>>
      %dma_wait3A_200 = arith.constant 0 : i32
      %dma_wait3A_201 = tpu.memref_slice %arg9[%add3A_147, %dma_wait3A_200] : memref<40x128xi32, #tpu.memory_space<vmem>> -> memref<1x128xi32, #tpu.memory_space<vmem>>
      %dma_wait3A_202 = tpu.memref_squeeze %dma_wait3A_201 : memref<1x128xi32, #tpu.memory_space<vmem>> -> memref<128xi32, #tpu.memory_space<vmem>>
      %dma_wait3A_203 = arith.constant 0 : i32
      %dma_wait3A_204 = arith.constant 0 : i32
      %dma_wait3A_205 = tpu.memref_slice %arg2[%dma_wait3A_203, %dma_wait3A_204] : memref<20480x128xf32, #tpu.memory_space<hbm>> -> memref<20480x128xf32, #tpu.memory_space<hbm>>
      tpu.wait_indirect_dma semaphore(%arg12 : memref<!tpu.dma_semaphore, #tpu.memory_space<semaphore_mem>>) src(%dma_wait3A_205 : memref<20480x128xf32, #tpu.memory_space<hbm>>) dst(%dma_wait3A_199 : memref<128x128xf32, #tpu.memory_space<vmem>>)
      %add3A_206 = arith.constant 3 : i32
      %add3A_207 = arith.addi %add3A_56, %add3A_206 : i32
      %dma_start3A_208 = arith.constant 128 : i32
      %dma_start3A_209 = arith.constant 0 : i32
      %dma_start3A_210 = tpu.memref_slice %arg11[%dma_start3A_208, %dma_start3A_209] : memref<256x128xf32, #tpu.memory_space<vmem>> -> memref<128x128xf32, #tpu.memory_space<vmem>>
      %dma_start3A_211 = arith.constant 0 : i32
      %dma_start3A_212 = tpu.memref_slice %arg10[%add3A_207, %dma_start3A_211] : memref<40x128xi32, #tpu.memory_space<vmem>> -> memref<1x128xi32, #tpu.memory_space<vmem>>
      %dma_start3A_213 = tpu.memref_squeeze %dma_start3A_212 : memref<1x128xi32, #tpu.memory_space<vmem>> -> memref<128xi32, #tpu.memory_space<vmem>>
      %dma_start3A_214 = arith.constant 0 : i32
      %dma_start3A_215 = arith.constant 0 : i32
      %dma_start3A_216 = tpu.memref_slice %arg8[%dma_start3A_214, %dma_start3A_215] : memref<10240x128xf32, #tpu.memory_space<vmem_shared>> -> memref<10240x128xf32, #tpu.memory_space<vmem_shared>>
      tpu.enqueue_indirect_dma source(%dma_start3A_210 : memref<128x128xf32, #tpu.memory_space<vmem>>) target(%dma_start3A_216 : memref<10240x128xf32, #tpu.memory_space<vmem_shared>>) offsets(%dma_start3A_213 : memref<128xi32, #tpu.memory_space<vmem>>) semaphore(%arg13 : memref<!tpu.dma_semaphore, #tpu.memory_space<semaphore_mem>>) {add = true}
      %dma_wait3A_217 = arith.constant 128 : i32
      %dma_wait3A_218 = arith.constant 0 : i32
      %dma_wait3A_219 = tpu.memref_slice %arg11[%dma_wait3A_217, %dma_wait3A_218] : memref<256x128xf32, #tpu.memory_space<vmem>> -> memref<128x128xf32, #tpu.memory_space<vmem>>
      %dma_wait3A_220 = arith.constant 0 : i32
      %dma_wait3A_221 = tpu.memref_slice %arg10[%add3A_207, %dma_wait3A_220] : memref<40x128xi32, #tpu.memory_space<vmem>> -> memref<1x128xi32, #tpu.memory_space<vmem>>
      %dma_wait3A_222 = tpu.memref_squeeze %dma_wait3A_221 : memref<1x128xi32, #tpu.memory_space<vmem>> -> memref<128xi32, #tpu.memory_space<vmem>>
      %dma_wait3A_223 = arith.constant 0 : i32
      %dma_wait3A_224 = arith.constant 0 : i32
      %dma_wait3A_225 = tpu.memref_slice %arg8[%dma_wait3A_223, %dma_wait3A_224] : memref<10240x128xf32, #tpu.memory_space<vmem_shared>> -> memref<10240x128xf32, #tpu.memory_space<vmem_shared>>
      tpu.wait_indirect_dma semaphore(%arg13 : memref<!tpu.dma_semaphore, #tpu.memory_space<semaphore_mem>>) src(%dma_wait3A_219 : memref<128x128xf32, #tpu.memory_space<vmem>>) dst(%dma_wait3A_225 : memref<10240x128xf32, #tpu.memory_space<vmem_shared>>)
      %add3A_226 = arith.constant 5 : i32
      %add3A_227 = arith.addi %add3A_56, %add3A_226 : i32
      %dma_start3A_228 = arith.constant 128 : i32
      %dma_start3A_229 = arith.constant 0 : i32
      %dma_start3A_230 = tpu.memref_slice %arg11[%dma_start3A_228, %dma_start3A_229] : memref<256x128xf32, #tpu.memory_space<vmem>> -> memref<128x128xf32, #tpu.memory_space<vmem>>
      %dma_start3A_231 = arith.constant 0 : i32
      %dma_start3A_232 = tpu.memref_slice %arg9[%add3A_227, %dma_start3A_231] : memref<40x128xi32, #tpu.memory_space<vmem>> -> memref<1x128xi32, #tpu.memory_space<vmem>>
      %dma_start3A_233 = tpu.memref_squeeze %dma_start3A_232 : memref<1x128xi32, #tpu.memory_space<vmem>> -> memref<128xi32, #tpu.memory_space<vmem>>
      %dma_start3A_234 = arith.constant 0 : i32
      %dma_start3A_235 = arith.constant 0 : i32
      %dma_start3A_236 = tpu.memref_slice %arg2[%dma_start3A_234, %dma_start3A_235] : memref<20480x128xf32, #tpu.memory_space<hbm>> -> memref<20480x128xf32, #tpu.memory_space<hbm>>
      tpu.enqueue_indirect_dma source(%dma_start3A_236 : memref<20480x128xf32, #tpu.memory_space<hbm>>) target(%dma_start3A_230 : memref<128x128xf32, #tpu.memory_space<vmem>>) offsets(%dma_start3A_233 : memref<128xi32, #tpu.memory_space<vmem>>) semaphore(%arg12 : memref<!tpu.dma_semaphore, #tpu.memory_space<semaphore_mem>>)
      %dma_wait3A_237 = arith.constant 0 : i32
      %dma_wait3A_238 = arith.constant 0 : i32
      %dma_wait3A_239 = tpu.memref_slice %arg11[%dma_wait3A_237, %dma_wait3A_238] : memref<256x128xf32, #tpu.memory_space<vmem>> -> memref<128x128xf32, #tpu.memory_space<vmem>>
      %dma_wait3A_240 = arith.constant 0 : i32
      %dma_wait3A_241 = tpu.memref_slice %arg9[%add3A_187, %dma_wait3A_240] : memref<40x128xi32, #tpu.memory_space<vmem>> -> memref<1x128xi32, #tpu.memory_space<vmem>>
      %dma_wait3A_242 = tpu.memref_squeeze %dma_wait3A_241 : memref<1x128xi32, #tpu.memory_space<vmem>> -> memref<128xi32, #tpu.memory_space<vmem>>
      %dma_wait3A_243 = arith.constant 0 : i32
      %dma_wait3A_244 = arith.constant 0 : i32
      %dma_wait3A_245 = tpu.memref_slice %arg2[%dma_wait3A_243, %dma_wait3A_244] : memref<20480x128xf32, #tpu.memory_space<hbm>> -> memref<20480x128xf32, #tpu.memory_space<hbm>>
      tpu.wait_indirect_dma semaphore(%arg12 : memref<!tpu.dma_semaphore, #tpu.memory_space<semaphore_mem>>) src(%dma_wait3A_245 : memref<20480x128xf32, #tpu.memory_space<hbm>>) dst(%dma_wait3A_239 : memref<128x128xf32, #tpu.memory_space<vmem>>)
      %add3A_246 = arith.constant 4 : i32
      %add3A_247 = arith.addi %add3A_56, %add3A_246 : i32
      %dma_start3A_248 = arith.constant 0 : i32
      %dma_start3A_249 = arith.constant 0 : i32
      %dma_start3A_250 = tpu.memref_slice %arg11[%dma_start3A_248, %dma_start3A_249] : memref<256x128xf32, #tpu.memory_space<vmem>> -> memref<128x128xf32, #tpu.memory_space<vmem>>
      %dma_start3A_251 = arith.constant 0 : i32
      %dma_start3A_252 = tpu.memref_slice %arg10[%add3A_247, %dma_start3A_251] : memref<40x128xi32, #tpu.memory_space<vmem>> -> memref<1x128xi32, #tpu.memory_space<vmem>>
      %dma_start3A_253 = tpu.memref_squeeze %dma_start3A_252 : memref<1x128xi32, #tpu.memory_space<vmem>> -> memref<128xi32, #tpu.memory_space<vmem>>
      %dma_start3A_254 = arith.constant 0 : i32
      %dma_start3A_255 = arith.constant 0 : i32
      %dma_start3A_256 = tpu.memref_slice %arg8[%dma_start3A_254, %dma_start3A_255] : memref<10240x128xf32, #tpu.memory_space<vmem_shared>> -> memref<10240x128xf32, #tpu.memory_space<vmem_shared>>
      tpu.enqueue_indirect_dma source(%dma_start3A_250 : memref<128x128xf32, #tpu.memory_space<vmem>>) target(%dma_start3A_256 : memref<10240x128xf32, #tpu.memory_space<vmem_shared>>) offsets(%dma_start3A_253 : memref<128xi32, #tpu.memory_space<vmem>>) semaphore(%arg13 : memref<!tpu.dma_semaphore, #tpu.memory_space<semaphore_mem>>) {add = true}
      %dma_wait3A_257 = arith.constant 0 : i32
      %dma_wait3A_258 = arith.constant 0 : i32
      %dma_wait3A_259 = tpu.memref_slice %arg11[%dma_wait3A_257, %dma_wait3A_258] : memref<256x128xf32, #tpu.memory_space<vmem>> -> memref<128x128xf32, #tpu.memory_space<vmem>>
      %dma_wait3A_260 = arith.constant 0 : i32
      %dma_wait3A_261 = tpu.memref_slice %arg10[%add3A_247, %dma_wait3A_260] : memref<40x128xi32, #tpu.memory_space<vmem>> -> memref<1x128xi32, #tpu.memory_space<vmem>>
      %dma_wait3A_262 = tpu.memref_squeeze %dma_wait3A_261 : memref<1x128xi32, #tpu.memory_space<vmem>> -> memref<128xi32, #tpu.memory_space<vmem>>
      %dma_wait3A_263 = arith.constant 0 : i32
      %dma_wait3A_264 = arith.constant 0 : i32
      %dma_wait3A_265 = tpu.memref_slice %arg8[%dma_wait3A_263, %dma_wait3A_264] : memref<10240x128xf32, #tpu.memory_space<vmem_shared>> -> memref<10240x128xf32, #tpu.memory_space<vmem_shared>>
      tpu.wait_indirect_dma semaphore(%arg13 : memref<!tpu.dma_semaphore, #tpu.memory_space<semaphore_mem>>) src(%dma_wait3A_259 : memref<128x128xf32, #tpu.memory_space<vmem>>) dst(%dma_wait3A_265 : memref<10240x128xf32, #tpu.memory_space<vmem_shared>>)
      %add3A_266 = arith.constant 6 : i32
      %add3A_267 = arith.addi %add3A_56, %add3A_266 : i32
      %dma_start3A_268 = arith.constant 0 : i32
      %dma_start3A_269 = arith.constant 0 : i32
      %dma_start3A_270 = tpu.memref_slice %arg11[%dma_start3A_268, %dma_start3A_269] : memref<256x128xf32, #tpu.memory_space<vmem>> -> memref<128x128xf32, #tpu.memory_space<vmem>>
      %dma_start3A_271 = arith.constant 0 : i32
      %dma_start3A_272 = tpu.memref_slice %arg9[%add3A_267, %dma_start3A_271] : memref<40x128xi32, #tpu.memory_space<vmem>> -> memref<1x128xi32, #tpu.memory_space<vmem>>
      %dma_start3A_273 = tpu.memref_squeeze %dma_start3A_272 : memref<1x128xi32, #tpu.memory_space<vmem>> -> memref<128xi32, #tpu.memory_space<vmem>>
      %dma_start3A_274 = arith.constant 0 : i32
      %dma_start3A_275 = arith.constant 0 : i32
      %dma_start3A_276 = tpu.memref_slice %arg2[%dma_start3A_274, %dma_start3A_275] : memref<20480x128xf32, #tpu.memory_space<hbm>> -> memref<20480x128xf32, #tpu.memory_space<hbm>>
      tpu.enqueue_indirect_dma source(%dma_start3A_276 : memref<20480x128xf32, #tpu.memory_space<hbm>>) target(%dma_start3A_270 : memref<128x128xf32, #tpu.memory_space<vmem>>) offsets(%dma_start3A_273 : memref<128xi32, #tpu.memory_space<vmem>>) semaphore(%arg12 : memref<!tpu.dma_semaphore, #tpu.memory_space<semaphore_mem>>)
      %dma_wait3A_277 = arith.constant 128 : i32
      %dma_wait3A_278 = arith.constant 0 : i32
      %dma_wait3A_279 = tpu.memref_slice %arg11[%dma_wait3A_277, %dma_wait3A_278] : memref<256x128xf32, #tpu.memory_space<vmem>> -> memref<128x128xf32, #tpu.memory_space<vmem>>
      %dma_wait3A_280 = arith.constant 0 : i32
      %dma_wait3A_281 = tpu.memref_slice %arg9[%add3A_227, %dma_wait3A_280] : memref<40x128xi32, #tpu.memory_space<vmem>> -> memref<1x128xi32, #tpu.memory_space<vmem>>
      %dma_wait3A_282 = tpu.memref_squeeze %dma_wait3A_281 : memref<1x128xi32, #tpu.memory_space<vmem>> -> memref<128xi32, #tpu.memory_space<vmem>>
      %dma_wait3A_283 = arith.constant 0 : i32
      %dma_wait3A_284 = arith.constant 0 : i32
      %dma_wait3A_285 = tpu.memref_slice %arg2[%dma_wait3A_283, %dma_wait3A_284] : memref<20480x128xf32, #tpu.memory_space<hbm>> -> memref<20480x128xf32, #tpu.memory_space<hbm>>
      tpu.wait_indirect_dma semaphore(%arg12 : memref<!tpu.dma_semaphore, #tpu.memory_space<semaphore_mem>>) src(%dma_wait3A_285 : memref<20480x128xf32, #tpu.memory_space<hbm>>) dst(%dma_wait3A_279 : memref<128x128xf32, #tpu.memory_space<vmem>>)
      %add3A_286 = arith.constant 5 : i32
      %add3A_287 = arith.addi %add3A_56, %add3A_286 : i32
      %dma_start3A_288 = arith.constant 128 : i32
      %dma_start3A_289 = arith.constant 0 : i32
      %dma_start3A_290 = tpu.memref_slice %arg11[%dma_start3A_288, %dma_start3A_289] : memref<256x128xf32, #tpu.memory_space<vmem>> -> memref<128x128xf32, #tpu.memory_space<vmem>>
      %dma_start3A_291 = arith.constant 0 : i32
      %dma_start3A_292 = tpu.memref_slice %arg10[%add3A_287, %dma_start3A_291] : memref<40x128xi32, #tpu.memory_space<vmem>> -> memref<1x128xi32, #tpu.memory_space<vmem>>
      %dma_start3A_293 = tpu.memref_squeeze %dma_start3A_292 : memref<1x128xi32, #tpu.memory_space<vmem>> -> memref<128xi32, #tpu.memory_space<vmem>>
      %dma_start3A_294 = arith.constant 0 : i32
      %dma_start3A_295 = arith.constant 0 : i32
      %dma_start3A_296 = tpu.memref_slice %arg8[%dma_start3A_294, %dma_start3A_295] : memref<10240x128xf32, #tpu.memory_space<vmem_shared>> -> memref<10240x128xf32, #tpu.memory_space<vmem_shared>>
      tpu.enqueue_indirect_dma source(%dma_start3A_290 : memref<128x128xf32, #tpu.memory_space<vmem>>) target(%dma_start3A_296 : memref<10240x128xf32, #tpu.memory_space<vmem_shared>>) offsets(%dma_start3A_293 : memref<128xi32, #tpu.memory_space<vmem>>) semaphore(%arg13 : memref<!tpu.dma_semaphore, #tpu.memory_space<semaphore_mem>>) {add = true}
      %dma_wait3A_297 = arith.constant 128 : i32
      %dma_wait3A_298 = arith.constant 0 : i32
      %dma_wait3A_299 = tpu.memref_slice %arg11[%dma_wait3A_297, %dma_wait3A_298] : memref<256x128xf32, #tpu.memory_space<vmem>> -> memref<128x128xf32, #tpu.memory_space<vmem>>
      %dma_wait3A_300 = arith.constant 0 : i32
      %dma_wait3A_301 = tpu.memref_slice %arg10[%add3A_287, %dma_wait3A_300] : memref<40x128xi32, #tpu.memory_space<vmem>> -> memref<1x128xi32, #tpu.memory_space<vmem>>
      %dma_wait3A_302 = tpu.memref_squeeze %dma_wait3A_301 : memref<1x128xi32, #tpu.memory_space<vmem>> -> memref<128xi32, #tpu.memory_space<vmem>>
      %dma_wait3A_303 = arith.constant 0 : i32
      %dma_wait3A_304 = arith.constant 0 : i32
      %dma_wait3A_305 = tpu.memref_slice %arg8[%dma_wait3A_303, %dma_wait3A_304] : memref<10240x128xf32, #tpu.memory_space<vmem_shared>> -> memref<10240x128xf32, #tpu.memory_space<vmem_shared>>
      tpu.wait_indirect_dma semaphore(%arg13 : memref<!tpu.dma_semaphore, #tpu.memory_space<semaphore_mem>>) src(%dma_wait3A_299 : memref<128x128xf32, #tpu.memory_space<vmem>>) dst(%dma_wait3A_305 : memref<10240x128xf32, #tpu.memory_space<vmem_shared>>)
      %add3A_306 = arith.constant 7 : i32
      %add3A_307 = arith.addi %add3A_56, %add3A_306 : i32
      %dma_start3A_308 = arith.constant 128 : i32
      %dma_start3A_309 = arith.constant 0 : i32
      %dma_start3A_310 = tpu.memref_slice %arg11[%dma_start3A_308, %dma_start3A_309] : memref<256x128xf32, #tpu.memory_space<vmem>> -> memref<128x128xf32, #tpu.memory_space<vmem>>
      %dma_start3A_311 = arith.constant 0 : i32
      %dma_start3A_312 = tpu.memref_slice %arg9[%add3A_307, %dma_start3A_311] : memref<40x128xi32, #tpu.memory_space<vmem>> -> memref<1x128xi32, #tpu.memory_space<vmem>>
      %dma_start3A_313 = tpu.memref_squeeze %dma_start3A_312 : memref<1x128xi32, #tpu.memory_space<vmem>> -> memref<128xi32, #tpu.memory_space<vmem>>
      %dma_start3A_314 = arith.constant 0 : i32
      %dma_start3A_315 = arith.constant 0 : i32
      %dma_start3A_316 = tpu.memref_slice %arg2[%dma_start3A_314, %dma_start3A_315] : memref<20480x128xf32, #tpu.memory_space<hbm>> -> memref<20480x128xf32, #tpu.memory_space<hbm>>
      tpu.enqueue_indirect_dma source(%dma_start3A_316 : memref<20480x128xf32, #tpu.memory_space<hbm>>) target(%dma_start3A_310 : memref<128x128xf32, #tpu.memory_space<vmem>>) offsets(%dma_start3A_313 : memref<128xi32, #tpu.memory_space<vmem>>) semaphore(%arg12 : memref<!tpu.dma_semaphore, #tpu.memory_space<semaphore_mem>>)
      %dma_wait3A_317 = arith.constant 0 : i32
      %dma_wait3A_318 = arith.constant 0 : i32
      %dma_wait3A_319 = tpu.memref_slice %arg11[%dma_wait3A_317, %dma_wait3A_318] : memref<256x128xf32, #tpu.memory_space<vmem>> -> memref<128x128xf32, #tpu.memory_space<vmem>>
      %dma_wait3A_320 = arith.constant 0 : i32
      %dma_wait3A_321 = tpu.memref_slice %arg9[%add3A_267, %dma_wait3A_320] : memref<40x128xi32, #tpu.memory_space<vmem>> -> memref<1x128xi32, #tpu.memory_space<vmem>>
      %dma_wait3A_322 = tpu.memref_squeeze %dma_wait3A_321 : memref<1x128xi32, #tpu.memory_space<vmem>> -> memref<128xi32, #tpu.memory_space<vmem>>
      %dma_wait3A_323 = arith.constant 0 : i32
      %dma_wait3A_324 = arith.constant 0 : i32
      %dma_wait3A_325 = tpu.memref_slice %arg2[%dma_wait3A_323, %dma_wait3A_324] : memref<20480x128xf32, #tpu.memory_space<hbm>> -> memref<20480x128xf32, #tpu.memory_space<hbm>>
      tpu.wait_indirect_dma semaphore(%arg12 : memref<!tpu.dma_semaphore, #tpu.memory_space<semaphore_mem>>) src(%dma_wait3A_325 : memref<20480x128xf32, #tpu.memory_space<hbm>>) dst(%dma_wait3A_319 : memref<128x128xf32, #tpu.memory_space<vmem>>)
      %add3A_326 = arith.constant 6 : i32
      %add3A_327 = arith.addi %add3A_56, %add3A_326 : i32
      %dma_start3A_328 = arith.constant 0 : i32
      %dma_start3A_329 = arith.constant 0 : i32
      %dma_start3A_330 = tpu.memref_slice %arg11[%dma_start3A_328, %dma_start3A_329] : memref<256x128xf32, #tpu.memory_space<vmem>> -> memref<128x128xf32, #tpu.memory_space<vmem>>
      %dma_start3A_331 = arith.constant 0 : i32
      %dma_start3A_332 = tpu.memref_slice %arg10[%add3A_327, %dma_start3A_331] : memref<40x128xi32, #tpu.memory_space<vmem>> -> memref<1x128xi32, #tpu.memory_space<vmem>>
      %dma_start3A_333 = tpu.memref_squeeze %dma_start3A_332 : memref<1x128xi32, #tpu.memory_space<vmem>> -> memref<128xi32, #tpu.memory_space<vmem>>
      %dma_start3A_334 = arith.constant 0 : i32
      %dma_start3A_335 = arith.constant 0 : i32
      %dma_start3A_336 = tpu.memref_slice %arg8[%dma_start3A_334, %dma_start3A_335] : memref<10240x128xf32, #tpu.memory_space<vmem_shared>> -> memref<10240x128xf32, #tpu.memory_space<vmem_shared>>
      tpu.enqueue_indirect_dma source(%dma_start3A_330 : memref<128x128xf32, #tpu.memory_space<vmem>>) target(%dma_start3A_336 : memref<10240x128xf32, #tpu.memory_space<vmem_shared>>) offsets(%dma_start3A_333 : memref<128xi32, #tpu.memory_space<vmem>>) semaphore(%arg13 : memref<!tpu.dma_semaphore, #tpu.memory_space<semaphore_mem>>) {add = true}
      %dma_wait3A_337 = arith.constant 128 : i32
      %dma_wait3A_338 = arith.constant 0 : i32
      %dma_wait3A_339 = tpu.memref_slice %arg11[%dma_wait3A_337, %dma_wait3A_338] : memref<256x128xf32, #tpu.memory_space<vmem>> -> memref<128x128xf32, #tpu.memory_space<vmem>>
      %dma_wait3A_340 = arith.constant 0 : i32
      %dma_wait3A_341 = tpu.memref_slice %arg9[%add3A_307, %dma_wait3A_340] : memref<40x128xi32, #tpu.memory_space<vmem>> -> memref<1x128xi32, #tpu.memory_space<vmem>>
      %dma_wait3A_342 = tpu.memref_squeeze %dma_wait3A_341 : memref<1x128xi32, #tpu.memory_space<vmem>> -> memref<128xi32, #tpu.memory_space<vmem>>
      %dma_wait3A_343 = arith.constant 0 : i32
      %dma_wait3A_344 = arith.constant 0 : i32
      %dma_wait3A_345 = tpu.memref_slice %arg2[%dma_wait3A_343, %dma_wait3A_344] : memref<20480x128xf32, #tpu.memory_space<hbm>> -> memref<20480x128xf32, #tpu.memory_space<hbm>>
      tpu.wait_indirect_dma semaphore(%arg12 : memref<!tpu.dma_semaphore, #tpu.memory_space<semaphore_mem>>) src(%dma_wait3A_345 : memref<20480x128xf32, #tpu.memory_space<hbm>>) dst(%dma_wait3A_339 : memref<128x128xf32, #tpu.memory_space<vmem>>)
      %add3A_346 = arith.constant 7 : i32
      %add3A_347 = arith.addi %add3A_56, %add3A_346 : i32
      %dma_start3A_348 = arith.constant 128 : i32
      %dma_start3A_349 = arith.constant 0 : i32
      %dma_start3A_350 = tpu.memref_slice %arg11[%dma_start3A_348, %dma_start3A_349] : memref<256x128xf32, #tpu.memory_space<vmem>> -> memref<128x128xf32, #tpu.memory_space<vmem>>
      %dma_start3A_351 = arith.constant 0 : i32
      %dma_start3A_352 = tpu.memref_slice %arg10[%add3A_347, %dma_start3A_351] : memref<40x128xi32, #tpu.memory_space<vmem>> -> memref<1x128xi32, #tpu.memory_space<vmem>>
      %dma_start3A_353 = tpu.memref_squeeze %dma_start3A_352 : memref<1x128xi32, #tpu.memory_space<vmem>> -> memref<128xi32, #tpu.memory_space<vmem>>
      %dma_start3A_354 = arith.constant 0 : i32
      %dma_start3A_355 = arith.constant 0 : i32
      %dma_start3A_356 = tpu.memref_slice %arg8[%dma_start3A_354, %dma_start3A_355] : memref<10240x128xf32, #tpu.memory_space<vmem_shared>> -> memref<10240x128xf32, #tpu.memory_space<vmem_shared>>
      tpu.enqueue_indirect_dma source(%dma_start3A_350 : memref<128x128xf32, #tpu.memory_space<vmem>>) target(%dma_start3A_356 : memref<10240x128xf32, #tpu.memory_space<vmem_shared>>) offsets(%dma_start3A_353 : memref<128xi32, #tpu.memory_space<vmem>>) semaphore(%arg13 : memref<!tpu.dma_semaphore, #tpu.memory_space<semaphore_mem>>) {add = true}
      %dma_wait3A_357 = arith.constant 0 : i32
      %dma_wait3A_358 = arith.constant 0 : i32
      %dma_wait3A_359 = tpu.memref_slice %arg11[%dma_wait3A_357, %dma_wait3A_358] : memref<256x128xf32, #tpu.memory_space<vmem>> -> memref<128x128xf32, #tpu.memory_space<vmem>>
      %dma_wait3A_360 = arith.constant 0 : i32
      %dma_wait3A_361 = tpu.memref_slice %arg10[%add3A_327, %dma_wait3A_360] : memref<40x128xi32, #tpu.memory_space<vmem>> -> memref<1x128xi32, #tpu.memory_space<vmem>>
      %dma_wait3A_362 = tpu.memref_squeeze %dma_wait3A_361 : memref<1x128xi32, #tpu.memory_space<vmem>> -> memref<128xi32, #tpu.memory_space<vmem>>
      %dma_wait3A_363 = arith.constant 0 : i32
      %dma_wait3A_364 = arith.constant 0 : i32
      %dma_wait3A_365 = tpu.memref_slice %arg8[%dma_wait3A_363, %dma_wait3A_364] : memref<10240x128xf32, #tpu.memory_space<vmem_shared>> -> memref<10240x128xf32, #tpu.memory_space<vmem_shared>>
      tpu.wait_indirect_dma semaphore(%arg13 : memref<!tpu.dma_semaphore, #tpu.memory_space<semaphore_mem>>) src(%dma_wait3A_359 : memref<128x128xf32, #tpu.memory_space<vmem>>) dst(%dma_wait3A_365 : memref<10240x128xf32, #tpu.memory_space<vmem_shared>>)
      %dma_wait3A_366 = arith.constant 128 : i32
      %dma_wait3A_367 = arith.constant 0 : i32
      %dma_wait3A_368 = tpu.memref_slice %arg11[%dma_wait3A_366, %dma_wait3A_367] : memref<256x128xf32, #tpu.memory_space<vmem>> -> memref<128x128xf32, #tpu.memory_space<vmem>>
      %dma_wait3A_369 = arith.constant 0 : i32
      %dma_wait3A_370 = tpu.memref_slice %arg10[%add3A_347, %dma_wait3A_369] : memref<40x128xi32, #tpu.memory_space<vmem>> -> memref<1x128xi32, #tpu.memory_space<vmem>>
      %dma_wait3A_371 = tpu.memref_squeeze %dma_wait3A_370 : memref<1x128xi32, #tpu.memory_space<vmem>> -> memref<128xi32, #tpu.memory_space<vmem>>
      %dma_wait3A_372 = arith.constant 0 : i32
      %dma_wait3A_373 = arith.constant 0 : i32
      %dma_wait3A_374 = tpu.memref_slice %arg8[%dma_wait3A_372, %dma_wait3A_373] : memref<10240x128xf32, #tpu.memory_space<vmem_shared>> -> memref<10240x128xf32, #tpu.memory_space<vmem_shared>>
      tpu.wait_indirect_dma semaphore(%arg13 : memref<!tpu.dma_semaphore, #tpu.memory_space<semaphore_mem>>) src(%dma_wait3A_368 : memref<128x128xf32, #tpu.memory_space<vmem>>) dst(%dma_wait3A_374 : memref<10240x128xf32, #tpu.memory_space<vmem_shared>>)
    }
    %scan3A_28 = arith.constant 5 : i32
    %eq3A_29 = arith.constant 0 : i32
    %eq3A_30 = arith.cmpi eq, %arg0, %eq3A_29 : i32
    %convert_element_type3A_31 = arith.extui %eq3A_30 : i1 to i32
    %cond3A_32 = arith.constant 0 : i32
    %cond3A_33 = arith.cmpi ne, %convert_element_type3A_31, %cond3A_32 : i32
    scf.if %cond3A_33 {
      "tpu.region"() ({
        %run_scoped3A = tpu.sem_alloc : memref<!tpu.dma_semaphore, #tpu.memory_space<semaphore_mem>>
        %dma_start3A = arith.constant 40 : i32
        %dma_start3A_52 = arith.constant 0 : i32
        %dma_start3A_53 = tpu.memref_slice %arg3[%arg1, %dma_start3A, %dma_start3A_52] : memref<16x80x128xi32, #tpu.memory_space<hbm>> -> memref<1x40x128xi32, #tpu.memory_space<hbm>>
        %dma_start3A_54 = tpu.memref_squeeze %dma_start3A_53 : memref<1x40x128xi32, #tpu.memory_space<hbm>> -> memref<40x128xi32, #tpu.memory_space<hbm>>
        %dma_start3A_55 = arith.constant 40 : i32
        %dma_start3A_56 = arith.constant 0 : i32
        %dma_start3A_57 = tpu.memref_slice %arg3[%arg1, %dma_start3A_55, %dma_start3A_56] : memref<16x80x128xi32, #tpu.memory_space<hbm>> -> memref<1x40x128xi32, #tpu.memory_space<hbm>>
        %dma_start3A_58 = tpu.memref_squeeze %dma_start3A_57 : memref<1x40x128xi32, #tpu.memory_space<hbm>> -> memref<40x128xi32, #tpu.memory_space<hbm>>
        tpu.enqueue_dma source(%dma_start3A_58 : memref<40x128xi32, #tpu.memory_space<hbm>>) target(%arg9 : memref<40x128xi32, #tpu.memory_space<vmem>>) target_semaphore(%run_scoped3A : memref<!tpu.dma_semaphore, #tpu.memory_space<semaphore_mem>>)
        %dma_wait3A = arith.constant 40 : i32
        %dma_wait3A_59 = arith.constant 0 : i32
        %dma_wait3A_60 = tpu.memref_slice %arg3[%arg1, %dma_wait3A, %dma_wait3A_59] : memref<16x80x128xi32, #tpu.memory_space<hbm>> -> memref<1x40x128xi32, #tpu.memory_space<hbm>>
        %dma_wait3A_61 = tpu.memref_squeeze %dma_wait3A_60 : memref<1x40x128xi32, #tpu.memory_space<hbm>> -> memref<40x128xi32, #tpu.memory_space<hbm>>
        %dma_wait3A_62 = arith.constant 40 : i32
        %dma_wait3A_63 = arith.constant 0 : i32
        %dma_wait3A_64 = tpu.memref_slice %arg3[%arg1, %dma_wait3A_62, %dma_wait3A_63] : memref<16x80x128xi32, #tpu.memory_space<hbm>> -> memref<1x40x128xi32, #tpu.memory_space<hbm>>
        %dma_wait3A_65 = tpu.memref_squeeze %dma_wait3A_64 : memref<1x40x128xi32, #tpu.memory_space<hbm>> -> memref<40x128xi32, #tpu.memory_space<hbm>>
        tpu.wait_dma2 semaphore(%run_scoped3A : memref<!tpu.dma_semaphore, #tpu.memory_space<semaphore_mem>>) src(%dma_wait3A_65 : memref<40x128xi32, #tpu.memory_space<hbm>>) dst(%arg9 : memref<40x128xi32, #tpu.memory_space<vmem>>)
        tpu.yield
      }) : () -> ()
    } else {
    }
    %eq3A_34 = arith.constant 1 : i32
    %eq3A_35 = arith.cmpi eq, %arg0, %eq3A_34 : i32
    %convert_element_type3A_36 = arith.extui %eq3A_35 : i1 to i32
    %cond3A_37 = arith.constant 0 : i32
    %cond3A_38 = arith.cmpi ne, %convert_element_type3A_36, %cond3A_37 : i32
    scf.if %cond3A_38 {
      "tpu.region"() ({
        %run_scoped3A = tpu.sem_alloc : memref<!tpu.dma_semaphore, #tpu.memory_space<semaphore_mem>>
        %dma_start3A = arith.constant 40 : i32
        %dma_start3A_52 = arith.constant 0 : i32
        %dma_start3A_53 = tpu.memref_slice %arg4[%arg1, %dma_start3A, %dma_start3A_52] : memref<16x80x128xi32, #tpu.memory_space<hbm>> -> memref<1x40x128xi32, #tpu.memory_space<hbm>>
        %dma_start3A_54 = tpu.memref_squeeze %dma_start3A_53 : memref<1x40x128xi32, #tpu.memory_space<hbm>> -> memref<40x128xi32, #tpu.memory_space<hbm>>
        %dma_start3A_55 = arith.constant 40 : i32
        %dma_start3A_56 = arith.constant 0 : i32
        %dma_start3A_57 = tpu.memref_slice %arg4[%arg1, %dma_start3A_55, %dma_start3A_56] : memref<16x80x128xi32, #tpu.memory_space<hbm>> -> memref<1x40x128xi32, #tpu.memory_space<hbm>>
        %dma_start3A_58 = tpu.memref_squeeze %dma_start3A_57 : memref<1x40x128xi32, #tpu.memory_space<hbm>> -> memref<40x128xi32, #tpu.memory_space<hbm>>
        tpu.enqueue_dma source(%dma_start3A_58 : memref<40x128xi32, #tpu.memory_space<hbm>>) target(%arg9 : memref<40x128xi32, #tpu.memory_space<vmem>>) target_semaphore(%run_scoped3A : memref<!tpu.dma_semaphore, #tpu.memory_space<semaphore_mem>>)
        %dma_wait3A = arith.constant 40 : i32
        %dma_wait3A_59 = arith.constant 0 : i32
        %dma_wait3A_60 = tpu.memref_slice %arg4[%arg1, %dma_wait3A, %dma_wait3A_59] : memref<16x80x128xi32, #tpu.memory_space<hbm>> -> memref<1x40x128xi32, #tpu.memory_space<hbm>>
        %dma_wait3A_61 = tpu.memref_squeeze %dma_wait3A_60 : memref<1x40x128xi32, #tpu.memory_space<hbm>> -> memref<40x128xi32, #tpu.memory_space<hbm>>
        %dma_wait3A_62 = arith.constant 40 : i32
        %dma_wait3A_63 = arith.constant 0 : i32
        %dma_wait3A_64 = tpu.memref_slice %arg4[%arg1, %dma_wait3A_62, %dma_wait3A_63] : memref<16x80x128xi32, #tpu.memory_space<hbm>> -> memref<1x40x128xi32, #tpu.memory_space<hbm>>
        %dma_wait3A_65 = tpu.memref_squeeze %dma_wait3A_64 : memref<1x40x128xi32, #tpu.memory_space<hbm>> -> memref<40x128xi32, #tpu.memory_space<hbm>>
        tpu.wait_dma2 semaphore(%run_scoped3A : memref<!tpu.dma_semaphore, #tpu.memory_space<semaphore_mem>>) src(%dma_wait3A_65 : memref<40x128xi32, #tpu.memory_space<hbm>>) dst(%arg9 : memref<40x128xi32, #tpu.memory_space<vmem>>)
        tpu.yield
      }) : () -> ()
    } else {
    }
    "tpu.region"() ({
      %run_scoped3A = tpu.sem_alloc : memref<!tpu.dma_semaphore, #tpu.memory_space<semaphore_mem>>
      %dma_start3A = arith.constant 40 : i32
      %dma_start3A_52 = arith.constant 0 : i32
      %dma_start3A_53 = tpu.memref_slice %arg5[%arg1, %dma_start3A, %dma_start3A_52] : memref<16x80x128xi32, #tpu.memory_space<hbm>> -> memref<1x40x128xi32, #tpu.memory_space<hbm>>
      %dma_start3A_54 = tpu.memref_squeeze %dma_start3A_53 : memref<1x40x128xi32, #tpu.memory_space<hbm>> -> memref<40x128xi32, #tpu.memory_space<hbm>>
      %dma_start3A_55 = arith.constant 40 : i32
      %dma_start3A_56 = arith.constant 0 : i32
      %dma_start3A_57 = tpu.memref_slice %arg5[%arg1, %dma_start3A_55, %dma_start3A_56] : memref<16x80x128xi32, #tpu.memory_space<hbm>> -> memref<1x40x128xi32, #tpu.memory_space<hbm>>
      %dma_start3A_58 = tpu.memref_squeeze %dma_start3A_57 : memref<1x40x128xi32, #tpu.memory_space<hbm>> -> memref<40x128xi32, #tpu.memory_space<hbm>>
      tpu.enqueue_dma source(%dma_start3A_58 : memref<40x128xi32, #tpu.memory_space<hbm>>) target(%arg10 : memref<40x128xi32, #tpu.memory_space<vmem>>) target_semaphore(%run_scoped3A : memref<!tpu.dma_semaphore, #tpu.memory_space<semaphore_mem>>)
      %dma_wait3A = arith.constant 40 : i32
      %dma_wait3A_59 = arith.constant 0 : i32
      %dma_wait3A_60 = tpu.memref_slice %arg5[%arg1, %dma_wait3A, %dma_wait3A_59] : memref<16x80x128xi32, #tpu.memory_space<hbm>> -> memref<1x40x128xi32, #tpu.memory_space<hbm>>
      %dma_wait3A_61 = tpu.memref_squeeze %dma_wait3A_60 : memref<1x40x128xi32, #tpu.memory_space<hbm>> -> memref<40x128xi32, #tpu.memory_space<hbm>>
      %dma_wait3A_62 = arith.constant 40 : i32
      %dma_wait3A_63 = arith.constant 0 : i32
      %dma_wait3A_64 = tpu.memref_slice %arg5[%arg1, %dma_wait3A_62, %dma_wait3A_63] : memref<16x80x128xi32, #tpu.memory_space<hbm>> -> memref<1x40x128xi32, #tpu.memory_space<hbm>>
      %dma_wait3A_65 = tpu.memref_squeeze %dma_wait3A_64 : memref<1x40x128xi32, #tpu.memory_space<hbm>> -> memref<40x128xi32, #tpu.memory_space<hbm>>
      tpu.wait_dma2 semaphore(%run_scoped3A : memref<!tpu.dma_semaphore, #tpu.memory_space<semaphore_mem>>) src(%dma_wait3A_65 : memref<40x128xi32, #tpu.memory_space<hbm>>) dst(%arg10 : memref<40x128xi32, #tpu.memory_space<vmem>>)
      tpu.yield
    }) : () -> ()
    %scan3A_39 = arith.constant 0 : i32
    %scan3A_40 = arith.constant 5 : i32
    %scan3A_41 = arith.addi %scan3A_39, %scan3A_40 : i32
    %scan3A_42 = arith.constant 1 : i32
    scf.for %scan3A_52 = %scan3A_39 to %scan3A_41 step %scan3A_42  : i32 {
      %mul3A_53 = arith.constant 8 : i32
      %mul3A_54 = arith.muli %scan3A_52, %mul3A_53 : i32
      %add3A_55 = arith.constant 0 : i32
      %add3A_56 = arith.addi %add3A_55, %mul3A_54 : i32
      %add3A_57 = arith.constant 0 : i32
      %add3A_58 = arith.addi %add3A_56, %add3A_57 : i32
      %dma_start3A = arith.constant 0 : i32
      %dma_start3A_59 = arith.constant 0 : i32
      %dma_start3A_60 = tpu.memref_slice %arg11[%dma_start3A, %dma_start3A_59] : memref<256x128xf32, #tpu.memory_space<vmem>> -> memref<128x128xf32, #tpu.memory_space<vmem>>
      %dma_start3A_61 = arith.constant 0 : i32
      %dma_start3A_62 = tpu.memref_slice %arg9[%add3A_58, %dma_start3A_61] : memref<40x128xi32, #tpu.memory_space<vmem>> -> memref<1x128xi32, #tpu.memory_space<vmem>>
      %dma_start3A_63 = tpu.memref_squeeze %dma_start3A_62 : memref<1x128xi32, #tpu.memory_space<vmem>> -> memref<128xi32, #tpu.memory_space<vmem>>
      %dma_start3A_64 = arith.constant 0 : i32
      %dma_start3A_65 = arith.constant 0 : i32
      %dma_start3A_66 = tpu.memref_slice %arg2[%dma_start3A_64, %dma_start3A_65] : memref<20480x128xf32, #tpu.memory_space<hbm>> -> memref<20480x128xf32, #tpu.memory_space<hbm>>
      tpu.enqueue_indirect_dma source(%dma_start3A_66 : memref<20480x128xf32, #tpu.memory_space<hbm>>) target(%dma_start3A_60 : memref<128x128xf32, #tpu.memory_space<vmem>>) offsets(%dma_start3A_63 : memref<128xi32, #tpu.memory_space<vmem>>) semaphore(%arg12 : memref<!tpu.dma_semaphore, #tpu.memory_space<semaphore_mem>>)
      %add3A_67 = arith.constant 1 : i32
      %add3A_68 = arith.addi %add3A_56, %add3A_67 : i32
      %dma_start3A_69 = arith.constant 128 : i32
      %dma_start3A_70 = arith.constant 0 : i32
      %dma_start3A_71 = tpu.memref_slice %arg11[%dma_start3A_69, %dma_start3A_70] : memref<256x128xf32, #tpu.memory_space<vmem>> -> memref<128x128xf32, #tpu.memory_space<vmem>>
      %dma_start3A_72 = arith.constant 0 : i32
      %dma_start3A_73 = tpu.memref_slice %arg9[%add3A_68, %dma_start3A_72] : memref<40x128xi32, #tpu.memory_space<vmem>> -> memref<1x128xi32, #tpu.memory_space<vmem>>
      %dma_start3A_74 = tpu.memref_squeeze %dma_start3A_73 : memref<1x128xi32, #tpu.memory_space<vmem>> -> memref<128xi32, #tpu.memory_space<vmem>>
      %dma_start3A_75 = arith.constant 0 : i32
      %dma_start3A_76 = arith.constant 0 : i32
      %dma_start3A_77 = tpu.memref_slice %arg2[%dma_start3A_75, %dma_start3A_76] : memref<20480x128xf32, #tpu.memory_space<hbm>> -> memref<20480x128xf32, #tpu.memory_space<hbm>>
      tpu.enqueue_indirect_dma source(%dma_start3A_77 : memref<20480x128xf32, #tpu.memory_space<hbm>>) target(%dma_start3A_71 : memref<128x128xf32, #tpu.memory_space<vmem>>) offsets(%dma_start3A_74 : memref<128xi32, #tpu.memory_space<vmem>>) semaphore(%arg12 : memref<!tpu.dma_semaphore, #tpu.memory_space<semaphore_mem>>)
      %dma_wait3A = arith.constant 0 : i32
      %dma_wait3A_78 = arith.constant 0 : i32
      %dma_wait3A_79 = tpu.memref_slice %arg11[%dma_wait3A, %dma_wait3A_78] : memref<256x128xf32, #tpu.memory_space<vmem>> -> memref<128x128xf32, #tpu.memory_space<vmem>>
      %dma_wait3A_80 = arith.constant 0 : i32
      %dma_wait3A_81 = tpu.memref_slice %arg9[%add3A_58, %dma_wait3A_80] : memref<40x128xi32, #tpu.memory_space<vmem>> -> memref<1x128xi32, #tpu.memory_space<vmem>>
      %dma_wait3A_82 = tpu.memref_squeeze %dma_wait3A_81 : memref<1x128xi32, #tpu.memory_space<vmem>> -> memref<128xi32, #tpu.memory_space<vmem>>
      %dma_wait3A_83 = arith.constant 0 : i32
      %dma_wait3A_84 = arith.constant 0 : i32
      %dma_wait3A_85 = tpu.memref_slice %arg2[%dma_wait3A_83, %dma_wait3A_84] : memref<20480x128xf32, #tpu.memory_space<hbm>> -> memref<20480x128xf32, #tpu.memory_space<hbm>>
      tpu.wait_indirect_dma semaphore(%arg12 : memref<!tpu.dma_semaphore, #tpu.memory_space<semaphore_mem>>) src(%dma_wait3A_85 : memref<20480x128xf32, #tpu.memory_space<hbm>>) dst(%dma_wait3A_79 : memref<128x128xf32, #tpu.memory_space<vmem>>)
      %add3A_86 = arith.constant 0 : i32
      %add3A_87 = arith.addi %add3A_56, %add3A_86 : i32
      %dma_start3A_88 = arith.constant 0 : i32
      %dma_start3A_89 = arith.constant 0 : i32
      %dma_start3A_90 = tpu.memref_slice %arg11[%dma_start3A_88, %dma_start3A_89] : memref<256x128xf32, #tpu.memory_space<vmem>> -> memref<128x128xf32, #tpu.memory_space<vmem>>
      %dma_start3A_91 = arith.constant 0 : i32
      %dma_start3A_92 = tpu.memref_slice %arg10[%add3A_87, %dma_start3A_91] : memref<40x128xi32, #tpu.memory_space<vmem>> -> memref<1x128xi32, #tpu.memory_space<vmem>>
      %dma_start3A_93 = tpu.memref_squeeze %dma_start3A_92 : memref<1x128xi32, #tpu.memory_space<vmem>> -> memref<128xi32, #tpu.memory_space<vmem>>
      %dma_start3A_94 = arith.constant 0 : i32
      %dma_start3A_95 = arith.constant 0 : i32
      %dma_start3A_96 = tpu.memref_slice %arg8[%dma_start3A_94, %dma_start3A_95] : memref<10240x128xf32, #tpu.memory_space<vmem_shared>> -> memref<10240x128xf32, #tpu.memory_space<vmem_shared>>
      tpu.enqueue_indirect_dma source(%dma_start3A_90 : memref<128x128xf32, #tpu.memory_space<vmem>>) target(%dma_start3A_96 : memref<10240x128xf32, #tpu.memory_space<vmem_shared>>) offsets(%dma_start3A_93 : memref<128xi32, #tpu.memory_space<vmem>>) semaphore(%arg13 : memref<!tpu.dma_semaphore, #tpu.memory_space<semaphore_mem>>) {add = true}
      %dma_wait3A_97 = arith.constant 0 : i32
      %dma_wait3A_98 = arith.constant 0 : i32
      %dma_wait3A_99 = tpu.memref_slice %arg11[%dma_wait3A_97, %dma_wait3A_98] : memref<256x128xf32, #tpu.memory_space<vmem>> -> memref<128x128xf32, #tpu.memory_space<vmem>>
      %dma_wait3A_100 = arith.constant 0 : i32
      %dma_wait3A_101 = tpu.memref_slice %arg10[%add3A_87, %dma_wait3A_100] : memref<40x128xi32, #tpu.memory_space<vmem>> -> memref<1x128xi32, #tpu.memory_space<vmem>>
      %dma_wait3A_102 = tpu.memref_squeeze %dma_wait3A_101 : memref<1x128xi32, #tpu.memory_space<vmem>> -> memref<128xi32, #tpu.memory_space<vmem>>
      %dma_wait3A_103 = arith.constant 0 : i32
      %dma_wait3A_104 = arith.constant 0 : i32
      %dma_wait3A_105 = tpu.memref_slice %arg8[%dma_wait3A_103, %dma_wait3A_104] : memref<10240x128xf32, #tpu.memory_space<vmem_shared>> -> memref<10240x128xf32, #tpu.memory_space<vmem_shared>>
      tpu.wait_indirect_dma semaphore(%arg13 : memref<!tpu.dma_semaphore, #tpu.memory_space<semaphore_mem>>) src(%dma_wait3A_99 : memref<128x128xf32, #tpu.memory_space<vmem>>) dst(%dma_wait3A_105 : memref<10240x128xf32, #tpu.memory_space<vmem_shared>>)
      %add3A_106 = arith.constant 2 : i32
      %add3A_107 = arith.addi %add3A_56, %add3A_106 : i32
      %dma_start3A_108 = arith.constant 0 : i32
      %dma_start3A_109 = arith.constant 0 : i32
      %dma_start3A_110 = tpu.memref_slice %arg11[%dma_start3A_108, %dma_start3A_109] : memref<256x128xf32, #tpu.memory_space<vmem>> -> memref<128x128xf32, #tpu.memory_space<vmem>>
      %dma_start3A_111 = arith.constant 0 : i32
      %dma_start3A_112 = tpu.memref_slice %arg9[%add3A_107, %dma_start3A_111] : memref<40x128xi32, #tpu.memory_space<vmem>> -> memref<1x128xi32, #tpu.memory_space<vmem>>
      %dma_start3A_113 = tpu.memref_squeeze %dma_start3A_112 : memref<1x128xi32, #tpu.memory_space<vmem>> -> memref<128xi32, #tpu.memory_space<vmem>>
      %dma_start3A_114 = arith.constant 0 : i32
      %dma_start3A_115 = arith.constant 0 : i32
      %dma_start3A_116 = tpu.memref_slice %arg2[%dma_start3A_114, %dma_start3A_115] : memref<20480x128xf32, #tpu.memory_space<hbm>> -> memref<20480x128xf32, #tpu.memory_space<hbm>>
      tpu.enqueue_indirect_dma source(%dma_start3A_116 : memref<20480x128xf32, #tpu.memory_space<hbm>>) target(%dma_start3A_110 : memref<128x128xf32, #tpu.memory_space<vmem>>) offsets(%dma_start3A_113 : memref<128xi32, #tpu.memory_space<vmem>>) semaphore(%arg12 : memref<!tpu.dma_semaphore, #tpu.memory_space<semaphore_mem>>)
      %dma_wait3A_117 = arith.constant 128 : i32
      %dma_wait3A_118 = arith.constant 0 : i32
      %dma_wait3A_119 = tpu.memref_slice %arg11[%dma_wait3A_117, %dma_wait3A_118] : memref<256x128xf32, #tpu.memory_space<vmem>> -> memref<128x128xf32, #tpu.memory_space<vmem>>
      %dma_wait3A_120 = arith.constant 0 : i32
      %dma_wait3A_121 = tpu.memref_slice %arg9[%add3A_68, %dma_wait3A_120] : memref<40x128xi32, #tpu.memory_space<vmem>> -> memref<1x128xi32, #tpu.memory_space<vmem>>
      %dma_wait3A_122 = tpu.memref_squeeze %dma_wait3A_121 : memref<1x128xi32, #tpu.memory_space<vmem>> -> memref<128xi32, #tpu.memory_space<vmem>>
      %dma_wait3A_123 = arith.constant 0 : i32
      %dma_wait3A_124 = arith.constant 0 : i32
      %dma_wait3A_125 = tpu.memref_slice %arg2[%dma_wait3A_123, %dma_wait3A_124] : memref<20480x128xf32, #tpu.memory_space<hbm>> -> memref<20480x128xf32, #tpu.memory_space<hbm>>
      tpu.wait_indirect_dma semaphore(%arg12 : memref<!tpu.dma_semaphore, #tpu.memory_space<semaphore_mem>>) src(%dma_wait3A_125 : memref<20480x128xf32, #tpu.memory_space<hbm>>) dst(%dma_wait3A_119 : memref<128x128xf32, #tpu.memory_space<vmem>>)
      %add3A_126 = arith.constant 1 : i32
      %add3A_127 = arith.addi %add3A_56, %add3A_126 : i32
      %dma_start3A_128 = arith.constant 128 : i32
      %dma_start3A_129 = arith.constant 0 : i32
      %dma_start3A_130 = tpu.memref_slice %arg11[%dma_start3A_128, %dma_start3A_129] : memref<256x128xf32, #tpu.memory_space<vmem>> -> memref<128x128xf32, #tpu.memory_space<vmem>>
      %dma_start3A_131 = arith.constant 0 : i32
      %dma_start3A_132 = tpu.memref_slice %arg10[%add3A_127, %dma_start3A_131] : memref<40x128xi32, #tpu.memory_space<vmem>> -> memref<1x128xi32, #tpu.memory_space<vmem>>
      %dma_start3A_133 = tpu.memref_squeeze %dma_start3A_132 : memref<1x128xi32, #tpu.memory_space<vmem>> -> memref<128xi32, #tpu.memory_space<vmem>>
      %dma_start3A_134 = arith.constant 0 : i32
      %dma_start3A_135 = arith.constant 0 : i32
      %dma_start3A_136 = tpu.memref_slice %arg8[%dma_start3A_134, %dma_start3A_135] : memref<10240x128xf32, #tpu.memory_space<vmem_shared>> -> memref<10240x128xf32, #tpu.memory_space<vmem_shared>>
      tpu.enqueue_indirect_dma source(%dma_start3A_130 : memref<128x128xf32, #tpu.memory_space<vmem>>) target(%dma_start3A_136 : memref<10240x128xf32, #tpu.memory_space<vmem_shared>>) offsets(%dma_start3A_133 : memref<128xi32, #tpu.memory_space<vmem>>) semaphore(%arg13 : memref<!tpu.dma_semaphore, #tpu.memory_space<semaphore_mem>>) {add = true}
      %dma_wait3A_137 = arith.constant 128 : i32
      %dma_wait3A_138 = arith.constant 0 : i32
      %dma_wait3A_139 = tpu.memref_slice %arg11[%dma_wait3A_137, %dma_wait3A_138] : memref<256x128xf32, #tpu.memory_space<vmem>> -> memref<128x128xf32, #tpu.memory_space<vmem>>
      %dma_wait3A_140 = arith.constant 0 : i32
      %dma_wait3A_141 = tpu.memref_slice %arg10[%add3A_127, %dma_wait3A_140] : memref<40x128xi32, #tpu.memory_space<vmem>> -> memref<1x128xi32, #tpu.memory_space<vmem>>
      %dma_wait3A_142 = tpu.memref_squeeze %dma_wait3A_141 : memref<1x128xi32, #tpu.memory_space<vmem>> -> memref<128xi32, #tpu.memory_space<vmem>>
      %dma_wait3A_143 = arith.constant 0 : i32
      %dma_wait3A_144 = arith.constant 0 : i32
      %dma_wait3A_145 = tpu.memref_slice %arg8[%dma_wait3A_143, %dma_wait3A_144] : memref<10240x128xf32, #tpu.memory_space<vmem_shared>> -> memref<10240x128xf32, #tpu.memory_space<vmem_shared>>
      tpu.wait_indirect_dma semaphore(%arg13 : memref<!tpu.dma_semaphore, #tpu.memory_space<semaphore_mem>>) src(%dma_wait3A_139 : memref<128x128xf32, #tpu.memory_space<vmem>>) dst(%dma_wait3A_145 : memref<10240x128xf32, #tpu.memory_space<vmem_shared>>)
      %add3A_146 = arith.constant 3 : i32
      %add3A_147 = arith.addi %add3A_56, %add3A_146 : i32
      %dma_start3A_148 = arith.constant 128 : i32
      %dma_start3A_149 = arith.constant 0 : i32
      %dma_start3A_150 = tpu.memref_slice %arg11[%dma_start3A_148, %dma_start3A_149] : memref<256x128xf32, #tpu.memory_space<vmem>> -> memref<128x128xf32, #tpu.memory_space<vmem>>
      %dma_start3A_151 = arith.constant 0 : i32
      %dma_start3A_152 = tpu.memref_slice %arg9[%add3A_147, %dma_start3A_151] : memref<40x128xi32, #tpu.memory_space<vmem>> -> memref<1x128xi32, #tpu.memory_space<vmem>>
      %dma_start3A_153 = tpu.memref_squeeze %dma_start3A_152 : memref<1x128xi32, #tpu.memory_space<vmem>> -> memref<128xi32, #tpu.memory_space<vmem>>
      %dma_start3A_154 = arith.constant 0 : i32
      %dma_start3A_155 = arith.constant 0 : i32
      %dma_start3A_156 = tpu.memref_slice %arg2[%dma_start3A_154, %dma_start3A_155] : memref<20480x128xf32, #tpu.memory_space<hbm>> -> memref<20480x128xf32, #tpu.memory_space<hbm>>
      tpu.enqueue_indirect_dma source(%dma_start3A_156 : memref<20480x128xf32, #tpu.memory_space<hbm>>) target(%dma_start3A_150 : memref<128x128xf32, #tpu.memory_space<vmem>>) offsets(%dma_start3A_153 : memref<128xi32, #tpu.memory_space<vmem>>) semaphore(%arg12 : memref<!tpu.dma_semaphore, #tpu.memory_space<semaphore_mem>>)
      %dma_wait3A_157 = arith.constant 0 : i32
      %dma_wait3A_158 = arith.constant 0 : i32
      %dma_wait3A_159 = tpu.memref_slice %arg11[%dma_wait3A_157, %dma_wait3A_158] : memref<256x128xf32, #tpu.memory_space<vmem>> -> memref<128x128xf32, #tpu.memory_space<vmem>>
      %dma_wait3A_160 = arith.constant 0 : i32
      %dma_wait3A_161 = tpu.memref_slice %arg9[%add3A_107, %dma_wait3A_160] : memref<40x128xi32, #tpu.memory_space<vmem>> -> memref<1x128xi32, #tpu.memory_space<vmem>>
      %dma_wait3A_162 = tpu.memref_squeeze %dma_wait3A_161 : memref<1x128xi32, #tpu.memory_space<vmem>> -> memref<128xi32, #tpu.memory_space<vmem>>
      %dma_wait3A_163 = arith.constant 0 : i32
      %dma_wait3A_164 = arith.constant 0 : i32
      %dma_wait3A_165 = tpu.memref_slice %arg2[%dma_wait3A_163, %dma_wait3A_164] : memref<20480x128xf32, #tpu.memory_space<hbm>> -> memref<20480x128xf32, #tpu.memory_space<hbm>>
      tpu.wait_indirect_dma semaphore(%arg12 : memref<!tpu.dma_semaphore, #tpu.memory_space<semaphore_mem>>) src(%dma_wait3A_165 : memref<20480x128xf32, #tpu.memory_space<hbm>>) dst(%dma_wait3A_159 : memref<128x128xf32, #tpu.memory_space<vmem>>)
      %add3A_166 = arith.constant 2 : i32
      %add3A_167 = arith.addi %add3A_56, %add3A_166 : i32
      %dma_start3A_168 = arith.constant 0 : i32
      %dma_start3A_169 = arith.constant 0 : i32
      %dma_start3A_170 = tpu.memref_slice %arg11[%dma_start3A_168, %dma_start3A_169] : memref<256x128xf32, #tpu.memory_space<vmem>> -> memref<128x128xf32, #tpu.memory_space<vmem>>
      %dma_start3A_171 = arith.constant 0 : i32
      %dma_start3A_172 = tpu.memref_slice %arg10[%add3A_167, %dma_start3A_171] : memref<40x128xi32, #tpu.memory_space<vmem>> -> memref<1x128xi32, #tpu.memory_space<vmem>>
      %dma_start3A_173 = tpu.memref_squeeze %dma_start3A_172 : memref<1x128xi32, #tpu.memory_space<vmem>> -> memref<128xi32, #tpu.memory_space<vmem>>
      %dma_start3A_174 = arith.constant 0 : i32
      %dma_start3A_175 = arith.constant 0 : i32
      %dma_start3A_176 = tpu.memref_slice %arg8[%dma_start3A_174, %dma_start3A_175] : memref<10240x128xf32, #tpu.memory_space<vmem_shared>> -> memref<10240x128xf32, #tpu.memory_space<vmem_shared>>
      tpu.enqueue_indirect_dma source(%dma_start3A_170 : memref<128x128xf32, #tpu.memory_space<vmem>>) target(%dma_start3A_176 : memref<10240x128xf32, #tpu.memory_space<vmem_shared>>) offsets(%dma_start3A_173 : memref<128xi32, #tpu.memory_space<vmem>>) semaphore(%arg13 : memref<!tpu.dma_semaphore, #tpu.memory_space<semaphore_mem>>) {add = true}
      %dma_wait3A_177 = arith.constant 0 : i32
      %dma_wait3A_178 = arith.constant 0 : i32
      %dma_wait3A_179 = tpu.memref_slice %arg11[%dma_wait3A_177, %dma_wait3A_178] : memref<256x128xf32, #tpu.memory_space<vmem>> -> memref<128x128xf32, #tpu.memory_space<vmem>>
      %dma_wait3A_180 = arith.constant 0 : i32
      %dma_wait3A_181 = tpu.memref_slice %arg10[%add3A_167, %dma_wait3A_180] : memref<40x128xi32, #tpu.memory_space<vmem>> -> memref<1x128xi32, #tpu.memory_space<vmem>>
      %dma_wait3A_182 = tpu.memref_squeeze %dma_wait3A_181 : memref<1x128xi32, #tpu.memory_space<vmem>> -> memref<128xi32, #tpu.memory_space<vmem>>
      %dma_wait3A_183 = arith.constant 0 : i32
      %dma_wait3A_184 = arith.constant 0 : i32
      %dma_wait3A_185 = tpu.memref_slice %arg8[%dma_wait3A_183, %dma_wait3A_184] : memref<10240x128xf32, #tpu.memory_space<vmem_shared>> -> memref<10240x128xf32, #tpu.memory_space<vmem_shared>>
      tpu.wait_indirect_dma semaphore(%arg13 : memref<!tpu.dma_semaphore, #tpu.memory_space<semaphore_mem>>) src(%dma_wait3A_179 : memref<128x128xf32, #tpu.memory_space<vmem>>) dst(%dma_wait3A_185 : memref<10240x128xf32, #tpu.memory_space<vmem_shared>>)
      %add3A_186 = arith.constant 4 : i32
      %add3A_187 = arith.addi %add3A_56, %add3A_186 : i32
      %dma_start3A_188 = arith.constant 0 : i32
      %dma_start3A_189 = arith.constant 0 : i32
      %dma_start3A_190 = tpu.memref_slice %arg11[%dma_start3A_188, %dma_start3A_189] : memref<256x128xf32, #tpu.memory_space<vmem>> -> memref<128x128xf32, #tpu.memory_space<vmem>>
      %dma_start3A_191 = arith.constant 0 : i32
      %dma_start3A_192 = tpu.memref_slice %arg9[%add3A_187, %dma_start3A_191] : memref<40x128xi32, #tpu.memory_space<vmem>> -> memref<1x128xi32, #tpu.memory_space<vmem>>
      %dma_start3A_193 = tpu.memref_squeeze %dma_start3A_192 : memref<1x128xi32, #tpu.memory_space<vmem>> -> memref<128xi32, #tpu.memory_space<vmem>>
      %dma_start3A_194 = arith.constant 0 : i32
      %dma_start3A_195 = arith.constant 0 : i32
      %dma_start3A_196 = tpu.memref_slice %arg2[%dma_start3A_194, %dma_start3A_195] : memref<20480x128xf32, #tpu.memory_space<hbm>> -> memref<20480x128xf32, #tpu.memory_space<hbm>>
      tpu.enqueue_indirect_dma source(%dma_start3A_196 : memref<20480x128xf32, #tpu.memory_space<hbm>>) target(%dma_start3A_190 : memref<128x128xf32, #tpu.memory_space<vmem>>) offsets(%dma_start3A_193 : memref<128xi32, #tpu.memory_space<vmem>>) semaphore(%arg12 : memref<!tpu.dma_semaphore, #tpu.memory_space<semaphore_mem>>)
      %dma_wait3A_197 = arith.constant 128 : i32
      %dma_wait3A_198 = arith.constant 0 : i32
      %dma_wait3A_199 = tpu.memref_slice %arg11[%dma_wait3A_197, %dma_wait3A_198] : memref<256x128xf32, #tpu.memory_space<vmem>> -> memref<128x128xf32, #tpu.memory_space<vmem>>
      %dma_wait3A_200 = arith.constant 0 : i32
      %dma_wait3A_201 = tpu.memref_slice %arg9[%add3A_147, %dma_wait3A_200] : memref<40x128xi32, #tpu.memory_space<vmem>> -> memref<1x128xi32, #tpu.memory_space<vmem>>
      %dma_wait3A_202 = tpu.memref_squeeze %dma_wait3A_201 : memref<1x128xi32, #tpu.memory_space<vmem>> -> memref<128xi32, #tpu.memory_space<vmem>>
      %dma_wait3A_203 = arith.constant 0 : i32
      %dma_wait3A_204 = arith.constant 0 : i32
      %dma_wait3A_205 = tpu.memref_slice %arg2[%dma_wait3A_203, %dma_wait3A_204] : memref<20480x128xf32, #tpu.memory_space<hbm>> -> memref<20480x128xf32, #tpu.memory_space<hbm>>
      tpu.wait_indirect_dma semaphore(%arg12 : memref<!tpu.dma_semaphore, #tpu.memory_space<semaphore_mem>>) src(%dma_wait3A_205 : memref<20480x128xf32, #tpu.memory_space<hbm>>) dst(%dma_wait3A_199 : memref<128x128xf32, #tpu.memory_space<vmem>>)
      %add3A_206 = arith.constant 3 : i32
      %add3A_207 = arith.addi %add3A_56, %add3A_206 : i32
      %dma_start3A_208 = arith.constant 128 : i32
      %dma_start3A_209 = arith.constant 0 : i32
      %dma_start3A_210 = tpu.memref_slice %arg11[%dma_start3A_208, %dma_start3A_209] : memref<256x128xf32, #tpu.memory_space<vmem>> -> memref<128x128xf32, #tpu.memory_space<vmem>>
      %dma_start3A_211 = arith.constant 0 : i32
      %dma_start3A_212 = tpu.memref_slice %arg10[%add3A_207, %dma_start3A_211] : memref<40x128xi32, #tpu.memory_space<vmem>> -> memref<1x128xi32, #tpu.memory_space<vmem>>
      %dma_start3A_213 = tpu.memref_squeeze %dma_start3A_212 : memref<1x128xi32, #tpu.memory_space<vmem>> -> memref<128xi32, #tpu.memory_space<vmem>>
      %dma_start3A_214 = arith.constant 0 : i32
      %dma_start3A_215 = arith.constant 0 : i32
      %dma_start3A_216 = tpu.memref_slice %arg8[%dma_start3A_214, %dma_start3A_215] : memref<10240x128xf32, #tpu.memory_space<vmem_shared>> -> memref<10240x128xf32, #tpu.memory_space<vmem_shared>>
      tpu.enqueue_indirect_dma source(%dma_start3A_210 : memref<128x128xf32, #tpu.memory_space<vmem>>) target(%dma_start3A_216 : memref<10240x128xf32, #tpu.memory_space<vmem_shared>>) offsets(%dma_start3A_213 : memref<128xi32, #tpu.memory_space<vmem>>) semaphore(%arg13 : memref<!tpu.dma_semaphore, #tpu.memory_space<semaphore_mem>>) {add = true}
      %dma_wait3A_217 = arith.constant 128 : i32
      %dma_wait3A_218 = arith.constant 0 : i32
      %dma_wait3A_219 = tpu.memref_slice %arg11[%dma_wait3A_217, %dma_wait3A_218] : memref<256x128xf32, #tpu.memory_space<vmem>> -> memref<128x128xf32, #tpu.memory_space<vmem>>
      %dma_wait3A_220 = arith.constant 0 : i32
      %dma_wait3A_221 = tpu.memref_slice %arg10[%add3A_207, %dma_wait3A_220] : memref<40x128xi32, #tpu.memory_space<vmem>> -> memref<1x128xi32, #tpu.memory_space<vmem>>
      %dma_wait3A_222 = tpu.memref_squeeze %dma_wait3A_221 : memref<1x128xi32, #tpu.memory_space<vmem>> -> memref<128xi32, #tpu.memory_space<vmem>>
      %dma_wait3A_223 = arith.constant 0 : i32
      %dma_wait3A_224 = arith.constant 0 : i32
      %dma_wait3A_225 = tpu.memref_slice %arg8[%dma_wait3A_223, %dma_wait3A_224] : memref<10240x128xf32, #tpu.memory_space<vmem_shared>> -> memref<10240x128xf32, #tpu.memory_space<vmem_shared>>
      tpu.wait_indirect_dma semaphore(%arg13 : memref<!tpu.dma_semaphore, #tpu.memory_space<semaphore_mem>>) src(%dma_wait3A_219 : memref<128x128xf32, #tpu.memory_space<vmem>>) dst(%dma_wait3A_225 : memref<10240x128xf32, #tpu.memory_space<vmem_shared>>)
      %add3A_226 = arith.constant 5 : i32
      %add3A_227 = arith.addi %add3A_56, %add3A_226 : i32
      %dma_start3A_228 = arith.constant 128 : i32
      %dma_start3A_229 = arith.constant 0 : i32
      %dma_start3A_230 = tpu.memref_slice %arg11[%dma_start3A_228, %dma_start3A_229] : memref<256x128xf32, #tpu.memory_space<vmem>> -> memref<128x128xf32, #tpu.memory_space<vmem>>
      %dma_start3A_231 = arith.constant 0 : i32
      %dma_start3A_232 = tpu.memref_slice %arg9[%add3A_227, %dma_start3A_231] : memref<40x128xi32, #tpu.memory_space<vmem>> -> memref<1x128xi32, #tpu.memory_space<vmem>>
      %dma_start3A_233 = tpu.memref_squeeze %dma_start3A_232 : memref<1x128xi32, #tpu.memory_space<vmem>> -> memref<128xi32, #tpu.memory_space<vmem>>
      %dma_start3A_234 = arith.constant 0 : i32
      %dma_start3A_235 = arith.constant 0 : i32
      %dma_start3A_236 = tpu.memref_slice %arg2[%dma_start3A_234, %dma_start3A_235] : memref<20480x128xf32, #tpu.memory_space<hbm>> -> memref<20480x128xf32, #tpu.memory_space<hbm>>
      tpu.enqueue_indirect_dma source(%dma_start3A_236 : memref<20480x128xf32, #tpu.memory_space<hbm>>) target(%dma_start3A_230 : memref<128x128xf32, #tpu.memory_space<vmem>>) offsets(%dma_start3A_233 : memref<128xi32, #tpu.memory_space<vmem>>) semaphore(%arg12 : memref<!tpu.dma_semaphore, #tpu.memory_space<semaphore_mem>>)
      %dma_wait3A_237 = arith.constant 0 : i32
      %dma_wait3A_238 = arith.constant 0 : i32
      %dma_wait3A_239 = tpu.memref_slice %arg11[%dma_wait3A_237, %dma_wait3A_238] : memref<256x128xf32, #tpu.memory_space<vmem>> -> memref<128x128xf32, #tpu.memory_space<vmem>>
      %dma_wait3A_240 = arith.constant 0 : i32
      %dma_wait3A_241 = tpu.memref_slice %arg9[%add3A_187, %dma_wait3A_240] : memref<40x128xi32, #tpu.memory_space<vmem>> -> memref<1x128xi32, #tpu.memory_space<vmem>>
      %dma_wait3A_242 = tpu.memref_squeeze %dma_wait3A_241 : memref<1x128xi32, #tpu.memory_space<vmem>> -> memref<128xi32, #tpu.memory_space<vmem>>
      %dma_wait3A_243 = arith.constant 0 : i32
      %dma_wait3A_244 = arith.constant 0 : i32
      %dma_wait3A_245 = tpu.memref_slice %arg2[%dma_wait3A_243, %dma_wait3A_244] : memref<20480x128xf32, #tpu.memory_space<hbm>> -> memref<20480x128xf32, #tpu.memory_space<hbm>>
      tpu.wait_indirect_dma semaphore(%arg12 : memref<!tpu.dma_semaphore, #tpu.memory_space<semaphore_mem>>) src(%dma_wait3A_245 : memref<20480x128xf32, #tpu.memory_space<hbm>>) dst(%dma_wait3A_239 : memref<128x128xf32, #tpu.memory_space<vmem>>)
      %add3A_246 = arith.constant 4 : i32
      %add3A_247 = arith.addi %add3A_56, %add3A_246 : i32
      %dma_start3A_248 = arith.constant 0 : i32
      %dma_start3A_249 = arith.constant 0 : i32
      %dma_start3A_250 = tpu.memref_slice %arg11[%dma_start3A_248, %dma_start3A_249] : memref<256x128xf32, #tpu.memory_space<vmem>> -> memref<128x128xf32, #tpu.memory_space<vmem>>
      %dma_start3A_251 = arith.constant 0 : i32
      %dma_start3A_252 = tpu.memref_slice %arg10[%add3A_247, %dma_start3A_251] : memref<40x128xi32, #tpu.memory_space<vmem>> -> memref<1x128xi32, #tpu.memory_space<vmem>>
      %dma_start3A_253 = tpu.memref_squeeze %dma_start3A_252 : memref<1x128xi32, #tpu.memory_space<vmem>> -> memref<128xi32, #tpu.memory_space<vmem>>
      %dma_start3A_254 = arith.constant 0 : i32
      %dma_start3A_255 = arith.constant 0 : i32
      %dma_start3A_256 = tpu.memref_slice %arg8[%dma_start3A_254, %dma_start3A_255] : memref<10240x128xf32, #tpu.memory_space<vmem_shared>> -> memref<10240x128xf32, #tpu.memory_space<vmem_shared>>
      tpu.enqueue_indirect_dma source(%dma_start3A_250 : memref<128x128xf32, #tpu.memory_space<vmem>>) target(%dma_start3A_256 : memref<10240x128xf32, #tpu.memory_space<vmem_shared>>) offsets(%dma_start3A_253 : memref<128xi32, #tpu.memory_space<vmem>>) semaphore(%arg13 : memref<!tpu.dma_semaphore, #tpu.memory_space<semaphore_mem>>) {add = true}
      %dma_wait3A_257 = arith.constant 0 : i32
      %dma_wait3A_258 = arith.constant 0 : i32
      %dma_wait3A_259 = tpu.memref_slice %arg11[%dma_wait3A_257, %dma_wait3A_258] : memref<256x128xf32, #tpu.memory_space<vmem>> -> memref<128x128xf32, #tpu.memory_space<vmem>>
      %dma_wait3A_260 = arith.constant 0 : i32
      %dma_wait3A_261 = tpu.memref_slice %arg10[%add3A_247, %dma_wait3A_260] : memref<40x128xi32, #tpu.memory_space<vmem>> -> memref<1x128xi32, #tpu.memory_space<vmem>>
      %dma_wait3A_262 = tpu.memref_squeeze %dma_wait3A_261 : memref<1x128xi32, #tpu.memory_space<vmem>> -> memref<128xi32, #tpu.memory_space<vmem>>
      %dma_wait3A_263 = arith.constant 0 : i32
      %dma_wait3A_264 = arith.constant 0 : i32
      %dma_wait3A_265 = tpu.memref_slice %arg8[%dma_wait3A_263, %dma_wait3A_264] : memref<10240x128xf32, #tpu.memory_space<vmem_shared>> -> memref<10240x128xf32, #tpu.memory_space<vmem_shared>>
      tpu.wait_indirect_dma semaphore(%arg13 : memref<!tpu.dma_semaphore, #tpu.memory_space<semaphore_mem>>) src(%dma_wait3A_259 : memref<128x128xf32, #tpu.memory_space<vmem>>) dst(%dma_wait3A_265 : memref<10240x128xf32, #tpu.memory_space<vmem_shared>>)
      %add3A_266 = arith.constant 6 : i32
      %add3A_267 = arith.addi %add3A_56, %add3A_266 : i32
      %dma_start3A_268 = arith.constant 0 : i32
      %dma_start3A_269 = arith.constant 0 : i32
      %dma_start3A_270 = tpu.memref_slice %arg11[%dma_start3A_268, %dma_start3A_269] : memref<256x128xf32, #tpu.memory_space<vmem>> -> memref<128x128xf32, #tpu.memory_space<vmem>>
      %dma_start3A_271 = arith.constant 0 : i32
      %dma_start3A_272 = tpu.memref_slice %arg9[%add3A_267, %dma_start3A_271] : memref<40x128xi32, #tpu.memory_space<vmem>> -> memref<1x128xi32, #tpu.memory_space<vmem>>
      %dma_start3A_273 = tpu.memref_squeeze %dma_start3A_272 : memref<1x128xi32, #tpu.memory_space<vmem>> -> memref<128xi32, #tpu.memory_space<vmem>>
      %dma_start3A_274 = arith.constant 0 : i32
      %dma_start3A_275 = arith.constant 0 : i32
      %dma_start3A_276 = tpu.memref_slice %arg2[%dma_start3A_274, %dma_start3A_275] : memref<20480x128xf32, #tpu.memory_space<hbm>> -> memref<20480x128xf32, #tpu.memory_space<hbm>>
      tpu.enqueue_indirect_dma source(%dma_start3A_276 : memref<20480x128xf32, #tpu.memory_space<hbm>>) target(%dma_start3A_270 : memref<128x128xf32, #tpu.memory_space<vmem>>) offsets(%dma_start3A_273 : memref<128xi32, #tpu.memory_space<vmem>>) semaphore(%arg12 : memref<!tpu.dma_semaphore, #tpu.memory_space<semaphore_mem>>)
      %dma_wait3A_277 = arith.constant 128 : i32
      %dma_wait3A_278 = arith.constant 0 : i32
      %dma_wait3A_279 = tpu.memref_slice %arg11[%dma_wait3A_277, %dma_wait3A_278] : memref<256x128xf32, #tpu.memory_space<vmem>> -> memref<128x128xf32, #tpu.memory_space<vmem>>
      %dma_wait3A_280 = arith.constant 0 : i32
      %dma_wait3A_281 = tpu.memref_slice %arg9[%add3A_227, %dma_wait3A_280] : memref<40x128xi32, #tpu.memory_space<vmem>> -> memref<1x128xi32, #tpu.memory_space<vmem>>
      %dma_wait3A_282 = tpu.memref_squeeze %dma_wait3A_281 : memref<1x128xi32, #tpu.memory_space<vmem>> -> memref<128xi32, #tpu.memory_space<vmem>>
      %dma_wait3A_283 = arith.constant 0 : i32
      %dma_wait3A_284 = arith.constant 0 : i32
      %dma_wait3A_285 = tpu.memref_slice %arg2[%dma_wait3A_283, %dma_wait3A_284] : memref<20480x128xf32, #tpu.memory_space<hbm>> -> memref<20480x128xf32, #tpu.memory_space<hbm>>
      tpu.wait_indirect_dma semaphore(%arg12 : memref<!tpu.dma_semaphore, #tpu.memory_space<semaphore_mem>>) src(%dma_wait3A_285 : memref<20480x128xf32, #tpu.memory_space<hbm>>) dst(%dma_wait3A_279 : memref<128x128xf32, #tpu.memory_space<vmem>>)
      %add3A_286 = arith.constant 5 : i32
      %add3A_287 = arith.addi %add3A_56, %add3A_286 : i32
      %dma_start3A_288 = arith.constant 128 : i32
      %dma_start3A_289 = arith.constant 0 : i32
      %dma_start3A_290 = tpu.memref_slice %arg11[%dma_start3A_288, %dma_start3A_289] : memref<256x128xf32, #tpu.memory_space<vmem>> -> memref<128x128xf32, #tpu.memory_space<vmem>>
      %dma_start3A_291 = arith.constant 0 : i32
      %dma_start3A_292 = tpu.memref_slice %arg10[%add3A_287, %dma_start3A_291] : memref<40x128xi32, #tpu.memory_space<vmem>> -> memref<1x128xi32, #tpu.memory_space<vmem>>
      %dma_start3A_293 = tpu.memref_squeeze %dma_start3A_292 : memref<1x128xi32, #tpu.memory_space<vmem>> -> memref<128xi32, #tpu.memory_space<vmem>>
      %dma_start3A_294 = arith.constant 0 : i32
      %dma_start3A_295 = arith.constant 0 : i32
      %dma_start3A_296 = tpu.memref_slice %arg8[%dma_start3A_294, %dma_start3A_295] : memref<10240x128xf32, #tpu.memory_space<vmem_shared>> -> memref<10240x128xf32, #tpu.memory_space<vmem_shared>>
      tpu.enqueue_indirect_dma source(%dma_start3A_290 : memref<128x128xf32, #tpu.memory_space<vmem>>) target(%dma_start3A_296 : memref<10240x128xf32, #tpu.memory_space<vmem_shared>>) offsets(%dma_start3A_293 : memref<128xi32, #tpu.memory_space<vmem>>) semaphore(%arg13 : memref<!tpu.dma_semaphore, #tpu.memory_space<semaphore_mem>>) {add = true}
      %dma_wait3A_297 = arith.constant 128 : i32
      %dma_wait3A_298 = arith.constant 0 : i32
      %dma_wait3A_299 = tpu.memref_slice %arg11[%dma_wait3A_297, %dma_wait3A_298] : memref<256x128xf32, #tpu.memory_space<vmem>> -> memref<128x128xf32, #tpu.memory_space<vmem>>
      %dma_wait3A_300 = arith.constant 0 : i32
      %dma_wait3A_301 = tpu.memref_slice %arg10[%add3A_287, %dma_wait3A_300] : memref<40x128xi32, #tpu.memory_space<vmem>> -> memref<1x128xi32, #tpu.memory_space<vmem>>
      %dma_wait3A_302 = tpu.memref_squeeze %dma_wait3A_301 : memref<1x128xi32, #tpu.memory_space<vmem>> -> memref<128xi32, #tpu.memory_space<vmem>>
      %dma_wait3A_303 = arith.constant 0 : i32
      %dma_wait3A_304 = arith.constant 0 : i32
      %dma_wait3A_305 = tpu.memref_slice %arg8[%dma_wait3A_303, %dma_wait3A_304] : memref<10240x128xf32, #tpu.memory_space<vmem_shared>> -> memref<10240x128xf32, #tpu.memory_space<vmem_shared>>
      tpu.wait_indirect_dma semaphore(%arg13 : memref<!tpu.dma_semaphore, #tpu.memory_space<semaphore_mem>>) src(%dma_wait3A_299 : memref<128x128xf32, #tpu.memory_space<vmem>>) dst(%dma_wait3A_305 : memref<10240x128xf32, #tpu.memory_space<vmem_shared>>)
      %add3A_306 = arith.constant 7 : i32
      %add3A_307 = arith.addi %add3A_56, %add3A_306 : i32
      %dma_start3A_308 = arith.constant 128 : i32
      %dma_start3A_309 = arith.constant 0 : i32
      %dma_start3A_310 = tpu.memref_slice %arg11[%dma_start3A_308, %dma_start3A_309] : memref<256x128xf32, #tpu.memory_space<vmem>> -> memref<128x128xf32, #tpu.memory_space<vmem>>
      %dma_start3A_311 = arith.constant 0 : i32
      %dma_start3A_312 = tpu.memref_slice %arg9[%add3A_307, %dma_start3A_311] : memref<40x128xi32, #tpu.memory_space<vmem>> -> memref<1x128xi32, #tpu.memory_space<vmem>>
      %dma_start3A_313 = tpu.memref_squeeze %dma_start3A_312 : memref<1x128xi32, #tpu.memory_space<vmem>> -> memref<128xi32, #tpu.memory_space<vmem>>
      %dma_start3A_314 = arith.constant 0 : i32
      %dma_start3A_315 = arith.constant 0 : i32
      %dma_start3A_316 = tpu.memref_slice %arg2[%dma_start3A_314, %dma_start3A_315] : memref<20480x128xf32, #tpu.memory_space<hbm>> -> memref<20480x128xf32, #tpu.memory_space<hbm>>
      tpu.enqueue_indirect_dma source(%dma_start3A_316 : memref<20480x128xf32, #tpu.memory_space<hbm>>) target(%dma_start3A_310 : memref<128x128xf32, #tpu.memory_space<vmem>>) offsets(%dma_start3A_313 : memref<128xi32, #tpu.memory_space<vmem>>) semaphore(%arg12 : memref<!tpu.dma_semaphore, #tpu.memory_space<semaphore_mem>>)
      %dma_wait3A_317 = arith.constant 0 : i32
      %dma_wait3A_318 = arith.constant 0 : i32
      %dma_wait3A_319 = tpu.memref_slice %arg11[%dma_wait3A_317, %dma_wait3A_318] : memref<256x128xf32, #tpu.memory_space<vmem>> -> memref<128x128xf32, #tpu.memory_space<vmem>>
      %dma_wait3A_320 = arith.constant 0 : i32
      %dma_wait3A_321 = tpu.memref_slice %arg9[%add3A_267, %dma_wait3A_320] : memref<40x128xi32, #tpu.memory_space<vmem>> -> memref<1x128xi32, #tpu.memory_space<vmem>>
      %dma_wait3A_322 = tpu.memref_squeeze %dma_wait3A_321 : memref<1x128xi32, #tpu.memory_space<vmem>> -> memref<128xi32, #tpu.memory_space<vmem>>
      %dma_wait3A_323 = arith.constant 0 : i32
      %dma_wait3A_324 = arith.constant 0 : i32
      %dma_wait3A_325 = tpu.memref_slice %arg2[%dma_wait3A_323, %dma_wait3A_324] : memref<20480x128xf32, #tpu.memory_space<hbm>> -> memref<20480x128xf32, #tpu.memory_space<hbm>>
      tpu.wait_indirect_dma semaphore(%arg12 : memref<!tpu.dma_semaphore, #tpu.memory_space<semaphore_mem>>) src(%dma_wait3A_325 : memref<20480x128xf32, #tpu.memory_space<hbm>>) dst(%dma_wait3A_319 : memref<128x128xf32, #tpu.memory_space<vmem>>)
      %add3A_326 = arith.constant 6 : i32
      %add3A_327 = arith.addi %add3A_56, %add3A_326 : i32
      %dma_start3A_328 = arith.constant 0 : i32
      %dma_start3A_329 = arith.constant 0 : i32
      %dma_start3A_330 = tpu.memref_slice %arg11[%dma_start3A_328, %dma_start3A_329] : memref<256x128xf32, #tpu.memory_space<vmem>> -> memref<128x128xf32, #tpu.memory_space<vmem>>
      %dma_start3A_331 = arith.constant 0 : i32
      %dma_start3A_332 = tpu.memref_slice %arg10[%add3A_327, %dma_start3A_331] : memref<40x128xi32, #tpu.memory_space<vmem>> -> memref<1x128xi32, #tpu.memory_space<vmem>>
      %dma_start3A_333 = tpu.memref_squeeze %dma_start3A_332 : memref<1x128xi32, #tpu.memory_space<vmem>> -> memref<128xi32, #tpu.memory_space<vmem>>
      %dma_start3A_334 = arith.constant 0 : i32
      %dma_start3A_335 = arith.constant 0 : i32
      %dma_start3A_336 = tpu.memref_slice %arg8[%dma_start3A_334, %dma_start3A_335] : memref<10240x128xf32, #tpu.memory_space<vmem_shared>> -> memref<10240x128xf32, #tpu.memory_space<vmem_shared>>
      tpu.enqueue_indirect_dma source(%dma_start3A_330 : memref<128x128xf32, #tpu.memory_space<vmem>>) target(%dma_start3A_336 : memref<10240x128xf32, #tpu.memory_space<vmem_shared>>) offsets(%dma_start3A_333 : memref<128xi32, #tpu.memory_space<vmem>>) semaphore(%arg13 : memref<!tpu.dma_semaphore, #tpu.memory_space<semaphore_mem>>) {add = true}
      %dma_wait3A_337 = arith.constant 128 : i32
      %dma_wait3A_338 = arith.constant 0 : i32
      %dma_wait3A_339 = tpu.memref_slice %arg11[%dma_wait3A_337, %dma_wait3A_338] : memref<256x128xf32, #tpu.memory_space<vmem>> -> memref<128x128xf32, #tpu.memory_space<vmem>>
      %dma_wait3A_340 = arith.constant 0 : i32
      %dma_wait3A_341 = tpu.memref_slice %arg9[%add3A_307, %dma_wait3A_340] : memref<40x128xi32, #tpu.memory_space<vmem>> -> memref<1x128xi32, #tpu.memory_space<vmem>>
      %dma_wait3A_342 = tpu.memref_squeeze %dma_wait3A_341 : memref<1x128xi32, #tpu.memory_space<vmem>> -> memref<128xi32, #tpu.memory_space<vmem>>
      %dma_wait3A_343 = arith.constant 0 : i32
      %dma_wait3A_344 = arith.constant 0 : i32
      %dma_wait3A_345 = tpu.memref_slice %arg2[%dma_wait3A_343, %dma_wait3A_344] : memref<20480x128xf32, #tpu.memory_space<hbm>> -> memref<20480x128xf32, #tpu.memory_space<hbm>>
      tpu.wait_indirect_dma semaphore(%arg12 : memref<!tpu.dma_semaphore, #tpu.memory_space<semaphore_mem>>) src(%dma_wait3A_345 : memref<20480x128xf32, #tpu.memory_space<hbm>>) dst(%dma_wait3A_339 : memref<128x128xf32, #tpu.memory_space<vmem>>)
      %add3A_346 = arith.constant 7 : i32
      %add3A_347 = arith.addi %add3A_56, %add3A_346 : i32
      %dma_start3A_348 = arith.constant 128 : i32
      %dma_start3A_349 = arith.constant 0 : i32
      %dma_start3A_350 = tpu.memref_slice %arg11[%dma_start3A_348, %dma_start3A_349] : memref<256x128xf32, #tpu.memory_space<vmem>> -> memref<128x128xf32, #tpu.memory_space<vmem>>
      %dma_start3A_351 = arith.constant 0 : i32
      %dma_start3A_352 = tpu.memref_slice %arg10[%add3A_347, %dma_start3A_351] : memref<40x128xi32, #tpu.memory_space<vmem>> -> memref<1x128xi32, #tpu.memory_space<vmem>>
      %dma_start3A_353 = tpu.memref_squeeze %dma_start3A_352 : memref<1x128xi32, #tpu.memory_space<vmem>> -> memref<128xi32, #tpu.memory_space<vmem>>
      %dma_start3A_354 = arith.constant 0 : i32
      %dma_start3A_355 = arith.constant 0 : i32
      %dma_start3A_356 = tpu.memref_slice %arg8[%dma_start3A_354, %dma_start3A_355] : memref<10240x128xf32, #tpu.memory_space<vmem_shared>> -> memref<10240x128xf32, #tpu.memory_space<vmem_shared>>
      tpu.enqueue_indirect_dma source(%dma_start3A_350 : memref<128x128xf32, #tpu.memory_space<vmem>>) target(%dma_start3A_356 : memref<10240x128xf32, #tpu.memory_space<vmem_shared>>) offsets(%dma_start3A_353 : memref<128xi32, #tpu.memory_space<vmem>>) semaphore(%arg13 : memref<!tpu.dma_semaphore, #tpu.memory_space<semaphore_mem>>) {add = true}
      %dma_wait3A_357 = arith.constant 0 : i32
      %dma_wait3A_358 = arith.constant 0 : i32
      %dma_wait3A_359 = tpu.memref_slice %arg11[%dma_wait3A_357, %dma_wait3A_358] : memref<256x128xf32, #tpu.memory_space<vmem>> -> memref<128x128xf32, #tpu.memory_space<vmem>>
      %dma_wait3A_360 = arith.constant 0 : i32
      %dma_wait3A_361 = tpu.memref_slice %arg10[%add3A_327, %dma_wait3A_360] : memref<40x128xi32, #tpu.memory_space<vmem>> -> memref<1x128xi32, #tpu.memory_space<vmem>>
      %dma_wait3A_362 = tpu.memref_squeeze %dma_wait3A_361 : memref<1x128xi32, #tpu.memory_space<vmem>> -> memref<128xi32, #tpu.memory_space<vmem>>
      %dma_wait3A_363 = arith.constant 0 : i32
      %dma_wait3A_364 = arith.constant 0 : i32
      %dma_wait3A_365 = tpu.memref_slice %arg8[%dma_wait3A_363, %dma_wait3A_364] : memref<10240x128xf32, #tpu.memory_space<vmem_shared>> -> memref<10240x128xf32, #tpu.memory_space<vmem_shared>>
      tpu.wait_indirect_dma semaphore(%arg13 : memref<!tpu.dma_semaphore, #tpu.memory_space<semaphore_mem>>) src(%dma_wait3A_359 : memref<128x128xf32, #tpu.memory_space<vmem>>) dst(%dma_wait3A_365 : memref<10240x128xf32, #tpu.memory_space<vmem_shared>>)
      %dma_wait3A_366 = arith.constant 128 : i32
      %dma_wait3A_367 = arith.constant 0 : i32
      %dma_wait3A_368 = tpu.memref_slice %arg11[%dma_wait3A_366, %dma_wait3A_367] : memref<256x128xf32, #tpu.memory_space<vmem>> -> memref<128x128xf32, #tpu.memory_space<vmem>>
      %dma_wait3A_369 = arith.constant 0 : i32
      %dma_wait3A_370 = tpu.memref_slice %arg10[%add3A_347, %dma_wait3A_369] : memref<40x128xi32, #tpu.memory_space<vmem>> -> memref<1x128xi32, #tpu.memory_space<vmem>>
      %dma_wait3A_371 = tpu.memref_squeeze %dma_wait3A_370 : memref<1x128xi32, #tpu.memory_space<vmem>> -> memref<128xi32, #tpu.memory_space<vmem>>
      %dma_wait3A_372 = arith.constant 0 : i32
      %dma_wait3A_373 = arith.constant 0 : i32
      %dma_wait3A_374 = tpu.memref_slice %arg8[%dma_wait3A_372, %dma_wait3A_373] : memref<10240x128xf32, #tpu.memory_space<vmem_shared>> -> memref<10240x128xf32, #tpu.memory_space<vmem_shared>>
      tpu.wait_indirect_dma semaphore(%arg13 : memref<!tpu.dma_semaphore, #tpu.memory_space<semaphore_mem>>) src(%dma_wait3A_368 : memref<128x128xf32, #tpu.memory_space<vmem>>) dst(%dma_wait3A_374 : memref<10240x128xf32, #tpu.memory_space<vmem_shared>>)
    }
    %scan3A_43 = arith.constant 5 : i32
    %barrier3A_44 = arith.constant 0 : index
    tpu.barrier barrier_id(%barrier3A_44)
    %mul3A_45 = arith.constant 640 : i32
    %mul3A_46 = arith.muli %arg1, %mul3A_45 : i32
    %mul3A_47 = arith.constant 10240 : i32
    %mul3A_48 = arith.muli %arg0, %mul3A_47 : i32
    %mul3A_49 = arith.constant 640 : i32
    %mul3A_50 = arith.muli %arg1, %mul3A_49 : i32
    %add3A_51 = arith.addi %mul3A_48, %mul3A_50 : i32
    "tpu.region"() ({
      %run_scoped3A = tpu.sem_alloc : memref<!tpu.dma_semaphore, #tpu.memory_space<semaphore_mem>>
      %dma_start3A = arith.constant 0 : i32
      %dma_start3A_52 = tpu.memref_slice %arg7[%add3A_51, %dma_start3A] : memref<20480x128xf32, #tpu.memory_space<hbm>> -> memref<640x128xf32, #tpu.memory_space<hbm>>
      %dma_start3A_53 = arith.constant 0 : i32
      %dma_start3A_54 = tpu.memref_slice %arg8[%mul3A_46, %dma_start3A_53] : memref<10240x128xf32, #tpu.memory_space<vmem_shared>> -> memref<640x128xf32, #tpu.memory_space<vmem_shared>>
      tpu.enqueue_dma source(%dma_start3A_54 : memref<640x128xf32, #tpu.memory_space<vmem_shared>>) target(%dma_start3A_52 : memref<640x128xf32, #tpu.memory_space<hbm>>) target_semaphore(%run_scoped3A : memref<!tpu.dma_semaphore, #tpu.memory_space<semaphore_mem>>)
      %dma_wait3A = arith.constant 0 : i32
      %dma_wait3A_55 = tpu.memref_slice %arg7[%add3A_51, %dma_wait3A] : memref<20480x128xf32, #tpu.memory_space<hbm>> -> memref<640x128xf32, #tpu.memory_space<hbm>>
      %dma_wait3A_56 = arith.constant 0 : i32
      %dma_wait3A_57 = tpu.memref_slice %arg8[%mul3A_46, %dma_wait3A_56] : memref<10240x128xf32, #tpu.memory_space<vmem_shared>> -> memref<640x128xf32, #tpu.memory_space<vmem_shared>>
      tpu.wait_dma2 semaphore(%run_scoped3A : memref<!tpu.dma_semaphore, #tpu.memory_space<semaphore_mem>>) src(%dma_wait3A_57 : memref<640x128xf32, #tpu.memory_space<vmem_shared>>) dst(%dma_wait3A_55 : memref<640x128xf32, #tpu.memory_space<hbm>>)
      tpu.yield
    }) : () -> ()
    return
  }
}

module attributes {stable_mosaic.version = 14 : i64} {
  func.func @_tcA_body(%arg0: i32, %arg1: memref<1280x256xf32, #tpu.memory_space<vmem>>, %arg2: memref<256x256xf32, #tpu.memory_space<vmem>>, %arg3: memref<1280x128xf32, #tpu.memory_space<vmem>>, %arg4: memref<2x1280x128xf32, #tpu.memory_space<vmem>>) attributes {dimension_semantics = [#tpu.dimension_semantics<arbitrary>], iteration_bounds = array<i64: 8>, scalar_prefetch = 0 : i64, scratch_operands = 0 : i64, tpu.core_type = #tpu.core_type<tc>, window_params = [{transform_indices = @transform_0, window_bounds = array<i64: 1280, 256>}, {pipeline_mode = #tpu.pipeline_mode<synchronous>, transform_indices = @transform_1, window_bounds = array<i64: 256, 256>}, {transform_indices = @transform_2, window_bounds = array<i64: 1280, 128>}, {transform_indices = @transform_3, window_bounds = array<i64: 2, 1280, 128>}]} {
    %get3A = arith.constant 0 : index
    %get3A_0 = arith.constant 0 : index
    %get3A_1 = vector.load %arg1[%get3A, %get3A_0] : memref<1280x256xf32, #tpu.memory_space<vmem>>, vector<1280x256xf32>
    %get3A_2 = arith.constant 0 : index
    %get3A_3 = arith.constant 0 : index
    %get3A_4 = vector.load %arg2[%get3A_2, %get3A_3] : memref<256x256xf32, #tpu.memory_space<vmem>>, vector<256x256xf32>
    %dot_general3A = arith.constant dense<0.000000e+00> : vector<1280x256xf32>
    %dot_general3A_5 = tpu.matmul %get3A_1, %get3A_4, %dot_general3A {dimension_numbers = #tpu.dot_dimension_numbers<[1], [0], [0], [1], [0, 0, 1, 1], [], []>, transpose_lhs_hint = false} : vector<1280x256xf32>, vector<256x256xf32>, vector<1280x256xf32> -> vector<1280x256xf32>
    %get3A_6 = arith.constant 0 : index
    %get3A_7 = arith.constant 0 : index
    %get3A_8 = vector.load %arg3[%get3A_6, %get3A_7] : memref<1280x128xf32, #tpu.memory_space<vmem>>, vector<1280x1xf32>
    %max3A = arith.constant 1.000000e+00 : f32
    %max3A_9 = vector.broadcast %max3A : f32 to vector<1280x1xf32>
    %max3A_10 = arith.maximumf %get3A_8, %max3A_9 : vector<1280x1xf32>
    %rsqrt3A = math.rsqrt %max3A_10 : vector<1280x1xf32>
    %mul3A = vector.broadcast %rsqrt3A : vector<1280x1xf32> to vector<1280x256xf32>
    %mul3A_11 = arith.mulf %dot_general3A_5, %mul3A : vector<1280x256xf32>
    %slice3A = vector.extract_strided_slice %mul3A_11 {offsets = [0, 0], sizes = [1280, 128], strides = [1, 1]} : vector<1280x256xf32> to vector<1280x128xf32>
    %swap3A = arith.constant 0 : index
    %swap3A_12 = arith.constant 0 : index
    %swap3A_13 = arith.constant 0 : index
    %swap3A_14 = vector.load %arg4[%swap3A, %swap3A_12, %swap3A_13] : memref<2x1280x128xf32, #tpu.memory_space<vmem>>, vector<1x1280x128xf32>
    %swap3A_15 = vector.shape_cast %swap3A_14 : vector<1x1280x128xf32> to vector<1280x128xf32>
    %swap3A_16 = vector.shape_cast %slice3A : vector<1280x128xf32> to vector<1x1280x128xf32>
    tpu.vector_store %arg4[%swap3A, %swap3A_12, %swap3A_13], %swap3A_16 {strides = array<i32>} : memref<2x1280x128xf32, #tpu.memory_space<vmem>>, vector<1x1280x128xf32>,
    %slice3A_17 = vector.extract_strided_slice %mul3A_11 {offsets = [0, 128], sizes = [1280, 128], strides = [1, 1]} : vector<1280x256xf32> to vector<1280x128xf32>
    %swap3A_18 = arith.constant 1 : index
    %swap3A_19 = arith.constant 0 : index
    %swap3A_20 = arith.constant 0 : index
    %swap3A_21 = vector.load %arg4[%swap3A_18, %swap3A_19, %swap3A_20] : memref<2x1280x128xf32, #tpu.memory_space<vmem>>, vector<1x1280x128xf32>
    %swap3A_22 = vector.shape_cast %swap3A_21 : vector<1x1280x128xf32> to vector<1280x128xf32>
    %swap3A_23 = vector.shape_cast %slice3A_17 : vector<1280x128xf32> to vector<1x1280x128xf32>
    tpu.vector_store %arg4[%swap3A_18, %swap3A_19, %swap3A_20], %swap3A_23 {strides = array<i32>} : memref<2x1280x128xf32, #tpu.memory_space<vmem>>, vector<1x1280x128xf32>,
    return
  }
  func.func @transform_0(%arg0: i32) -> (i32, i32) {
    %c0_i32 = arith.constant 0 : i32
    %c0_i32_0 = arith.constant 0 : i32
    return %arg0, %c0_i32 : i32, i32
  }
  func.func @transform_1(%arg0: i32) -> (i32, i32) {
    %c0_i32 = arith.constant 0 : i32
    %c0_i32_0 = arith.constant 0 : i32
    %c0_i32_1 = arith.constant 0 : i32
    return %c0_i32, %c0_i32_0 : i32, i32
  }
  func.func @transform_2(%arg0: i32) -> (i32, i32) {
    %c0_i32 = arith.constant 0 : i32
    %c0_i32_0 = arith.constant 0 : i32
    return %arg0, %c0_i32 : i32, i32
  }
  func.func @transform_3(%arg0: i32) -> (i32, i32, i32) {
    %c0_i32 = arith.constant 0 : i32
    %c0_i32_0 = arith.constant 0 : i32
    %c0_i32_1 = arith.constant 0 : i32
    return %c0_i32, %arg0, %c0_i32_0 : i32, i32, i32
  }
}

module attributes {stable_mosaic.version = 14 : i64} {
  func.func @_tcB_body(%arg0: i32, %arg1: memref<1280x128xf32, #tpu.memory_space<vmem>>, %arg2: memref<1280x128xf32, #tpu.memory_space<vmem>>, %arg3: memref<1280x128xf32, #tpu.memory_space<vmem>>, %arg4: memref<1280x128xf32, #tpu.memory_space<vmem>>, %arg5: memref<1x256xf32, #tpu.memory_space<vmem>>, %arg6: memref<256x256xf32, #tpu.memory_space<vmem>>, %arg7: memref<2x1280x128xf32, #tpu.memory_space<vmem>>) attributes {dimension_semantics = [#tpu.dimension_semantics<arbitrary>], iteration_bounds = array<i64: 8>, scalar_prefetch = 0 : i64, scratch_operands = 0 : i64, tpu.core_type = #tpu.core_type<tc>, window_params = [{transform_indices = @transform_0, window_bounds = array<i64: 1280, 128>}, {transform_indices = @transform_1, window_bounds = array<i64: 1280, 128>}, {transform_indices = @transform_2, window_bounds = array<i64: 1280, 128>}, {transform_indices = @transform_3, window_bounds = array<i64: 1280, 128>}, {pipeline_mode = #tpu.pipeline_mode<synchronous>, transform_indices = @transform_4, window_bounds = array<i64: 1, 256>}, {pipeline_mode = #tpu.pipeline_mode<synchronous>, transform_indices = @transform_5, window_bounds = array<i64: 256, 256>}, {transform_indices = @transform_6, window_bounds = array<i64: 2, 1280, 128>}]} {
    %get3A = arith.constant 0 : index
    %get3A_0 = arith.constant 0 : index
    %get3A_1 = vector.load %arg1[%get3A, %get3A_0] : memref<1280x128xf32, #tpu.memory_space<vmem>>, vector<1280x128xf32>
    %get3A_2 = arith.constant 0 : index
    %get3A_3 = arith.constant 0 : index
    %get3A_4 = vector.load %arg2[%get3A_2, %get3A_3] : memref<1280x128xf32, #tpu.memory_space<vmem>>, vector<1280x128xf32>
    %concatenate3A = tpu.concatenate %get3A_1, %get3A_4 in 1 : vector<1280x128xf32>, vector<1280x128xf32> -> vector<1280x256xf32>
    %get3A_5 = arith.constant 0 : index
    %get3A_6 = arith.constant 0 : index
    %get3A_7 = vector.load %arg3[%get3A_5, %get3A_6] : memref<1280x128xf32, #tpu.memory_space<vmem>>, vector<1280x1xf32>
    %max3A = arith.constant 1.000000e+00 : f32
    %max3A_8 = vector.broadcast %max3A : f32 to vector<1280x1xf32>
    %max3A_9 = arith.maximumf %get3A_7, %max3A_8 : vector<1280x1xf32>
    %rsqrt3A = math.rsqrt %max3A_9 : vector<1280x1xf32>
    %mul3A = vector.broadcast %rsqrt3A : vector<1280x1xf32> to vector<1280x256xf32>
    %mul3A_10 = arith.mulf %concatenate3A, %mul3A : vector<1280x256xf32>
    %get3A_11 = arith.constant 0 : index
    %get3A_12 = arith.constant 0 : index
    %get3A_13 = vector.load %arg5[%get3A_11, %get3A_12] : memref<1x256xf32, #tpu.memory_space<vmem>>, vector<1x256xf32>
    %add3A = vector.broadcast %get3A_13 : vector<1x256xf32> to vector<1280x256xf32>
    %add3A_14 = arith.addf %mul3A_10, %add3A : vector<1280x256xf32>
    %max3A_15 = arith.constant 0.000000e+00 : f32
    %max3A_16 = vector.broadcast %max3A_15 : f32 to vector<1280x256xf32>
    %max3A_17 = arith.maximumf %add3A_14, %max3A_16 : vector<1280x256xf32>
    %get3A_18 = arith.constant 0 : index
    %get3A_19 = arith.constant 0 : index
    %get3A_20 = vector.load %arg4[%get3A_18, %get3A_19] : memref<1280x128xf32, #tpu.memory_space<vmem>>, vector<1280x1xf32>
    %max3A_21 = arith.constant 1.000000e+00 : f32
    %max3A_22 = vector.broadcast %max3A_21 : f32 to vector<1280x1xf32>
    %max3A_23 = arith.maximumf %get3A_20, %max3A_22 : vector<1280x1xf32>
    %rsqrt3A_24 = math.rsqrt %max3A_23 : vector<1280x1xf32>
    %mul3A_25 = vector.broadcast %rsqrt3A_24 : vector<1280x1xf32> to vector<1280x256xf32>
    %mul3A_26 = arith.mulf %max3A_17, %mul3A_25 : vector<1280x256xf32>
    %get3A_27 = arith.constant 0 : index
    %get3A_28 = arith.constant 0 : index
    %get3A_29 = vector.load %arg6[%get3A_27, %get3A_28] : memref<256x256xf32, #tpu.memory_space<vmem>>, vector<256x256xf32>
    %dot_general3A = arith.constant dense<0.000000e+00> : vector<1280x256xf32>
    %dot_general3A_30 = tpu.matmul %mul3A_26, %get3A_29, %dot_general3A {dimension_numbers = #tpu.dot_dimension_numbers<[1], [0], [0], [1], [0, 0, 1, 1], [], []>, transpose_lhs_hint = false} : vector<1280x256xf32>, vector<256x256xf32>, vector<1280x256xf32> -> vector<1280x256xf32>
    %slice3A = vector.extract_strided_slice %dot_general3A_30 {offsets = [0, 0], sizes = [1280, 128], strides = [1, 1]} : vector<1280x256xf32> to vector<1280x128xf32>
    %swap3A = arith.constant 0 : index
    %swap3A_31 = arith.constant 0 : index
    %swap3A_32 = arith.constant 0 : index
    %swap3A_33 = vector.load %arg7[%swap3A, %swap3A_31, %swap3A_32] : memref<2x1280x128xf32, #tpu.memory_space<vmem>>, vector<1x1280x128xf32>
    %swap3A_34 = vector.shape_cast %swap3A_33 : vector<1x1280x128xf32> to vector<1280x128xf32>
    %swap3A_35 = vector.shape_cast %slice3A : vector<1280x128xf32> to vector<1x1280x128xf32>
    tpu.vector_store %arg7[%swap3A, %swap3A_31, %swap3A_32], %swap3A_35 {strides = array<i32>} : memref<2x1280x128xf32, #tpu.memory_space<vmem>>, vector<1x1280x128xf32>,
    %slice3A_36 = vector.extract_strided_slice %dot_general3A_30 {offsets = [0, 128], sizes = [1280, 128], strides = [1, 1]} : vector<1280x256xf32> to vector<1280x128xf32>
    %swap3A_37 = arith.constant 1 : index
    %swap3A_38 = arith.constant 0 : index
    %swap3A_39 = arith.constant 0 : index
    %swap3A_40 = vector.load %arg7[%swap3A_37, %swap3A_38, %swap3A_39] : memref<2x1280x128xf32, #tpu.memory_space<vmem>>, vector<1x1280x128xf32>
    %swap3A_41 = vector.shape_cast %swap3A_40 : vector<1x1280x128xf32> to vector<1280x128xf32>
    %swap3A_42 = vector.shape_cast %slice3A_36 : vector<1280x128xf32> to vector<1x1280x128xf32>
    tpu.vector_store %arg7[%swap3A_37, %swap3A_38, %swap3A_39], %swap3A_42 {strides = array<i32>} : memref<2x1280x128xf32, #tpu.memory_space<vmem>>, vector<1x1280x128xf32>,
    return
  }
  func.func @transform_0(%arg0: i32) -> (i32, i32) {
    %c0_i32 = arith.constant 0 : i32
    %c0_i32_0 = arith.constant 0 : i32
    return %arg0, %c0_i32 : i32, i32
  }
  func.func @transform_1(%arg0: i32) -> (i32, i32) {
    %add3A = arith.constant 8 : i32
    %add3A_0 = arith.addi %arg0, %add3A : i32
    %c0_i32 = arith.constant 0 : i32
    %c0_i32_1 = arith.constant 0 : i32
    return %add3A_0, %c0_i32 : i32, i32
  }
  func.func @transform_2(%arg0: i32) -> (i32, i32) {
    %add3A = arith.constant 8 : i32
    %add3A_0 = arith.addi %arg0, %add3A : i32
    %c0_i32 = arith.constant 0 : i32
    %c0_i32_1 = arith.constant 0 : i32
    return %add3A_0, %c0_i32 : i32, i32
  }
  func.func @transform_3(%arg0: i32) -> (i32, i32) {
    %c0_i32 = arith.constant 0 : i32
    %c0_i32_0 = arith.constant 0 : i32
    return %arg0, %c0_i32 : i32, i32
  }
  func.func @transform_4(%arg0: i32) -> (i32, i32) {
    %c0_i32 = arith.constant 0 : i32
    %c0_i32_0 = arith.constant 0 : i32
    %c0_i32_1 = arith.constant 0 : i32
    return %c0_i32, %c0_i32_0 : i32, i32
  }
  func.func @transform_5(%arg0: i32) -> (i32, i32) {
    %c0_i32 = arith.constant 0 : i32
    %c0_i32_0 = arith.constant 0 : i32
    %c0_i32_1 = arith.constant 0 : i32
    return %c0_i32, %c0_i32_0 : i32, i32
  }
  func.func @transform_6(%arg0: i32) -> (i32, i32, i32) {
    %c0_i32 = arith.constant 0 : i32
    %c0_i32_0 = arith.constant 0 : i32
    %c0_i32_1 = arith.constant 0 : i32
    return %c0_i32, %arg0, %c0_i32_0 : i32, i32, i32
  }
}

module attributes {stable_mosaic.version = 14 : i64} {
  func.func @_tcC_body(%arg0: i32, %arg1: memref<1280x128xf32, #tpu.memory_space<vmem>>, %arg2: memref<1280x128xf32, #tpu.memory_space<vmem>>, %arg3: memref<1280x128xf32, #tpu.memory_space<vmem>>, %arg4: memref<1x256xf32, #tpu.memory_space<vmem>>, %arg5: memref<1280x256xf32, #tpu.memory_space<vmem>>) attributes {dimension_semantics = [#tpu.dimension_semantics<arbitrary>], iteration_bounds = array<i64: 8>, scalar_prefetch = 0 : i64, scratch_operands = 0 : i64, tpu.core_type = #tpu.core_type<tc>, window_params = [{transform_indices = @transform_0, window_bounds = array<i64: 1280, 128>}, {transform_indices = @transform_1, window_bounds = array<i64: 1280, 128>}, {transform_indices = @transform_2, window_bounds = array<i64: 1280, 128>}, {pipeline_mode = #tpu.pipeline_mode<synchronous>, transform_indices = @transform_3, window_bounds = array<i64: 1, 256>}, {transform_indices = @transform_4, window_bounds = array<i64: 1280, 256>}]} {
    %get3A = arith.constant 0 : index
    %get3A_0 = arith.constant 0 : index
    %get3A_1 = vector.load %arg1[%get3A, %get3A_0] : memref<1280x128xf32, #tpu.memory_space<vmem>>, vector<1280x128xf32>
    %get3A_2 = arith.constant 0 : index
    %get3A_3 = arith.constant 0 : index
    %get3A_4 = vector.load %arg2[%get3A_2, %get3A_3] : memref<1280x128xf32, #tpu.memory_space<vmem>>, vector<1280x128xf32>
    %concatenate3A = tpu.concatenate %get3A_1, %get3A_4 in 1 : vector<1280x128xf32>, vector<1280x128xf32> -> vector<1280x256xf32>
    %get3A_5 = arith.constant 0 : index
    %get3A_6 = arith.constant 0 : index
    %get3A_7 = vector.load %arg3[%get3A_5, %get3A_6] : memref<1280x128xf32, #tpu.memory_space<vmem>>, vector<1280x1xf32>
    %max3A = arith.constant 1.000000e+00 : f32
    %max3A_8 = vector.broadcast %max3A : f32 to vector<1280x1xf32>
    %max3A_9 = arith.maximumf %get3A_7, %max3A_8 : vector<1280x1xf32>
    %rsqrt3A = math.rsqrt %max3A_9 : vector<1280x1xf32>
    %mul3A = vector.broadcast %rsqrt3A : vector<1280x1xf32> to vector<1280x256xf32>
    %mul3A_10 = arith.mulf %concatenate3A, %mul3A : vector<1280x256xf32>
    %get3A_11 = arith.constant 0 : index
    %get3A_12 = arith.constant 0 : index
    %get3A_13 = vector.load %arg4[%get3A_11, %get3A_12] : memref<1x256xf32, #tpu.memory_space<vmem>>, vector<1x256xf32>
    %add3A = vector.broadcast %get3A_13 : vector<1x256xf32> to vector<1280x256xf32>
    %add3A_14 = arith.addf %mul3A_10, %add3A : vector<1280x256xf32>
    %swap3A = arith.constant 0 : index
    %swap3A_15 = arith.constant 0 : index
    %swap3A_16 = vector.load %arg5[%swap3A, %swap3A_15] : memref<1280x256xf32, #tpu.memory_space<vmem>>, vector<1280x256xf32>
    tpu.vector_store %arg5[%swap3A, %swap3A_15], %add3A_14 {strides = array<i32>} : memref<1280x256xf32, #tpu.memory_space<vmem>>, vector<1280x256xf32>,
    return
  }
  func.func @transform_0(%arg0: i32) -> (i32, i32) {
    %c0_i32 = arith.constant 0 : i32
    %c0_i32_0 = arith.constant 0 : i32
    return %arg0, %c0_i32 : i32, i32
  }
  func.func @transform_1(%arg0: i32) -> (i32, i32) {
    %add3A = arith.constant 8 : i32
    %add3A_0 = arith.addi %arg0, %add3A : i32
    %c0_i32 = arith.constant 0 : i32
    %c0_i32_1 = arith.constant 0 : i32
    return %add3A_0, %c0_i32 : i32, i32
  }
  func.func @transform_2(%arg0: i32) -> (i32, i32) {
    %add3A = arith.constant 8 : i32
    %add3A_0 = arith.addi %arg0, %add3A : i32
    %c0_i32 = arith.constant 0 : i32
    %c0_i32_1 = arith.constant 0 : i32
    return %add3A_0, %c0_i32 : i32, i32
  }
  func.func @transform_3(%arg0: i32) -> (i32, i32) {
    %c0_i32 = arith.constant 0 : i32
    %c0_i32_0 = arith.constant 0 : i32
    %c0_i32_1 = arith.constant 0 : i32
    return %c0_i32, %c0_i32_0 : i32, i32
  }
  func.func @transform_4(%arg0: i32) -> (i32, i32) {
    %c0_i32 = arith.constant 0 : i32
    %c0_i32_0 = arith.constant 0 : i32
    return %arg0, %c0_i32 : i32, i32
  }
}

</mosaic_0001>

<sc_bundles>
// kernel: _run.11.cloned.1.call-start
scs
__scs_entry_jumppad:
0x0: {  	(pc) =	sbr.rel $0x88, $3  }
0x1: {  	(tag) =	ssettag $0x0;
	lr =	simm.s32 $0x1  }
0x2: {  	[smem:$0x3F9B] =	sst lr;
	_ =	strace $0xD0000000  }
0x3: {  	_ = 	snop  }
0x4: {  	_ = 	snop  }
0x5: {  	_ = 	snop  }
0x6: {  	_ = 	snop  }
0x7: {  	_ = 	snop  }
__scs_overlays_trampoline_lowered:
0x8: {  	[smem:$0x3FAA] =	sst s0  }
0x9: {  	[smem:$0x3FAB] =	sst s1  }
0xa: {  	[smem:$0x3FAC] =	sst s2  }
0xb: {  	[smem:$0x3FAD] =	sst s3  }
0xc: {  	[smem:$0x3FAE] =	sst s4  }
0xd: {  	[smem:$0x3FAF] =	sst s5  }
0xe: {  	[smem:$0x3FB0] =	sst s6  }
0xf: {  	[smem:$0x3FB1] =	sst s7  }
0x10: {  	[smem:$0x3FB2] =	sst s8  }
0x11: {  	[smem:$0x3FB3] =	sst s9;
	s0 =	simm.s32 @!p0 $0x0  }
0x12: {  	s1 =	sld [smem:$0x3F99];
	s0 =	simm.s32 @p0 $0x1  }
0x13: {  	[smem:$0x3FB4] =	sst s0;
	s0 =	simm.s32 @!p1 $0x0  }
0x14: {  	s2 =	sld [smem:$0x3F98];
	s0 =	simm.s32 @p1 $0x1  }
0x15: {  	[smem:$0x3FB5] =	sst s0;
	s0 =	simm.s32 @!p2 $0x0  }
0x16: {  	s3 =	sld [smem:$0x3FDB];
	s0 =	simm.s32 @p2 $0x1  }
0x17: {  	s4 =	simm.s32 $0x1BF5;
	[smem:$0x3FB7] =	sst s0  }
0x18: {  	s0 =	sld [smem:$0x3F9A];
	_ =	swait.ge [sflag:s4], $0x0  }
0x19: {  	s7 =	sld [smem:$0x3F9B]  }
0x1a: {  	s8 =	sadd.s32 $0xFFFFE003, lr  }
0x1b: {  	s9 =	sadd.s32 $0xFFFFFEF7, lr;
	s5 =	simm.s32 $0xFFFFFFFF;
	p2 =	slt.u32 s8, $0xFFFFF086  }
0x1c: {  	p1 =	slt.u32 s9, $0xF7A;
	s5 =	simm.s32 @!p2 $0x0  }
0x1d: {  	s5 =	simm.s32 @p1 $0x1;
	p0 =	seq.s32 s7, s2  }
0x1e: {  	s7 =	smul.u32 @!p0 $0xF7A, s2;
	p2 =	seq.s32 @!p0 s5, $0x0  }
0x1f: {  	s9 =	smul.u32 $0xF7A, s1;
	s8 =	simm.s32 @!p0 $0x1BF5;
	p2 =	por !p2, p0  }
0x20: {  	[sflag:s8] =	ssyncset.s32 @!p0 $0xFFFFF086;
	s6 =	sadd.s32 @!p0 s3, s7;
	s7 =	simm.s32 @!p0 $0x108  }
0x21: {  	s3 =	sadd.s32 s3, s9;
	s6 =	sadd.s32 @!p0 $0x88, s6;
	s7 =	simm.s32 @p2 $0x1082  }
0x22: {  	[simem:s7], [sflag:s8] =	dma.local @!p0 [hbm:s6], $0xF7A  }
0x23: {  	s9 =	sor.u32 $0xD0000000, s2;
	s6 =	simm.s32 $0x108;
	_ =	swait.ge @!p0 [sflag:s8], $0x0  }
0x24: {  	s3 =	sadd.s32 $0x88, s3;
	s6 =	simm.s32 @!p1 $0x1082;
	[sflag:s4] =	ssyncset.s32 $0xFFFFF086  }
0x25: {  	[simem:s6], [sflag:s4] =	dma.local [hbm:s3], $0xF7A  }
0x26: {  	[smem:$0x3F9B] =	sst s1;
	(tag) =	ssettag s2;
	_ =	strace s9  }
0x27: {  	s1 =	sld [smem:$0x3FAB]  }
0x28: {  	s2 =	sld [smem:$0x3FAC]  }
0x29: {  	s4 =	sld [smem:$0x3FAE]  }
0x2a: {  	p0 =	seq.s32 s5, $0x0;
	s5 =	sld [smem:$0x3FAF]  }
0x2b: {  	s6 =	sld [smem:$0x3FB0]  }
0x2c: {  	s7 =	sld [smem:$0x3FB1]  }
0x2d: {  	s3 =	simm.s32 $0x108;
	s8 =	sld [smem:$0x3FB2]  }
0x2e: {  	s3 =	simm.s32 @!p0 $0x1082;
	s9 =	sld [smem:$0x3FB3]  }
0x2f: {  	lr =	sadd.s32 s0, s3;
	s0 =	sld [smem:$0x3FAA]  }
0x30: {  	s3 =	sld [smem:$0x3FAD]  }
0x31: {  	[smem:$0x3FB6] =	sst s10  }
0x32: {  	s10 =	sld [smem:$0x3FB4];
	_ =	sdelay $0x3  }
0x33: {  	p0 =	seq.s32 s10, $0x1;
	s10 =	sld [smem:$0x3FB6];
	_ =	sdelay $0x3  }
0x34: {  	[smem:$0x3FB6] =	sst s10  }
0x35: {  	s10 =	sld [smem:$0x3FB5];
	_ =	sdelay $0x3  }
0x36: {  	p1 =	seq.s32 s10, $0x1;
	s10 =	sld [smem:$0x3FB6];
	_ =	sdelay $0x3  }
0x37: {  	[smem:$0x3FB6] =	sst s10  }
0x38: {  	s10 =	sld [smem:$0x3FB7]  }
0x39: {  	_ = 	snop;
	(pc) =	sbr.ind lr, $3  }
0x3a: {  	_ = 	snop  }
0x3b: {  	_ = 	snop  }
0x3c: {  	p2 =	seq.s32 s10, $0x1;
	s10 =	sld [smem:$0x3FB6]  }
0x3d: {  	_ =	shalt  }
0x3e: {  	_ =	shalt  }
0x3f: {  	_ =	shalt  }
0x40: {  	_ =	shalt  }
0x41: {  	_ =	shalt  }
0x42: {  	_ =	shalt  }
0x43: {  	_ =	shalt  }
0x44: {  	_ =	shalt  }
0x45: {  	_ =	shalt  }
0x46: {  	_ =	shalt  }
0x47: {  	_ =	shalt  }
0x48: {  	_ =	shalt  }
0x49: {  	_ =	shalt  }
0x4a: {  	_ =	shalt  }
0x4b: {  	_ =	shalt  }
0x4c: {  	_ =	shalt  }
0x4d: {  	_ =	shalt  }
0x4e: {  	_ =	shalt  }
0x4f: {  	_ =	shalt  }
0x50: {  	_ =	shalt  }
0x51: {  	_ =	shalt  }
0x52: {  	_ =	shalt  }
0x53: {  	_ =	shalt  }
0x54: {  	_ =	shalt  }
0x55: {  	_ =	shalt  }
0x56: {  	_ =	shalt  }
0x57: {  	_ =	shalt  }
0x58: {  	_ =	shalt  }
0x59: {  	_ =	shalt  }
0x5a: {  	_ =	shalt  }
0x5b: {  	_ =	shalt  }
0x5c: {  	_ =	shalt  }
0x5d: {  	_ =	shalt  }
0x5e: {  	_ =	shalt  }
0x5f: {  	_ =	shalt  }
0x60: {  	_ =	shalt  }
0x61: {  	_ =	shalt  }
0x62: {  	_ =	shalt  }
0x63: {  	_ =	shalt  }
0x64: {  	_ =	shalt  }
0x65: {  	_ =	shalt  }
0x66: {  	_ =	shalt  }
0x67: {  	_ =	shalt  }
0x68: {  	_ =	shalt  }
0x69: {  	_ =	shalt  }
0x6a: {  	_ =	shalt  }
0x6b: {  	_ =	shalt  }
0x6c: {  	_ =	shalt  }
0x6d: {  	_ =	shalt  }
0x6e: {  	_ =	shalt  }
0x6f: {  	_ =	shalt  }
0x70: {  	_ =	shalt  }
0x71: {  	_ =	shalt  }
0x72: {  	_ =	shalt  }
0x73: {  	_ =	shalt  }
0x74: {  	_ =	shalt  }
0x75: {  	_ =	shalt  }
0x76: {  	_ =	shalt  }
0x77: {  	_ =	shalt  }
0x78: {  	_ =	shalt  }
0x79: {  	_ =	shalt  }
0x7a: {  	_ =	shalt  }
0x7b: {  	_ =	shalt  }
0x7c: {  	_ =	shalt  }
0x7d: {  	_ =	shalt  }
0x7e: {  	_ =	shalt  }
0x7f: {  	_ =	shalt  }
0x80: {  	_ =	shalt  }
0x81: {  	_ =	shalt  }
0x82: {  	_ =	shalt  }
0x83: {  	_ =	shalt  }
0x84: {  	_ =	shalt  }
0x85: {  	_ =	shalt  }
0x86: {  	_ =	shalt  }
0x87: {  	_ =	shalt  }
.Lfunc_end0:
.L_simem_size_0:
called_computation.1_lowered:
.L_overlay_start_0:
0x88: {  	s2 =	sld [smem:$0x3FD9]  }
0x89: {  	s3 =	sld [smem:$0x3FFE];
	_ =	sdelay $0x1  }
0x8a: {  	s1 =	srdreg.scid  }
0x8b: {  	s0 =	sand.u32 $0x1, s1  }
0x8c: {  	s17 =	sshll.u32 s0, $0xA;
	s2 =	sadd.s32 s3, s2  }
0x8d: {  	s2 =	sadd.s32 s2, s17  }
0x8e: {  	[smem:$0x3FC2] =	sst s2  }
0x8f: {  	_ = 	snop  }
0x90: {  	s2 =	sld [smem:$0x3FD0];
	(tm) =	ssettm $0x1  }
0x91: {  	s18 =	sld [smem:$0x3FFB];
	_ =	sdelay $0x3  }
0x92: {  	_ =	strace s18  }
0x93: {  	s3 =	sld [smem:$0x3FFC];
	_ =	sdelay $0x3  }
0x94: {  	_ =	strace s3  }
0x95: {  	s3 =	sld [smem:$0x3FFD];
	_ =	sdelay $0x3  }
0x96: {  	_ =	strace s3  }
0x97: {  	_ =	strace $0x8FFFFFFF  }
0x98: {  	s19 =	sld [smem:$0x3FDB];
	_ =	sdelay $0x1  }
0x99: {  	s4 =	simm.s32 $_scs_section_size  }
0x9a: {  	s5 =	simm.s32 $_size__tile_overlayer_lowered;
	s6 =	simm.s32 $_tile_overlayer_lowered  }
0x9b: {  	s22 =	simm.s32 $0x1BFF;
	s21 =	sshll.u32 s6, $0x1;
	s3 =	sadd.s32 s4, s19  }
0x9c: {  	s7 =	simm.s32 $0x0;
	s20 =	sshll.u32 s5, $0x1;
	s5 =	sadd.s32 s21, s3  }
0x9d: {  	[timem:s7], [sflag:s22] =	dma.local [hbm:s5], s20  }
0x9e: {  	_ =	swait.ge [sflag:s22], s20  }
0x9f: {  	s4 =	ssub.s32 $0x0, s20;
	[sflag:s22] =	ssyncset.done $0x0  }
0xa0: {  	[sflag:s22] =	ssyncadd.s32 s4;
	_ =	sdelay $0x1  }
0xa1: {  	s23 =	simm.s32 $0x1B8B  }
0xa2: {  	_ =	swait.ge [sflag:s23], $0x1  }
0xa3: {  	[sflag:s23] =	ssyncset.done $0x0  }
0xa4: {  	s25 =	simm.s32 $0x1B8E;
	s24 =	sld [smem:$0x3FFE];
	[sflag:s23] =	ssyncadd.s32 $0xFFFFFFFF  }
0xa5: {  	s26 =	simm.s32 $execute0_lowered;
	[smem:$0x3FD2] =	sst s25  }
0xa6: {  	s5 =	sshll.u32 s26, $0x1;
	_ =	strace $0x80000049;
	[dreg:$0x1] =	wrdreg $0xFFFFFFFF  }
0xa7: {  	s28 =	simm.s32 $_size_execute0_lowered;
	s3 =	sadd.s32 s3, s5;
	[dreg:$0x0] =	wrdreg $0x0  }
0xa8: {  	s5 =	sshll.u32 s28, $0x1;
	[dreg:$0x2] =	wrdreg s3  }
0xa9: {  	[dreg:$0x3] =	wrdreg s5  }
0xaa: {  	[dreg:$0x4] =	wrdreg $0xC0  }
0xab: {  	_ =	task [dreg:s7], $0x5FFFF  }
0xac: {  	[dreg:$0x1] =	wrdreg $0xFFFFFFFF  }
0xad: {  	[dreg:$0x0] =	wrdreg $0x60  }
0xae: {  	[dreg:$0x2] =	wrdreg s24  }
0xaf: {  	[dreg:$0x3] =	wrdreg s2  }
0xb0: {  	[dreg:$0x4] =	wrdreg $0x0  }
0xb1: {  	[dreg:$0x5] =	wrdreg $0x9  }
0xb2: {  	_ =	task.clear_ibuf [dreg:s7], $0x6FFFF;
	_ =	strace $0x90000049  }
0xb3: {  	s29 =	simm.s32 $0x9;
	_ =	strace $0x8000004B  }
0xb4: {  	_ =	swait.ge [sflag:s29], $0x1  }
0xb5: {  	[sflag:s29] =	ssyncadd.s32 $0xFFFFFFFF  }
0xb6: {  	_ =	strace $0x9000004B  }
0xb7: {  	_ =	sfence  }
0xb8: {  	s30 =	sld [smem:$0x0];
	_ =	sdelay $0x2  }
0xb9: {  	s31 =	sshll.u32 s1, $0xD;
	s1 =	sshrl.u32 s1, $0x2  }
0xba: {  	s3 =	sand.u32 $0x4000, s31;
	s1 =	sadd.s32 s1, s30  }
0xbb: {  	s0 =	sor.u32 s3, s0;
	s1 =	sshll.u32 s1, $0x11  }
0xbc: {  	s0 =	sor.u32 s1, s0  }
0xbd: {  	s0 =	sadd.s32 $0x8F2B, s0  }
0xbe: {  	[sflag:s0] =	ssyncadd.remote.s32 $0x1  }
0xbf: {  	_ =	sfence.sel $0xFFFF  }
0xc0: {  	[dreg:$0x0] =	wrdreg $0xFFFFFFFF;
	(pc) =	sbr.abs _section_cstart, $3  }
0xc1: {  	[dreg:$0x1] =	wrdreg $0xFFFFFFFF  }
0xc2: {  	_ =	task.clear_ibuf [dreg:s7], $0x2FFFF;
	_ =	strace $0x9FFFFFFF  }
0xc3: {  	(tm) =	ssettm $0x7FFFFFFF  }
tec
execute0_lowered:
.L_overlay_start_1:
0x0: {  	(tag) =	ssettag $0x1  }
0x1: {  	s6 =	rddreg [dreg:$0x0]  }
0x2: {  	s16 =	rddreg [dreg:$0x1]  }
0x3: {  	s2 =	rddreg [dreg:$0x2]  }
0x4: {  	s0 =	rddreg [dreg:$0x3];
	s3 =	simm.s32 $0x0;
	s4 =	srdreg.scid  }
0x5: {  	s1 =	stileid.u32;
	s20 =	simm.s32 $0x15400;
	s21 =	simm.s32 $0x80  }
0x6: {  	s22 =	simm.s32 $0x1A800;
	s23 =	simm.s32 $0x1;
	s24 =	simm.s32 $0x2  }
0x7: {  	s25 =	simm.s32 $0x0;
	[smem:$0x7FF] =	sst s3;
	s12 =	smul.u32 $0x2800, s1  }
0x8: {  	s11 =	sand.u32 $0x1, s4;
	s4 =	sadd.s32 $0x5D200, s6;
	s8 =	smul.u32 $0x50000, s1  }
0x9: {  	s14 =	sadd.s32 $0x2200, s6;
	s13 =	sadd.s32 $0x7200, s6;
	s18 =	smul.u32 $0x500, s1  }
0xa: {  	s5 =	sadd.s32 $0xC200, s6;
	s7 =	smul.u32 $0x28000, s11;
	s9 =	ssub.s32 $0x2, s11  }
0xb: {  	_ =	strace $0x8000004A;
	p0 =	seq.s32 s11, $0x0;
	s10 =	sshrl.u32 s9, $0x1  }
0xc: {  	s8 =	sshrl.u32 s8, $0x2;
	s16 =	smov.u32 @p0 s14;
	s7 =	sadd.s32 s12, s7  }
0xd: {  	s17 =	ssub.s32 s9, s10;
	s12 =	sshrl.u32 s12, $0x3;
	s15 =	sadd.s32 s7, s6  }
0xe: {  	s6 =	sadd.s32 s8, s2;
	s11 =	sadd.s32 s13, s12;
	s19 =	sadd.s32 $0x280, s12  }
0xf: {  	s14 =	smax.u32 s17, $0x1;
	s17 =	simm.s32 $0x16800;
	s7 =	sadd.s32 $0x4000, s6  }
0x10: {  	s8 =	sadd.s32 $0x8000, s6;
	s9 =	sadd.s32 $0xC000, s6;
	s10 =	sadd.s32 $0x10000, s6  }
0x11: {  	s12 =	sadd.s32 s13, s19;
	s13 =	sadd.s32 $0xAD200, s15;
	s15 =	sadd.s32 s16, s18  }
0x12: {  	s16 =	sadd.s32 s16, s19;
	s18 =	simm.s32 $0x3;
	s19 =	simm.s32 $0x14000  }
.LBB2_1:
0x13: {  	[tilespmem:s17], [sflag:$0x3] =	stream.linear.gather [hbm4b:s5+s3], $0x4000, $0x38;
	[tilespmem:$0x1E800] =	vst v63  }
0x14: {  	_ =	swait.ge [sflag:s18], $0x4000  }
0x15: {  	[sflag:s18] =	ssyncset.done $0x0  }
0x16: {  	[sflag:s18] =	ssyncadd.s32 $0xFFFFC000  }
0x17: {  	[spmem:s6] =	stream.linear.scatter [tilespmem:s17], [sflag:$0x3], $0x4000, $0x38;
	[tilespmem:$0x1E800] =	vst v63  }
0x18: {  	_ =	swait.ge [sflag:s18], $0x4000  }
0x19: {  	[sflag:s18] =	ssyncset.done $0x0  }
0x1a: {  	[sflag:s18] =	ssyncadd.s32 $0xFFFFC000  }
0x1b: {  	[spmem:s7] =	stream.linear.scatter [tilespmem:s17], [sflag:$0x3], $0x4000, $0x38;
	[tilespmem:$0x1E800] =	vst v63  }
0x1c: {  	_ =	swait.ge [sflag:s18], $0x4000  }
0x1d: {  	[sflag:s18] =	ssyncset.done $0x0  }
0x1e: {  	[sflag:s18] =	ssyncadd.s32 $0xFFFFC000  }
0x1f: {  	[spmem:s8] =	stream.linear.scatter [tilespmem:s17], [sflag:$0x3], $0x4000, $0x38;
	[tilespmem:$0x1E800] =	vst v63  }
0x20: {  	_ =	swait.ge [sflag:s18], $0x4000  }
0x21: {  	[sflag:s18] =	ssyncset.done $0x0  }
0x22: {  	[sflag:s18] =	ssyncadd.s32 $0xFFFFC000  }
0x23: {  	[spmem:s9] =	stream.linear.scatter [tilespmem:s17], [sflag:$0x3], $0x4000, $0x38;
	[tilespmem:$0x1E800] =	vst v63  }
0x24: {  	_ =	swait.ge [sflag:s18], $0x4000  }
0x25: {  	[sflag:s18] =	ssyncset.done $0x0  }
0x26: {  	[sflag:s18] =	ssyncadd.s32 $0xFFFFC000  }
0x27: {  	[spmem:s10] =	stream.linear.scatter [tilespmem:s17], [sflag:$0x3], $0x4000, $0x38;
	[tilespmem:$0x1E800] =	vst v63  }
0x28: {  	_ =	swait.ge [sflag:s18], $0x4000  }
0x29: {  	[sflag:s18] =	ssyncset.done $0x0  }
0x2a: {  	[sflag:s18] =	ssyncadd.s32 $0xFFFFC000  }
0x2b: {  	[bflag:$0x0] =	sbarrier.arrive $0xFFFF  }
0x2c: {  	[tilespmem:s19], [sflag:$0x3] =	stream.linear.gather [hbm4b:s15+s3], $0x1400, $0x38;
	[tilespmem:$0x1E800] =	vst v63  }
0x2d: {  	_ =	swait.ge [sflag:s18], $0x1400  }
0x2e: {  	[sflag:s18] =	ssyncset.done $0x0  }
0x2f: {  	[sflag:s18] =	ssyncadd.s32 $0xFFFFEC00  }
0x30: {  	[tilespmem:s20], [sflag:$0x3] =	stream.linear.gather [hbm4b:s11+s3], $0x1400, $0x38;
	[tilespmem:$0x1E800] =	vst v63  }
0x31: {  	_ =	swait.ge [sflag:s18], $0x1400  }
0x32: {  	[sflag:s18] =	ssyncset.done $0x0  }
0x33: {  	s26 =	simm.s32 $0x14000;
	[sflag:s18] =	ssyncadd.s32 $0xFFFFEC00  }
0x34: {  	[tilespmem:s17], [sflag:$0x1] =	stream.indirect.gather [hbm4b:s4+s21], $0x80, s26, s21, $0xb8;
	[tilespmem:$0x1E800] =	vst v63  }
0x35: {  	s28 =	simm.s32 $0x14080  }
0x36: {  	[tilespmem:s22], [sflag:$0x1] =	stream.indirect.gather [hbm4b:s4+s21], $0x80, s28, s21, $0xb8;
	[tilespmem:$0x1E800] =	vst v63  }
0x37: {  	_ =	swait.ge [sflag:s23], $0x4000  }
0x38: {  	[sflag:s23] =	ssyncset.done $0x0  }
0x39: {  	s29 =	simm.s32 $0x15400;
	[sflag:s23] =	ssyncadd.s32 $0xFFFFC000  }
0x3a: {  	[spmem:s2] =	stream.indirect.scatter.add.f32 [tilespmem:s17], [sflag:$0x2], $0x80, s29, s21, $0xb8;
	[tilespmem:$0x1E800] =	vst v63  }
0x3b: {  	_ =	swait.ge [sflag:s24], $0x4000  }
0x3c: {  	[sflag:s24] =	ssyncset.done $0x0  }
0x3d: {  	s31 =	simm.s32 $0x14100;
	[sflag:s24] =	ssyncadd.s32 $0xFFFFC000  }
0x3e: {  	[tilespmem:s17], [sflag:$0x1] =	stream.indirect.gather [hbm4b:s4+s21], $0x80, s31, s21, $0xb8;
	[tilespmem:$0x1E800] =	vst v63  }
0x3f: {  	_ =	swait.ge [sflag:s23], $0x4000  }
0x40: {  	[sflag:s23] =	ssyncset.done $0x0  }
0x41: {  	s28 =	simm.s32 $0x15480;
	[sflag:s23] =	ssyncadd.s32 $0xFFFFC000  }
0x42: {  	[spmem:s2] =	stream.indirect.scatter.add.f32 [tilespmem:s22], [sflag:$0x2], $0x80, s28, s21, $0xb8;
	[tilespmem:$0x1E800] =	vst v63  }
0x43: {  	_ =	swait.ge [sflag:s24], $0x4000  }
0x44: {  	[sflag:s24] =	ssyncset.done $0x0  }
0x45: {  	s29 =	simm.s32 $0x14180;
	[sflag:s24] =	ssyncadd.s32 $0xFFFFC000  }
0x46: {  	[tilespmem:s22], [sflag:$0x1] =	stream.indirect.gather [hbm4b:s4+s21], $0x80, s29, s21, $0xb8;
	[tilespmem:$0x1E800] =	vst v63  }
0x47: {  	_ =	swait.ge [sflag:s23], $0x4000  }
0x48: {  	[sflag:s23] =	ssyncset.done $0x0  }
0x49: {  	s31 =	simm.s32 $0x15500;
	[sflag:s23] =	ssyncadd.s32 $0xFFFFC000  }
0x4a: {  	[spmem:s2] =	stream.indirect.scatter.add.f32 [tilespmem:s17], [sflag:$0x2], $0x80, s31, s21, $0xb8;
	[tilespmem:$0x1E800] =	vst v63  }
0x4b: {  	_ =	swait.ge [sflag:s24], $0x4000  }
0x4c: {  	[sflag:s24] =	ssyncset.done $0x0  }
0x4d: {  	s28 =	simm.s32 $0x14200;
	[sflag:s24] =	ssyncadd.s32 $0xFFFFC000  }
0x4e: {  	[tilespmem:s17], [sflag:$0x1] =	stream.indirect.gather [hbm4b:s4+s21], $0x80, s28, s21, $0xb8;
	[tilespmem:$0x1E800] =	vst v63  }
0x4f: {  	_ =	swait.ge [sflag:s23], $0x4000  }
0x50: {  	[sflag:s23] =	ssyncset.done $0x0  }
0x51: {  	s29 =	simm.s32 $0x15580;
	[sflag:s23] =	ssyncadd.s32 $0xFFFFC000  }
0x52: {  	[spmem:s2] =	stream.indirect.scatter.add.f32 [tilespmem:s22], [sflag:$0x2], $0x80, s29, s21, $0xb8;
	[tilespmem:$0x1E800] =	vst v63  }
0x53: {  	_ =	swait.ge [sflag:s24], $0x4000  }
0x54: {  	[sflag:s24] =	ssyncset.done $0x0  }
0x55: {  	s31 =	simm.s32 $0x14280;
	[sflag:s24] =	ssyncadd.s32 $0xFFFFC000  }
0x56: {  	[tilespmem:s22], [sflag:$0x1] =	stream.indirect.gather [hbm4b:s4+s21], $0x80, s31, s21, $0xb8;
	[tilespmem:$0x1E800] =	vst v63  }
0x57: {  	_ =	swait.ge [sflag:s23], $0x4000  }
0x58: {  	[sflag:s23] =	ssyncset.done $0x0  }
0x59: {  	s28 =	simm.s32 $0x15600;
	[sflag:s23] =	ssyncadd.s32 $0xFFFFC000  }
0x5a: {  	[spmem:s2] =	stream.indirect.scatter.add.f32 [tilespmem:s17], [sflag:$0x2], $0x80, s28, s21, $0xb8;
	[tilespmem:$0x1E800] =	vst v63  }
0x5b: {  	_ =	swait.ge [sflag:s24], $0x4000  }
0x5c: {  	[sflag:s24] =	ssyncset.done $0x0  }
0x5d: {  	s29 =	simm.s32 $0x14300;
	[sflag:s24] =	ssyncadd.s32 $0xFFFFC000  }
0x5e: {  	[tilespmem:s17], [sflag:$0x1] =	stream.indirect.gather [hbm4b:s4+s21], $0x80, s29, s21, $0xb8;
	[tilespmem:$0x1E800] =	vst v63  }
0x5f: {  	_ =	swait.ge [sflag:s23], $0x4000  }
0x60: {  	[sflag:s23] =	ssyncset.done $0x0  }
0x61: {  	s31 =	simm.s32 $0x15680;
	[sflag:s23] =	ssyncadd.s32 $0xFFFFC000  }
0x62: {  	[spmem:s2] =	stream.indirect.scatter.add.f32 [tilespmem:s22], [sflag:$0x2], $0x80, s31, s21, $0xb8;
	[tilespmem:$0x1E800] =	vst v63  }
0x63: {  	_ =	swait.ge [sflag:s24], $0x4000  }
0x64: {  	[sflag:s24] =	ssyncset.done $0x0  }
0x65: {  	s28 =	simm.s32 $0x14380;
	[sflag:s24] =	ssyncadd.s32 $0xFFFFC000  }
0x66: {  	[tilespmem:s22], [sflag:$0x1] =	stream.indirect.gather [hbm4b:s4+s21], $0x80, s28, s21, $0xb8;
	[tilespmem:$0x1E800] =	vst v63  }
0x67: {  	_ =	swait.ge [sflag:s23], $0x4000  }
0x68: {  	[sflag:s23] =	ssyncset.done $0x0  }
0x69: {  	s29 =	simm.s32 $0x15700;
	[sflag:s23] =	ssyncadd.s32 $0xFFFFC000  }
0x6a: {  	[spmem:s2] =	stream.indirect.scatter.add.f32 [tilespmem:s17], [sflag:$0x2], $0x80, s29, s21, $0xb8;
	[tilespmem:$0x1E800] =	vst v63  }
0x6b: {  	_ =	swait.ge [sflag:s23], $0x4000  }
0x6c: {  	[sflag:s23] =	ssyncset.done $0x0  }
0x6d: {  	s31 =	simm.s32 $0x15780;
	[sflag:s23] =	ssyncadd.s32 $0xFFFFC000  }
0x6e: {  	[spmem:s2] =	stream.indirect.scatter.add.f32 [tilespmem:s22], [sflag:$0x2], $0x80, s31, s21, $0xb8;
	[tilespmem:$0x1E800] =	vst v63  }
0x6f: {  	_ =	swait.ge [sflag:s24], $0x4000  }
0x70: {  	[sflag:s24] =	ssyncset.done $0x0  }
0x71: {  	[sflag:s24] =	ssyncadd.s32 $0xFFFFC000  }
0x72: {  	_ =	swait.ge [sflag:s24], $0x4000  }
0x73: {  	s30 =	simm.s32 $0x2000;
	s26 =	simm.s32 $0x400;
	[sflag:s24] =	ssyncset.done $0x0  }
.LBB2_2:
0x74: {  	s31 =	sadd.s32 $0x14000, s26  }
0x75: {  	[sflag:s24] =	ssyncadd.s32 $0xFFFFC000;
	s29 =	smov.u32 s30;
	s28 =	sadd.s32 $0x1000, s30  }
0x76: {  	[tilespmem:s17], [sflag:$0x1] =	stream.indirect.gather [hbm4b:s4+s21], $0x80, s31, s21, $0xb8;
	[tilespmem:$0x1E800] =	vst v63  }
0x77: {  	p0 =	sne.s32 s30, $0x4000;
	s30 =	sadd.s32 $0x14080, s26  }
0x78: {  	[tilespmem:s22], [sflag:$0x1] =	stream.indirect.gather [hbm4b:s4+s21], $0x80, s30, s21, $0xb8;
	[tilespmem:$0x1E800] =	vst v63  }
0x79: {  	_ =	swait.ge [sflag:s23], $0x4000  }
0x7a: {  	[sflag:s23] =	ssyncset.done $0x0  }
0x7b: {  	s30 =	sadd.s32 $0x15400, s26;
	[sflag:s23] =	ssyncadd.s32 $0xFFFFC000  }
0x7c: {  	[spmem:s2] =	stream.indirect.scatter.add.f32 [tilespmem:s17], [sflag:$0x2], $0x80, s30, s21, $0xb8;
	[tilespmem:$0x1E800] =	vst v63  }
0x7d: {  	_ =	swait.ge [sflag:s24], $0x4000  }
0x7e: {  	[sflag:s24] =	ssyncset.done $0x0  }
0x7f: {  	s30 =	sadd.s32 $0x14100, s26;
	[sflag:s24] =	ssyncadd.s32 $0xFFFFC000  }
0x80: {  	[tilespmem:s17], [sflag:$0x1] =	stream.indirect.gather [hbm4b:s4+s21], $0x80, s30, s21, $0xb8;
	[tilespmem:$0x1E800] =	vst v63  }
0x81: {  	_ =	swait.ge [sflag:s23], $0x4000  }
0x82: {  	[sflag:s23] =	ssyncset.done $0x0  }
0x83: {  	s30 =	sadd.s32 $0x15480, s26;
	[sflag:s23] =	ssyncadd.s32 $0xFFFFC000  }
0x84: {  	[spmem:s2] =	stream.indirect.scatter.add.f32 [tilespmem:s22], [sflag:$0x2], $0x80, s30, s21, $0xb8;
	[tilespmem:$0x1E800] =	vst v63  }
0x85: {  	_ =	swait.ge [sflag:s24], $0x4000  }
0x86: {  	[sflag:s24] =	ssyncset.done $0x0  }
0x87: {  	s30 =	sadd.s32 $0x14180, s26;
	[sflag:s24] =	ssyncadd.s32 $0xFFFFC000  }
0x88: {  	[tilespmem:s22], [sflag:$0x1] =	stream.indirect.gather [hbm4b:s4+s21], $0x80, s30, s21, $0xb8;
	[tilespmem:$0x1E800] =	vst v63  }
0x89: {  	_ =	swait.ge [sflag:s23], $0x4000  }
0x8a: {  	[sflag:s23] =	ssyncset.done $0x0  }
0x8b: {  	s30 =	sadd.s32 $0x15500, s26;
	[sflag:s23] =	ssyncadd.s32 $0xFFFFC000  }
0x8c: {  	[spmem:s2] =	stream.indirect.scatter.add.f32 [tilespmem:s17], [sflag:$0x2], $0x80, s30, s21, $0xb8;
	[tilespmem:$0x1E800] =	vst v63  }
0x8d: {  	_ =	swait.ge [sflag:s24], $0x4000  }
0x8e: {  	[sflag:s24] =	ssyncset.done $0x0  }
0x8f: {  	s30 =	sadd.s32 $0x14200, s26;
	[sflag:s24] =	ssyncadd.s32 $0xFFFFC000  }
0x90: {  	[tilespmem:s17], [sflag:$0x1] =	stream.indirect.gather [hbm4b:s4+s21], $0x80, s30, s21, $0xb8;
	[tilespmem:$0x1E800] =	vst v63  }
0x91: {  	_ =	swait.ge [sflag:s23], $0x4000  }
0x92: {  	[sflag:s23] =	ssyncset.done $0x0  }
0x93: {  	s30 =	sadd.s32 $0x15580, s26;
	[sflag:s23] =	ssyncadd.s32 $0xFFFFC000  }
0x94: {  	[spmem:s2] =	stream.indirect.scatter.add.f32 [tilespmem:s22], [sflag:$0x2], $0x80, s30, s21, $0xb8;
	[tilespmem:$0x1E800] =	vst v63  }
0x95: {  	_ =	swait.ge [sflag:s24], $0x4000  }
0x96: {  	[sflag:s24] =	ssyncset.done $0x0  }
0x97: {  	s30 =	sadd.s32 $0x14280, s26;
	[sflag:s24] =	ssyncadd.s32 $0xFFFFC000  }
0x98: {  	[tilespmem:s22], [sflag:$0x1] =	stream.indirect.gather [hbm4b:s4+s21], $0x80, s30, s21, $0xb8;
	[tilespmem:$0x1E800] =	vst v63  }
0x99: {  	_ =	swait.ge [sflag:s23], $0x4000  }
0x9a: {  	[sflag:s23] =	ssyncset.done $0x0  }
0x9b: {  	s30 =	sadd.s32 $0x15600, s26;
	[sflag:s23] =	ssyncadd.s32 $0xFFFFC000  }
0x9c: {  	[spmem:s2] =	stream.indirect.scatter.add.f32 [tilespmem:s17], [sflag:$0x2], $0x80, s30, s21, $0xb8;
	[tilespmem:$0x1E800] =	vst v63  }
0x9d: {  	_ =	swait.ge [sflag:s24], $0x4000  }
0x9e: {  	[sflag:s24] =	ssyncset.done $0x0  }
0x9f: {  	s30 =	sadd.s32 $0x14300, s26;
	[sflag:s24] =	ssyncadd.s32 $0xFFFFC000  }
0xa0: {  	[tilespmem:s17], [sflag:$0x1] =	stream.indirect.gather [hbm4b:s4+s21], $0x80, s30, s21, $0xb8;
	[tilespmem:$0x1E800] =	vst v63  }
0xa1: {  	_ =	swait.ge [sflag:s23], $0x4000  }
0xa2: {  	[sflag:s23] =	ssyncset.done $0x0  }
0xa3: {  	s30 =	sadd.s32 $0x15680, s26;
	[sflag:s23] =	ssyncadd.s32 $0xFFFFC000  }
0xa4: {  	[spmem:s2] =	stream.indirect.scatter.add.f32 [tilespmem:s22], [sflag:$0x2], $0x80, s30, s21, $0xb8;
	[tilespmem:$0x1E800] =	vst v63  }
0xa5: {  	_ =	swait.ge [sflag:s24], $0x4000  }
0xa6: {  	[sflag:s24] =	ssyncset.done $0x0  }
0xa7: {  	s30 =	sadd.s32 $0x14380, s26;
	[sflag:s24] =	ssyncadd.s32 $0xFFFFC000  }
0xa8: {  	[tilespmem:s22], [sflag:$0x1] =	stream.indirect.gather [hbm4b:s4+s21], $0x80, s30, s21, $0xb8;
	[tilespmem:$0x1E800] =	vst v63  }
0xa9: {  	_ =	swait.ge [sflag:s23], $0x4000  }
0xaa: {  	[sflag:s23] =	ssyncset.done $0x0  }
0xab: {  	s30 =	sadd.s32 $0x15700, s26;
	[sflag:s23] =	ssyncadd.s32 $0xFFFFC000  }
0xac: {  	[spmem:s2] =	stream.indirect.scatter.add.f32 [tilespmem:s17], [sflag:$0x2], $0x80, s30, s21, $0xb8;
	[tilespmem:$0x1E800] =	vst v63  }
0xad: {  	_ =	swait.ge [sflag:s23], $0x4000  }
0xae: {  	[sflag:s23] =	ssyncset.done $0x0  }
0xaf: {  	s26 =	sadd.s32 $0x15780, s26;
	[sflag:s23] =	ssyncadd.s32 $0xFFFFC000  }
0xb0: {  	[spmem:s2] =	stream.indirect.scatter.add.f32 [tilespmem:s22], [sflag:$0x2], $0x80, s26, s21, $0xb8;
	[tilespmem:$0x1E800] =	vst v63  }
.Ltmp0:
0xb1: {  	_ =	swait.ge [sflag:s24], $0x4000;
	(pc) =	sbr.rel @p0 .LBB2_2-.Ltmp0, $4  }
0xb2: {  	[sflag:s24] =	ssyncset.done $0x0  }
0xb3: {  	[sflag:s24] =	ssyncadd.s32 $0xFFFFC000  }
0xb4: {  	_ =	swait.ge [sflag:s24], $0x4000  }
0xb5: {  	s30 =	smov.u32 s28;
	s26 =	sshra.s32 s29, $0x2;
	[sflag:s24] =	ssyncset.done $0x0  }
0xb6: {  	s28 =	sadd.s32 $0x14000, s26;
	[sflag:s24] =	ssyncadd.s32 $0xFFFFC000  }
0xb7: {  	[tilespmem:s17], [sflag:$0x1] =	stream.indirect.gather [hbm4b:s4+s21], $0x80, s28, s21, $0xb8;
	[tilespmem:$0x1E800] =	vst v63  }
0xb8: {  	s29 =	sadd.s32 $0x14080, s26  }
0xb9: {  	[tilespmem:s22], [sflag:$0x1] =	stream.indirect.gather [hbm4b:s4+s21], $0x80, s29, s21, $0xb8;
	[tilespmem:$0x1E800] =	vst v63  }
0xba: {  	_ =	swait.ge [sflag:s23], $0x4000  }
0xbb: {  	[sflag:s23] =	ssyncset.done $0x0  }
0xbc: {  	s31 =	sadd.s32 $0x15400, s26;
	[sflag:s23] =	ssyncadd.s32 $0xFFFFC000  }
0xbd: {  	[spmem:s2] =	stream.indirect.scatter.add.f32 [tilespmem:s17], [sflag:$0x2], $0x80, s31, s21, $0xb8;
	[tilespmem:$0x1E800] =	vst v63  }
0xbe: {  	_ =	swait.ge [sflag:s24], $0x4000  }
0xbf: {  	[sflag:s24] =	ssyncset.done $0x0  }
0xc0: {  	s29 =	sadd.s32 $0x14100, s26;
	[sflag:s24] =	ssyncadd.s32 $0xFFFFC000  }
0xc1: {  	[tilespmem:s17], [sflag:$0x1] =	stream.indirect.gather [hbm4b:s4+s21], $0x80, s29, s21, $0xb8;
	[tilespmem:$0x1E800] =	vst v63  }
0xc2: {  	_ =	swait.ge [sflag:s23], $0x4000  }
0xc3: {  	[sflag:s23] =	ssyncset.done $0x0  }
0xc4: {  	s31 =	sadd.s32 $0x15480, s26;
	[sflag:s23] =	ssyncadd.s32 $0xFFFFC000  }
0xc5: {  	[spmem:s2] =	stream.indirect.scatter.add.f32 [tilespmem:s22], [sflag:$0x2], $0x80, s31, s21, $0xb8;
	[tilespmem:$0x1E800] =	vst v63  }
0xc6: {  	_ =	swait.ge [sflag:s24], $0x4000  }
0xc7: {  	[sflag:s24] =	ssyncset.done $0x0  }
0xc8: {  	s29 =	sadd.s32 $0x14180, s26;
	[sflag:s24] =	ssyncadd.s32 $0xFFFFC000  }
0xc9: {  	[tilespmem:s22], [sflag:$0x1] =	stream.indirect.gather [hbm4b:s4+s21], $0x80, s29, s21, $0xb8;
	[tilespmem:$0x1E800] =	vst v63  }
0xca: {  	_ =	swait.ge [sflag:s23], $0x4000  }
0xcb: {  	[sflag:s23] =	ssyncset.done $0x0  }
0xcc: {  	s31 =	sadd.s32 $0x15500, s26;
	[sflag:s23] =	ssyncadd.s32 $0xFFFFC000  }
0xcd: {  	[spmem:s2] =	stream.indirect.scatter.add.f32 [tilespmem:s17], [sflag:$0x2], $0x80, s31, s21, $0xb8;
	[tilespmem:$0x1E800] =	vst v63  }
0xce: {  	_ =	swait.ge [sflag:s24], $0x4000  }
0xcf: {  	[sflag:s24] =	ssyncset.done $0x0  }
0xd0: {  	s29 =	sadd.s32 $0x14200, s26;
	[sflag:s24] =	ssyncadd.s32 $0xFFFFC000  }
0xd1: {  	[tilespmem:s17], [sflag:$0x1] =	stream.indirect.gather [hbm4b:s4+s21], $0x80, s29, s21, $0xb8;
	[tilespmem:$0x1E800] =	vst v63  }
0xd2: {  	_ =	swait.ge [sflag:s23], $0x4000  }
0xd3: {  	[sflag:s23] =	ssyncset.done $0x0  }
0xd4: {  	s31 =	sadd.s32 $0x15580, s26;
	[sflag:s23] =	ssyncadd.s32 $0xFFFFC000  }
0xd5: {  	[spmem:s2] =	stream.indirect.scatter.add.f32 [tilespmem:s22], [sflag:$0x2], $0x80, s31, s21, $0xb8;
	[tilespmem:$0x1E800] =	vst v63  }
0xd6: {  	_ =	swait.ge [sflag:s24], $0x4000  }
0xd7: {  	[sflag:s24] =	ssyncset.done $0x0  }
0xd8: {  	s29 =	sadd.s32 $0x14280, s26;
	[sflag:s24] =	ssyncadd.s32 $0xFFFFC000  }
0xd9: {  	[tilespmem:s22], [sflag:$0x1] =	stream.indirect.gather [hbm4b:s4+s21], $0x80, s29, s21, $0xb8;
	[tilespmem:$0x1E800] =	vst v63  }
0xda: {  	_ =	swait.ge [sflag:s23], $0x4000  }
0xdb: {  	[sflag:s23] =	ssyncset.done $0x0  }
0xdc: {  	s31 =	sadd.s32 $0x15600, s26;
	[sflag:s23] =	ssyncadd.s32 $0xFFFFC000  }
0xdd: {  	[spmem:s2] =	stream.indirect.scatter.add.f32 [tilespmem:s17], [sflag:$0x2], $0x80, s31, s21, $0xb8;
	[tilespmem:$0x1E800] =	vst v63  }
0xde: {  	_ =	swait.ge [sflag:s24], $0x4000  }
0xdf: {  	[sflag:s24] =	ssyncset.done $0x0  }
0xe0: {  	s29 =	sadd.s32 $0x14300, s26;
	[sflag:s24] =	ssyncadd.s32 $0xFFFFC000  }
0xe1: {  	[tilespmem:s17], [sflag:$0x1] =	stream.indirect.gather [hbm4b:s4+s21], $0x80, s29, s21, $0xb8;
	[tilespmem:$0x1E800] =	vst v63  }
0xe2: {  	_ =	swait.ge [sflag:s23], $0x4000  }
0xe3: {  	[sflag:s23] =	ssyncset.done $0x0  }
0xe4: {  	s31 =	sadd.s32 $0x15680, s26;
	[sflag:s23] =	ssyncadd.s32 $0xFFFFC000  }
0xe5: {  	[spmem:s2] =	stream.indirect.scatter.add.f32 [tilespmem:s22], [sflag:$0x2], $0x80, s31, s21, $0xb8;
	[tilespmem:$0x1E800] =	vst v63  }
0xe6: {  	_ =	swait.ge [sflag:s24], $0x4000  }
0xe7: {  	[sflag:s24] =	ssyncset.done $0x0  }
0xe8: {  	s29 =	sadd.s32 $0x14380, s26;
	[sflag:s24] =	ssyncadd.s32 $0xFFFFC000  }
0xe9: {  	[tilespmem:s22], [sflag:$0x1] =	stream.indirect.gather [hbm4b:s4+s21], $0x80, s29, s21, $0xb8;
	[tilespmem:$0x1E800] =	vst v63  }
0xea: {  	_ =	swait.ge [sflag:s23], $0x4000  }
0xeb: {  	[sflag:s23] =	ssyncset.done $0x0  }
0xec: {  	s31 =	sadd.s32 $0x15700, s26;
	[sflag:s23] =	ssyncadd.s32 $0xFFFFC000  }
0xed: {  	[spmem:s2] =	stream.indirect.scatter.add.f32 [tilespmem:s17], [sflag:$0x2], $0x80, s31, s21, $0xb8;
	[tilespmem:$0x1E800] =	vst v63  }
0xee: {  	_ =	swait.ge [sflag:s23], $0x4000  }
0xef: {  	[sflag:s23] =	ssyncset.done $0x0  }
0xf0: {  	s28 =	sadd.s32 $0x15780, s26;
	[sflag:s23] =	ssyncadd.s32 $0xFFFFC000  }
0xf1: {  	[spmem:s2] =	stream.indirect.scatter.add.f32 [tilespmem:s22], [sflag:$0x2], $0x80, s28, s21, $0xb8;
	[tilespmem:$0x1E800] =	vst v63  }
0xf2: {  	_ =	swait.ge [sflag:s24], $0x4000  }
0xf3: {  	[sflag:s24] =	ssyncset.done $0x0  }
0xf4: {  	[sflag:s24] =	ssyncadd.s32 $0xFFFFC000  }
0xf5: {  	_ =	swait.ge [sflag:s24], $0x4000  }
0xf6: {  	[sflag:s24] =	ssyncset.done $0x0  }
0xf7: {  	s29 =	simm.s32 $0x0;
	[sflag:s24] =	ssyncadd.s32 $0xFFFFC000  }
0xf8: {  	[tilespmem:s19], [sflag:$0x3] =	stream.linear.gather [hbm4b:s16+s29], $0x1400, $0x38;
	[tilespmem:$0x1E800] =	vst v63  }
0xf9: {  	_ =	swait.ge [sflag:s18], $0x1400  }
0xfa: {  	[sflag:s18] =	ssyncset.done $0x0  }
0xfb: {  	[sflag:s18] =	ssyncadd.s32 $0xFFFFEC00  }
0xfc: {  	[tilespmem:s20], [sflag:$0x3] =	stream.linear.gather [hbm4b:s12+s29], $0x1400, $0x38;
	[tilespmem:$0x1E800] =	vst v63  }
0xfd: {  	_ =	swait.ge [sflag:s18], $0x1400  }
0xfe: {  	[sflag:s18] =	ssyncset.done $0x0  }
0xff: {  	s31 =	simm.s32 $0x14000;
	[sflag:s18] =	ssyncadd.s32 $0xFFFFEC00  }
0x100: {  	[tilespmem:s17], [sflag:$0x1] =	stream.indirect.gather [hbm4b:s4+s21], $0x80, s31, s21, $0xb8;
	[tilespmem:$0x1E800] =	vst v63  }
0x101: {  	s28 =	simm.s32 $0x14080  }
0x102: {  	[tilespmem:s22], [sflag:$0x1] =	stream.indirect.gather [hbm4b:s4+s21], $0x80, s28, s21, $0xb8;
	[tilespmem:$0x1E800] =	vst v63  }
0x103: {  	_ =	swait.ge [sflag:s23], $0x4000  }
0x104: {  	[sflag:s23] =	ssyncset.done $0x0  }
0x105: {  	s29 =	simm.s32 $0x15400;
	[sflag:s23] =	ssyncadd.s32 $0xFFFFC000  }
0x106: {  	[spmem:s2] =	stream.indirect.scatter.add.f32 [tilespmem:s17], [sflag:$0x2], $0x80, s29, s21, $0xb8;
	[tilespmem:$0x1E800] =	vst v63  }
0x107: {  	_ =	swait.ge [sflag:s24], $0x4000  }
0x108: {  	[sflag:s24] =	ssyncset.done $0x0  }
0x109: {  	s31 =	simm.s32 $0x14100;
	[sflag:s24] =	ssyncadd.s32 $0xFFFFC000  }
0x10a: {  	[tilespmem:s17], [sflag:$0x1] =	stream.indirect.gather [hbm4b:s4+s21], $0x80, s31, s21, $0xb8;
	[tilespmem:$0x1E800] =	vst v63  }
0x10b: {  	_ =	swait.ge [sflag:s23], $0x4000  }
0x10c: {  	[sflag:s23] =	ssyncset.done $0x0  }
0x10d: {  	s28 =	simm.s32 $0x15480;
	[sflag:s23] =	ssyncadd.s32 $0xFFFFC000  }
0x10e: {  	[spmem:s2] =	stream.indirect.scatter.add.f32 [tilespmem:s22], [sflag:$0x2], $0x80, s28, s21, $0xb8;
	[tilespmem:$0x1E800] =	vst v63  }
0x10f: {  	_ =	swait.ge [sflag:s24], $0x4000  }
0x110: {  	[sflag:s24] =	ssyncset.done $0x0  }
0x111: {  	s29 =	simm.s32 $0x14180;
	[sflag:s24] =	ssyncadd.s32 $0xFFFFC000  }
0x112: {  	[tilespmem:s22], [sflag:$0x1] =	stream.indirect.gather [hbm4b:s4+s21], $0x80, s29, s21, $0xb8;
	[tilespmem:$0x1E800] =	vst v63  }
0x113: {  	_ =	swait.ge [sflag:s23], $0x4000  }
0x114: {  	[sflag:s23] =	ssyncset.done $0x0  }
0x115: {  	s31 =	simm.s32 $0x15500;
	[sflag:s23] =	ssyncadd.s32 $0xFFFFC000  }
0x116: {  	[spmem:s2] =	stream.indirect.scatter.add.f32 [tilespmem:s17], [sflag:$0x2], $0x80, s31, s21, $0xb8;
	[tilespmem:$0x1E800] =	vst v63  }
0x117: {  	_ =	swait.ge [sflag:s24], $0x4000  }
0x118: {  	[sflag:s24] =	ssyncset.done $0x0  }
0x119: {  	s28 =	simm.s32 $0x14200;
	[sflag:s24] =	ssyncadd.s32 $0xFFFFC000  }
0x11a: {  	[tilespmem:s17], [sflag:$0x1] =	stream.indirect.gather [hbm4b:s4+s21], $0x80, s28, s21, $0xb8;
	[tilespmem:$0x1E800] =	vst v63  }
0x11b: {  	_ =	swait.ge [sflag:s23], $0x4000  }
0x11c: {  	[sflag:s23] =	ssyncset.done $0x0  }
0x11d: {  	s29 =	simm.s32 $0x15580;
	[sflag:s23] =	ssyncadd.s32 $0xFFFFC000  }
0x11e: {  	[spmem:s2] =	stream.indirect.scatter.add.f32 [tilespmem:s22], [sflag:$0x2], $0x80, s29, s21, $0xb8;
	[tilespmem:$0x1E800] =	vst v63  }
0x11f: {  	_ =	swait.ge [sflag:s24], $0x4000  }
0x120: {  	[sflag:s24] =	ssyncset.done $0x0  }
0x121: {  	s31 =	simm.s32 $0x14280;
	[sflag:s24] =	ssyncadd.s32 $0xFFFFC000  }
0x122: {  	[tilespmem:s22], [sflag:$0x1] =	stream.indirect.gather [hbm4b:s4+s21], $0x80, s31, s21, $0xb8;
	[tilespmem:$0x1E800] =	vst v63  }
0x123: {  	_ =	swait.ge [sflag:s23], $0x4000  }
0x124: {  	[sflag:s23] =	ssyncset.done $0x0  }
0x125: {  	s28 =	simm.s32 $0x15600;
	[sflag:s23] =	ssyncadd.s32 $0xFFFFC000  }
0x126: {  	[spmem:s2] =	stream.indirect.scatter.add.f32 [tilespmem:s17], [sflag:$0x2], $0x80, s28, s21, $0xb8;
	[tilespmem:$0x1E800] =	vst v63  }
0x127: {  	_ =	swait.ge [sflag:s24], $0x4000  }
0x128: {  	[sflag:s24] =	ssyncset.done $0x0  }
0x129: {  	s29 =	simm.s32 $0x14300;
	[sflag:s24] =	ssyncadd.s32 $0xFFFFC000  }
0x12a: {  	[tilespmem:s17], [sflag:$0x1] =	stream.indirect.gather [hbm4b:s4+s21], $0x80, s29, s21, $0xb8;
	[tilespmem:$0x1E800] =	vst v63  }
0x12b: {  	_ =	swait.ge [sflag:s23], $0x4000  }
0x12c: {  	[sflag:s23] =	ssyncset.done $0x0  }
0x12d: {  	s31 =	simm.s32 $0x15680;
	[sflag:s23] =	ssyncadd.s32 $0xFFFFC000  }
0x12e: {  	[spmem:s2] =	stream.indirect.scatter.add.f32 [tilespmem:s22], [sflag:$0x2], $0x80, s31, s21, $0xb8;
	[tilespmem:$0x1E800] =	vst v63  }
0x12f: {  	_ =	swait.ge [sflag:s24], $0x4000  }
0x130: {  	[sflag:s24] =	ssyncset.done $0x0  }
0x131: {  	s28 =	simm.s32 $0x14380;
	[sflag:s24] =	ssyncadd.s32 $0xFFFFC000  }
0x132: {  	[tilespmem:s22], [sflag:$0x1] =	stream.indirect.gather [hbm4b:s4+s21], $0x80, s28, s21, $0xb8;
	[tilespmem:$0x1E800] =	vst v63  }
0x133: {  	_ =	swait.ge [sflag:s23], $0x4000  }
0x134: {  	[sflag:s23] =	ssyncset.done $0x0  }
0x135: {  	s29 =	simm.s32 $0x15700;
	[sflag:s23] =	ssyncadd.s32 $0xFFFFC000  }
0x136: {  	[spmem:s2] =	stream.indirect.scatter.add.f32 [tilespmem:s17], [sflag:$0x2], $0x80, s29, s21, $0xb8;
	[tilespmem:$0x1E800] =	vst v63  }
0x137: {  	_ =	swait.ge [sflag:s23], $0x4000  }
0x138: {  	[sflag:s23] =	ssyncset.done $0x0  }
0x139: {  	s31 =	simm.s32 $0x15780;
	[sflag:s23] =	ssyncadd.s32 $0xFFFFC000  }
0x13a: {  	[spmem:s2] =	stream.indirect.scatter.add.f32 [tilespmem:s22], [sflag:$0x2], $0x80, s31, s21, $0xb8;
	[tilespmem:$0x1E800] =	vst v63  }
0x13b: {  	_ =	swait.ge [sflag:s24], $0x4000  }
0x13c: {  	[sflag:s24] =	ssyncset.done $0x0  }
0x13d: {  	[sflag:s24] =	ssyncadd.s32 $0xFFFFC000  }
0x13e: {  	_ =	swait.ge [sflag:s24], $0x4000  }
0x13f: {  	s30 =	simm.s32 $0x2000;
	s26 =	simm.s32 $0x400;
	[sflag:s24] =	ssyncset.done $0x0  }
.LBB2_4:
0x140: {  	s31 =	sadd.s32 $0x14000, s26  }
0x141: {  	[sflag:s24] =	ssyncadd.s32 $0xFFFFC000;
	s29 =	smov.u32 s30;
	s28 =	sadd.s32 $0x1000, s30  }
0x142: {  	[tilespmem:s17], [sflag:$0x1] =	stream.indirect.gather [hbm4b:s4+s21], $0x80, s31, s21, $0xb8;
	[tilespmem:$0x1E800] =	vst v63  }
0x143: {  	p0 =	sne.s32 s30, $0x4000;
	s30 =	sadd.s32 $0x14080, s26  }
0x144: {  	[tilespmem:s22], [sflag:$0x1] =	stream.indirect.gather [hbm4b:s4+s21], $0x80, s30, s21, $0xb8;
	[tilespmem:$0x1E800] =	vst v63  }
0x145: {  	_ =	swait.ge [sflag:s23], $0x4000  }
0x146: {  	[sflag:s23] =	ssyncset.done $0x0  }
0x147: {  	s30 =	sadd.s32 $0x15400, s26;
	[sflag:s23] =	ssyncadd.s32 $0xFFFFC000  }
0x148: {  	[spmem:s2] =	stream.indirect.scatter.add.f32 [tilespmem:s17], [sflag:$0x2], $0x80, s30, s21, $0xb8;
	[tilespmem:$0x1E800] =	vst v63  }
0x149: {  	_ =	swait.ge [sflag:s24], $0x4000  }
0x14a: {  	[sflag:s24] =	ssyncset.done $0x0  }
0x14b: {  	s30 =	sadd.s32 $0x14100, s26;
	[sflag:s24] =	ssyncadd.s32 $0xFFFFC000  }
0x14c: {  	[tilespmem:s17], [sflag:$0x1] =	stream.indirect.gather [hbm4b:s4+s21], $0x80, s30, s21, $0xb8;
	[tilespmem:$0x1E800] =	vst v63  }
0x14d: {  	_ =	swait.ge [sflag:s23], $0x4000  }
0x14e: {  	[sflag:s23] =	ssyncset.done $0x0  }
0x14f: {  	s30 =	sadd.s32 $0x15480, s26;
	[sflag:s23] =	ssyncadd.s32 $0xFFFFC000  }
0x150: {  	[spmem:s2] =	stream.indirect.scatter.add.f32 [tilespmem:s22], [sflag:$0x2], $0x80, s30, s21, $0xb8;
	[tilespmem:$0x1E800] =	vst v63  }
0x151: {  	_ =	swait.ge [sflag:s24], $0x4000  }
0x152: {  	[sflag:s24] =	ssyncset.done $0x0  }
0x153: {  	s30 =	sadd.s32 $0x14180, s26;
	[sflag:s24] =	ssyncadd.s32 $0xFFFFC000  }
0x154: {  	[tilespmem:s22], [sflag:$0x1] =	stream.indirect.gather [hbm4b:s4+s21], $0x80, s30, s21, $0xb8;
	[tilespmem:$0x1E800] =	vst v63  }
0x155: {  	_ =	swait.ge [sflag:s23], $0x4000  }
0x156: {  	[sflag:s23] =	ssyncset.done $0x0  }
0x157: {  	s30 =	sadd.s32 $0x15500, s26;
	[sflag:s23] =	ssyncadd.s32 $0xFFFFC000  }
0x158: {  	[spmem:s2] =	stream.indirect.scatter.add.f32 [tilespmem:s17], [sflag:$0x2], $0x80, s30, s21, $0xb8;
	[tilespmem:$0x1E800] =	vst v63  }
0x159: {  	_ =	swait.ge [sflag:s24], $0x4000  }
0x15a: {  	[sflag:s24] =	ssyncset.done $0x0  }
0x15b: {  	s30 =	sadd.s32 $0x14200, s26;
	[sflag:s24] =	ssyncadd.s32 $0xFFFFC000  }
0x15c: {  	[tilespmem:s17], [sflag:$0x1] =	stream.indirect.gather [hbm4b:s4+s21], $0x80, s30, s21, $0xb8;
	[tilespmem:$0x1E800] =	vst v63  }
0x15d: {  	_ =	swait.ge [sflag:s23], $0x4000  }
0x15e: {  	[sflag:s23] =	ssyncset.done $0x0  }
0x15f: {  	s30 =	sadd.s32 $0x15580, s26;
	[sflag:s23] =	ssyncadd.s32 $0xFFFFC000  }
0x160: {  	[spmem:s2] =	stream.indirect.scatter.add.f32 [tilespmem:s22], [sflag:$0x2], $0x80, s30, s21, $0xb8;
	[tilespmem:$0x1E800] =	vst v63  }
0x161: {  	_ =	swait.ge [sflag:s24], $0x4000  }
0x162: {  	[sflag:s24] =	ssyncset.done $0x0  }
0x163: {  	s30 =	sadd.s32 $0x14280, s26;
	[sflag:s24] =	ssyncadd.s32 $0xFFFFC000  }
0x164: {  	[tilespmem:s22], [sflag:$0x1] =	stream.indirect.gather [hbm4b:s4+s21], $0x80, s30, s21, $0xb8;
	[tilespmem:$0x1E800] =	vst v63  }
0x165: {  	_ =	swait.ge [sflag:s23], $0x4000  }
0x166: {  	[sflag:s23] =	ssyncset.done $0x0  }
0x167: {  	s30 =	sadd.s32 $0x15600, s26;
	[sflag:s23] =	ssyncadd.s32 $0xFFFFC000  }
0x168: {  	[spmem:s2] =	stream.indirect.scatter.add.f32 [tilespmem:s17], [sflag:$0x2], $0x80, s30, s21, $0xb8;
	[tilespmem:$0x1E800] =	vst v63  }
0x169: {  	_ =	swait.ge [sflag:s24], $0x4000  }
0x16a: {  	[sflag:s24] =	ssyncset.done $0x0  }
0x16b: {  	s30 =	sadd.s32 $0x14300, s26;
	[sflag:s24] =	ssyncadd.s32 $0xFFFFC000  }
0x16c: {  	[tilespmem:s17], [sflag:$0x1] =	stream.indirect.gather [hbm4b:s4+s21], $0x80, s30, s21, $0xb8;
	[tilespmem:$0x1E800] =	vst v63  }
0x16d: {  	_ =	swait.ge [sflag:s23], $0x4000  }
0x16e: {  	[sflag:s23] =	ssyncset.done $0x0  }
0x16f: {  	s30 =	sadd.s32 $0x15680, s26;
	[sflag:s23] =	ssyncadd.s32 $0xFFFFC000  }
0x170: {  	[spmem:s2] =	stream.indirect.scatter.add.f32 [tilespmem:s22], [sflag:$0x2], $0x80, s30, s21, $0xb8;
	[tilespmem:$0x1E800] =	vst v63  }
0x171: {  	_ =	swait.ge [sflag:s24], $0x4000  }
0x172: {  	[sflag:s24] =	ssyncset.done $0x0  }
0x173: {  	s30 =	sadd.s32 $0x14380, s26;
	[sflag:s24] =	ssyncadd.s32 $0xFFFFC000  }
0x174: {  	[tilespmem:s22], [sflag:$0x1] =	stream.indirect.gather [hbm4b:s4+s21], $0x80, s30, s21, $0xb8;
	[tilespmem:$0x1E800] =	vst v63  }
0x175: {  	_ =	swait.ge [sflag:s23], $0x4000  }
0x176: {  	[sflag:s23] =	ssyncset.done $0x0  }
0x177: {  	s30 =	sadd.s32 $0x15700, s26;
	[sflag:s23] =	ssyncadd.s32 $0xFFFFC000  }
0x178: {  	[spmem:s2] =	stream.indirect.scatter.add.f32 [tilespmem:s17], [sflag:$0x2], $0x80, s30, s21, $0xb8;
	[tilespmem:$0x1E800] =	vst v63  }
0x179: {  	_ =	swait.ge [sflag:s23], $0x4000  }
0x17a: {  	[sflag:s23] =	ssyncset.done $0x0  }
0x17b: {  	s26 =	sadd.s32 $0x15780, s26;
	[sflag:s23] =	ssyncadd.s32 $0xFFFFC000  }
0x17c: {  	[spmem:s2] =	stream.indirect.scatter.add.f32 [tilespmem:s22], [sflag:$0x2], $0x80, s26, s21, $0xb8;
	[tilespmem:$0x1E800] =	vst v63  }
.Ltmp1:
0x17d: {  	_ =	swait.ge [sflag:s24], $0x4000;
	(pc) =	sbr.rel @p0 .LBB2_4-.Ltmp1, $4  }
0x17e: {  	[sflag:s24] =	ssyncset.done $0x0  }
0x17f: {  	[sflag:s24] =	ssyncadd.s32 $0xFFFFC000  }
0x180: {  	_ =	swait.ge [sflag:s24], $0x4000  }
0x181: {  	s30 =	smov.u32 s28;
	s26 =	sshra.s32 s29, $0x2;
	[sflag:s24] =	ssyncset.done $0x0  }
0x182: {  	s28 =	sadd.s32 $0x14000, s26;
	[sflag:s24] =	ssyncadd.s32 $0xFFFFC000  }
0x183: {  	[tilespmem:s17], [sflag:$0x1] =	stream.indirect.gather [hbm4b:s4+s21], $0x80, s28, s21, $0xb8;
	[tilespmem:$0x1E800] =	vst v63  }
0x184: {  	s30 =	sadd.s32 $0x14080, s26  }
0x185: {  	[tilespmem:s22], [sflag:$0x1] =	stream.indirect.gather [hbm4b:s4+s21], $0x80, s30, s21, $0xb8;
	[tilespmem:$0x1E800] =	vst v63  }
0x186: {  	_ =	swait.ge [sflag:s23], $0x4000  }
0x187: {  	[sflag:s23] =	ssyncset.done $0x0  }
0x188: {  	s31 =	sadd.s32 $0x15400, s26;
	[sflag:s23] =	ssyncadd.s32 $0xFFFFC000  }
0x189: {  	[spmem:s2] =	stream.indirect.scatter.add.f32 [tilespmem:s17], [sflag:$0x2], $0x80, s31, s21, $0xb8;
	[tilespmem:$0x1E800] =	vst v63  }
0x18a: {  	_ =	swait.ge [sflag:s24], $0x4000  }
0x18b: {  	[sflag:s24] =	ssyncset.done $0x0  }
0x18c: {  	s29 =	sadd.s32 $0x14100, s26;
	[sflag:s24] =	ssyncadd.s32 $0xFFFFC000  }
0x18d: {  	[tilespmem:s17], [sflag:$0x1] =	stream.indirect.gather [hbm4b:s4+s21], $0x80, s29, s21, $0xb8;
	[tilespmem:$0x1E800] =	vst v63  }
0x18e: {  	_ =	swait.ge [sflag:s23], $0x4000  }
0x18f: {  	[sflag:s23] =	ssyncset.done $0x0  }
0x190: {  	s30 =	sadd.s32 $0x15480, s26;
	[sflag:s23] =	ssyncadd.s32 $0xFFFFC000  }
0x191: {  	[spmem:s2] =	stream.indirect.scatter.add.f32 [tilespmem:s22], [sflag:$0x2], $0x80, s30, s21, $0xb8;
	[tilespmem:$0x1E800] =	vst v63  }
0x192: {  	_ =	swait.ge [sflag:s24], $0x4000  }
0x193: {  	[sflag:s24] =	ssyncset.done $0x0  }
0x194: {  	s31 =	sadd.s32 $0x14180, s26;
	[sflag:s24] =	ssyncadd.s32 $0xFFFFC000  }
0x195: {  	[tilespmem:s22], [sflag:$0x1] =	stream.indirect.gather [hbm4b:s4+s21], $0x80, s31, s21, $0xb8;
	[tilespmem:$0x1E800] =	vst v63  }
0x196: {  	_ =	swait.ge [sflag:s23], $0x4000  }
0x197: {  	[sflag:s23] =	ssyncset.done $0x0  }
0x198: {  	s29 =	sadd.s32 $0x15500, s26;
	[sflag:s23] =	ssyncadd.s32 $0xFFFFC000  }
0x199: {  	[spmem:s2] =	stream.indirect.scatter.add.f32 [tilespmem:s17], [sflag:$0x2], $0x80, s29, s21, $0xb8;
	[tilespmem:$0x1E800] =	vst v63  }
0x19a: {  	_ =	swait.ge [sflag:s24], $0x4000  }
0x19b: {  	[sflag:s24] =	ssyncset.done $0x0  }
0x19c: {  	s30 =	sadd.s32 $0x14200, s26;
	[sflag:s24] =	ssyncadd.s32 $0xFFFFC000  }
0x19d: {  	[tilespmem:s17], [sflag:$0x1] =	stream.indirect.gather [hbm4b:s4+s21], $0x80, s30, s21, $0xb8;
	[tilespmem:$0x1E800] =	vst v63  }
0x19e: {  	_ =	swait.ge [sflag:s23], $0x4000  }
0x19f: {  	[sflag:s23] =	ssyncset.done $0x0  }
0x1a0: {  	s31 =	sadd.s32 $0x15580, s26;
	[sflag:s23] =	ssyncadd.s32 $0xFFFFC000  }
0x1a1: {  	[spmem:s2] =	stream.indirect.scatter.add.f32 [tilespmem:s22], [sflag:$0x2], $0x80, s31, s21, $0xb8;
	[tilespmem:$0x1E800] =	vst v63  }
0x1a2: {  	_ =	swait.ge [sflag:s24], $0x4000  }
0x1a3: {  	[sflag:s24] =	ssyncset.done $0x0  }
0x1a4: {  	s29 =	sadd.s32 $0x14280, s26;
	[sflag:s24] =	ssyncadd.s32 $0xFFFFC000  }
0x1a5: {  	[tilespmem:s22], [sflag:$0x1] =	stream.indirect.gather [hbm4b:s4+s21], $0x80, s29, s21, $0xb8;
	[tilespmem:$0x1E800] =	vst v63  }
0x1a6: {  	_ =	swait.ge [sflag:s23], $0x4000  }
0x1a7: {  	[sflag:s23] =	ssyncset.done $0x0  }
0x1a8: {  	s30 =	sadd.s32 $0x15600, s26;
	[sflag:s23] =	ssyncadd.s32 $0xFFFFC000  }
0x1a9: {  	[spmem:s2] =	stream.indirect.scatter.add.f32 [tilespmem:s17], [sflag:$0x2], $0x80, s30, s21, $0xb8;
	[tilespmem:$0x1E800] =	vst v63  }
0x1aa: {  	_ =	swait.ge [sflag:s24], $0x4000  }
0x1ab: {  	[sflag:s24] =	ssyncset.done $0x0  }
0x1ac: {  	s31 =	sadd.s32 $0x14300, s26;
	[sflag:s24] =	ssyncadd.s32 $0xFFFFC000  }
0x1ad: {  	[tilespmem:s17], [sflag:$0x1] =	stream.indirect.gather [hbm4b:s4+s21], $0x80, s31, s21, $0xb8;
	[tilespmem:$0x1E800] =	vst v63  }
0x1ae: {  	_ =	swait.ge [sflag:s23], $0x4000  }
0x1af: {  	[sflag:s23] =	ssyncset.done $0x0  }
0x1b0: {  	s29 =	sadd.s32 $0x15680, s26;
	[sflag:s23] =	ssyncadd.s32 $0xFFFFC000  }
0x1b1: {  	[spmem:s2] =	stream.indirect.scatter.add.f32 [tilespmem:s22], [sflag:$0x2], $0x80, s29, s21, $0xb8;
	[tilespmem:$0x1E800] =	vst v63  }
0x1b2: {  	_ =	swait.ge [sflag:s24], $0x4000  }
0x1b3: {  	[sflag:s24] =	ssyncset.done $0x0  }
0x1b4: {  	s30 =	sadd.s32 $0x14380, s26;
	[sflag:s24] =	ssyncadd.s32 $0xFFFFC000  }
0x1b5: {  	[tilespmem:s22], [sflag:$0x1] =	stream.indirect.gather [hbm4b:s4+s21], $0x80, s30, s21, $0xb8;
	[tilespmem:$0x1E800] =	vst v63  }
0x1b6: {  	_ =	swait.ge [sflag:s23], $0x4000  }
0x1b7: {  	[sflag:s23] =	ssyncset.done $0x0  }
0x1b8: {  	s31 =	sadd.s32 $0x15700, s26;
	[sflag:s23] =	ssyncadd.s32 $0xFFFFC000  }
0x1b9: {  	[spmem:s2] =	stream.indirect.scatter.add.f32 [tilespmem:s17], [sflag:$0x2], $0x80, s31, s21, $0xb8;
	[tilespmem:$0x1E800] =	vst v63  }
0x1ba: {  	_ =	swait.ge [sflag:s23], $0x4000  }
0x1bb: {  	[sflag:s23] =	ssyncset.done $0x0  }
0x1bc: {  	s29 =	sadd.s32 $0x15780, s26;
	[sflag:s23] =	ssyncadd.s32 $0xFFFFC000  }
0x1bd: {  	[spmem:s2] =	stream.indirect.scatter.add.f32 [tilespmem:s22], [sflag:$0x2], $0x80, s29, s21, $0xb8;
	[tilespmem:$0x1E800] =	vst v63  }
0x1be: {  	_ =	swait.ge [sflag:s24], $0x4000  }
0x1bf: {  	[sflag:s24] =	ssyncset.done $0x0  }
0x1c0: {  	[sflag:s24] =	ssyncadd.s32 $0xFFFFC000  }
0x1c1: {  	_ =	swait.ge [sflag:s24], $0x4000  }
0x1c2: {  	s25 =	sadd.s32 $0x1, s25;
	s30 =	sshll.u32 s1, $0x6;
	[sflag:s24] =	ssyncset.done $0x0  }
0x1c3: {  	p0 =	sne.s32 s25, s14;
	s26 =	sor.u32 $0x1C03, s30;
	[sflag:s24] =	ssyncadd.s32 $0xFFFFC000  }
.Ltmp2:
0x1c4: {  	s31 =	sshrl.u32 s6, $0x3;
	[bflag:$0x0] =	sbarrier.arrive $0xFFFF;
	(pc) =	sbr.rel @p0 .LBB2_1-.Ltmp2, $4  }
0x1c5: {  	[hbm:s13], [sflag:s26] =	dma.local [spmem:s31], $0x2800  }
0x1c6: {  	_ =	swait.ge [sflag:s18], $0x2800  }
0x1c7: {  	[sflag:s18] =	ssyncset.done $0x0  }
0x1c8: {  	[sflag:s18] =	ssyncadd.s32 $0xFFFFD800  }
0x1c9: {  	_ =	sfence.sel $0x180000  }
0x1ca: {  	[bflag:$0x0] =	sbarrier.arrive $0xFFFF  }
0x1cb: {  	p0 =	sne.s32 s1, $0x0;
	_ =	strace $0x9000004A  }
0x1cc: {  	s0 =	sadd.s32 @!p0 $0x100000, s0;
	[bflag:$0x2] =	sbarrier.arrive $0xFFFF  }
0x1cd: {  	[sflag:s0] =	ssyncadd.tile.s32 @!p0 $0x1;
	_ =	shalt  }
.Lfunc_end2:
_tile_overlayer_lowered:
.L_overlay_start_2:
0x1ce: {  	(tag) =	ssettag $0x2  }
0x1cf: {  	s0 =	rddreg [dreg:$0x0];
	s2 =	stileid.u32  }
0x1d0: {  	s1 =	rddreg [dreg:$0x1];
	p0 =	sne.s32 s2, $0x0  }
0x1d1: {  	s3 =	rddreg [dreg:$0x2];
	[bflag:$0x3] =	sbarrier.arrive $0xFFFF;
	s2 =	simm.s32 @!p0 $0x1C03  }
0x1d2: {  	[timem:s3], [sflag:s2] =	dma.local @!p0 [hbm:s0], s1  }
0x1d3: {  	s0 =	simm.s32 @!p0 $0x3  }
0x1d4: {  	_ =	swait.ge @!p0 [sflag:s0], s1  }
0x1d5: {  	s1 =	ssub.s32 @!p0 $0x0, s1;
	[sflag:s0] =	ssyncset.done @!p0 $0x0  }
0x1d6: {  	[sflag:s0] =	ssyncadd.s32 @!p0 s1  }
0x1d7: {  	[bflag:$0x3] =	sbarrier.arrive $0xFFFF  }
0x1d8: {  	_ =	shalt  }

// kernel: _run.14.cloned.1.call-start
scs
__scs_entry_jumppad:
0x0: {  	(pc) =	sbr.rel $0x88, $3  }
0x1: {  	(tag) =	ssettag $0x0;
	lr =	simm.s32 $0x1  }
0x2: {  	[smem:$0x3F9B] =	sst lr;
	_ =	strace $0xD0000000  }
0x3: {  	_ = 	snop  }
0x4: {  	_ = 	snop  }
0x5: {  	_ = 	snop  }
0x6: {  	_ = 	snop  }
0x7: {  	_ = 	snop  }
__scs_overlays_trampoline_lowered:
0x8: {  	[smem:$0x3FAA] =	sst s0  }
0x9: {  	[smem:$0x3FAB] =	sst s1  }
0xa: {  	[smem:$0x3FAC] =	sst s2  }
0xb: {  	[smem:$0x3FAD] =	sst s3  }
0xc: {  	[smem:$0x3FAE] =	sst s4  }
0xd: {  	[smem:$0x3FAF] =	sst s5  }
0xe: {  	[smem:$0x3FB0] =	sst s6  }
0xf: {  	[smem:$0x3FB1] =	sst s7  }
0x10: {  	[smem:$0x3FB2] =	sst s8  }
0x11: {  	[smem:$0x3FB3] =	sst s9;
	s0 =	simm.s32 @!p0 $0x0  }
0x12: {  	s1 =	sld [smem:$0x3F99];
	s0 =	simm.s32 @p0 $0x1  }
0x13: {  	[smem:$0x3FB4] =	sst s0;
	s0 =	simm.s32 @!p1 $0x0  }
0x14: {  	s2 =	sld [smem:$0x3F98];
	s0 =	simm.s32 @p1 $0x1  }
0x15: {  	[smem:$0x3FB5] =	sst s0;
	s0 =	simm.s32 @!p2 $0x0  }
0x16: {  	s3 =	sld [smem:$0x3FDB];
	s0 =	simm.s32 @p2 $0x1  }
0x17: {  	s4 =	simm.s32 $0x1BF5;
	[smem:$0x3FB7] =	sst s0  }
0x18: {  	s0 =	sld [smem:$0x3F9A];
	_ =	swait.ge [sflag:s4], $0x0  }
0x19: {  	s7 =	sld [smem:$0x3F9B]  }
0x1a: {  	s8 =	sadd.s32 $0xFFFFE003, lr  }
0x1b: {  	s9 =	sadd.s32 $0xFFFFFEF7, lr;
	s5 =	simm.s32 $0xFFFFFFFF;
	p2 =	slt.u32 s8, $0xFFFFF086  }
0x1c: {  	p1 =	slt.u32 s9, $0xF7A;
	s5 =	simm.s32 @!p2 $0x0  }
0x1d: {  	s5 =	simm.s32 @p1 $0x1;
	p0 =	seq.s32 s7, s2  }
0x1e: {  	s7 =	smul.u32 @!p0 $0xF7A, s2;
	p2 =	seq.s32 @!p0 s5, $0x0  }
0x1f: {  	s9 =	smul.u32 $0xF7A, s1;
	s8 =	simm.s32 @!p0 $0x1BF5;
	p2 =	por !p2, p0  }
0x20: {  	[sflag:s8] =	ssyncset.s32 @!p0 $0xFFFFF086;
	s6 =	sadd.s32 @!p0 s3, s7;
	s7 =	simm.s32 @!p0 $0x108  }
0x21: {  	s3 =	sadd.s32 s3, s9;
	s6 =	sadd.s32 @!p0 $0x88, s6;
	s7 =	simm.s32 @p2 $0x1082  }
0x22: {  	[simem:s7], [sflag:s8] =	dma.local @!p0 [hbm:s6], $0xF7A  }
0x23: {  	s9 =	sor.u32 $0xD0000000, s2;
	s6 =	simm.s32 $0x108;
	_ =	swait.ge @!p0 [sflag:s8], $0x0  }
0x24: {  	s3 =	sadd.s32 $0x88, s3;
	s6 =	simm.s32 @!p1 $0x1082;
	[sflag:s4] =	ssyncset.s32 $0xFFFFF086  }
0x25: {  	[simem:s6], [sflag:s4] =	dma.local [hbm:s3], $0xF7A  }
0x26: {  	[smem:$0x3F9B] =	sst s1;
	(tag) =	ssettag s2;
	_ =	strace s9  }
0x27: {  	s1 =	sld [smem:$0x3FAB]  }
0x28: {  	s2 =	sld [smem:$0x3FAC]  }
0x29: {  	s4 =	sld [smem:$0x3FAE]  }
0x2a: {  	p0 =	seq.s32 s5, $0x0;
	s5 =	sld [smem:$0x3FAF]  }
0x2b: {  	s6 =	sld [smem:$0x3FB0]  }
0x2c: {  	s7 =	sld [smem:$0x3FB1]  }
0x2d: {  	s3 =	simm.s32 $0x108;
	s8 =	sld [smem:$0x3FB2]  }
0x2e: {  	s3 =	simm.s32 @!p0 $0x1082;
	s9 =	sld [smem:$0x3FB3]  }
0x2f: {  	lr =	sadd.s32 s0, s3;
	s0 =	sld [smem:$0x3FAA]  }
0x30: {  	s3 =	sld [smem:$0x3FAD]  }
0x31: {  	[smem:$0x3FB6] =	sst s10  }
0x32: {  	s10 =	sld [smem:$0x3FB4];
	_ =	sdelay $0x3  }
0x33: {  	p0 =	seq.s32 s10, $0x1;
	s10 =	sld [smem:$0x3FB6];
	_ =	sdelay $0x3  }
0x34: {  	[smem:$0x3FB6] =	sst s10  }
0x35: {  	s10 =	sld [smem:$0x3FB5];
	_ =	sdelay $0x3  }
0x36: {  	p1 =	seq.s32 s10, $0x1;
	s10 =	sld [smem:$0x3FB6];
	_ =	sdelay $0x3  }
0x37: {  	[smem:$0x3FB6] =	sst s10  }
0x38: {  	s10 =	sld [smem:$0x3FB7]  }
0x39: {  	_ = 	snop;
	(pc) =	sbr.ind lr, $3  }
0x3a: {  	_ = 	snop  }
0x3b: {  	_ = 	snop  }
0x3c: {  	p2 =	seq.s32 s10, $0x1;
	s10 =	sld [smem:$0x3FB6]  }
0x3d: {  	_ =	shalt  }
0x3e: {  	_ =	shalt  }
0x3f: {  	_ =	shalt  }
0x40: {  	_ =	shalt  }
0x41: {  	_ =	shalt  }
0x42: {  	_ =	shalt  }
0x43: {  	_ =	shalt  }
0x44: {  	_ =	shalt  }
0x45: {  	_ =	shalt  }
0x46: {  	_ =	shalt  }
0x47: {  	_ =	shalt  }
0x48: {  	_ =	shalt  }
0x49: {  	_ =	shalt  }
0x4a: {  	_ =	shalt  }
0x4b: {  	_ =	shalt  }
0x4c: {  	_ =	shalt  }
0x4d: {  	_ =	shalt  }
0x4e: {  	_ =	shalt  }
0x4f: {  	_ =	shalt  }
0x50: {  	_ =	shalt  }
0x51: {  	_ =	shalt  }
0x52: {  	_ =	shalt  }
0x53: {  	_ =	shalt  }
0x54: {  	_ =	shalt  }
0x55: {  	_ =	shalt  }
0x56: {  	_ =	shalt  }
0x57: {  	_ =	shalt  }
0x58: {  	_ =	shalt  }
0x59: {  	_ =	shalt  }
0x5a: {  	_ =	shalt  }
0x5b: {  	_ =	shalt  }
0x5c: {  	_ =	shalt  }
0x5d: {  	_ =	shalt  }
0x5e: {  	_ =	shalt  }
0x5f: {  	_ =	shalt  }
0x60: {  	_ =	shalt  }
0x61: {  	_ =	shalt  }
0x62: {  	_ =	shalt  }
0x63: {  	_ =	shalt  }
0x64: {  	_ =	shalt  }
0x65: {  	_ =	shalt  }
0x66: {  	_ =	shalt  }
0x67: {  	_ =	shalt  }
0x68: {  	_ =	shalt  }
0x69: {  	_ =	shalt  }
0x6a: {  	_ =	shalt  }
0x6b: {  	_ =	shalt  }
0x6c: {  	_ =	shalt  }
0x6d: {  	_ =	shalt  }
0x6e: {  	_ =	shalt  }
0x6f: {  	_ =	shalt  }
0x70: {  	_ =	shalt  }
0x71: {  	_ =	shalt  }
0x72: {  	_ =	shalt  }
0x73: {  	_ =	shalt  }
0x74: {  	_ =	shalt  }
0x75: {  	_ =	shalt  }
0x76: {  	_ =	shalt  }
0x77: {  	_ =	shalt  }
0x78: {  	_ =	shalt  }
0x79: {  	_ =	shalt  }
0x7a: {  	_ =	shalt  }
0x7b: {  	_ =	shalt  }
0x7c: {  	_ =	shalt  }
0x7d: {  	_ =	shalt  }
0x7e: {  	_ =	shalt  }
0x7f: {  	_ =	shalt  }
0x80: {  	_ =	shalt  }
0x81: {  	_ =	shalt  }
0x82: {  	_ =	shalt  }
0x83: {  	_ =	shalt  }
0x84: {  	_ =	shalt  }
0x85: {  	_ =	shalt  }
0x86: {  	_ =	shalt  }
0x87: {  	_ =	shalt  }
.Lfunc_end0:
.L_simem_size_0:
called_computation.2_lowered:
.L_overlay_start_0:
0x88: {  	s2 =	sld [smem:$0x3FD9]  }
0x89: {  	s3 =	sld [smem:$0x3FFE];
	_ =	sdelay $0x1  }
0x8a: {  	s1 =	srdreg.scid  }
0x8b: {  	s0 =	sand.u32 $0x1, s1  }
0x8c: {  	s17 =	sshll.u32 s0, $0xA;
	s2 =	sadd.s32 s3, s2  }
0x8d: {  	s2 =	sadd.s32 s2, s17  }
0x8e: {  	[smem:$0x3FC2] =	sst s2  }
0x8f: {  	_ = 	snop  }
0x90: {  	s2 =	sld [smem:$0x3FD0];
	(tm) =	ssettm $0x1  }
0x91: {  	s18 =	sld [smem:$0x3FFB];
	_ =	sdelay $0x3  }
0x92: {  	_ =	strace s18  }
0x93: {  	s3 =	sld [smem:$0x3FFC];
	_ =	sdelay $0x3  }
0x94: {  	_ =	strace s3  }
0x95: {  	s3 =	sld [smem:$0x3FFD];
	_ =	sdelay $0x3  }
0x96: {  	_ =	strace s3  }
0x97: {  	_ =	strace $0x8FFFFFFF  }
0x98: {  	s19 =	sld [smem:$0x3FDB];
	_ =	sdelay $0x1  }
0x99: {  	s4 =	simm.s32 $_scs_section_size  }
0x9a: {  	s5 =	simm.s32 $_size__tile_overlayer_lowered;
	s6 =	simm.s32 $_tile_overlayer_lowered  }
0x9b: {  	s22 =	simm.s32 $0x1BFF;
	s21 =	sshll.u32 s6, $0x1;
	s3 =	sadd.s32 s4, s19  }
0x9c: {  	s7 =	simm.s32 $0x0;
	s20 =	sshll.u32 s5, $0x1;
	s5 =	sadd.s32 s21, s3  }
0x9d: {  	[timem:s7], [sflag:s22] =	dma.local [hbm:s5], s20  }
0x9e: {  	_ =	swait.ge [sflag:s22], s20  }
0x9f: {  	s4 =	ssub.s32 $0x0, s20;
	[sflag:s22] =	ssyncset.done $0x0  }
0xa0: {  	[sflag:s22] =	ssyncadd.s32 s4;
	_ =	sdelay $0x1  }
0xa1: {  	s23 =	simm.s32 $0x1B8B  }
0xa2: {  	_ =	swait.ge [sflag:s23], $0x1  }
0xa3: {  	[sflag:s23] =	ssyncset.done $0x0  }
0xa4: {  	s25 =	simm.s32 $0x1B8E;
	s24 =	sld [smem:$0x3FFE];
	[sflag:s23] =	ssyncadd.s32 $0xFFFFFFFF  }
0xa5: {  	s26 =	simm.s32 $execute0_lowered;
	[smem:$0x3FD2] =	sst s25  }
0xa6: {  	s5 =	sshll.u32 s26, $0x1;
	_ =	strace $0x8000004C;
	[dreg:$0x1] =	wrdreg $0xFFFFFFFF  }
0xa7: {  	s28 =	simm.s32 $_size_execute0_lowered;
	s3 =	sadd.s32 s3, s5;
	[dreg:$0x0] =	wrdreg $0x0  }
0xa8: {  	s5 =	sshll.u32 s28, $0x1;
	[dreg:$0x2] =	wrdreg s3  }
0xa9: {  	[dreg:$0x3] =	wrdreg s5  }
0xaa: {  	[dreg:$0x4] =	wrdreg $0xC0  }
0xab: {  	_ =	task [dreg:s7], $0x5FFFF  }
0xac: {  	[dreg:$0x1] =	wrdreg $0xFFFFFFFF  }
0xad: {  	[dreg:$0x0] =	wrdreg $0x60  }
0xae: {  	[dreg:$0x2] =	wrdreg s24  }
0xaf: {  	[dreg:$0x3] =	wrdreg s2  }
0xb0: {  	[dreg:$0x4] =	wrdreg $0x0  }
0xb1: {  	[dreg:$0x5] =	wrdreg $0x9  }
0xb2: {  	_ =	task.clear_ibuf [dreg:s7], $0x6FFFF;
	_ =	strace $0x9000004C  }
0xb3: {  	s29 =	simm.s32 $0x9;
	_ =	strace $0x8000004E  }
0xb4: {  	_ =	swait.ge [sflag:s29], $0x1  }
0xb5: {  	[sflag:s29] =	ssyncadd.s32 $0xFFFFFFFF  }
0xb6: {  	_ =	strace $0x9000004E  }
0xb7: {  	_ =	sfence  }
0xb8: {  	s30 =	sld [smem:$0x0];
	_ =	sdelay $0x2  }
0xb9: {  	s31 =	sshll.u32 s1, $0xD;
	s1 =	sshrl.u32 s1, $0x2  }
0xba: {  	s3 =	sand.u32 $0x4000, s31;
	s1 =	sadd.s32 s1, s30  }
0xbb: {  	s0 =	sor.u32 s3, s0;
	s1 =	sshll.u32 s1, $0x11  }
0xbc: {  	s0 =	sor.u32 s1, s0  }
0xbd: {  	s0 =	sadd.s32 $0x8F2B, s0  }
0xbe: {  	[sflag:s0] =	ssyncadd.remote.s32 $0x1  }
0xbf: {  	_ =	sfence.sel $0xFFFF  }
0xc0: {  	[dreg:$0x0] =	wrdreg $0xFFFFFFFF;
	(pc) =	sbr.abs _section_cstart, $3  }
0xc1: {  	[dreg:$0x1] =	wrdreg $0xFFFFFFFF  }
0xc2: {  	_ =	task.clear_ibuf [dreg:s7], $0x2FFFF;
	_ =	strace $0x9FFFFFFF  }
0xc3: {  	(tm) =	ssettm $0x7FFFFFFF  }
tec
execute0_lowered:
.L_overlay_start_1:
0x0: {  	(tag) =	ssettag $0x1  }
0x1: {  	s6 =	rddreg [dreg:$0x0]  }
0x2: {  	s16 =	rddreg [dreg:$0x1]  }
0x3: {  	s2 =	rddreg [dreg:$0x2]  }
0x4: {  	s0 =	rddreg [dreg:$0x3];
	s3 =	simm.s32 $0x0;
	s4 =	srdreg.scid  }
0x5: {  	s1 =	stileid.u32;
	s20 =	simm.s32 $0x15400;
	s21 =	simm.s32 $0x80  }
0x6: {  	s22 =	simm.s32 $0x1A800;
	s23 =	simm.s32 $0x1;
	s24 =	simm.s32 $0x2  }
0x7: {  	s25 =	simm.s32 $0x0;
	[smem:$0x7FF] =	sst s3;
	s12 =	smul.u32 $0x2800, s1  }
0x8: {  	s11 =	sand.u32 $0x1, s4;
	s4 =	sadd.s32 $0x5D200, s6;
	s8 =	smul.u32 $0x50000, s1  }
0x9: {  	s14 =	sadd.s32 $0x2200, s6;
	s13 =	sadd.s32 $0x7200, s6;
	s18 =	smul.u32 $0x500, s1  }
0xa: {  	s5 =	sadd.s32 $0xC200, s6;
	s7 =	smul.u32 $0x28000, s11;
	s9 =	ssub.s32 $0x2, s11  }
0xb: {  	_ =	strace $0x8000004D;
	p0 =	seq.s32 s11, $0x0;
	s10 =	sshrl.u32 s9, $0x1  }
0xc: {  	s8 =	sshrl.u32 s8, $0x2;
	s16 =	smov.u32 @p0 s14;
	s7 =	sadd.s32 s12, s7  }
0xd: {  	s17 =	ssub.s32 s9, s10;
	s12 =	sshrl.u32 s12, $0x3;
	s15 =	sadd.s32 s7, s6  }
0xe: {  	s6 =	sadd.s32 s8, s2;
	s11 =	sadd.s32 s13, s12;
	s19 =	sadd.s32 $0x280, s12  }
0xf: {  	s14 =	smax.u32 s17, $0x1;
	s17 =	simm.s32 $0x16800;
	s7 =	sadd.s32 $0x4000, s6  }
0x10: {  	s8 =	sadd.s32 $0x8000, s6;
	s9 =	sadd.s32 $0xC000, s6;
	s10 =	sadd.s32 $0x10000, s6  }
0x11: {  	s12 =	sadd.s32 s13, s19;
	s13 =	sadd.s32 $0xAD200, s15;
	s15 =	sadd.s32 s16, s18  }
0x12: {  	s16 =	sadd.s32 s16, s19;
	s18 =	simm.s32 $0x3;
	s19 =	simm.s32 $0x14000  }
.LBB2_1:
0x13: {  	[tilespmem:s17], [sflag:$0x3] =	stream.linear.gather [hbm4b:s5+s3], $0x4000, $0x38;
	[tilespmem:$0x1E800] =	vst v63  }
0x14: {  	_ =	swait.ge [sflag:s18], $0x4000  }
0x15: {  	[sflag:s18] =	ssyncset.done $0x0  }
0x16: {  	[sflag:s18] =	ssyncadd.s32 $0xFFFFC000  }
0x17: {  	[spmem:s6] =	stream.linear.scatter [tilespmem:s17], [sflag:$0x3], $0x4000, $0x38;
	[tilespmem:$0x1E800] =	vst v63  }
0x18: {  	_ =	swait.ge [sflag:s18], $0x4000  }
0x19: {  	[sflag:s18] =	ssyncset.done $0x0  }
0x1a: {  	[sflag:s18] =	ssyncadd.s32 $0xFFFFC000  }
0x1b: {  	[spmem:s7] =	stream.linear.scatter [tilespmem:s17], [sflag:$0x3], $0x4000, $0x38;
	[tilespmem:$0x1E800] =	vst v63  }
0x1c: {  	_ =	swait.ge [sflag:s18], $0x4000  }
0x1d: {  	[sflag:s18] =	ssyncset.done $0x0  }
0x1e: {  	[sflag:s18] =	ssyncadd.s32 $0xFFFFC000  }
0x1f: {  	[spmem:s8] =	stream.linear.scatter [tilespmem:s17], [sflag:$0x3], $0x4000, $0x38;
	[tilespmem:$0x1E800] =	vst v63  }
0x20: {  	_ =	swait.ge [sflag:s18], $0x4000  }
0x21: {  	[sflag:s18] =	ssyncset.done $0x0  }
0x22: {  	[sflag:s18] =	ssyncadd.s32 $0xFFFFC000  }
0x23: {  	[spmem:s9] =	stream.linear.scatter [tilespmem:s17], [sflag:$0x3], $0x4000, $0x38;
	[tilespmem:$0x1E800] =	vst v63  }
0x24: {  	_ =	swait.ge [sflag:s18], $0x4000  }
0x25: {  	[sflag:s18] =	ssyncset.done $0x0  }
0x26: {  	[sflag:s18] =	ssyncadd.s32 $0xFFFFC000  }
0x27: {  	[spmem:s10] =	stream.linear.scatter [tilespmem:s17], [sflag:$0x3], $0x4000, $0x38;
	[tilespmem:$0x1E800] =	vst v63  }
0x28: {  	_ =	swait.ge [sflag:s18], $0x4000  }
0x29: {  	[sflag:s18] =	ssyncset.done $0x0  }
0x2a: {  	[sflag:s18] =	ssyncadd.s32 $0xFFFFC000  }
0x2b: {  	[bflag:$0x0] =	sbarrier.arrive $0xFFFF  }
0x2c: {  	[tilespmem:s19], [sflag:$0x3] =	stream.linear.gather [hbm4b:s15+s3], $0x1400, $0x38;
	[tilespmem:$0x1E800] =	vst v63  }
0x2d: {  	_ =	swait.ge [sflag:s18], $0x1400  }
0x2e: {  	[sflag:s18] =	ssyncset.done $0x0  }
0x2f: {  	[sflag:s18] =	ssyncadd.s32 $0xFFFFEC00  }
0x30: {  	[tilespmem:s20], [sflag:$0x3] =	stream.linear.gather [hbm4b:s11+s3], $0x1400, $0x38;
	[tilespmem:$0x1E800] =	vst v63  }
0x31: {  	_ =	swait.ge [sflag:s18], $0x1400  }
0x32: {  	[sflag:s18] =	ssyncset.done $0x0  }
0x33: {  	s26 =	simm.s32 $0x14000;
	[sflag:s18] =	ssyncadd.s32 $0xFFFFEC00  }
0x34: {  	[tilespmem:s17], [sflag:$0x1] =	stream.indirect.gather [hbm4b:s4+s21], $0x80, s26, s21, $0xb8;
	[tilespmem:$0x1E800] =	vst v63  }
0x35: {  	s28 =	simm.s32 $0x14080  }
0x36: {  	[tilespmem:s22], [sflag:$0x1] =	stream.indirect.gather [hbm4b:s4+s21], $0x80, s28, s21, $0xb8;
	[tilespmem:$0x1E800] =	vst v63  }
0x37: {  	_ =	swait.ge [sflag:s23], $0x4000  }
0x38: {  	[sflag:s23] =	ssyncset.done $0x0  }
0x39: {  	s29 =	simm.s32 $0x15400;
	[sflag:s23] =	ssyncadd.s32 $0xFFFFC000  }
0x3a: {  	[spmem:s2] =	stream.indirect.scatter.add.f32 [tilespmem:s17], [sflag:$0x2], $0x80, s29, s21, $0xb8;
	[tilespmem:$0x1E800] =	vst v63  }
0x3b: {  	_ =	swait.ge [sflag:s24], $0x4000  }
0x3c: {  	[sflag:s24] =	ssyncset.done $0x0  }
0x3d: {  	s31 =	simm.s32 $0x14100;
	[sflag:s24] =	ssyncadd.s32 $0xFFFFC000  }
0x3e: {  	[tilespmem:s17], [sflag:$0x1] =	stream.indirect.gather [hbm4b:s4+s21], $0x80, s31, s21, $0xb8;
	[tilespmem:$0x1E800] =	vst v63  }
0x3f: {  	_ =	swait.ge [sflag:s23], $0x4000  }
0x40: {  	[sflag:s23] =	ssyncset.done $0x0  }
0x41: {  	s28 =	simm.s32 $0x15480;
	[sflag:s23] =	ssyncadd.s32 $0xFFFFC000  }
0x42: {  	[spmem:s2] =	stream.indirect.scatter.add.f32 [tilespmem:s22], [sflag:$0x2], $0x80, s28, s21, $0xb8;
	[tilespmem:$0x1E800] =	vst v63  }
0x43: {  	_ =	swait.ge [sflag:s24], $0x4000  }
0x44: {  	[sflag:s24] =	ssyncset.done $0x0  }
0x45: {  	s29 =	simm.s32 $0x14180;
	[sflag:s24] =	ssyncadd.s32 $0xFFFFC000  }
0x46: {  	[tilespmem:s22], [sflag:$0x1] =	stream.indirect.gather [hbm4b:s4+s21], $0x80, s29, s21, $0xb8;
	[tilespmem:$0x1E800] =	vst v63  }
0x47: {  	_ =	swait.ge [sflag:s23], $0x4000  }
0x48: {  	[sflag:s23] =	ssyncset.done $0x0  }
0x49: {  	s31 =	simm.s32 $0x15500;
	[sflag:s23] =	ssyncadd.s32 $0xFFFFC000  }
0x4a: {  	[spmem:s2] =	stream.indirect.scatter.add.f32 [tilespmem:s17], [sflag:$0x2], $0x80, s31, s21, $0xb8;
	[tilespmem:$0x1E800] =	vst v63  }
0x4b: {  	_ =	swait.ge [sflag:s24], $0x4000  }
0x4c: {  	[sflag:s24] =	ssyncset.done $0x0  }
0x4d: {  	s28 =	simm.s32 $0x14200;
	[sflag:s24] =	ssyncadd.s32 $0xFFFFC000  }
0x4e: {  	[tilespmem:s17], [sflag:$0x1] =	stream.indirect.gather [hbm4b:s4+s21], $0x80, s28, s21, $0xb8;
	[tilespmem:$0x1E800] =	vst v63  }
0x4f: {  	_ =	swait.ge [sflag:s23], $0x4000  }
0x50: {  	[sflag:s23] =	ssyncset.done $0x0  }
0x51: {  	s29 =	simm.s32 $0x15580;
	[sflag:s23] =	ssyncadd.s32 $0xFFFFC000  }
0x52: {  	[spmem:s2] =	stream.indirect.scatter.add.f32 [tilespmem:s22], [sflag:$0x2], $0x80, s29, s21, $0xb8;
	[tilespmem:$0x1E800] =	vst v63  }
0x53: {  	_ =	swait.ge [sflag:s24], $0x4000  }
0x54: {  	[sflag:s24] =	ssyncset.done $0x0  }
0x55: {  	s31 =	simm.s32 $0x14280;
	[sflag:s24] =	ssyncadd.s32 $0xFFFFC000  }
0x56: {  	[tilespmem:s22], [sflag:$0x1] =	stream.indirect.gather [hbm4b:s4+s21], $0x80, s31, s21, $0xb8;
	[tilespmem:$0x1E800] =	vst v63  }
0x57: {  	_ =	swait.ge [sflag:s23], $0x4000  }
0x58: {  	[sflag:s23] =	ssyncset.done $0x0  }
0x59: {  	s28 =	simm.s32 $0x15600;
	[sflag:s23] =	ssyncadd.s32 $0xFFFFC000  }
0x5a: {  	[spmem:s2] =	stream.indirect.scatter.add.f32 [tilespmem:s17], [sflag:$0x2], $0x80, s28, s21, $0xb8;
	[tilespmem:$0x1E800] =	vst v63  }
0x5b: {  	_ =	swait.ge [sflag:s24], $0x4000  }
0x5c: {  	[sflag:s24] =	ssyncset.done $0x0  }
0x5d: {  	s29 =	simm.s32 $0x14300;
	[sflag:s24] =	ssyncadd.s32 $0xFFFFC000  }
0x5e: {  	[tilespmem:s17], [sflag:$0x1] =	stream.indirect.gather [hbm4b:s4+s21], $0x80, s29, s21, $0xb8;
	[tilespmem:$0x1E800] =	vst v63  }
0x5f: {  	_ =	swait.ge [sflag:s23], $0x4000  }
0x60: {  	[sflag:s23] =	ssyncset.done $0x0  }
0x61: {  	s31 =	simm.s32 $0x15680;
	[sflag:s23] =	ssyncadd.s32 $0xFFFFC000  }
0x62: {  	[spmem:s2] =	stream.indirect.scatter.add.f32 [tilespmem:s22], [sflag:$0x2], $0x80, s31, s21, $0xb8;
	[tilespmem:$0x1E800] =	vst v63  }
0x63: {  	_ =	swait.ge [sflag:s24], $0x4000  }
0x64: {  	[sflag:s24] =	ssyncset.done $0x0  }
0x65: {  	s28 =	simm.s32 $0x14380;
	[sflag:s24] =	ssyncadd.s32 $0xFFFFC000  }
0x66: {  	[tilespmem:s22], [sflag:$0x1] =	stream.indirect.gather [hbm4b:s4+s21], $0x80, s28, s21, $0xb8;
	[tilespmem:$0x1E800] =	vst v63  }
0x67: {  	_ =	swait.ge [sflag:s23], $0x4000  }
0x68: {  	[sflag:s23] =	ssyncset.done $0x0  }
0x69: {  	s29 =	simm.s32 $0x15700;
	[sflag:s23] =	ssyncadd.s32 $0xFFFFC000  }
0x6a: {  	[spmem:s2] =	stream.indirect.scatter.add.f32 [tilespmem:s17], [sflag:$0x2], $0x80, s29, s21, $0xb8;
	[tilespmem:$0x1E800] =	vst v63  }
0x6b: {  	_ =	swait.ge [sflag:s23], $0x4000  }
0x6c: {  	[sflag:s23] =	ssyncset.done $0x0  }
0x6d: {  	s31 =	simm.s32 $0x15780;
	[sflag:s23] =	ssyncadd.s32 $0xFFFFC000  }
0x6e: {  	[spmem:s2] =	stream.indirect.scatter.add.f32 [tilespmem:s22], [sflag:$0x2], $0x80, s31, s21, $0xb8;
	[tilespmem:$0x1E800] =	vst v63  }
0x6f: {  	_ =	swait.ge [sflag:s24], $0x4000  }
0x70: {  	[sflag:s24] =	ssyncset.done $0x0  }
0x71: {  	[sflag:s24] =	ssyncadd.s32 $0xFFFFC000  }
0x72: {  	_ =	swait.ge [sflag:s24], $0x4000  }
0x73: {  	s30 =	simm.s32 $0x2000;
	s26 =	simm.s32 $0x400;
	[sflag:s24] =	ssyncset.done $0x0  }
.LBB2_2:
0x74: {  	s31 =	sadd.s32 $0x14000, s26  }
0x75: {  	[sflag:s24] =	ssyncadd.s32 $0xFFFFC000;
	s29 =	smov.u32 s30;
	s28 =	sadd.s32 $0x1000, s30  }
0x76: {  	[tilespmem:s17], [sflag:$0x1] =	stream.indirect.gather [hbm4b:s4+s21], $0x80, s31, s21, $0xb8;
	[tilespmem:$0x1E800] =	vst v63  }
0x77: {  	p0 =	sne.s32 s30, $0x4000;
	s30 =	sadd.s32 $0x14080, s26  }
0x78: {  	[tilespmem:s22], [sflag:$0x1] =	stream.indirect.gather [hbm4b:s4+s21], $0x80, s30, s21, $0xb8;
	[tilespmem:$0x1E800] =	vst v63  }
0x79: {  	_ =	swait.ge [sflag:s23], $0x4000  }
0x7a: {  	[sflag:s23] =	ssyncset.done $0x0  }
0x7b: {  	s30 =	sadd.s32 $0x15400, s26;
	[sflag:s23] =	ssyncadd.s32 $0xFFFFC000  }
0x7c: {  	[spmem:s2] =	stream.indirect.scatter.add.f32 [tilespmem:s17], [sflag:$0x2], $0x80, s30, s21, $0xb8;
	[tilespmem:$0x1E800] =	vst v63  }
0x7d: {  	_ =	swait.ge [sflag:s24], $0x4000  }
0x7e: {  	[sflag:s24] =	ssyncset.done $0x0  }
0x7f: {  	s30 =	sadd.s32 $0x14100, s26;
	[sflag:s24] =	ssyncadd.s32 $0xFFFFC000  }
0x80: {  	[tilespmem:s17], [sflag:$0x1] =	stream.indirect.gather [hbm4b:s4+s21], $0x80, s30, s21, $0xb8;
	[tilespmem:$0x1E800] =	vst v63  }
0x81: {  	_ =	swait.ge [sflag:s23], $0x4000  }
0x82: {  	[sflag:s23] =	ssyncset.done $0x0  }
0x83: {  	s30 =	sadd.s32 $0x15480, s26;
	[sflag:s23] =	ssyncadd.s32 $0xFFFFC000  }
0x84: {  	[spmem:s2] =	stream.indirect.scatter.add.f32 [tilespmem:s22], [sflag:$0x2], $0x80, s30, s21, $0xb8;
	[tilespmem:$0x1E800] =	vst v63  }
0x85: {  	_ =	swait.ge [sflag:s24], $0x4000  }
0x86: {  	[sflag:s24] =	ssyncset.done $0x0  }
0x87: {  	s30 =	sadd.s32 $0x14180, s26;
	[sflag:s24] =	ssyncadd.s32 $0xFFFFC000  }
0x88: {  	[tilespmem:s22], [sflag:$0x1] =	stream.indirect.gather [hbm4b:s4+s21], $0x80, s30, s21, $0xb8;
	[tilespmem:$0x1E800] =	vst v63  }
0x89: {  	_ =	swait.ge [sflag:s23], $0x4000  }
0x8a: {  	[sflag:s23] =	ssyncset.done $0x0  }
0x8b: {  	s30 =	sadd.s32 $0x15500, s26;
	[sflag:s23] =	ssyncadd.s32 $0xFFFFC000  }
0x8c: {  	[spmem:s2] =	stream.indirect.scatter.add.f32 [tilespmem:s17], [sflag:$0x2], $0x80, s30, s21, $0xb8;
	[tilespmem:$0x1E800] =	vst v63  }
0x8d: {  	_ =	swait.ge [sflag:s24], $0x4000  }
0x8e: {  	[sflag:s24] =	ssyncset.done $0x0  }
0x8f: {  	s30 =	sadd.s32 $0x14200, s26;
	[sflag:s24] =	ssyncadd.s32 $0xFFFFC000  }
0x90: {  	[tilespmem:s17], [sflag:$0x1] =	stream.indirect.gather [hbm4b:s4+s21], $0x80, s30, s21, $0xb8;
	[tilespmem:$0x1E800] =	vst v63  }
0x91: {  	_ =	swait.ge [sflag:s23], $0x4000  }
0x92: {  	[sflag:s23] =	ssyncset.done $0x0  }
0x93: {  	s30 =	sadd.s32 $0x15580, s26;
	[sflag:s23] =	ssyncadd.s32 $0xFFFFC000  }
0x94: {  	[spmem:s2] =	stream.indirect.scatter.add.f32 [tilespmem:s22], [sflag:$0x2], $0x80, s30, s21, $0xb8;
	[tilespmem:$0x1E800] =	vst v63  }
0x95: {  	_ =	swait.ge [sflag:s24], $0x4000  }
0x96: {  	[sflag:s24] =	ssyncset.done $0x0  }
0x97: {  	s30 =	sadd.s32 $0x14280, s26;
	[sflag:s24] =	ssyncadd.s32 $0xFFFFC000  }
0x98: {  	[tilespmem:s22], [sflag:$0x1] =	stream.indirect.gather [hbm4b:s4+s21], $0x80, s30, s21, $0xb8;
	[tilespmem:$0x1E800] =	vst v63  }
0x99: {  	_ =	swait.ge [sflag:s23], $0x4000  }
0x9a: {  	[sflag:s23] =	ssyncset.done $0x0  }
0x9b: {  	s30 =	sadd.s32 $0x15600, s26;
	[sflag:s23] =	ssyncadd.s32 $0xFFFFC000  }
0x9c: {  	[spmem:s2] =	stream.indirect.scatter.add.f32 [tilespmem:s17], [sflag:$0x2], $0x80, s30, s21, $0xb8;
	[tilespmem:$0x1E800] =	vst v63  }
0x9d: {  	_ =	swait.ge [sflag:s24], $0x4000  }
0x9e: {  	[sflag:s24] =	ssyncset.done $0x0  }
0x9f: {  	s30 =	sadd.s32 $0x14300, s26;
	[sflag:s24] =	ssyncadd.s32 $0xFFFFC000  }
0xa0: {  	[tilespmem:s17], [sflag:$0x1] =	stream.indirect.gather [hbm4b:s4+s21], $0x80, s30, s21, $0xb8;
	[tilespmem:$0x1E800] =	vst v63  }
0xa1: {  	_ =	swait.ge [sflag:s23], $0x4000  }
0xa2: {  	[sflag:s23] =	ssyncset.done $0x0  }
0xa3: {  	s30 =	sadd.s32 $0x15680, s26;
	[sflag:s23] =	ssyncadd.s32 $0xFFFFC000  }
0xa4: {  	[spmem:s2] =	stream.indirect.scatter.add.f32 [tilespmem:s22], [sflag:$0x2], $0x80, s30, s21, $0xb8;
	[tilespmem:$0x1E800] =	vst v63  }
0xa5: {  	_ =	swait.ge [sflag:s24], $0x4000  }
0xa6: {  	[sflag:s24] =	ssyncset.done $0x0  }
0xa7: {  	s30 =	sadd.s32 $0x14380, s26;
	[sflag:s24] =	ssyncadd.s32 $0xFFFFC000  }
0xa8: {  	[tilespmem:s22], [sflag:$0x1] =	stream.indirect.gather [hbm4b:s4+s21], $0x80, s30, s21, $0xb8;
	[tilespmem:$0x1E800] =	vst v63  }
0xa9: {  	_ =	swait.ge [sflag:s23], $0x4000  }
0xaa: {  	[sflag:s23] =	ssyncset.done $0x0  }
0xab: {  	s30 =	sadd.s32 $0x15700, s26;
	[sflag:s23] =	ssyncadd.s32 $0xFFFFC000  }
0xac: {  	[spmem:s2] =	stream.indirect.scatter.add.f32 [tilespmem:s17], [sflag:$0x2], $0x80, s30, s21, $0xb8;
	[tilespmem:$0x1E800] =	vst v63  }
0xad: {  	_ =	swait.ge [sflag:s23], $0x4000  }
0xae: {  	[sflag:s23] =	ssyncset.done $0x0  }
0xaf: {  	s26 =	sadd.s32 $0x15780, s26;
	[sflag:s23] =	ssyncadd.s32 $0xFFFFC000  }
0xb0: {  	[spmem:s2] =	stream.indirect.scatter.add.f32 [tilespmem:s22], [sflag:$0x2], $0x80, s26, s21, $0xb8;
	[tilespmem:$0x1E800] =	vst v63  }
.Ltmp0:
0xb1: {  	_ =	swait.ge [sflag:s24], $0x4000;
	(pc) =	sbr.rel @p0 .LBB2_2-.Ltmp0, $4  }
0xb2: {  	[sflag:s24] =	ssyncset.done $0x0  }
0xb3: {  	[sflag:s24] =	ssyncadd.s32 $0xFFFFC000  }
0xb4: {  	_ =	swait.ge [sflag:s24], $0x4000  }
0xb5: {  	s30 =	smov.u32 s28;
	s26 =	sshra.s32 s29, $0x2;
	[sflag:s24] =	ssyncset.done $0x0  }
0xb6: {  	s28 =	sadd.s32 $0x14000, s26;
	[sflag:s24] =	ssyncadd.s32 $0xFFFFC000  }
0xb7: {  	[tilespmem:s17], [sflag:$0x1] =	stream.indirect.gather [hbm4b:s4+s21], $0x80, s28, s21, $0xb8;
	[tilespmem:$0x1E800] =	vst v63  }
0xb8: {  	s29 =	sadd.s32 $0x14080, s26  }
0xb9: {  	[tilespmem:s22], [sflag:$0x1] =	stream.indirect.gather [hbm4b:s4+s21], $0x80, s29, s21, $0xb8;
	[tilespmem:$0x1E800] =	vst v63  }
0xba: {  	_ =	swait.ge [sflag:s23], $0x4000  }
0xbb: {  	[sflag:s23] =	ssyncset.done $0x0  }
0xbc: {  	s31 =	sadd.s32 $0x15400, s26;
	[sflag:s23] =	ssyncadd.s32 $0xFFFFC000  }
0xbd: {  	[spmem:s2] =	stream.indirect.scatter.add.f32 [tilespmem:s17], [sflag:$0x2], $0x80, s31, s21, $0xb8;
	[tilespmem:$0x1E800] =	vst v63  }
0xbe: {  	_ =	swait.ge [sflag:s24], $0x4000  }
0xbf: {  	[sflag:s24] =	ssyncset.done $0x0  }
0xc0: {  	s29 =	sadd.s32 $0x14100, s26;
	[sflag:s24] =	ssyncadd.s32 $0xFFFFC000  }
0xc1: {  	[tilespmem:s17], [sflag:$0x1] =	stream.indirect.gather [hbm4b:s4+s21], $0x80, s29, s21, $0xb8;
	[tilespmem:$0x1E800] =	vst v63  }
0xc2: {  	_ =	swait.ge [sflag:s23], $0x4000  }
0xc3: {  	[sflag:s23] =	ssyncset.done $0x0  }
0xc4: {  	s31 =	sadd.s32 $0x15480, s26;
	[sflag:s23] =	ssyncadd.s32 $0xFFFFC000  }
0xc5: {  	[spmem:s2] =	stream.indirect.scatter.add.f32 [tilespmem:s22], [sflag:$0x2], $0x80, s31, s21, $0xb8;
	[tilespmem:$0x1E800] =	vst v63  }
0xc6: {  	_ =	swait.ge [sflag:s24], $0x4000  }
0xc7: {  	[sflag:s24] =	ssyncset.done $0x0  }
0xc8: {  	s29 =	sadd.s32 $0x14180, s26;
	[sflag:s24] =	ssyncadd.s32 $0xFFFFC000  }
0xc9: {  	[tilespmem:s22], [sflag:$0x1] =	stream.indirect.gather [hbm4b:s4+s21], $0x80, s29, s21, $0xb8;
	[tilespmem:$0x1E800] =	vst v63  }
0xca: {  	_ =	swait.ge [sflag:s23], $0x4000  }
0xcb: {  	[sflag:s23] =	ssyncset.done $0x0  }
0xcc: {  	s31 =	sadd.s32 $0x15500, s26;
	[sflag:s23] =	ssyncadd.s32 $0xFFFFC000  }
0xcd: {  	[spmem:s2] =	stream.indirect.scatter.add.f32 [tilespmem:s17], [sflag:$0x2], $0x80, s31, s21, $0xb8;
	[tilespmem:$0x1E800] =	vst v63  }
0xce: {  	_ =	swait.ge [sflag:s24], $0x4000  }
0xcf: {  	[sflag:s24] =	ssyncset.done $0x0  }
0xd0: {  	s29 =	sadd.s32 $0x14200, s26;
	[sflag:s24] =	ssyncadd.s32 $0xFFFFC000  }
0xd1: {  	[tilespmem:s17], [sflag:$0x1] =	stream.indirect.gather [hbm4b:s4+s21], $0x80, s29, s21, $0xb8;
	[tilespmem:$0x1E800] =	vst v63  }
0xd2: {  	_ =	swait.ge [sflag:s23], $0x4000  }
0xd3: {  	[sflag:s23] =	ssyncset.done $0x0  }
0xd4: {  	s31 =	sadd.s32 $0x15580, s26;
	[sflag:s23] =	ssyncadd.s32 $0xFFFFC000  }
0xd5: {  	[spmem:s2] =	stream.indirect.scatter.add.f32 [tilespmem:s22], [sflag:$0x2], $0x80, s31, s21, $0xb8;
	[tilespmem:$0x1E800] =	vst v63  }
0xd6: {  	_ =	swait.ge [sflag:s24], $0x4000  }
0xd7: {  	[sflag:s24] =	ssyncset.done $0x0  }
0xd8: {  	s29 =	sadd.s32 $0x14280, s26;
	[sflag:s24] =	ssyncadd.s32 $0xFFFFC000  }
0xd9: {  	[tilespmem:s22], [sflag:$0x1] =	stream.indirect.gather [hbm4b:s4+s21], $0x80, s29, s21, $0xb8;
	[tilespmem:$0x1E800] =	vst v63  }
0xda: {  	_ =	swait.ge [sflag:s23], $0x4000  }
0xdb: {  	[sflag:s23] =	ssyncset.done $0x0  }
0xdc: {  	s31 =	sadd.s32 $0x15600, s26;
	[sflag:s23] =	ssyncadd.s32 $0xFFFFC000  }
0xdd: {  	[spmem:s2] =	stream.indirect.scatter.add.f32 [tilespmem:s17], [sflag:$0x2], $0x80, s31, s21, $0xb8;
	[tilespmem:$0x1E800] =	vst v63  }
0xde: {  	_ =	swait.ge [sflag:s24], $0x4000  }
0xdf: {  	[sflag:s24] =	ssyncset.done $0x0  }
0xe0: {  	s29 =	sadd.s32 $0x14300, s26;
	[sflag:s24] =	ssyncadd.s32 $0xFFFFC000  }
0xe1: {  	[tilespmem:s17], [sflag:$0x1] =	stream.indirect.gather [hbm4b:s4+s21], $0x80, s29, s21, $0xb8;
	[tilespmem:$0x1E800] =	vst v63  }
0xe2: {  	_ =	swait.ge [sflag:s23], $0x4000  }
0xe3: {  	[sflag:s23] =	ssyncset.done $0x0  }
0xe4: {  	s31 =	sadd.s32 $0x15680, s26;
	[sflag:s23] =	ssyncadd.s32 $0xFFFFC000  }
0xe5: {  	[spmem:s2] =	stream.indirect.scatter.add.f32 [tilespmem:s22], [sflag:$0x2], $0x80, s31, s21, $0xb8;
	[tilespmem:$0x1E800] =	vst v63  }
0xe6: {  	_ =	swait.ge [sflag:s24], $0x4000  }
0xe7: {  	[sflag:s24] =	ssyncset.done $0x0  }
0xe8: {  	s29 =	sadd.s32 $0x14380, s26;
	[sflag:s24] =	ssyncadd.s32 $0xFFFFC000  }
0xe9: {  	[tilespmem:s22], [sflag:$0x1] =	stream.indirect.gather [hbm4b:s4+s21], $0x80, s29, s21, $0xb8;
	[tilespmem:$0x1E800] =	vst v63  }
0xea: {  	_ =	swait.ge [sflag:s23], $0x4000  }
0xeb: {  	[sflag:s23] =	ssyncset.done $0x0  }
0xec: {  	s31 =	sadd.s32 $0x15700, s26;
	[sflag:s23] =	ssyncadd.s32 $0xFFFFC000  }
0xed: {  	[spmem:s2] =	stream.indirect.scatter.add.f32 [tilespmem:s17], [sflag:$0x2], $0x80, s31, s21, $0xb8;
	[tilespmem:$0x1E800] =	vst v63  }
0xee: {  	_ =	swait.ge [sflag:s23], $0x4000  }
0xef: {  	[sflag:s23] =	ssyncset.done $0x0  }
0xf0: {  	s28 =	sadd.s32 $0x15780, s26;
	[sflag:s23] =	ssyncadd.s32 $0xFFFFC000  }
0xf1: {  	[spmem:s2] =	stream.indirect.scatter.add.f32 [tilespmem:s22], [sflag:$0x2], $0x80, s28, s21, $0xb8;
	[tilespmem:$0x1E800] =	vst v63  }
0xf2: {  	_ =	swait.ge [sflag:s24], $0x4000  }
0xf3: {  	[sflag:s24] =	ssyncset.done $0x0  }
0xf4: {  	[sflag:s24] =	ssyncadd.s32 $0xFFFFC000  }
0xf5: {  	_ =	swait.ge [sflag:s24], $0x4000  }
0xf6: {  	[sflag:s24] =	ssyncset.done $0x0  }
0xf7: {  	s29 =	simm.s32 $0x0;
	[sflag:s24] =	ssyncadd.s32 $0xFFFFC000  }
0xf8: {  	[tilespmem:s19], [sflag:$0x3] =	stream.linear.gather [hbm4b:s16+s29], $0x1400, $0x38;
	[tilespmem:$0x1E800] =	vst v63  }
0xf9: {  	_ =	swait.ge [sflag:s18], $0x1400  }
0xfa: {  	[sflag:s18] =	ssyncset.done $0x0  }
0xfb: {  	[sflag:s18] =	ssyncadd.s32 $0xFFFFEC00  }
0xfc: {  	[tilespmem:s20], [sflag:$0x3] =	stream.linear.gather [hbm4b:s12+s29], $0x1400, $0x38;
	[tilespmem:$0x1E800] =	vst v63  }
0xfd: {  	_ =	swait.ge [sflag:s18], $0x1400  }
0xfe: {  	[sflag:s18] =	ssyncset.done $0x0  }
0xff: {  	s31 =	simm.s32 $0x14000;
	[sflag:s18] =	ssyncadd.s32 $0xFFFFEC00  }
0x100: {  	[tilespmem:s17], [sflag:$0x1] =	stream.indirect.gather [hbm4b:s4+s21], $0x80, s31, s21, $0xb8;
	[tilespmem:$0x1E800] =	vst v63  }
0x101: {  	s28 =	simm.s32 $0x14080  }
0x102: {  	[tilespmem:s22], [sflag:$0x1] =	stream.indirect.gather [hbm4b:s4+s21], $0x80, s28, s21, $0xb8;
	[tilespmem:$0x1E800] =	vst v63  }
0x103: {  	_ =	swait.ge [sflag:s23], $0x4000  }
0x104: {  	[sflag:s23] =	ssyncset.done $0x0  }
0x105: {  	s29 =	simm.s32 $0x15400;
	[sflag:s23] =	ssyncadd.s32 $0xFFFFC000  }
0x106: {  	[spmem:s2] =	stream.indirect.scatter.add.f32 [tilespmem:s17], [sflag:$0x2], $0x80, s29, s21, $0xb8;
	[tilespmem:$0x1E800] =	vst v63  }
0x107: {  	_ =	swait.ge [sflag:s24], $0x4000  }
0x108: {  	[sflag:s24] =	ssyncset.done $0x0  }
0x109: {  	s31 =	simm.s32 $0x14100;
	[sflag:s24] =	ssyncadd.s32 $0xFFFFC000  }
0x10a: {  	[tilespmem:s17], [sflag:$0x1] =	stream.indirect.gather [hbm4b:s4+s21], $0x80, s31, s21, $0xb8;
	[tilespmem:$0x1E800] =	vst v63  }
0x10b: {  	_ =	swait.ge [sflag:s23], $0x4000  }
0x10c: {  	[sflag:s23] =	ssyncset.done $0x0  }
0x10d: {  	s28 =	simm.s32 $0x15480;
	[sflag:s23] =	ssyncadd.s32 $0xFFFFC000  }
0x10e: {  	[spmem:s2] =	stream.indirect.scatter.add.f32 [tilespmem:s22], [sflag:$0x2], $0x80, s28, s21, $0xb8;
	[tilespmem:$0x1E800] =	vst v63  }
0x10f: {  	_ =	swait.ge [sflag:s24], $0x4000  }
0x110: {  	[sflag:s24] =	ssyncset.done $0x0  }
0x111: {  	s29 =	simm.s32 $0x14180;
	[sflag:s24] =	ssyncadd.s32 $0xFFFFC000  }
0x112: {  	[tilespmem:s22], [sflag:$0x1] =	stream.indirect.gather [hbm4b:s4+s21], $0x80, s29, s21, $0xb8;
	[tilespmem:$0x1E800] =	vst v63  }
0x113: {  	_ =	swait.ge [sflag:s23], $0x4000  }
0x114: {  	[sflag:s23] =	ssyncset.done $0x0  }
0x115: {  	s31 =	simm.s32 $0x15500;
	[sflag:s23] =	ssyncadd.s32 $0xFFFFC000  }
0x116: {  	[spmem:s2] =	stream.indirect.scatter.add.f32 [tilespmem:s17], [sflag:$0x2], $0x80, s31, s21, $0xb8;
	[tilespmem:$0x1E800] =	vst v63  }
0x117: {  	_ =	swait.ge [sflag:s24], $0x4000  }
0x118: {  	[sflag:s24] =	ssyncset.done $0x0  }
0x119: {  	s28 =	simm.s32 $0x14200;
	[sflag:s24] =	ssyncadd.s32 $0xFFFFC000  }
0x11a: {  	[tilespmem:s17], [sflag:$0x1] =	stream.indirect.gather [hbm4b:s4+s21], $0x80, s28, s21, $0xb8;
	[tilespmem:$0x1E800] =	vst v63  }
0x11b: {  	_ =	swait.ge [sflag:s23], $0x4000  }
0x11c: {  	[sflag:s23] =	ssyncset.done $0x0  }
0x11d: {  	s29 =	simm.s32 $0x15580;
	[sflag:s23] =	ssyncadd.s32 $0xFFFFC000  }
0x11e: {  	[spmem:s2] =	stream.indirect.scatter.add.f32 [tilespmem:s22], [sflag:$0x2], $0x80, s29, s21, $0xb8;
	[tilespmem:$0x1E800] =	vst v63  }
0x11f: {  	_ =	swait.ge [sflag:s24], $0x4000  }
0x120: {  	[sflag:s24] =	ssyncset.done $0x0  }
0x121: {  	s31 =	simm.s32 $0x14280;
	[sflag:s24] =	ssyncadd.s32 $0xFFFFC000  }
0x122: {  	[tilespmem:s22], [sflag:$0x1] =	stream.indirect.gather [hbm4b:s4+s21], $0x80, s31, s21, $0xb8;
	[tilespmem:$0x1E800] =	vst v63  }
0x123: {  	_ =	swait.ge [sflag:s23], $0x4000  }
0x124: {  	[sflag:s23] =	ssyncset.done $0x0  }
0x125: {  	s28 =	simm.s32 $0x15600;
	[sflag:s23] =	ssyncadd.s32 $0xFFFFC000  }
0x126: {  	[spmem:s2] =	stream.indirect.scatter.add.f32 [tilespmem:s17], [sflag:$0x2], $0x80, s28, s21, $0xb8;
	[tilespmem:$0x1E800] =	vst v63  }
0x127: {  	_ =	swait.ge [sflag:s24], $0x4000  }
0x128: {  	[sflag:s24] =	ssyncset.done $0x0  }
0x129: {  	s29 =	simm.s32 $0x14300;
	[sflag:s24] =	ssyncadd.s32 $0xFFFFC000  }
0x12a: {  	[tilespmem:s17], [sflag:$0x1] =	stream.indirect.gather [hbm4b:s4+s21], $0x80, s29, s21, $0xb8;
	[tilespmem:$0x1E800] =	vst v63  }
0x12b: {  	_ =	swait.ge [sflag:s23], $0x4000  }
0x12c: {  	[sflag:s23] =	ssyncset.done $0x0  }
0x12d: {  	s31 =	simm.s32 $0x15680;
	[sflag:s23] =	ssyncadd.s32 $0xFFFFC000  }
0x12e: {  	[spmem:s2] =	stream.indirect.scatter.add.f32 [tilespmem:s22], [sflag:$0x2], $0x80, s31, s21, $0xb8;
	[tilespmem:$0x1E800] =	vst v63  }
0x12f: {  	_ =	swait.ge [sflag:s24], $0x4000  }
0x130: {  	[sflag:s24] =	ssyncset.done $0x0  }
0x131: {  	s28 =	simm.s32 $0x14380;
	[sflag:s24] =	ssyncadd.s32 $0xFFFFC000  }
0x132: {  	[tilespmem:s22], [sflag:$0x1] =	stream.indirect.gather [hbm4b:s4+s21], $0x80, s28, s21, $0xb8;
	[tilespmem:$0x1E800] =	vst v63  }
0x133: {  	_ =	swait.ge [sflag:s23], $0x4000  }
0x134: {  	[sflag:s23] =	ssyncset.done $0x0  }
0x135: {  	s29 =	simm.s32 $0x15700;
	[sflag:s23] =	ssyncadd.s32 $0xFFFFC000  }
0x136: {  	[spmem:s2] =	stream.indirect.scatter.add.f32 [tilespmem:s17], [sflag:$0x2], $0x80, s29, s21, $0xb8;
	[tilespmem:$0x1E800] =	vst v63  }
0x137: {  	_ =	swait.ge [sflag:s23], $0x4000  }
0x138: {  	[sflag:s23] =	ssyncset.done $0x0  }
0x139: {  	s31 =	simm.s32 $0x15780;
	[sflag:s23] =	ssyncadd.s32 $0xFFFFC000  }
0x13a: {  	[spmem:s2] =	stream.indirect.scatter.add.f32 [tilespmem:s22], [sflag:$0x2], $0x80, s31, s21, $0xb8;
	[tilespmem:$0x1E800] =	vst v63  }
0x13b: {  	_ =	swait.ge [sflag:s24], $0x4000  }
0x13c: {  	[sflag:s24] =	ssyncset.done $0x0  }
0x13d: {  	[sflag:s24] =	ssyncadd.s32 $0xFFFFC000  }
0x13e: {  	_ =	swait.ge [sflag:s24], $0x4000  }
0x13f: {  	s30 =	simm.s32 $0x2000;
	s26 =	simm.s32 $0x400;
	[sflag:s24] =	ssyncset.done $0x0  }
.LBB2_4:
0x140: {  	s31 =	sadd.s32 $0x14000, s26  }
0x141: {  	[sflag:s24] =	ssyncadd.s32 $0xFFFFC000;
	s29 =	smov.u32 s30;
	s28 =	sadd.s32 $0x1000, s30  }
0x142: {  	[tilespmem:s17], [sflag:$0x1] =	stream.indirect.gather [hbm4b:s4+s21], $0x80, s31, s21, $0xb8;
	[tilespmem:$0x1E800] =	vst v63  }
0x143: {  	p0 =	sne.s32 s30, $0x4000;
	s30 =	sadd.s32 $0x14080, s26  }
0x144: {  	[tilespmem:s22], [sflag:$0x1] =	stream.indirect.gather [hbm4b:s4+s21], $0x80, s30, s21, $0xb8;
	[tilespmem:$0x1E800] =	vst v63  }
0x145: {  	_ =	swait.ge [sflag:s23], $0x4000  }
0x146: {  	[sflag:s23] =	ssyncset.done $0x0  }
0x147: {  	s30 =	sadd.s32 $0x15400, s26;
	[sflag:s23] =	ssyncadd.s32 $0xFFFFC000  }
0x148: {  	[spmem:s2] =	stream.indirect.scatter.add.f32 [tilespmem:s17], [sflag:$0x2], $0x80, s30, s21, $0xb8;
	[tilespmem:$0x1E800] =	vst v63  }
0x149: {  	_ =	swait.ge [sflag:s24], $0x4000  }
0x14a: {  	[sflag:s24] =	ssyncset.done $0x0  }
0x14b: {  	s30 =	sadd.s32 $0x14100, s26;
	[sflag:s24] =	ssyncadd.s32 $0xFFFFC000  }
0x14c: {  	[tilespmem:s17], [sflag:$0x1] =	stream.indirect.gather [hbm4b:s4+s21], $0x80, s30, s21, $0xb8;
	[tilespmem:$0x1E800] =	vst v63  }
0x14d: {  	_ =	swait.ge [sflag:s23], $0x4000  }
0x14e: {  	[sflag:s23] =	ssyncset.done $0x0  }
0x14f: {  	s30 =	sadd.s32 $0x15480, s26;
	[sflag:s23] =	ssyncadd.s32 $0xFFFFC000  }
0x150: {  	[spmem:s2] =	stream.indirect.scatter.add.f32 [tilespmem:s22], [sflag:$0x2], $0x80, s30, s21, $0xb8;
	[tilespmem:$0x1E800] =	vst v63  }
0x151: {  	_ =	swait.ge [sflag:s24], $0x4000  }
0x152: {  	[sflag:s24] =	ssyncset.done $0x0  }
0x153: {  	s30 =	sadd.s32 $0x14180, s26;
	[sflag:s24] =	ssyncadd.s32 $0xFFFFC000  }
0x154: {  	[tilespmem:s22], [sflag:$0x1] =	stream.indirect.gather [hbm4b:s4+s21], $0x80, s30, s21, $0xb8;
	[tilespmem:$0x1E800] =	vst v63  }
0x155: {  	_ =	swait.ge [sflag:s23], $0x4000  }
0x156: {  	[sflag:s23] =	ssyncset.done $0x0  }
0x157: {  	s30 =	sadd.s32 $0x15500, s26;
	[sflag:s23] =	ssyncadd.s32 $0xFFFFC000  }
0x158: {  	[spmem:s2] =	stream.indirect.scatter.add.f32 [tilespmem:s17], [sflag:$0x2], $0x80, s30, s21, $0xb8;
	[tilespmem:$0x1E800] =	vst v63  }
0x159: {  	_ =	swait.ge [sflag:s24], $0x4000  }
0x15a: {  	[sflag:s24] =	ssyncset.done $0x0  }
0x15b: {  	s30 =	sadd.s32 $0x14200, s26;
	[sflag:s24] =	ssyncadd.s32 $0xFFFFC000  }
0x15c: {  	[tilespmem:s17], [sflag:$0x1] =	stream.indirect.gather [hbm4b:s4+s21], $0x80, s30, s21, $0xb8;
	[tilespmem:$0x1E800] =	vst v63  }
0x15d: {  	_ =	swait.ge [sflag:s23], $0x4000  }
0x15e: {  	[sflag:s23] =	ssyncset.done $0x0  }
0x15f: {  	s30 =	sadd.s32 $0x15580, s26;
	[sflag:s23] =	ssyncadd.s32 $0xFFFFC000  }
0x160: {  	[spmem:s2] =	stream.indirect.scatter.add.f32 [tilespmem:s22], [sflag:$0x2], $0x80, s30, s21, $0xb8;
	[tilespmem:$0x1E800] =	vst v63  }
0x161: {  	_ =	swait.ge [sflag:s24], $0x4000  }
0x162: {  	[sflag:s24] =	ssyncset.done $0x0  }
0x163: {  	s30 =	sadd.s32 $0x14280, s26;
	[sflag:s24] =	ssyncadd.s32 $0xFFFFC000  }
0x164: {  	[tilespmem:s22], [sflag:$0x1] =	stream.indirect.gather [hbm4b:s4+s21], $0x80, s30, s21, $0xb8;
	[tilespmem:$0x1E800] =	vst v63  }
0x165: {  	_ =	swait.ge [sflag:s23], $0x4000  }
0x166: {  	[sflag:s23] =	ssyncset.done $0x0  }
0x167: {  	s30 =	sadd.s32 $0x15600, s26;
	[sflag:s23] =	ssyncadd.s32 $0xFFFFC000  }
0x168: {  	[spmem:s2] =	stream.indirect.scatter.add.f32 [tilespmem:s17], [sflag:$0x2], $0x80, s30, s21, $0xb8;
	[tilespmem:$0x1E800] =	vst v63  }
0x169: {  	_ =	swait.ge [sflag:s24], $0x4000  }
0x16a: {  	[sflag:s24] =	ssyncset.done $0x0  }
0x16b: {  	s30 =	sadd.s32 $0x14300, s26;
	[sflag:s24] =	ssyncadd.s32 $0xFFFFC000  }
0x16c: {  	[tilespmem:s17], [sflag:$0x1] =	stream.indirect.gather [hbm4b:s4+s21], $0x80, s30, s21, $0xb8;
	[tilespmem:$0x1E800] =	vst v63  }
0x16d: {  	_ =	swait.ge [sflag:s23], $0x4000  }
0x16e: {  	[sflag:s23] =	ssyncset.done $0x0  }
0x16f: {  	s30 =	sadd.s32 $0x15680, s26;
	[sflag:s23] =	ssyncadd.s32 $0xFFFFC000  }
0x170: {  	[spmem:s2] =	stream.indirect.scatter.add.f32 [tilespmem:s22], [sflag:$0x2], $0x80, s30, s21, $0xb8;
	[tilespmem:$0x1E800] =	vst v63  }
0x171: {  	_ =	swait.ge [sflag:s24], $0x4000  }
0x172: {  	[sflag:s24] =	ssyncset.done $0x0  }
0x173: {  	s30 =	sadd.s32 $0x14380, s26;
	[sflag:s24] =	ssyncadd.s32 $0xFFFFC000  }
0x174: {  	[tilespmem:s22], [sflag:$0x1] =	stream.indirect.gather [hbm4b:s4+s21], $0x80, s30, s21, $0xb8;
	[tilespmem:$0x1E800] =	vst v63  }
0x175: {  	_ =	swait.ge [sflag:s23], $0x4000  }
0x176: {  	[sflag:s23] =	ssyncset.done $0x0  }
0x177: {  	s30 =	sadd.s32 $0x15700, s26;
	[sflag:s23] =	ssyncadd.s32 $0xFFFFC000  }
0x178: {  	[spmem:s2] =	stream.indirect.scatter.add.f32 [tilespmem:s17], [sflag:$0x2], $0x80, s30, s21, $0xb8;
	[tilespmem:$0x1E800] =	vst v63  }
0x179: {  	_ =	swait.ge [sflag:s23], $0x4000  }
0x17a: {  	[sflag:s23] =	ssyncset.done $0x0  }
0x17b: {  	s26 =	sadd.s32 $0x15780, s26;
	[sflag:s23] =	ssyncadd.s32 $0xFFFFC000  }
0x17c: {  	[spmem:s2] =	stream.indirect.scatter.add.f32 [tilespmem:s22], [sflag:$0x2], $0x80, s26, s21, $0xb8;
	[tilespmem:$0x1E800] =	vst v63  }
.Ltmp1:
0x17d: {  	_ =	swait.ge [sflag:s24], $0x4000;
	(pc) =	sbr.rel @p0 .LBB2_4-.Ltmp1, $4  }
0x17e: {  	[sflag:s24] =	ssyncset.done $0x0  }
0x17f: {  	[sflag:s24] =	ssyncadd.s32 $0xFFFFC000  }
0x180: {  	_ =	swait.ge [sflag:s24], $0x4000  }
0x181: {  	s30 =	smov.u32 s28;
	s26 =	sshra.s32 s29, $0x2;
	[sflag:s24] =	ssyncset.done $0x0  }
0x182: {  	s28 =	sadd.s32 $0x14000, s26;
	[sflag:s24] =	ssyncadd.s32 $0xFFFFC000  }
0x183: {  	[tilespmem:s17], [sflag:$0x1] =	stream.indirect.gather [hbm4b:s4+s21], $0x80, s28, s21, $0xb8;
	[tilespmem:$0x1E800] =	vst v63  }
0x184: {  	s30 =	sadd.s32 $0x14080, s26  }
0x185: {  	[tilespmem:s22], [sflag:$0x1] =	stream.indirect.gather [hbm4b:s4+s21], $0x80, s30, s21, $0xb8;
	[tilespmem:$0x1E800] =	vst v63  }
0x186: {  	_ =	swait.ge [sflag:s23], $0x4000  }
0x187: {  	[sflag:s23] =	ssyncset.done $0x0  }
0x188: {  	s31 =	sadd.s32 $0x15400, s26;
	[sflag:s23] =	ssyncadd.s32 $0xFFFFC000  }
0x189: {  	[spmem:s2] =	stream.indirect.scatter.add.f32 [tilespmem:s17], [sflag:$0x2], $0x80, s31, s21, $0xb8;
	[tilespmem:$0x1E800] =	vst v63  }
0x18a: {  	_ =	swait.ge [sflag:s24], $0x4000  }
0x18b: {  	[sflag:s24] =	ssyncset.done $0x0  }
0x18c: {  	s29 =	sadd.s32 $0x14100, s26;
	[sflag:s24] =	ssyncadd.s32 $0xFFFFC000  }
0x18d: {  	[tilespmem:s17], [sflag:$0x1] =	stream.indirect.gather [hbm4b:s4+s21], $0x80, s29, s21, $0xb8;
	[tilespmem:$0x1E800] =	vst v63  }
0x18e: {  	_ =	swait.ge [sflag:s23], $0x4000  }
0x18f: {  	[sflag:s23] =	ssyncset.done $0x0  }
0x190: {  	s30 =	sadd.s32 $0x15480, s26;
	[sflag:s23] =	ssyncadd.s32 $0xFFFFC000  }
0x191: {  	[spmem:s2] =	stream.indirect.scatter.add.f32 [tilespmem:s22], [sflag:$0x2], $0x80, s30, s21, $0xb8;
	[tilespmem:$0x1E800] =	vst v63  }
0x192: {  	_ =	swait.ge [sflag:s24], $0x4000  }
0x193: {  	[sflag:s24] =	ssyncset.done $0x0  }
0x194: {  	s31 =	sadd.s32 $0x14180, s26;
	[sflag:s24] =	ssyncadd.s32 $0xFFFFC000  }
0x195: {  	[tilespmem:s22], [sflag:$0x1] =	stream.indirect.gather [hbm4b:s4+s21], $0x80, s31, s21, $0xb8;
	[tilespmem:$0x1E800] =	vst v63  }
0x196: {  	_ =	swait.ge [sflag:s23], $0x4000  }
0x197: {  	[sflag:s23] =	ssyncset.done $0x0  }
0x198: {  	s29 =	sadd.s32 $0x15500, s26;
	[sflag:s23] =	ssyncadd.s32 $0xFFFFC000  }
0x199: {  	[spmem:s2] =	stream.indirect.scatter.add.f32 [tilespmem:s17], [sflag:$0x2], $0x80, s29, s21, $0xb8;
	[tilespmem:$0x1E800] =	vst v63  }
0x19a: {  	_ =	swait.ge [sflag:s24], $0x4000  }
0x19b: {  	[sflag:s24] =	ssyncset.done $0x0  }
0x19c: {  	s30 =	sadd.s32 $0x14200, s26;
	[sflag:s24] =	ssyncadd.s32 $0xFFFFC000  }
0x19d: {  	[tilespmem:s17], [sflag:$0x1] =	stream.indirect.gather [hbm4b:s4+s21], $0x80, s30, s21, $0xb8;
	[tilespmem:$0x1E800] =	vst v63  }
0x19e: {  	_ =	swait.ge [sflag:s23], $0x4000  }
0x19f: {  	[sflag:s23] =	ssyncset.done $0x0  }
0x1a0: {  	s31 =	sadd.s32 $0x15580, s26;
	[sflag:s23] =	ssyncadd.s32 $0xFFFFC000  }
0x1a1: {  	[spmem:s2] =	stream.indirect.scatter.add.f32 [tilespmem:s22], [sflag:$0x2], $0x80, s31, s21, $0xb8;
	[tilespmem:$0x1E800] =	vst v63  }
0x1a2: {  	_ =	swait.ge [sflag:s24], $0x4000  }
0x1a3: {  	[sflag:s24] =	ssyncset.done $0x0  }
0x1a4: {  	s29 =	sadd.s32 $0x14280, s26;
	[sflag:s24] =	ssyncadd.s32 $0xFFFFC000  }
0x1a5: {  	[tilespmem:s22], [sflag:$0x1] =	stream.indirect.gather [hbm4b:s4+s21], $0x80, s29, s21, $0xb8;
	[tilespmem:$0x1E800] =	vst v63  }
0x1a6: {  	_ =	swait.ge [sflag:s23], $0x4000  }
0x1a7: {  	[sflag:s23] =	ssyncset.done $0x0  }
0x1a8: {  	s30 =	sadd.s32 $0x15600, s26;
	[sflag:s23] =	ssyncadd.s32 $0xFFFFC000  }
0x1a9: {  	[spmem:s2] =	stream.indirect.scatter.add.f32 [tilespmem:s17], [sflag:$0x2], $0x80, s30, s21, $0xb8;
	[tilespmem:$0x1E800] =	vst v63  }
0x1aa: {  	_ =	swait.ge [sflag:s24], $0x4000  }
0x1ab: {  	[sflag:s24] =	ssyncset.done $0x0  }
0x1ac: {  	s31 =	sadd.s32 $0x14300, s26;
	[sflag:s24] =	ssyncadd.s32 $0xFFFFC000  }
0x1ad: {  	[tilespmem:s17], [sflag:$0x1] =	stream.indirect.gather [hbm4b:s4+s21], $0x80, s31, s21, $0xb8;
	[tilespmem:$0x1E800] =	vst v63  }
0x1ae: {  	_ =	swait.ge [sflag:s23], $0x4000  }
0x1af: {  	[sflag:s23] =	ssyncset.done $0x0  }
0x1b0: {  	s29 =	sadd.s32 $0x15680, s26;
	[sflag:s23] =	ssyncadd.s32 $0xFFFFC000  }
0x1b1: {  	[spmem:s2] =	stream.indirect.scatter.add.f32 [tilespmem:s22], [sflag:$0x2], $0x80, s29, s21, $0xb8;
	[tilespmem:$0x1E800] =	vst v63  }
0x1b2: {  	_ =	swait.ge [sflag:s24], $0x4000  }
0x1b3: {  	[sflag:s24] =	ssyncset.done $0x0  }
0x1b4: {  	s30 =	sadd.s32 $0x14380, s26;
	[sflag:s24] =	ssyncadd.s32 $0xFFFFC000  }
0x1b5: {  	[tilespmem:s22], [sflag:$0x1] =	stream.indirect.gather [hbm4b:s4+s21], $0x80, s30, s21, $0xb8;
	[tilespmem:$0x1E800] =	vst v63  }
0x1b6: {  	_ =	swait.ge [sflag:s23], $0x4000  }
0x1b7: {  	[sflag:s23] =	ssyncset.done $0x0  }
0x1b8: {  	s31 =	sadd.s32 $0x15700, s26;
	[sflag:s23] =	ssyncadd.s32 $0xFFFFC000  }
0x1b9: {  	[spmem:s2] =	stream.indirect.scatter.add.f32 [tilespmem:s17], [sflag:$0x2], $0x80, s31, s21, $0xb8;
	[tilespmem:$0x1E800] =	vst v63  }
0x1ba: {  	_ =	swait.ge [sflag:s23], $0x4000  }
0x1bb: {  	[sflag:s23] =	ssyncset.done $0x0  }
0x1bc: {  	s29 =	sadd.s32 $0x15780, s26;
	[sflag:s23] =	ssyncadd.s32 $0xFFFFC000  }
0x1bd: {  	[spmem:s2] =	stream.indirect.scatter.add.f32 [tilespmem:s22], [sflag:$0x2], $0x80, s29, s21, $0xb8;
	[tilespmem:$0x1E800] =	vst v63  }
0x1be: {  	_ =	swait.ge [sflag:s24], $0x4000  }
0x1bf: {  	[sflag:s24] =	ssyncset.done $0x0  }
0x1c0: {  	[sflag:s24] =	ssyncadd.s32 $0xFFFFC000  }
0x1c1: {  	_ =	swait.ge [sflag:s24], $0x4000  }
0x1c2: {  	s25 =	sadd.s32 $0x1, s25;
	s30 =	sshll.u32 s1, $0x6;
	[sflag:s24] =	ssyncset.done $0x0  }
0x1c3: {  	p0 =	sne.s32 s25, s14;
	s26 =	sor.u32 $0x1C03, s30;
	[sflag:s24] =	ssyncadd.s32 $0xFFFFC000  }
.Ltmp2:
0x1c4: {  	s31 =	sshrl.u32 s6, $0x3;
	[bflag:$0x0] =	sbarrier.arrive $0xFFFF;
	(pc) =	sbr.rel @p0 .LBB2_1-.Ltmp2, $4  }
0x1c5: {  	[hbm:s13], [sflag:s26] =	dma.local [spmem:s31], $0x2800  }
0x1c6: {  	_ =	swait.ge [sflag:s18], $0x2800  }
0x1c7: {  	[sflag:s18] =	ssyncset.done $0x0  }
0x1c8: {  	[sflag:s18] =	ssyncadd.s32 $0xFFFFD800  }
0x1c9: {  	_ =	sfence.sel $0x180000  }
0x1ca: {  	[bflag:$0x0] =	sbarrier.arrive $0xFFFF  }
0x1cb: {  	p0 =	sne.s32 s1, $0x0;
	_ =	strace $0x9000004D  }
0x1cc: {  	s0 =	sadd.s32 @!p0 $0x100000, s0;
	[bflag:$0x2] =	sbarrier.arrive $0xFFFF  }
0x1cd: {  	[sflag:s0] =	ssyncadd.tile.s32 @!p0 $0x1;
	_ =	shalt  }
.Lfunc_end2:
_tile_overlayer_lowered:
.L_overlay_start_2:
0x1ce: {  	(tag) =	ssettag $0x2  }
0x1cf: {  	s0 =	rddreg [dreg:$0x0];
	s2 =	stileid.u32  }
0x1d0: {  	s1 =	rddreg [dreg:$0x1];
	p0 =	sne.s32 s2, $0x0  }
0x1d1: {  	s3 =	rddreg [dreg:$0x2];
	[bflag:$0x3] =	sbarrier.arrive $0xFFFF;
	s2 =	simm.s32 @!p0 $0x1C03  }
0x1d2: {  	[timem:s3], [sflag:s2] =	dma.local @!p0 [hbm:s0], s1  }
0x1d3: {  	s0 =	simm.s32 @!p0 $0x3  }
0x1d4: {  	_ =	swait.ge @!p0 [sflag:s0], s1  }
0x1d5: {  	s1 =	ssub.s32 @!p0 $0x0, s1;
	[sflag:s0] =	ssyncset.done @!p0 $0x0  }
0x1d6: {  	[sflag:s0] =	ssyncadd.s32 @!p0 s1  }
0x1d7: {  	[bflag:$0x3] =	sbarrier.arrive $0xFFFF  }
0x1d8: {  	_ =	shalt  }

// kernel: _run.8.cloned.1.call-start
scs
__scs_entry_jumppad:
0x0: {  	(pc) =	sbr.rel $0x88, $3  }
0x1: {  	(tag) =	ssettag $0x0;
	lr =	simm.s32 $0x1  }
0x2: {  	[smem:$0x3F9B] =	sst lr;
	_ =	strace $0xD0000000  }
0x3: {  	_ = 	snop  }
0x4: {  	_ = 	snop  }
0x5: {  	_ = 	snop  }
0x6: {  	_ = 	snop  }
0x7: {  	_ = 	snop  }
__scs_overlays_trampoline_lowered:
0x8: {  	[smem:$0x3FAA] =	sst s0  }
0x9: {  	[smem:$0x3FAB] =	sst s1  }
0xa: {  	[smem:$0x3FAC] =	sst s2  }
0xb: {  	[smem:$0x3FAD] =	sst s3  }
0xc: {  	[smem:$0x3FAE] =	sst s4  }
0xd: {  	[smem:$0x3FAF] =	sst s5  }
0xe: {  	[smem:$0x3FB0] =	sst s6  }
0xf: {  	[smem:$0x3FB1] =	sst s7  }
0x10: {  	[smem:$0x3FB2] =	sst s8  }
0x11: {  	[smem:$0x3FB3] =	sst s9;
	s0 =	simm.s32 @!p0 $0x0  }
0x12: {  	s1 =	sld [smem:$0x3F99];
	s0 =	simm.s32 @p0 $0x1  }
0x13: {  	[smem:$0x3FB4] =	sst s0;
	s0 =	simm.s32 @!p1 $0x0  }
0x14: {  	s2 =	sld [smem:$0x3F98];
	s0 =	simm.s32 @p1 $0x1  }
0x15: {  	[smem:$0x3FB5] =	sst s0;
	s0 =	simm.s32 @!p2 $0x0  }
0x16: {  	s3 =	sld [smem:$0x3FDB];
	s0 =	simm.s32 @p2 $0x1  }
0x17: {  	s4 =	simm.s32 $0x1BF5;
	[smem:$0x3FB7] =	sst s0  }
0x18: {  	s0 =	sld [smem:$0x3F9A];
	_ =	swait.ge [sflag:s4], $0x0  }
0x19: {  	s7 =	sld [smem:$0x3F9B]  }
0x1a: {  	s8 =	sadd.s32 $0xFFFFE003, lr  }
0x1b: {  	s9 =	sadd.s32 $0xFFFFFEF7, lr;
	s5 =	simm.s32 $0xFFFFFFFF;
	p2 =	slt.u32 s8, $0xFFFFF086  }
0x1c: {  	p1 =	slt.u32 s9, $0xF7A;
	s5 =	simm.s32 @!p2 $0x0  }
0x1d: {  	s5 =	simm.s32 @p1 $0x1;
	p0 =	seq.s32 s7, s2  }
0x1e: {  	s7 =	smul.u32 @!p0 $0xF7A, s2;
	p2 =	seq.s32 @!p0 s5, $0x0  }
0x1f: {  	s9 =	smul.u32 $0xF7A, s1;
	s8 =	simm.s32 @!p0 $0x1BF5;
	p2 =	por !p2, p0  }
0x20: {  	[sflag:s8] =	ssyncset.s32 @!p0 $0xFFFFF086;
	s6 =	sadd.s32 @!p0 s3, s7;
	s7 =	simm.s32 @!p0 $0x108  }
0x21: {  	s3 =	sadd.s32 s3, s9;
	s6 =	sadd.s32 @!p0 $0x88, s6;
	s7 =	simm.s32 @p2 $0x1082  }
0x22: {  	[simem:s7], [sflag:s8] =	dma.local @!p0 [hbm:s6], $0xF7A  }
0x23: {  	s9 =	sor.u32 $0xD0000000, s2;
	s6 =	simm.s32 $0x108;
	_ =	swait.ge @!p0 [sflag:s8], $0x0  }
0x24: {  	s3 =	sadd.s32 $0x88, s3;
	s6 =	simm.s32 @!p1 $0x1082;
	[sflag:s4] =	ssyncset.s32 $0xFFFFF086  }
0x25: {  	[simem:s6], [sflag:s4] =	dma.local [hbm:s3], $0xF7A  }
0x26: {  	[smem:$0x3F9B] =	sst s1;
	(tag) =	ssettag s2;
	_ =	strace s9  }
0x27: {  	s1 =	sld [smem:$0x3FAB]  }
0x28: {  	s2 =	sld [smem:$0x3FAC]  }
0x29: {  	s4 =	sld [smem:$0x3FAE]  }
0x2a: {  	p0 =	seq.s32 s5, $0x0;
	s5 =	sld [smem:$0x3FAF]  }
0x2b: {  	s6 =	sld [smem:$0x3FB0]  }
0x2c: {  	s7 =	sld [smem:$0x3FB1]  }
0x2d: {  	s3 =	simm.s32 $0x108;
	s8 =	sld [smem:$0x3FB2]  }
0x2e: {  	s3 =	simm.s32 @!p0 $0x1082;
	s9 =	sld [smem:$0x3FB3]  }
0x2f: {  	lr =	sadd.s32 s0, s3;
	s0 =	sld [smem:$0x3FAA]  }
0x30: {  	s3 =	sld [smem:$0x3FAD]  }
0x31: {  	[smem:$0x3FB6] =	sst s10  }
0x32: {  	s10 =	sld [smem:$0x3FB4];
	_ =	sdelay $0x3  }
0x33: {  	p0 =	seq.s32 s10, $0x1;
	s10 =	sld [smem:$0x3FB6];
	_ =	sdelay $0x3  }
0x34: {  	[smem:$0x3FB6] =	sst s10  }
0x35: {  	s10 =	sld [smem:$0x3FB5];
	_ =	sdelay $0x3  }
0x36: {  	p1 =	seq.s32 s10, $0x1;
	s10 =	sld [smem:$0x3FB6];
	_ =	sdelay $0x3  }
0x37: {  	[smem:$0x3FB6] =	sst s10  }
0x38: {  	s10 =	sld [smem:$0x3FB7]  }
0x39: {  	_ = 	snop;
	(pc) =	sbr.ind lr, $3  }
0x3a: {  	_ = 	snop  }
0x3b: {  	_ = 	snop  }
0x3c: {  	p2 =	seq.s32 s10, $0x1;
	s10 =	sld [smem:$0x3FB6]  }
0x3d: {  	_ =	shalt  }
0x3e: {  	_ =	shalt  }
0x3f: {  	_ =	shalt  }
0x40: {  	_ =	shalt  }
0x41: {  	_ =	shalt  }
0x42: {  	_ =	shalt  }
0x43: {  	_ =	shalt  }
0x44: {  	_ =	shalt  }
0x45: {  	_ =	shalt  }
0x46: {  	_ =	shalt  }
0x47: {  	_ =	shalt  }
0x48: {  	_ =	shalt  }
0x49: {  	_ =	shalt  }
0x4a: {  	_ =	shalt  }
0x4b: {  	_ =	shalt  }
0x4c: {  	_ =	shalt  }
0x4d: {  	_ =	shalt  }
0x4e: {  	_ =	shalt  }
0x4f: {  	_ =	shalt  }
0x50: {  	_ =	shalt  }
0x51: {  	_ =	shalt  }
0x52: {  	_ =	shalt  }
0x53: {  	_ =	shalt  }
0x54: {  	_ =	shalt  }
0x55: {  	_ =	shalt  }
0x56: {  	_ =	shalt  }
0x57: {  	_ =	shalt  }
0x58: {  	_ =	shalt  }
0x59: {  	_ =	shalt  }
0x5a: {  	_ =	shalt  }
0x5b: {  	_ =	shalt  }
0x5c: {  	_ =	shalt  }
0x5d: {  	_ =	shalt  }
0x5e: {  	_ =	shalt  }
0x5f: {  	_ =	shalt  }
0x60: {  	_ =	shalt  }
0x61: {  	_ =	shalt  }
0x62: {  	_ =	shalt  }
0x63: {  	_ =	shalt  }
0x64: {  	_ =	shalt  }
0x65: {  	_ =	shalt  }
0x66: {  	_ =	shalt  }
0x67: {  	_ =	shalt  }
0x68: {  	_ =	shalt  }
0x69: {  	_ =	shalt  }
0x6a: {  	_ =	shalt  }
0x6b: {  	_ =	shalt  }
0x6c: {  	_ =	shalt  }
0x6d: {  	_ =	shalt  }
0x6e: {  	_ =	shalt  }
0x6f: {  	_ =	shalt  }
0x70: {  	_ =	shalt  }
0x71: {  	_ =	shalt  }
0x72: {  	_ =	shalt  }
0x73: {  	_ =	shalt  }
0x74: {  	_ =	shalt  }
0x75: {  	_ =	shalt  }
0x76: {  	_ =	shalt  }
0x77: {  	_ =	shalt  }
0x78: {  	_ =	shalt  }
0x79: {  	_ =	shalt  }
0x7a: {  	_ =	shalt  }
0x7b: {  	_ =	shalt  }
0x7c: {  	_ =	shalt  }
0x7d: {  	_ =	shalt  }
0x7e: {  	_ =	shalt  }
0x7f: {  	_ =	shalt  }
0x80: {  	_ =	shalt  }
0x81: {  	_ =	shalt  }
0x82: {  	_ =	shalt  }
0x83: {  	_ =	shalt  }
0x84: {  	_ =	shalt  }
0x85: {  	_ =	shalt  }
0x86: {  	_ =	shalt  }
0x87: {  	_ =	shalt  }
.Lfunc_end0:
.L_simem_size_0:
called_computation_lowered:
.L_overlay_start_0:
0x88: {  	s2 =	sld [smem:$0x3FD9]  }
0x89: {  	s3 =	sld [smem:$0x3FFE];
	_ =	sdelay $0x1  }
0x8a: {  	s1 =	srdreg.scid  }
0x8b: {  	s0 =	sand.u32 $0x1, s1  }
0x8c: {  	s16 =	sshll.u32 s0, $0xA;
	s2 =	sadd.s32 s3, s2  }
0x8d: {  	s2 =	sadd.s32 s2, s16  }
0x8e: {  	[smem:$0x3FC2] =	sst s2  }
0x8f: {  	_ = 	snop  }
0x90: {  	(tm) =	ssettm $0x1  }
0x91: {  	s17 =	sld [smem:$0x3FFB];
	_ =	sdelay $0x3  }
0x92: {  	_ =	strace s17  }
0x93: {  	s2 =	sld [smem:$0x3FFC];
	_ =	sdelay $0x3  }
0x94: {  	_ =	strace s2  }
0x95: {  	s2 =	sld [smem:$0x3FFD];
	_ =	sdelay $0x3  }
0x96: {  	_ =	strace s2  }
0x97: {  	_ =	strace $0x8FFFFFFF  }
0x98: {  	s18 =	sld [smem:$0x3FDB];
	_ =	sdelay $0x1  }
0x99: {  	s19 =	simm.s32 $_scs_section_size  }
0x9a: {  	s4 =	simm.s32 $_size__tile_overlayer_lowered;
	s5 =	simm.s32 $_tile_overlayer_lowered  }
0x9b: {  	s22 =	simm.s32 $0x1BFF;
	s21 =	sshll.u32 s5, $0x1;
	s2 =	sadd.s32 s19, s18  }
0x9c: {  	s6 =	simm.s32 $0x0;
	s20 =	sshll.u32 s4, $0x1;
	s4 =	sadd.s32 s21, s2  }
0x9d: {  	[timem:s6], [sflag:s22] =	dma.local [hbm:s4], s20  }
0x9e: {  	_ =	swait.ge [sflag:s22], s20  }
0x9f: {  	s3 =	ssub.s32 $0x0, s20;
	[sflag:s22] =	ssyncset.done $0x0  }
0xa0: {  	[sflag:s22] =	ssyncadd.s32 s3;
	_ =	sdelay $0x1  }
0xa1: {  	s23 =	simm.s32 $0x1B8B  }
0xa2: {  	_ =	swait.ge [sflag:s23], $0x1  }
0xa3: {  	[sflag:s23] =	ssyncset.done $0x0  }
0xa4: {  	s25 =	simm.s32 $0x1B8E;
	s24 =	sld [smem:$0x3FFE];
	[sflag:s23] =	ssyncadd.s32 $0xFFFFFFFF  }
0xa5: {  	s26 =	simm.s32 $execute0_lowered;
	[smem:$0x3FD2] =	sst s25  }
0xa6: {  	s4 =	sshll.u32 s26, $0x1;
	_ =	strace $0x80000046;
	[dreg:$0x1] =	wrdreg $0xFFFFFFFF  }
0xa7: {  	s28 =	simm.s32 $_size_execute0_lowered;
	s2 =	sadd.s32 s2, s4;
	[dreg:$0x0] =	wrdreg $0x0  }
0xa8: {  	s4 =	sshll.u32 s28, $0x1;
	[dreg:$0x2] =	wrdreg s2  }
0xa9: {  	[dreg:$0x3] =	wrdreg s4  }
0xaa: {  	[dreg:$0x4] =	wrdreg $0xC0  }
0xab: {  	_ =	task [dreg:s6], $0x5FFFF  }
0xac: {  	[dreg:$0x1] =	wrdreg $0xFFFFFFFF  }
0xad: {  	[dreg:$0x0] =	wrdreg $0x60  }
0xae: {  	[dreg:$0x2] =	wrdreg s24  }
0xaf: {  	[dreg:$0x3] =	wrdreg $0x0  }
0xb0: {  	[dreg:$0x4] =	wrdreg $0x9  }
0xb1: {  	_ =	task.clear_ibuf [dreg:s6], $0x5FFFF;
	_ =	strace $0x90000046  }
0xb2: {  	s29 =	simm.s32 $0x9;
	_ =	strace $0x80000048  }
0xb3: {  	_ =	swait.ge [sflag:s29], $0x1  }
0xb4: {  	[sflag:s29] =	ssyncadd.s32 $0xFFFFFFFF  }
0xb5: {  	_ =	strace $0x90000048  }
0xb6: {  	_ =	sfence  }
0xb7: {  	s30 =	sld [smem:$0x0];
	_ =	sdelay $0x2  }
0xb8: {  	s31 =	sshll.u32 s1, $0xD;
	s1 =	sshrl.u32 s1, $0x2  }
0xb9: {  	s3 =	sand.u32 $0x4000, s31;
	s1 =	sadd.s32 s1, s30  }
0xba: {  	s0 =	sor.u32 s3, s0;
	s1 =	sshll.u32 s1, $0x11  }
0xbb: {  	s0 =	sor.u32 s1, s0  }
0xbc: {  	s0 =	sadd.s32 $0x8F2B, s0  }
0xbd: {  	[sflag:s0] =	ssyncadd.remote.s32 $0x1  }
0xbe: {  	_ =	sfence.sel $0xFFFF  }
0xbf: {  	[dreg:$0x0] =	wrdreg $0xFFFFFFFF;
	(pc) =	sbr.abs _section_cstart, $3  }
0xc0: {  	[dreg:$0x1] =	wrdreg $0xFFFFFFFF  }
0xc1: {  	_ =	task.clear_ibuf [dreg:s6], $0x2FFFF;
	_ =	strace $0x9FFFFFFF  }
0xc2: {  	(tm) =	ssettm $0x7FFFFFFF  }
0xc3: {  	_ =	shalt  }
tec
execute0_lowered:
.L_overlay_start_1:
0x0: {  	(tag) =	ssettag $0x1  }
0x1: {  	s11 =	rddreg [dreg:$0x0]  }
0x2: {  	s2 =	rddreg [dreg:$0x1]  }
0x3: {  	s0 =	rddreg [dreg:$0x2]  }
0x4: {  	s4 =	srdreg.scid;
	s1 =	stileid.u32;
	s3 =	simm.s32 $0x0  }
0x5: {  	s14 =	simm.s32 $0x7200;
	s15 =	simm.s32 $0x16800;
	s16 =	simm.s32 $0x1A800  }
0x6: {  	s17 =	simm.s32 $0x80;
	s18 =	simm.s32 $0x1;
	s6 =	smul.u32 $0x2800, s1  }
0x7: {  	s21 =	simm.s32 $0x0;
	s5 =	sand.u32 $0x1, s4;
	s8 =	smul.u32 $0x50000, s1  }
0x8: {  	[smem:$0x7FF] =	sst s3;
	s4 =	sadd.s32 $0xC200, s11;
	s13 =	smul.u32 $0x500, s1  }
0x9: {  	s19 =	sshll.u32 s1, $0x6;
	s7 =	smul.u32 $0x28000, s5;
	_ =	strace $0x80000047  }
0xa: {  	s30 =	ssub.s32 $0x2, s5;
	p0 =	seq.s32 s5, $0x1;
	s19 =	sor.u32 $0x1C02, s19  }
0xb: {  	s31 =	sshrl.u32 s30, $0x1;
	s8 =	sshrl.u32 s8, $0x2;
	s14 =	simm.s32 @!p0 $0x2200  }
0xc: {  	s6 =	sadd.s32 s6, s7;
	s12 =	ssub.s32 s30, s31;
	s5 =	sadd.s32 s8, s2  }
0xd: {  	s14 =	sadd.s32 s14, s11;
	s10 =	sadd.s32 s6, s11;
	s6 =	sadd.s32 $0x4000, s5  }
0xe: {  	s7 =	sadd.s32 $0x8000, s5;
	s8 =	sadd.s32 $0xC000, s5;
	s9 =	sadd.s32 $0x10000, s5  }
0xf: {  	s11 =	smax.u32 s12, $0x1;
	s12 =	sadd.s32 s14, s13;
	s13 =	simm.s32 $0x14000  }
0x10: {  	s14 =	simm.s32 $0x2;
	s20 =	sshrl.u32 s5, $0x3;
	s10 =	sadd.s32 $0xD200, s10  }
.LBB2_1:
0x11: {  	[tilespmem:s13], [sflag:$0x2] =	stream.linear.gather [hbm4b:s12+s3], $0x2800, $0x38;
	[tilespmem:$0x1E800] =	vst v63  }
0x12: {  	_ =	swait.ge [sflag:s14], $0x2800  }
0x13: {  	[sflag:s14] =	ssyncset.done $0x0  }
0x14: {  	[sflag:s14] =	ssyncadd.s32 $0xFFFFD800  }
0x15: {  	[tilespmem:s15], [sflag:$0x2] =	stream.linear.gather [hbm4b:s4+s3], $0x8000, $0x38;
	[tilespmem:$0x1E800] =	vst v63  }
0x16: {  	_ =	swait.ge [sflag:s14], $0x8000  }
0x17: {  	[sflag:s14] =	ssyncset.done $0x0  }
0x18: {  	[sflag:s14] =	ssyncadd.s32 $0xFFFF8000  }
0x19: {  	[spmem:s5] =	stream.linear.scatter [tilespmem:s16], [sflag:$0x2], $0x4000, $0x38;
	[tilespmem:$0x1E800] =	vst v63  }
0x1a: {  	_ =	swait.ge [sflag:s14], $0x4000  }
0x1b: {  	[sflag:s14] =	ssyncset.done $0x0  }
0x1c: {  	[sflag:s14] =	ssyncadd.s32 $0xFFFFC000  }
0x1d: {  	[spmem:s6] =	stream.linear.scatter [tilespmem:s16], [sflag:$0x2], $0x4000, $0x38;
	[tilespmem:$0x1E800] =	vst v63  }
0x1e: {  	_ =	swait.ge [sflag:s14], $0x4000  }
0x1f: {  	[sflag:s14] =	ssyncset.done $0x0  }
0x20: {  	[sflag:s14] =	ssyncadd.s32 $0xFFFFC000  }
0x21: {  	[spmem:s7] =	stream.linear.scatter [tilespmem:s16], [sflag:$0x2], $0x4000, $0x38;
	[tilespmem:$0x1E800] =	vst v63  }
0x22: {  	_ =	swait.ge [sflag:s14], $0x4000  }
0x23: {  	[sflag:s14] =	ssyncset.done $0x0  }
0x24: {  	[sflag:s14] =	ssyncadd.s32 $0xFFFFC000  }
0x25: {  	[spmem:s8] =	stream.linear.scatter [tilespmem:s16], [sflag:$0x2], $0x4000, $0x38;
	[tilespmem:$0x1E800] =	vst v63  }
0x26: {  	_ =	swait.ge [sflag:s14], $0x4000  }
0x27: {  	[sflag:s14] =	ssyncset.done $0x0  }
0x28: {  	[sflag:s14] =	ssyncadd.s32 $0xFFFFC000  }
0x29: {  	[spmem:s9] =	stream.linear.scatter [tilespmem:s16], [sflag:$0x2], $0x4000, $0x38;
	[tilespmem:$0x1E800] =	vst v63  }
0x2a: {  	_ =	swait.ge [sflag:s14], $0x4000  }
0x2b: {  	[sflag:s14] =	ssyncset.done $0x0  }
0x2c: {  	[sflag:s14] =	ssyncadd.s32 $0xFFFFC000  }
0x2d: {  	s22 =	simm.s32 $0x14000;
	[bflag:$0x0] =	sbarrier.arrive $0xFFFF  }
0x2e: {  	[spmem:s2] =	stream.indirect.scatter.add.f32 [tilespmem:s15], [sflag:$0x1], $0x80, s22, s17, $0xb8;
	[tilespmem:$0x1E800] =	vst v63  }
0x2f: {  	s24 =	simm.s32 $0x14080  }
0x30: {  	[spmem:s2] =	stream.indirect.scatter.add.f32 [tilespmem:s15], [sflag:$0x1], $0x80, s24, s17, $0xb8;
	[tilespmem:$0x1E800] =	vst v63  }
0x31: {  	s25 =	simm.s32 $0x14100  }
0x32: {  	[spmem:s2] =	stream.indirect.scatter.add.f32 [tilespmem:s15], [sflag:$0x1], $0x80, s25, s17, $0xb8;
	[tilespmem:$0x1E800] =	vst v63  }
0x33: {  	s26 =	simm.s32 $0x14180  }
0x34: {  	[spmem:s2] =	stream.indirect.scatter.add.f32 [tilespmem:s15], [sflag:$0x1], $0x80, s26, s17, $0xb8;
	[tilespmem:$0x1E800] =	vst v63  }
0x35: {  	s28 =	simm.s32 $0x14200  }
0x36: {  	[spmem:s2] =	stream.indirect.scatter.add.f32 [tilespmem:s15], [sflag:$0x1], $0x80, s28, s17, $0xb8;
	[tilespmem:$0x1E800] =	vst v63  }
0x37: {  	s29 =	simm.s32 $0x14280  }
0x38: {  	[spmem:s2] =	stream.indirect.scatter.add.f32 [tilespmem:s15], [sflag:$0x1], $0x80, s29, s17, $0xb8;
	[tilespmem:$0x1E800] =	vst v63  }
0x39: {  	s30 =	simm.s32 $0x14300  }
0x3a: {  	[spmem:s2] =	stream.indirect.scatter.add.f32 [tilespmem:s15], [sflag:$0x1], $0x80, s30, s17, $0xb8;
	[tilespmem:$0x1E800] =	vst v63  }
0x3b: {  	s31 =	simm.s32 $0x14380  }
0x3c: {  	[spmem:s2] =	stream.indirect.scatter.add.f32 [tilespmem:s15], [sflag:$0x1], $0x80, s31, s17, $0xb8;
	[tilespmem:$0x1E800] =	vst v63  }
0x3d: {  	_ =	swait.ge [sflag:s18], $0x4000  }
0x3e: {  	[sflag:s18] =	ssyncset.done $0x0  }
0x3f: {  	[sflag:s18] =	ssyncadd.s32 $0xFFFFC000  }
0x40: {  	_ =	swait.ge [sflag:s18], $0x4000  }
0x41: {  	[sflag:s18] =	ssyncset.done $0x0  }
0x42: {  	[sflag:s18] =	ssyncadd.s32 $0xFFFFC000  }
0x43: {  	_ =	swait.ge [sflag:s18], $0x4000  }
0x44: {  	[sflag:s18] =	ssyncset.done $0x0  }
0x45: {  	[sflag:s18] =	ssyncadd.s32 $0xFFFFC000  }
0x46: {  	_ =	swait.ge [sflag:s18], $0x4000  }
0x47: {  	[sflag:s18] =	ssyncset.done $0x0  }
0x48: {  	[sflag:s18] =	ssyncadd.s32 $0xFFFFC000  }
0x49: {  	_ =	swait.ge [sflag:s18], $0x4000  }
0x4a: {  	[sflag:s18] =	ssyncset.done $0x0  }
0x4b: {  	[sflag:s18] =	ssyncadd.s32 $0xFFFFC000  }
0x4c: {  	_ =	swait.ge [sflag:s18], $0x4000  }
0x4d: {  	[sflag:s18] =	ssyncset.done $0x0  }
0x4e: {  	[sflag:s18] =	ssyncadd.s32 $0xFFFFC000  }
0x4f: {  	_ =	swait.ge [sflag:s18], $0x4000  }
0x50: {  	[sflag:s18] =	ssyncset.done $0x0  }
0x51: {  	[sflag:s18] =	ssyncadd.s32 $0xFFFFC000  }
0x52: {  	_ =	swait.ge [sflag:s18], $0x4000  }
0x53: {  	s24 =	simm.s32 $0x400;
	s25 =	simm.s32 $0x2000;
	[sflag:s18] =	ssyncset.done $0x0  }
.LBB2_2:
0x54: {  	s26 =	sadd.s32 $0x14000, s24  }
0x55: {  	[sflag:s18] =	ssyncadd.s32 $0xFFFFC000;
	s23 =	smov.u32 s25;
	s22 =	sadd.s32 $0x1000, s25  }
0x56: {  	[spmem:s2] =	stream.indirect.scatter.add.f32 [tilespmem:s15], [sflag:$0x1], $0x80, s26, s17, $0xb8;
	[tilespmem:$0x1E800] =	vst v63  }
0x57: {  	p0 =	sne.s32 s25, $0x9000;
	s25 =	sadd.s32 $0x14080, s24  }
0x58: {  	[spmem:s2] =	stream.indirect.scatter.add.f32 [tilespmem:s15], [sflag:$0x1], $0x80, s25, s17, $0xb8;
	[tilespmem:$0x1E800] =	vst v63  }
0x59: {  	s25 =	sadd.s32 $0x14100, s24  }
0x5a: {  	[spmem:s2] =	stream.indirect.scatter.add.f32 [tilespmem:s15], [sflag:$0x1], $0x80, s25, s17, $0xb8;
	[tilespmem:$0x1E800] =	vst v63  }
0x5b: {  	s25 =	sadd.s32 $0x14180, s24  }
0x5c: {  	[spmem:s2] =	stream.indirect.scatter.add.f32 [tilespmem:s15], [sflag:$0x1], $0x80, s25, s17, $0xb8;
	[tilespmem:$0x1E800] =	vst v63  }
0x5d: {  	s25 =	sadd.s32 $0x14200, s24  }
0x5e: {  	[spmem:s2] =	stream.indirect.scatter.add.f32 [tilespmem:s15], [sflag:$0x1], $0x80, s25, s17, $0xb8;
	[tilespmem:$0x1E800] =	vst v63  }
0x5f: {  	s25 =	sadd.s32 $0x14280, s24  }
0x60: {  	[spmem:s2] =	stream.indirect.scatter.add.f32 [tilespmem:s15], [sflag:$0x1], $0x80, s25, s17, $0xb8;
	[tilespmem:$0x1E800] =	vst v63  }
0x61: {  	s25 =	sadd.s32 $0x14300, s24  }
0x62: {  	[spmem:s2] =	stream.indirect.scatter.add.f32 [tilespmem:s15], [sflag:$0x1], $0x80, s25, s17, $0xb8;
	[tilespmem:$0x1E800] =	vst v63  }
0x63: {  	s24 =	sadd.s32 $0x14380, s24  }
0x64: {  	[spmem:s2] =	stream.indirect.scatter.add.f32 [tilespmem:s15], [sflag:$0x1], $0x80, s24, s17, $0xb8;
	[tilespmem:$0x1E800] =	vst v63  }
0x65: {  	_ =	swait.ge [sflag:s18], $0x4000  }
0x66: {  	[sflag:s18] =	ssyncset.done $0x0  }
0x67: {  	[sflag:s18] =	ssyncadd.s32 $0xFFFFC000  }
0x68: {  	_ =	swait.ge [sflag:s18], $0x4000  }
0x69: {  	[sflag:s18] =	ssyncset.done $0x0  }
0x6a: {  	[sflag:s18] =	ssyncadd.s32 $0xFFFFC000  }
0x6b: {  	_ =	swait.ge [sflag:s18], $0x4000  }
0x6c: {  	[sflag:s18] =	ssyncset.done $0x0  }
0x6d: {  	[sflag:s18] =	ssyncadd.s32 $0xFFFFC000  }
0x6e: {  	_ =	swait.ge [sflag:s18], $0x4000  }
0x6f: {  	[sflag:s18] =	ssyncset.done $0x0  }
0x70: {  	[sflag:s18] =	ssyncadd.s32 $0xFFFFC000  }
0x71: {  	_ =	swait.ge [sflag:s18], $0x4000  }
0x72: {  	[sflag:s18] =	ssyncset.done $0x0  }
0x73: {  	[sflag:s18] =	ssyncadd.s32 $0xFFFFC000  }
0x74: {  	_ =	swait.ge [sflag:s18], $0x4000  }
0x75: {  	[sflag:s18] =	ssyncset.done $0x0  }
0x76: {  	[sflag:s18] =	ssyncadd.s32 $0xFFFFC000  }
.Ltmp0:
0x77: {  	_ =	swait.ge [sflag:s18], $0x4000;
	(pc) =	sbr.rel @p0 .LBB2_2-.Ltmp0, $4  }
0x78: {  	[sflag:s18] =	ssyncset.done $0x0  }
0x79: {  	[sflag:s18] =	ssyncadd.s32 $0xFFFFC000  }
0x7a: {  	_ =	swait.ge [sflag:s18], $0x4000  }
0x7b: {  	s25 =	smov.u32 s22;
	s24 =	sshra.s32 s23, $0x2;
	[sflag:s18] =	ssyncset.done $0x0  }
0x7c: {  	s22 =	sadd.s32 $0x14000, s24;
	[sflag:s18] =	ssyncadd.s32 $0xFFFFC000  }
0x7d: {  	[spmem:s2] =	stream.indirect.scatter.add.f32 [tilespmem:s15], [sflag:$0x1], $0x80, s22, s17, $0xb8;
	[tilespmem:$0x1E800] =	vst v63  }
0x7e: {  	s23 =	sadd.s32 $0x14080, s24  }
0x7f: {  	[spmem:s2] =	stream.indirect.scatter.add.f32 [tilespmem:s15], [sflag:$0x1], $0x80, s23, s17, $0xb8;
	[tilespmem:$0x1E800] =	vst v63  }
0x80: {  	s25 =	sadd.s32 $0x14100, s24  }
0x81: {  	[spmem:s2] =	stream.indirect.scatter.add.f32 [tilespmem:s15], [sflag:$0x1], $0x80, s25, s17, $0xb8;
	[tilespmem:$0x1E800] =	vst v63  }
0x82: {  	s26 =	sadd.s32 $0x14180, s24  }
0x83: {  	[spmem:s2] =	stream.indirect.scatter.add.f32 [tilespmem:s15], [sflag:$0x1], $0x80, s26, s17, $0xb8;
	[tilespmem:$0x1E800] =	vst v63  }
0x84: {  	s28 =	sadd.s32 $0x14200, s24  }
0x85: {  	[spmem:s2] =	stream.indirect.scatter.add.f32 [tilespmem:s15], [sflag:$0x1], $0x80, s28, s17, $0xb8;
	[tilespmem:$0x1E800] =	vst v63  }
0x86: {  	s29 =	sadd.s32 $0x14280, s24  }
0x87: {  	[spmem:s2] =	stream.indirect.scatter.add.f32 [tilespmem:s15], [sflag:$0x1], $0x80, s29, s17, $0xb8;
	[tilespmem:$0x1E800] =	vst v63  }
0x88: {  	s30 =	sadd.s32 $0x14300, s24  }
0x89: {  	[spmem:s2] =	stream.indirect.scatter.add.f32 [tilespmem:s15], [sflag:$0x1], $0x80, s30, s17, $0xb8;
	[tilespmem:$0x1E800] =	vst v63  }
0x8a: {  	s31 =	sadd.s32 $0x14380, s24  }
0x8b: {  	[spmem:s2] =	stream.indirect.scatter.add.f32 [tilespmem:s15], [sflag:$0x1], $0x80, s31, s17, $0xb8;
	[tilespmem:$0x1E800] =	vst v63  }
0x8c: {  	_ =	swait.ge [sflag:s18], $0x4000  }
0x8d: {  	[sflag:s18] =	ssyncset.done $0x0  }
0x8e: {  	[sflag:s18] =	ssyncadd.s32 $0xFFFFC000  }
0x8f: {  	_ =	swait.ge [sflag:s18], $0x4000  }
0x90: {  	[sflag:s18] =	ssyncset.done $0x0  }
0x91: {  	[sflag:s18] =	ssyncadd.s32 $0xFFFFC000  }
0x92: {  	_ =	swait.ge [sflag:s18], $0x4000  }
0x93: {  	[sflag:s18] =	ssyncset.done $0x0  }
0x94: {  	[sflag:s18] =	ssyncadd.s32 $0xFFFFC000  }
0x95: {  	_ =	swait.ge [sflag:s18], $0x4000  }
0x96: {  	[sflag:s18] =	ssyncset.done $0x0  }
0x97: {  	[sflag:s18] =	ssyncadd.s32 $0xFFFFC000  }
0x98: {  	_ =	swait.ge [sflag:s18], $0x4000  }
0x99: {  	[sflag:s18] =	ssyncset.done $0x0  }
0x9a: {  	[sflag:s18] =	ssyncadd.s32 $0xFFFFC000  }
0x9b: {  	_ =	swait.ge [sflag:s18], $0x4000  }
0x9c: {  	[sflag:s18] =	ssyncset.done $0x0  }
0x9d: {  	[sflag:s18] =	ssyncadd.s32 $0xFFFFC000  }
0x9e: {  	_ =	swait.ge [sflag:s18], $0x4000  }
0x9f: {  	[sflag:s18] =	ssyncset.done $0x0  }
0xa0: {  	[sflag:s18] =	ssyncadd.s32 $0xFFFFC000  }
0xa1: {  	_ =	swait.ge [sflag:s18], $0x4000  }
0xa2: {  	s21 =	sadd.s32 $0x1, s21;
	[sflag:s18] =	ssyncset.done $0x0  }
0xa3: {  	p0 =	sne.s32 s21, s11;
	[sflag:s18] =	ssyncadd.s32 $0xFFFFC000  }
.Ltmp1:
0xa4: {  	[bflag:$0x0] =	sbarrier.arrive $0xFFFF;
	(pc) =	sbr.rel @p0 .LBB2_1-.Ltmp1, $4  }
0xa5: {  	[hbm:s10], [sflag:s19] =	dma.local [spmem:s20], $0x2800  }
0xa6: {  	_ =	swait.ge [sflag:s14], $0x2800  }
0xa7: {  	[sflag:s14] =	ssyncset.done $0x0  }
0xa8: {  	[sflag:s14] =	ssyncadd.s32 $0xFFFFD800  }
0xa9: {  	_ =	sfence.sel $0x180000  }
0xaa: {  	[bflag:$0x0] =	sbarrier.arrive $0xFFFF  }
0xab: {  	p0 =	sne.s32 s1, $0x0;
	_ =	strace $0x90000047  }
0xac: {  	s0 =	sadd.s32 @!p0 $0x100000, s0;
	[bflag:$0x2] =	sbarrier.arrive $0xFFFF  }
0xad: {  	[sflag:s0] =	ssyncadd.tile.s32 @!p0 $0x1;
	_ =	shalt  }
.Lfunc_end2:
_tile_overlayer_lowered:
.L_overlay_start_2:
0xae: {  	(tag) =	ssettag $0x2  }
0xaf: {  	s0 =	rddreg [dreg:$0x0];
	s2 =	stileid.u32  }
0xb0: {  	s1 =	rddreg [dreg:$0x1];
	p0 =	sne.s32 s2, $0x0  }
0xb1: {  	s3 =	rddreg [dreg:$0x2];
	[bflag:$0x3] =	sbarrier.arrive $0xFFFF;
	s2 =	simm.s32 @!p0 $0x1C02  }
0xb2: {  	[timem:s3], [sflag:s2] =	dma.local @!p0 [hbm:s0], s1  }
0xb3: {  	s0 =	simm.s32 @!p0 $0x2  }
0xb4: {  	_ =	swait.ge @!p0 [sflag:s0], s1  }
0xb5: {  	s1 =	ssub.s32 @!p0 $0x0, s1;
	[sflag:s0] =	ssyncset.done @!p0 $0x0  }
0xb6: {  	[sflag:s0] =	ssyncadd.s32 @!p0 s1  }
0xb7: {  	[bflag:$0x3] =	sbarrier.arrive $0xFFFF  }
0xb8: {  	_ =	shalt  }

</sc_bundles>
